<compile_context>
chip_gen: v7x
topology: tpu7x:2x2x1
jax: 0.10.2.dev20260603
libtpu: 0.0.44.dev20260713+nightly
codegen_flags: <defaults>
</compile_context>

<pallas_src>
import jax
import jax.numpy as jnp
from jax import lax
from jax.experimental import pallas as pl
from jax.experimental.pallas import tpu as pltpu
from jax.experimental.pallas import tpu_sc as plsc

TOD, DOW, DOM, DOY = 288, 7, 31, 366
D = 64
B = 4096
S = 200
NC, NS = 2, 16
NW = NC * NS
NB = B // NW
R_DD = DOW * DOM
ROWS = TOD + R_DD + DOY
DP = D // 2
SP = DP + 1


def _sc_body(x_hbm, tab_hbm, out_hbm, tab_v, x_v, out_v, sx, so):
    wid = lax.axis_index("s") * NC + lax.axis_index("c")
    b0 = wid * NB
    pltpu.sync_copy(tab_hbm, tab_v)
    pltpu.async_copy(x_hbm.at[0, :, pl.ds(b0, NB)], x_v[0], sx[0])

    def compute_chunk(x_vp, out_vp):
        @plsc.parallel_loop(0, NB // 16, unroll=2)
        def group_body(g):
            xv0 = x_vp[0, pl.ds(16 * g, 16)]
            xv1 = x_vp[1, pl.ds(16 * g, 16)]
            xv2 = x_vp[2, pl.ds(16 * g, 16)]
            xv3 = x_vp[3, pl.ds(16 * g, 16)]
            rv0 = ((xv0 + 0.5) * float(TOD)).astype(jnp.int32) * SP
            i1 = ((xv1 + 0.5) * float(DOW)).astype(jnp.int32)
            i2 = ((xv2 + 0.5) * float(DOM)).astype(jnp.int32)
            rv1 = i1 * (DOM * SP) + i2 * SP + TOD * SP
            rv2 = (((xv3 + 0.5) * float(DOY)).astype(jnp.int32) * SP
                   + (TOD + R_DD) * SP)
            for p in range(DP):
                w0 = plsc.load_gather(tab_v, [rv0 + p])
                w1 = plsc.load_gather(tab_v, [rv1 + p])
                w2 = plsc.load_gather(tab_v, [rv2 + p])
                e0, o0 = plsc.unpack(plsc.bitcast(w0, jnp.bfloat16),
                                     format=plsc.PackFormat.INTERLEAVED)
                e1, o1 = plsc.unpack(plsc.bitcast(w1, jnp.bfloat16),
                                     format=plsc.PackFormat.INTERLEAVED)
                e2, o2 = plsc.unpack(plsc.bitcast(w2, jnp.bfloat16),
                                     format=plsc.PackFormat.INTERLEAVED)
                out_vp[2 * p, pl.ds(16 * g, 16)] = e0 + e1 + e2
                out_vp[2 * p + 1, pl.ds(16 * g, 16)] = o0 + o1 + o2

    def s_pair(sj, carry):
        for p in range(2):
            s = 2 * sj + p
            pltpu.make_async_copy(
                x_hbm.at[s, :, pl.ds(b0, NB)], x_v[p], sx[p]).wait()

            @pl.when(s + 1 < S)
            def _():
                pltpu.async_copy(
                    x_hbm.at[s + 1, :, pl.ds(b0, NB)], x_v[1 - p], sx[1 - p])

            @pl.when(s >= 2)
            def _():
                pltpu.make_async_copy(
                    out_v[p], out_hbm.at[s - 2, :, pl.ds(b0, NB)],
                    so[p]).wait()

            compute_chunk(x_v[p], out_v[p])
            pltpu.async_copy(
                out_v[p], out_hbm.at[s, :, pl.ds(b0, NB)], so[p])
        return carry

    lax.fori_loop(0, S // 2, s_pair, 0)
    for p in range(2):
        pltpu.make_async_copy(
            out_v[p], out_hbm.at[S - 2 + p, :, pl.ds(b0, NB)], so[p]).wait()


def kernel(x, w_tod, w_dow, w_dom, w_doy):
    w_dd = (w_dow[:, None, :] + w_dom[None, :, :]).reshape(R_DD, D)
    tab = jnp.concatenate([w_tod, w_dd, w_doy], axis=0)
    t16 = lax.bitcast_convert_type(tab.astype(jnp.bfloat16), jnp.uint16)
    packed = (t16[:, 0::2].astype(jnp.uint32)
              | (t16[:, 1::2].astype(jnp.uint32) << 16))
    packed = jnp.pad(packed, ((0, 0), (0, SP - DP)))
    tabw = lax.bitcast_convert_type(packed, jnp.int32).reshape(-1)
    xt = x.transpose(1, 2, 0)
    mesh = plsc.VectorSubcoreMesh(core_axis_name="c", subcore_axis_name="s")
    out = pl.kernel(
        _sc_body,
        out_type=jax.ShapeDtypeStruct((S, D, B), jnp.float32),
        mesh=mesh,
        scratch_types=[
            pltpu.VMEM((ROWS * SP,), jnp.int32),
            [pltpu.VMEM((4, NB), jnp.float32)] * 2,
            [pltpu.VMEM((D, NB), jnp.float32)] * 2,
            [pltpu.SemaphoreType.DMA] * 2,
            [pltpu.SemaphoreType.DMA] * 2,
        ],
        compiler_params=pltpu.CompilerParams(needs_layout_passes=False),
    )(xt, tabw)
    return out.transpose(2, 0, 1)

# --- scband reference (transcript-rebuilt; emitter-appended) ---
"""Pipeline reference for scband-temporal-embedding-12970801234572 (READ-ONLY COPY).

The authoritative reference and input builder live on the scoring server;
editing this copy changes nothing except your own understanding.
"""

import math
import jax, jax.numpy as jnp
import numpy as np

TOD, DOW, DOM, DOY = 288, 7, 31, 366
D_MODEL = 64


def fixed_table(c_in, d_model):
    pos = np.arange(c_in, dtype=np.float32)[:, None]
    div = np.exp(np.arange(0, d_model, 2, dtype=np.float32) * -(math.log(10000.0) / d_model))
    w = np.zeros((c_in, d_model), dtype=np.float32)
    w[:, 0::2] = np.sin(pos * div)
    w[:, 1::2] = np.cos(pos * div)
    return jnp.asarray(w)


def setup_inputs(seed: int = 0) -> dict:
    key = jax.random.key(seed)
    # x must satisfy 0 <= (x + 0.5) * size < size for all four temporal fields,
    # i.e. x in [-0.5, 0.5). zeros keeps every derived index in-range (idx = size // 2).
    x = jnp.zeros((4096, 200, 4), dtype=jnp.float32)
    return {
        "x": x,
        "w_tod": fixed_table(TOD, D_MODEL),
        "w_dow": fixed_table(DOW, D_MODEL),
        "w_dom": fixed_table(DOM, D_MODEL),
        "w_doy": fixed_table(DOY, D_MODEL),
    }


def reference(x, w_tod, w_dow, w_dom, w_doy):
    xx = x + 0.5
    tod_idx = (xx[:, :, 0] * TOD).astype(jnp.int32)
    dow_idx = (xx[:, :, 1] * DOW).astype(jnp.int32)
    dom_idx = (xx[:, :, 2] * DOM).astype(jnp.int32)
    doy_idx = (xx[:, :, 3] * DOY).astype(jnp.int32)
    out = jnp.take(w_tod, tod_idx, axis=0)
    out = out + jnp.take(w_dow, dow_idx, axis=0)
    out = out + jnp.take(w_dom, dom_idx, axis=0)
    out = out + jnp.take(w_doy, doy_idx, axis=0)
    return out

if __name__ == "__main__":
    import jax
    _d = setup_inputs()
    print(jax.jit(kernel)(*tuple(_d.values())))

</pallas_src>

<mosaic_0001>
#map = affine_map<(d0, d1) -> (0, 0, 0)>
#map1 = affine_map<(d0, d1) -> (0)>
module attributes {stable_mosaic.version = 14 : i64} {
  func.func @_sc_body(%arg0: i32, %arg1: i32, %arg2: memref<200x4x4096xf32, #tpu.memory_space<hbm>>, %arg3: memref<28743xi32, #tpu.memory_space<hbm>>, %arg4: memref<200x64x4096xf32, #tpu.memory_space<hbm>>, %arg5: memref<28743xi32, #tpu.memory_space<vmem>>, %arg6: memref<4x128xf32, #tpu.memory_space<vmem>>, %arg7: memref<4x128xf32, #tpu.memory_space<vmem>>, %arg8: memref<64x128xf32, #tpu.memory_space<vmem>>, %arg9: memref<64x128xf32, #tpu.memory_space<vmem>>, %arg10: memref<!tpu.dma_semaphore, #tpu.memory_space<semaphore_mem>>, %arg11: memref<!tpu.dma_semaphore, #tpu.memory_space<semaphore_mem>>, %arg12: memref<!tpu.dma_semaphore, #tpu.memory_space<semaphore_mem>>, %arg13: memref<!tpu.dma_semaphore, #tpu.memory_space<semaphore_mem>>) attributes {dimension_semantics = [#tpu.dimension_semantics<core_parallel>, #tpu.dimension_semantics<subcore_parallel>], iteration_bounds = array<i64: 2, 16>, scalar_prefetch = 0 : i64, scratch_operands = 9 : i64, tpu.core_type = #tpu.core_type<sc_vector_subcore>, window_params = [{transform_indices = #map}, {transform_indices = #map1}, {transform_indices = #map}]} {
    %mul3A = arith.constant 2 : i32
    %mul3A_0 = arith.muli %arg1, %mul3A : i32
    %add3A = arith.addi %mul3A_0, %arg0 : i32
    %mul3A_1 = arith.constant 128 : i32
    %mul3A_2 = arith.muli %add3A, %mul3A_1 : i32
    "tpu.region"() ({
      %run_scoped3A = tpu.sem_alloc : memref<!tpu.dma_semaphore, #tpu.memory_space<semaphore_mem>>
      tpu.enqueue_dma source(%arg3 : memref<28743xi32, #tpu.memory_space<hbm>>) target(%arg5 : memref<28743xi32, #tpu.memory_space<vmem>>) target_semaphore(%run_scoped3A : memref<!tpu.dma_semaphore, #tpu.memory_space<semaphore_mem>>)
      tpu.wait_dma2 semaphore(%run_scoped3A : memref<!tpu.dma_semaphore, #tpu.memory_space<semaphore_mem>>) src(%arg3 : memref<28743xi32, #tpu.memory_space<hbm>>) dst(%arg5 : memref<28743xi32, #tpu.memory_space<vmem>>)
      tpu.yield
    }) : () -> ()
    %dma_start3A = arith.constant 0 : i32
    %dma_start3A_3 = arith.constant 0 : i32
    %dma_start3A_4 = tpu.memref_slice %arg2[%dma_start3A, %dma_start3A_3, %mul3A_2] : memref<200x4x4096xf32, #tpu.memory_space<hbm>> -> memref<1x4x128xf32, #tpu.memory_space<hbm>>
    %dma_start3A_5 = tpu.memref_squeeze %dma_start3A_4 : memref<1x4x128xf32, #tpu.memory_space<hbm>> -> memref<4x128xf32, #tpu.memory_space<hbm>>
    %dma_start3A_6 = arith.constant 0 : i32
    %dma_start3A_7 = tpu.memref_slice %arg2[%dma_start3A, %dma_start3A_6, %mul3A_2] : memref<200x4x4096xf32, #tpu.memory_space<hbm>> -> memref<1x4x128xf32, #tpu.memory_space<hbm>>
    %dma_start3A_8 = tpu.memref_squeeze %dma_start3A_7 : memref<1x4x128xf32, #tpu.memory_space<hbm>> -> memref<4x128xf32, #tpu.memory_space<hbm>>
    tpu.enqueue_dma source(%dma_start3A_8 : memref<4x128xf32, #tpu.memory_space<hbm>>) target(%arg6 : memref<4x128xf32, #tpu.memory_space<vmem>>) target_semaphore(%arg10 : memref<!tpu.dma_semaphore, #tpu.memory_space<semaphore_mem>>)
    %scan3A = arith.constant 0 : i32
    %scan3A_9 = arith.constant 0 : i32
    %scan3A_10 = arith.constant 100 : i32
    %scan3A_11 = arith.addi %scan3A_9, %scan3A_10 : i32
    %scan3A_12 = arith.constant 1 : i32
    scf.for %scan3A_27 = %scan3A_9 to %scan3A_11 step %scan3A_12  : i32 {
      %mul3A_28 = arith.constant 2 : i32
      %mul3A_29 = arith.muli %mul3A_28, %scan3A_27 : i32
      %add3A_30 = arith.constant 0 : i32
      %add3A_31 = arith.addi %mul3A_29, %add3A_30 : i32
      %dma_wait3A_32 = arith.constant 0 : i32
      %dma_wait3A_33 = tpu.memref_slice %arg2[%add3A_31, %dma_wait3A_32, %mul3A_2] : memref<200x4x4096xf32, #tpu.memory_space<hbm>> -> memref<1x4x128xf32, #tpu.memory_space<hbm>>
      %dma_wait3A_34 = tpu.memref_squeeze %dma_wait3A_33 : memref<1x4x128xf32, #tpu.memory_space<hbm>> -> memref<4x128xf32, #tpu.memory_space<hbm>>
      %dma_wait3A_35 = arith.constant 0 : i32
      %dma_wait3A_36 = tpu.memref_slice %arg2[%add3A_31, %dma_wait3A_35, %mul3A_2] : memref<200x4x4096xf32, #tpu.memory_space<hbm>> -> memref<1x4x128xf32, #tpu.memory_space<hbm>>
      %dma_wait3A_37 = tpu.memref_squeeze %dma_wait3A_36 : memref<1x4x128xf32, #tpu.memory_space<hbm>> -> memref<4x128xf32, #tpu.memory_space<hbm>>
      tpu.wait_dma2 semaphore(%arg10 : memref<!tpu.dma_semaphore, #tpu.memory_space<semaphore_mem>>) src(%dma_wait3A_37 : memref<4x128xf32, #tpu.memory_space<hbm>>) dst(%arg6 : memref<4x128xf32, #tpu.memory_space<vmem>>)
      %add3A_38 = arith.constant 1 : i32
      %add3A_39 = arith.addi %add3A_31, %add3A_38 : i32
      %lt3A = arith.constant 200 : i32
      %lt3A_40 = arith.cmpi slt, %add3A_39, %lt3A : i32
      %convert_element_type3A = arith.extui %lt3A_40 : i1 to i32
      %cond3A = arith.constant 0 : i32
      %cond3A_41 = arith.cmpi ne, %convert_element_type3A, %cond3A : i32
      scf.if %cond3A_41 {
        %add3A_85 = arith.constant 1 : i32
        %add3A_86 = arith.addi %add3A_31, %add3A_85 : i32
        %dma_start3A_87 = arith.constant 0 : i32
        %dma_start3A_88 = tpu.memref_slice %arg2[%add3A_86, %dma_start3A_87, %mul3A_2] : memref<200x4x4096xf32, #tpu.memory_space<hbm>> -> memref<1x4x128xf32, #tpu.memory_space<hbm>>
        %dma_start3A_89 = tpu.memref_squeeze %dma_start3A_88 : memref<1x4x128xf32, #tpu.memory_space<hbm>> -> memref<4x128xf32, #tpu.memory_space<hbm>>
        %dma_start3A_90 = arith.constant 0 : i32
        %dma_start3A_91 = tpu.memref_slice %arg2[%add3A_86, %dma_start3A_90, %mul3A_2] : memref<200x4x4096xf32, #tpu.memory_space<hbm>> -> memref<1x4x128xf32, #tpu.memory_space<hbm>>
        %dma_start3A_92 = tpu.memref_squeeze %dma_start3A_91 : memref<1x4x128xf32, #tpu.memory_space<hbm>> -> memref<4x128xf32, #tpu.memory_space<hbm>>
        tpu.enqueue_dma source(%dma_start3A_92 : memref<4x128xf32, #tpu.memory_space<hbm>>) target(%arg7 : memref<4x128xf32, #tpu.memory_space<vmem>>) target_semaphore(%arg11 : memref<!tpu.dma_semaphore, #tpu.memory_space<semaphore_mem>>)
      } else {
      }
      %ge3A = arith.constant 2 : i32
      %ge3A_42 = arith.cmpi sge, %add3A_31, %ge3A : i32
      %convert_element_type3A_43 = arith.extui %ge3A_42 : i1 to i32
      %cond3A_44 = arith.constant 0 : i32
      %cond3A_45 = arith.cmpi ne, %convert_element_type3A_43, %cond3A_44 : i32
      scf.if %cond3A_45 {
        %sub3A = arith.constant 2 : i32
        %sub3A_85 = arith.subi %add3A_31, %sub3A : i32
        %dma_wait3A_86 = arith.constant 0 : i32
        %dma_wait3A_87 = tpu.memref_slice %arg4[%sub3A_85, %dma_wait3A_86, %mul3A_2] : memref<200x64x4096xf32, #tpu.memory_space<hbm>> -> memref<1x64x128xf32, #tpu.memory_space<hbm>>
        %dma_wait3A_88 = tpu.memref_squeeze %dma_wait3A_87 : memref<1x64x128xf32, #tpu.memory_space<hbm>> -> memref<64x128xf32, #tpu.memory_space<hbm>>
        %dma_wait3A_89 = arith.constant 0 : i32
        %dma_wait3A_90 = tpu.memref_slice %arg4[%sub3A_85, %dma_wait3A_89, %mul3A_2] : memref<200x64x4096xf32, #tpu.memory_space<hbm>> -> memref<1x64x128xf32, #tpu.memory_space<hbm>>
        %dma_wait3A_91 = tpu.memref_squeeze %dma_wait3A_90 : memref<1x64x128xf32, #tpu.memory_space<hbm>> -> memref<64x128xf32, #tpu.memory_space<hbm>>
        tpu.wait_dma2 semaphore(%arg12 : memref<!tpu.dma_semaphore, #tpu.memory_space<semaphore_mem>>) src(%arg8 : memref<64x128xf32, #tpu.memory_space<vmem>>) dst(%dma_wait3A_91 : memref<64x128xf32, #tpu.memory_space<hbm>>)
      } else {
      }
      %parallel_loop3A = arith.constant 0 : i32
      %parallel_loop3A_46 = arith.constant 8 : i32
      %parallel_loop3A_47 = arith.constant 1 : i32
      scf.for %parallel_loop3A_85 = %parallel_loop3A to %parallel_loop3A_46 step %parallel_loop3A_47  : i32 {
        %parallel_loop3A_86 = arith.constant 16 : i32
        %parallel_loop3A_87 = arith.muli %parallel_loop3A_86, %parallel_loop3A_85 : i32
        %parallel_loop3A_88 = arith.constant 0 : i32
        %parallel_loop3A_89 = arith.index_cast %parallel_loop3A_88 : i32 to index
        %parallel_loop3A_90 = arith.index_cast %parallel_loop3A_87 : i32 to index
        %parallel_loop3A_91 = tpu.vector_load %arg6[%parallel_loop3A_89, %parallel_loop3A_90] {strides = array<i32>} : memref<4x128xf32, #tpu.memory_space<vmem>>, vector<16xf32>,
        %parallel_loop3A_92 = arith.constant 16 : i32
        %parallel_loop3A_93 = arith.muli %parallel_loop3A_92, %parallel_loop3A_85 : i32
        %parallel_loop3A_94 = arith.constant 1 : i32
        %parallel_loop3A_95 = arith.index_cast %parallel_loop3A_94 : i32 to index
        %parallel_loop3A_96 = arith.index_cast %parallel_loop3A_93 : i32 to index
        %parallel_loop3A_97 = tpu.vector_load %arg6[%parallel_loop3A_95, %parallel_loop3A_96] {strides = array<i32>} : memref<4x128xf32, #tpu.memory_space<vmem>>, vector<16xf32>,
        %parallel_loop3A_98 = arith.constant 16 : i32
        %parallel_loop3A_99 = arith.muli %parallel_loop3A_98, %parallel_loop3A_85 : i32
        %parallel_loop3A_100 = arith.constant 2 : i32
        %parallel_loop3A_101 = arith.index_cast %parallel_loop3A_100 : i32 to index
        %parallel_loop3A_102 = arith.index_cast %parallel_loop3A_99 : i32 to index
        %parallel_loop3A_103 = tpu.vector_load %arg6[%parallel_loop3A_101, %parallel_loop3A_102] {strides = array<i32>} : memref<4x128xf32, #tpu.memory_space<vmem>>, vector<16xf32>,
        %parallel_loop3A_104 = arith.constant 16 : i32
        %parallel_loop3A_105 = arith.muli %parallel_loop3A_104, %parallel_loop3A_85 : i32
        %parallel_loop3A_106 = arith.constant 3 : i32
        %parallel_loop3A_107 = arith.index_cast %parallel_loop3A_106 : i32 to index
        %parallel_loop3A_108 = arith.index_cast %parallel_loop3A_105 : i32 to index
        %parallel_loop3A_109 = tpu.vector_load %arg6[%parallel_loop3A_107, %parallel_loop3A_108] {strides = array<i32>} : memref<4x128xf32, #tpu.memory_space<vmem>>, vector<16xf32>,
        %parallel_loop3A_110 = arith.constant 5.000000e-01 : f32
        %parallel_loop3A_111 = vector.broadcast %parallel_loop3A_110 : f32 to vector<16xf32>
        %parallel_loop3A_112 = arith.addf %parallel_loop3A_91, %parallel_loop3A_111 : vector<16xf32>
        %parallel_loop3A_113 = arith.constant 2.880000e+02 : f32
        %parallel_loop3A_114 = vector.broadcast %parallel_loop3A_113 : f32 to vector<16xf32>
        %parallel_loop3A_115 = arith.mulf %parallel_loop3A_112, %parallel_loop3A_114 : vector<16xf32>
        %parallel_loop3A_116 = arith.fptosi %parallel_loop3A_115 : vector<16xf32> to vector<16xi32>
        %parallel_loop3A_117 = arith.constant 33 : i32
        %parallel_loop3A_118 = vector.broadcast %parallel_loop3A_117 : i32 to vector<16xi32>
        %parallel_loop3A_119 = arith.muli %parallel_loop3A_116, %parallel_loop3A_118 : vector<16xi32>
        %parallel_loop3A_120 = arith.constant 5.000000e-01 : f32
        %parallel_loop3A_121 = vector.broadcast %parallel_loop3A_120 : f32 to vector<16xf32>
        %parallel_loop3A_122 = arith.addf %parallel_loop3A_97, %parallel_loop3A_121 : vector<16xf32>
        %parallel_loop3A_123 = arith.constant 7.000000e+00 : f32
        %parallel_loop3A_124 = vector.broadcast %parallel_loop3A_123 : f32 to vector<16xf32>
        %parallel_loop3A_125 = arith.mulf %parallel_loop3A_122, %parallel_loop3A_124 : vector<16xf32>
        %parallel_loop3A_126 = arith.fptosi %parallel_loop3A_125 : vector<16xf32> to vector<16xi32>
        %parallel_loop3A_127 = arith.constant 5.000000e-01 : f32
        %parallel_loop3A_128 = vector.broadcast %parallel_loop3A_127 : f32 to vector<16xf32>
        %parallel_loop3A_129 = arith.addf %parallel_loop3A_103, %parallel_loop3A_128 : vector<16xf32>
        %parallel_loop3A_130 = arith.constant 3.100000e+01 : f32
        %parallel_loop3A_131 = vector.broadcast %parallel_loop3A_130 : f32 to vector<16xf32>
        %parallel_loop3A_132 = arith.mulf %parallel_loop3A_129, %parallel_loop3A_131 : vector<16xf32>
        %parallel_loop3A_133 = arith.fptosi %parallel_loop3A_132 : vector<16xf32> to vector<16xi32>
        %parallel_loop3A_134 = arith.constant 1023 : i32
        %parallel_loop3A_135 = vector.broadcast %parallel_loop3A_134 : i32 to vector<16xi32>
        %parallel_loop3A_136 = arith.muli %parallel_loop3A_126, %parallel_loop3A_135 : vector<16xi32>
        %parallel_loop3A_137 = arith.constant 33 : i32
        %parallel_loop3A_138 = vector.broadcast %parallel_loop3A_137 : i32 to vector<16xi32>
        %parallel_loop3A_139 = arith.muli %parallel_loop3A_133, %parallel_loop3A_138 : vector<16xi32>
        %parallel_loop3A_140 = arith.addi %parallel_loop3A_136, %parallel_loop3A_139 : vector<16xi32>
        %parallel_loop3A_141 = arith.constant 9504 : i32
        %parallel_loop3A_142 = vector.broadcast %parallel_loop3A_141 : i32 to vector<16xi32>
        %parallel_loop3A_143 = arith.addi %parallel_loop3A_140, %parallel_loop3A_142 : vector<16xi32>
        %parallel_loop3A_144 = arith.constant 5.000000e-01 : f32
        %parallel_loop3A_145 = vector.broadcast %parallel_loop3A_144 : f32 to vector<16xf32>
        %parallel_loop3A_146 = arith.addf %parallel_loop3A_109, %parallel_loop3A_145 : vector<16xf32>
        %parallel_loop3A_147 = arith.constant 3.660000e+02 : f32
        %parallel_loop3A_148 = vector.broadcast %parallel_loop3A_147 : f32 to vector<16xf32>
        %parallel_loop3A_149 = arith.mulf %parallel_loop3A_146, %parallel_loop3A_148 : vector<16xf32>
        %parallel_loop3A_150 = arith.fptosi %parallel_loop3A_149 : vector<16xf32> to vector<16xi32>
        %parallel_loop3A_151 = arith.constant 33 : i32
        %parallel_loop3A_152 = vector.broadcast %parallel_loop3A_151 : i32 to vector<16xi32>
        %parallel_loop3A_153 = arith.muli %parallel_loop3A_150, %parallel_loop3A_152 : vector<16xi32>
        %parallel_loop3A_154 = arith.constant 16665 : i32
        %parallel_loop3A_155 = vector.broadcast %parallel_loop3A_154 : i32 to vector<16xi32>
        %parallel_loop3A_156 = arith.addi %parallel_loop3A_153, %parallel_loop3A_155 : vector<16xi32>
        %parallel_loop3A_157 = arith.constant 0 : i32
        %parallel_loop3A_158 = vector.broadcast %parallel_loop3A_157 : i32 to vector<16xi32>
        %parallel_loop3A_159 = arith.addi %parallel_loop3A_119, %parallel_loop3A_158 : vector<16xi32>
        %parallel_loop3A_160 = tpu.vector_load_idx %arg5[%parallel_loop3A_159] : memref<28743xi32, #tpu.memory_space<vmem>>[vector<16xi32>], vector<16xi32>,
        %parallel_loop3A_161 = arith.constant 0 : i32
        %parallel_loop3A_162 = vector.broadcast %parallel_loop3A_161 : i32 to vector<16xi32>
        %parallel_loop3A_163 = arith.addi %parallel_loop3A_143, %parallel_loop3A_162 : vector<16xi32>
        %parallel_loop3A_164 = tpu.vector_load_idx %arg5[%parallel_loop3A_163] : memref<28743xi32, #tpu.memory_space<vmem>>[vector<16xi32>], vector<16xi32>,
        %parallel_loop3A_165 = arith.constant 0 : i32
        %parallel_loop3A_166 = vector.broadcast %parallel_loop3A_165 : i32 to vector<16xi32>
        %parallel_loop3A_167 = arith.addi %parallel_loop3A_156, %parallel_loop3A_166 : vector<16xi32>
        %parallel_loop3A_168 = tpu.vector_load_idx %arg5[%parallel_loop3A_167] : memref<28743xi32, #tpu.memory_space<vmem>>[vector<16xi32>], vector<16xi32>,
        %parallel_loop3A_169 = vector.bitcast %parallel_loop3A_160 : vector<16xi32> to vector<32xbf16>
        %parallel_loop3A_170 = tpu.unpack_subelements %parallel_loop3A_169, 0 {pack_format = #tpu.pack_format<interleaved>} : vector<32xbf16> -> vector<16xf32>
        %parallel_loop3A_171 = tpu.unpack_subelements %parallel_loop3A_169, 1 {pack_format = #tpu.pack_format<interleaved>} : vector<32xbf16> -> vector<16xf32>
        %parallel_loop3A_172 = vector.bitcast %parallel_loop3A_164 : vector<16xi32> to vector<32xbf16>
        %parallel_loop3A_173 = tpu.unpack_subelements %parallel_loop3A_172, 0 {pack_format = #tpu.pack_format<interleaved>} : vector<32xbf16> -> vector<16xf32>
        %parallel_loop3A_174 = tpu.unpack_subelements %parallel_loop3A_172, 1 {pack_format = #tpu.pack_format<interleaved>} : vector<32xbf16> -> vector<16xf32>
        %parallel_loop3A_175 = vector.bitcast %parallel_loop3A_168 : vector<16xi32> to vector<32xbf16>
        %parallel_loop3A_176 = tpu.unpack_subelements %parallel_loop3A_175, 0 {pack_format = #tpu.pack_format<interleaved>} : vector<32xbf16> -> vector<16xf32>
        %parallel_loop3A_177 = tpu.unpack_subelements %parallel_loop3A_175, 1 {pack_format = #tpu.pack_format<interleaved>} : vector<32xbf16> -> vector<16xf32>
        %parallel_loop3A_178 = arith.addf %parallel_loop3A_170, %parallel_loop3A_173 : vector<16xf32>
        %parallel_loop3A_179 = arith.addf %parallel_loop3A_178, %parallel_loop3A_176 : vector<16xf32>
        %parallel_loop3A_180 = arith.constant 16 : i32
        %parallel_loop3A_181 = arith.muli %parallel_loop3A_180, %parallel_loop3A_85 : i32
        %parallel_loop3A_182 = arith.constant 0 : i32
        %parallel_loop3A_183 = arith.index_cast %parallel_loop3A_182 : i32 to index
        %parallel_loop3A_184 = arith.index_cast %parallel_loop3A_181 : i32 to index
        %parallel_loop3A_185 = tpu.vector_load %arg8[%parallel_loop3A_183, %parallel_loop3A_184] {strides = array<i32>} : memref<64x128xf32, #tpu.memory_space<vmem>>, vector<16xf32>,
        tpu.vector_store %arg8[%parallel_loop3A_183, %parallel_loop3A_184], %parallel_loop3A_179 {strides = array<i32>} : memref<64x128xf32, #tpu.memory_space<vmem>>, vector<16xf32>,
        %parallel_loop3A_186 = arith.addf %parallel_loop3A_171, %parallel_loop3A_174 : vector<16xf32>
        %parallel_loop3A_187 = arith.addf %parallel_loop3A_186, %parallel_loop3A_177 : vector<16xf32>
        %parallel_loop3A_188 = arith.constant 16 : i32
        %parallel_loop3A_189 = arith.muli %parallel_loop3A_188, %parallel_loop3A_85 : i32
        %parallel_loop3A_190 = arith.constant 1 : i32
        %parallel_loop3A_191 = arith.index_cast %parallel_loop3A_190 : i32 to index
        %parallel_loop3A_192 = arith.index_cast %parallel_loop3A_189 : i32 to index
        %parallel_loop3A_193 = tpu.vector_load %arg8[%parallel_loop3A_191, %parallel_loop3A_192] {strides = array<i32>} : memref<64x128xf32, #tpu.memory_space<vmem>>, vector<16xf32>,
        tpu.vector_store %arg8[%parallel_loop3A_191, %parallel_loop3A_192], %parallel_loop3A_187 {strides = array<i32>} : memref<64x128xf32, #tpu.memory_space<vmem>>, vector<16xf32>,
        %parallel_loop3A_194 = arith.constant 1 : i32
        %parallel_loop3A_195 = vector.broadcast %parallel_loop3A_194 : i32 to vector<16xi32>
        %parallel_loop3A_196 = arith.addi %parallel_loop3A_119, %parallel_loop3A_195 : vector<16xi32>
        %parallel_loop3A_197 = tpu.vector_load_idx %arg5[%parallel_loop3A_196] : memref<28743xi32, #tpu.memory_space<vmem>>[vector<16xi32>], vector<16xi32>,
        %parallel_loop3A_198 = arith.constant 1 : i32
        %parallel_loop3A_199 = vector.broadcast %parallel_loop3A_198 : i32 to vector<16xi32>
        %parallel_loop3A_200 = arith.addi %parallel_loop3A_143, %parallel_loop3A_199 : vector<16xi32>
        %parallel_loop3A_201 = tpu.vector_load_idx %arg5[%parallel_loop3A_200] : memref<28743xi32, #tpu.memory_space<vmem>>[vector<16xi32>], vector<16xi32>,
        %parallel_loop3A_202 = arith.constant 1 : i32
        %parallel_loop3A_203 = vector.broadcast %parallel_loop3A_202 : i32 to vector<16xi32>
        %parallel_loop3A_204 = arith.addi %parallel_loop3A_156, %parallel_loop3A_203 : vector<16xi32>
        %parallel_loop3A_205 = tpu.vector_load_idx %arg5[%parallel_loop3A_204] : memref<28743xi32, #tpu.memory_space<vmem>>[vector<16xi32>], vector<16xi32>,
        %parallel_loop3A_206 = vector.bitcast %parallel_loop3A_197 : vector<16xi32> to vector<32xbf16>
        %parallel_loop3A_207 = tpu.unpack_subelements %parallel_loop3A_206, 0 {pack_format = #tpu.pack_format<interleaved>} : vector<32xbf16> -> vector<16xf32>
        %parallel_loop3A_208 = tpu.unpack_subelements %parallel_loop3A_206, 1 {pack_format = #tpu.pack_format<interleaved>} : vector<32xbf16> -> vector<16xf32>
        %parallel_loop3A_209 = vector.bitcast %parallel_loop3A_201 : vector<16xi32> to vector<32xbf16>
        %parallel_loop3A_210 = tpu.unpack_subelements %parallel_loop3A_209, 0 {pack_format = #tpu.pack_format<interleaved>} : vector<32xbf16> -> vector<16xf32>
        %parallel_loop3A_211 = tpu.unpack_subelements %parallel_loop3A_209, 1 {pack_format = #tpu.pack_format<interleaved>} : vector<32xbf16> -> vector<16xf32>
        %parallel_loop3A_212 = vector.bitcast %parallel_loop3A_205 : vector<16xi32> to vector<32xbf16>
        %parallel_loop3A_213 = tpu.unpack_subelements %parallel_loop3A_212, 0 {pack_format = #tpu.pack_format<interleaved>} : vector<32xbf16> -> vector<16xf32>
        %parallel_loop3A_214 = tpu.unpack_subelements %parallel_loop3A_212, 1 {pack_format = #tpu.pack_format<interleaved>} : vector<32xbf16> -> vector<16xf32>
        %parallel_loop3A_215 = arith.addf %parallel_loop3A_207, %parallel_loop3A_210 : vector<16xf32>
        %parallel_loop3A_216 = arith.addf %parallel_loop3A_215, %parallel_loop3A_213 : vector<16xf32>
        %parallel_loop3A_217 = arith.constant 16 : i32
        %parallel_loop3A_218 = arith.muli %parallel_loop3A_217, %parallel_loop3A_85 : i32
        %parallel_loop3A_219 = arith.constant 2 : i32
        %parallel_loop3A_220 = arith.index_cast %parallel_loop3A_219 : i32 to index
        %parallel_loop3A_221 = arith.index_cast %parallel_loop3A_218 : i32 to index
        %parallel_loop3A_222 = tpu.vector_load %arg8[%parallel_loop3A_220, %parallel_loop3A_221] {strides = array<i32>} : memref<64x128xf32, #tpu.memory_space<vmem>>, vector<16xf32>,
        tpu.vector_store %arg8[%parallel_loop3A_220, %parallel_loop3A_221], %parallel_loop3A_216 {strides = array<i32>} : memref<64x128xf32, #tpu.memory_space<vmem>>, vector<16xf32>,
        %parallel_loop3A_223 = arith.addf %parallel_loop3A_208, %parallel_loop3A_211 : vector<16xf32>
        %parallel_loop3A_224 = arith.addf %parallel_loop3A_223, %parallel_loop3A_214 : vector<16xf32>
        %parallel_loop3A_225 = arith.constant 16 : i32
        %parallel_loop3A_226 = arith.muli %parallel_loop3A_225, %parallel_loop3A_85 : i32
        %parallel_loop3A_227 = arith.constant 3 : i32
        %parallel_loop3A_228 = arith.index_cast %parallel_loop3A_227 : i32 to index
        %parallel_loop3A_229 = arith.index_cast %parallel_loop3A_226 : i32 to index
        %parallel_loop3A_230 = tpu.vector_load %arg8[%parallel_loop3A_228, %parallel_loop3A_229] {strides = array<i32>} : memref<64x128xf32, #tpu.memory_space<vmem>>, vector<16xf32>,
        tpu.vector_store %arg8[%parallel_loop3A_228, %parallel_loop3A_229], %parallel_loop3A_224 {strides = array<i32>} : memref<64x128xf32, #tpu.memory_space<vmem>>, vector<16xf32>,
        %parallel_loop3A_231 = arith.constant 2 : i32
        %parallel_loop3A_232 = vector.broadcast %parallel_loop3A_231 : i32 to vector<16xi32>
        %parallel_loop3A_233 = arith.addi %parallel_loop3A_119, %parallel_loop3A_232 : vector<16xi32>
        %parallel_loop3A_234 = tpu.vector_load_idx %arg5[%parallel_loop3A_233] : memref<28743xi32, #tpu.memory_space<vmem>>[vector<16xi32>], vector<16xi32>,
        %parallel_loop3A_235 = arith.constant 2 : i32
        %parallel_loop3A_236 = vector.broadcast %parallel_loop3A_235 : i32 to vector<16xi32>
        %parallel_loop3A_237 = arith.addi %parallel_loop3A_143, %parallel_loop3A_236 : vector<16xi32>
        %parallel_loop3A_238 = tpu.vector_load_idx %arg5[%parallel_loop3A_237] : memref<28743xi32, #tpu.memory_space<vmem>>[vector<16xi32>], vector<16xi32>,
        %parallel_loop3A_239 = arith.constant 2 : i32
        %parallel_loop3A_240 = vector.broadcast %parallel_loop3A_239 : i32 to vector<16xi32>
        %parallel_loop3A_241 = arith.addi %parallel_loop3A_156, %parallel_loop3A_240 : vector<16xi32>
        %parallel_loop3A_242 = tpu.vector_load_idx %arg5[%parallel_loop3A_241] : memref<28743xi32, #tpu.memory_space<vmem>>[vector<16xi32>], vector<16xi32>,
        %parallel_loop3A_243 = vector.bitcast %parallel_loop3A_234 : vector<16xi32> to vector<32xbf16>
        %parallel_loop3A_244 = tpu.unpack_subelements %parallel_loop3A_243, 0 {pack_format = #tpu.pack_format<interleaved>} : vector<32xbf16> -> vector<16xf32>
        %parallel_loop3A_245 = tpu.unpack_subelements %parallel_loop3A_243, 1 {pack_format = #tpu.pack_format<interleaved>} : vector<32xbf16> -> vector<16xf32>
        %parallel_loop3A_246 = vector.bitcast %parallel_loop3A_238 : vector<16xi32> to vector<32xbf16>
        %parallel_loop3A_247 = tpu.unpack_subelements %parallel_loop3A_246, 0 {pack_format = #tpu.pack_format<interleaved>} : vector<32xbf16> -> vector<16xf32>
        %parallel_loop3A_248 = tpu.unpack_subelements %parallel_loop3A_246, 1 {pack_format = #tpu.pack_format<interleaved>} : vector<32xbf16> -> vector<16xf32>
        %parallel_loop3A_249 = vector.bitcast %parallel_loop3A_242 : vector<16xi32> to vector<32xbf16>
        %parallel_loop3A_250 = tpu.unpack_subelements %parallel_loop3A_249, 0 {pack_format = #tpu.pack_format<interleaved>} : vector<32xbf16> -> vector<16xf32>
        %parallel_loop3A_251 = tpu.unpack_subelements %parallel_loop3A_249, 1 {pack_format = #tpu.pack_format<interleaved>} : vector<32xbf16> -> vector<16xf32>
        %parallel_loop3A_252 = arith.addf %parallel_loop3A_244, %parallel_loop3A_247 : vector<16xf32>
        %parallel_loop3A_253 = arith.addf %parallel_loop3A_252, %parallel_loop3A_250 : vector<16xf32>
        %parallel_loop3A_254 = arith.constant 16 : i32
        %parallel_loop3A_255 = arith.muli %parallel_loop3A_254, %parallel_loop3A_85 : i32
        %parallel_loop3A_256 = arith.constant 4 : i32
        %parallel_loop3A_257 = arith.index_cast %parallel_loop3A_256 : i32 to index
        %parallel_loop3A_258 = arith.index_cast %parallel_loop3A_255 : i32 to index
        %parallel_loop3A_259 = tpu.vector_load %arg8[%parallel_loop3A_257, %parallel_loop3A_258] {strides = array<i32>} : memref<64x128xf32, #tpu.memory_space<vmem>>, vector<16xf32>,
        tpu.vector_store %arg8[%parallel_loop3A_257, %parallel_loop3A_258], %parallel_loop3A_253 {strides = array<i32>} : memref<64x128xf32, #tpu.memory_space<vmem>>, vector<16xf32>,
        %parallel_loop3A_260 = arith.addf %parallel_loop3A_245, %parallel_loop3A_248 : vector<16xf32>
        %parallel_loop3A_261 = arith.addf %parallel_loop3A_260, %parallel_loop3A_251 : vector<16xf32>
        %parallel_loop3A_262 = arith.constant 16 : i32
        %parallel_loop3A_263 = arith.muli %parallel_loop3A_262, %parallel_loop3A_85 : i32
        %parallel_loop3A_264 = arith.constant 5 : i32
        %parallel_loop3A_265 = arith.index_cast %parallel_loop3A_264 : i32 to index
        %parallel_loop3A_266 = arith.index_cast %parallel_loop3A_263 : i32 to index
        %parallel_loop3A_267 = tpu.vector_load %arg8[%parallel_loop3A_265, %parallel_loop3A_266] {strides = array<i32>} : memref<64x128xf32, #tpu.memory_space<vmem>>, vector<16xf32>,
        tpu.vector_store %arg8[%parallel_loop3A_265, %parallel_loop3A_266], %parallel_loop3A_261 {strides = array<i32>} : memref<64x128xf32, #tpu.memory_space<vmem>>, vector<16xf32>,
        %parallel_loop3A_268 = arith.constant 3 : i32
        %parallel_loop3A_269 = vector.broadcast %parallel_loop3A_268 : i32 to vector<16xi32>
        %parallel_loop3A_270 = arith.addi %parallel_loop3A_119, %parallel_loop3A_269 : vector<16xi32>
        %parallel_loop3A_271 = tpu.vector_load_idx %arg5[%parallel_loop3A_270] : memref<28743xi32, #tpu.memory_space<vmem>>[vector<16xi32>], vector<16xi32>,
        %parallel_loop3A_272 = arith.constant 3 : i32
        %parallel_loop3A_273 = vector.broadcast %parallel_loop3A_272 : i32 to vector<16xi32>
        %parallel_loop3A_274 = arith.addi %parallel_loop3A_143, %parallel_loop3A_273 : vector<16xi32>
        %parallel_loop3A_275 = tpu.vector_load_idx %arg5[%parallel_loop3A_274] : memref<28743xi32, #tpu.memory_space<vmem>>[vector<16xi32>], vector<16xi32>,
        %parallel_loop3A_276 = arith.constant 3 : i32
        %parallel_loop3A_277 = vector.broadcast %parallel_loop3A_276 : i32 to vector<16xi32>
        %parallel_loop3A_278 = arith.addi %parallel_loop3A_156, %parallel_loop3A_277 : vector<16xi32>
        %parallel_loop3A_279 = tpu.vector_load_idx %arg5[%parallel_loop3A_278] : memref<28743xi32, #tpu.memory_space<vmem>>[vector<16xi32>], vector<16xi32>,
        %parallel_loop3A_280 = vector.bitcast %parallel_loop3A_271 : vector<16xi32> to vector<32xbf16>
        %parallel_loop3A_281 = tpu.unpack_subelements %parallel_loop3A_280, 0 {pack_format = #tpu.pack_format<interleaved>} : vector<32xbf16> -> vector<16xf32>
        %parallel_loop3A_282 = tpu.unpack_subelements %parallel_loop3A_280, 1 {pack_format = #tpu.pack_format<interleaved>} : vector<32xbf16> -> vector<16xf32>
        %parallel_loop3A_283 = vector.bitcast %parallel_loop3A_275 : vector<16xi32> to vector<32xbf16>
        %parallel_loop3A_284 = tpu.unpack_subelements %parallel_loop3A_283, 0 {pack_format = #tpu.pack_format<interleaved>} : vector<32xbf16> -> vector<16xf32>
        %parallel_loop3A_285 = tpu.unpack_subelements %parallel_loop3A_283, 1 {pack_format = #tpu.pack_format<interleaved>} : vector<32xbf16> -> vector<16xf32>
        %parallel_loop3A_286 = vector.bitcast %parallel_loop3A_279 : vector<16xi32> to vector<32xbf16>
        %parallel_loop3A_287 = tpu.unpack_subelements %parallel_loop3A_286, 0 {pack_format = #tpu.pack_format<interleaved>} : vector<32xbf16> -> vector<16xf32>
        %parallel_loop3A_288 = tpu.unpack_subelements %parallel_loop3A_286, 1 {pack_format = #tpu.pack_format<interleaved>} : vector<32xbf16> -> vector<16xf32>
        %parallel_loop3A_289 = arith.addf %parallel_loop3A_281, %parallel_loop3A_284 : vector<16xf32>
        %parallel_loop3A_290 = arith.addf %parallel_loop3A_289, %parallel_loop3A_287 : vector<16xf32>
        %parallel_loop3A_291 = arith.constant 16 : i32
        %parallel_loop3A_292 = arith.muli %parallel_loop3A_291, %parallel_loop3A_85 : i32
        %parallel_loop3A_293 = arith.constant 6 : i32
        %parallel_loop3A_294 = arith.index_cast %parallel_loop3A_293 : i32 to index
        %parallel_loop3A_295 = arith.index_cast %parallel_loop3A_292 : i32 to index
        %parallel_loop3A_296 = tpu.vector_load %arg8[%parallel_loop3A_294, %parallel_loop3A_295] {strides = array<i32>} : memref<64x128xf32, #tpu.memory_space<vmem>>, vector<16xf32>,
        tpu.vector_store %arg8[%parallel_loop3A_294, %parallel_loop3A_295], %parallel_loop3A_290 {strides = array<i32>} : memref<64x128xf32, #tpu.memory_space<vmem>>, vector<16xf32>,
        %parallel_loop3A_297 = arith.addf %parallel_loop3A_282, %parallel_loop3A_285 : vector<16xf32>
        %parallel_loop3A_298 = arith.addf %parallel_loop3A_297, %parallel_loop3A_288 : vector<16xf32>
        %parallel_loop3A_299 = arith.constant 16 : i32
        %parallel_loop3A_300 = arith.muli %parallel_loop3A_299, %parallel_loop3A_85 : i32
        %parallel_loop3A_301 = arith.constant 7 : i32
        %parallel_loop3A_302 = arith.index_cast %parallel_loop3A_301 : i32 to index
        %parallel_loop3A_303 = arith.index_cast %parallel_loop3A_300 : i32 to index
        %parallel_loop3A_304 = tpu.vector_load %arg8[%parallel_loop3A_302, %parallel_loop3A_303] {strides = array<i32>} : memref<64x128xf32, #tpu.memory_space<vmem>>, vector<16xf32>,
        tpu.vector_store %arg8[%parallel_loop3A_302, %parallel_loop3A_303], %parallel_loop3A_298 {strides = array<i32>} : memref<64x128xf32, #tpu.memory_space<vmem>>, vector<16xf32>,
        %parallel_loop3A_305 = arith.constant 4 : i32
        %parallel_loop3A_306 = vector.broadcast %parallel_loop3A_305 : i32 to vector<16xi32>
        %parallel_loop3A_307 = arith.addi %parallel_loop3A_119, %parallel_loop3A_306 : vector<16xi32>
        %parallel_loop3A_308 = tpu.vector_load_idx %arg5[%parallel_loop3A_307] : memref<28743xi32, #tpu.memory_space<vmem>>[vector<16xi32>], vector<16xi32>,
        %parallel_loop3A_309 = arith.constant 4 : i32
        %parallel_loop3A_310 = vector.broadcast %parallel_loop3A_309 : i32 to vector<16xi32>
        %parallel_loop3A_311 = arith.addi %parallel_loop3A_143, %parallel_loop3A_310 : vector<16xi32>
        %parallel_loop3A_312 = tpu.vector_load_idx %arg5[%parallel_loop3A_311] : memref<28743xi32, #tpu.memory_space<vmem>>[vector<16xi32>], vector<16xi32>,
        %parallel_loop3A_313 = arith.constant 4 : i32
        %parallel_loop3A_314 = vector.broadcast %parallel_loop3A_313 : i32 to vector<16xi32>
        %parallel_loop3A_315 = arith.addi %parallel_loop3A_156, %parallel_loop3A_314 : vector<16xi32>
        %parallel_loop3A_316 = tpu.vector_load_idx %arg5[%parallel_loop3A_315] : memref<28743xi32, #tpu.memory_space<vmem>>[vector<16xi32>], vector<16xi32>,
        %parallel_loop3A_317 = vector.bitcast %parallel_loop3A_308 : vector<16xi32> to vector<32xbf16>
        %parallel_loop3A_318 = tpu.unpack_subelements %parallel_loop3A_317, 0 {pack_format = #tpu.pack_format<interleaved>} : vector<32xbf16> -> vector<16xf32>
        %parallel_loop3A_319 = tpu.unpack_subelements %parallel_loop3A_317, 1 {pack_format = #tpu.pack_format<interleaved>} : vector<32xbf16> -> vector<16xf32>
        %parallel_loop3A_320 = vector.bitcast %parallel_loop3A_312 : vector<16xi32> to vector<32xbf16>
        %parallel_loop3A_321 = tpu.unpack_subelements %parallel_loop3A_320, 0 {pack_format = #tpu.pack_format<interleaved>} : vector<32xbf16> -> vector<16xf32>
        %parallel_loop3A_322 = tpu.unpack_subelements %parallel_loop3A_320, 1 {pack_format = #tpu.pack_format<interleaved>} : vector<32xbf16> -> vector<16xf32>
        %parallel_loop3A_323 = vector.bitcast %parallel_loop3A_316 : vector<16xi32> to vector<32xbf16>
        %parallel_loop3A_324 = tpu.unpack_subelements %parallel_loop3A_323, 0 {pack_format = #tpu.pack_format<interleaved>} : vector<32xbf16> -> vector<16xf32>
        %parallel_loop3A_325 = tpu.unpack_subelements %parallel_loop3A_323, 1 {pack_format = #tpu.pack_format<interleaved>} : vector<32xbf16> -> vector<16xf32>
        %parallel_loop3A_326 = arith.addf %parallel_loop3A_318, %parallel_loop3A_321 : vector<16xf32>
        %parallel_loop3A_327 = arith.addf %parallel_loop3A_326, %parallel_loop3A_324 : vector<16xf32>
        %parallel_loop3A_328 = arith.constant 16 : i32
        %parallel_loop3A_329 = arith.muli %parallel_loop3A_328, %parallel_loop3A_85 : i32
        %parallel_loop3A_330 = arith.constant 8 : i32
        %parallel_loop3A_331 = arith.index_cast %parallel_loop3A_330 : i32 to index
        %parallel_loop3A_332 = arith.index_cast %parallel_loop3A_329 : i32 to index
        %parallel_loop3A_333 = tpu.vector_load %arg8[%parallel_loop3A_331, %parallel_loop3A_332] {strides = array<i32>} : memref<64x128xf32, #tpu.memory_space<vmem>>, vector<16xf32>,
        tpu.vector_store %arg8[%parallel_loop3A_331, %parallel_loop3A_332], %parallel_loop3A_327 {strides = array<i32>} : memref<64x128xf32, #tpu.memory_space<vmem>>, vector<16xf32>,
        %parallel_loop3A_334 = arith.addf %parallel_loop3A_319, %parallel_loop3A_322 : vector<16xf32>
        %parallel_loop3A_335 = arith.addf %parallel_loop3A_334, %parallel_loop3A_325 : vector<16xf32>
        %parallel_loop3A_336 = arith.constant 16 : i32
        %parallel_loop3A_337 = arith.muli %parallel_loop3A_336, %parallel_loop3A_85 : i32
        %parallel_loop3A_338 = arith.constant 9 : i32
        %parallel_loop3A_339 = arith.index_cast %parallel_loop3A_338 : i32 to index
        %parallel_loop3A_340 = arith.index_cast %parallel_loop3A_337 : i32 to index
        %parallel_loop3A_341 = tpu.vector_load %arg8[%parallel_loop3A_339, %parallel_loop3A_340] {strides = array<i32>} : memref<64x128xf32, #tpu.memory_space<vmem>>, vector<16xf32>,
        tpu.vector_store %arg8[%parallel_loop3A_339, %parallel_loop3A_340], %parallel_loop3A_335 {strides = array<i32>} : memref<64x128xf32, #tpu.memory_space<vmem>>, vector<16xf32>,
        %parallel_loop3A_342 = arith.constant 5 : i32
        %parallel_loop3A_343 = vector.broadcast %parallel_loop3A_342 : i32 to vector<16xi32>
        %parallel_loop3A_344 = arith.addi %parallel_loop3A_119, %parallel_loop3A_343 : vector<16xi32>
        %parallel_loop3A_345 = tpu.vector_load_idx %arg5[%parallel_loop3A_344] : memref<28743xi32, #tpu.memory_space<vmem>>[vector<16xi32>], vector<16xi32>,
        %parallel_loop3A_346 = arith.constant 5 : i32
        %parallel_loop3A_347 = vector.broadcast %parallel_loop3A_346 : i32 to vector<16xi32>
        %parallel_loop3A_348 = arith.addi %parallel_loop3A_143, %parallel_loop3A_347 : vector<16xi32>
        %parallel_loop3A_349 = tpu.vector_load_idx %arg5[%parallel_loop3A_348] : memref<28743xi32, #tpu.memory_space<vmem>>[vector<16xi32>], vector<16xi32>,
        %parallel_loop3A_350 = arith.constant 5 : i32
        %parallel_loop3A_351 = vector.broadcast %parallel_loop3A_350 : i32 to vector<16xi32>
        %parallel_loop3A_352 = arith.addi %parallel_loop3A_156, %parallel_loop3A_351 : vector<16xi32>
        %parallel_loop3A_353 = tpu.vector_load_idx %arg5[%parallel_loop3A_352] : memref<28743xi32, #tpu.memory_space<vmem>>[vector<16xi32>], vector<16xi32>,
        %parallel_loop3A_354 = vector.bitcast %parallel_loop3A_345 : vector<16xi32> to vector<32xbf16>
        %parallel_loop3A_355 = tpu.unpack_subelements %parallel_loop3A_354, 0 {pack_format = #tpu.pack_format<interleaved>} : vector<32xbf16> -> vector<16xf32>
        %parallel_loop3A_356 = tpu.unpack_subelements %parallel_loop3A_354, 1 {pack_format = #tpu.pack_format<interleaved>} : vector<32xbf16> -> vector<16xf32>
        %parallel_loop3A_357 = vector.bitcast %parallel_loop3A_349 : vector<16xi32> to vector<32xbf16>
        %parallel_loop3A_358 = tpu.unpack_subelements %parallel_loop3A_357, 0 {pack_format = #tpu.pack_format<interleaved>} : vector<32xbf16> -> vector<16xf32>
        %parallel_loop3A_359 = tpu.unpack_subelements %parallel_loop3A_357, 1 {pack_format = #tpu.pack_format<interleaved>} : vector<32xbf16> -> vector<16xf32>
        %parallel_loop3A_360 = vector.bitcast %parallel_loop3A_353 : vector<16xi32> to vector<32xbf16>
        %parallel_loop3A_361 = tpu.unpack_subelements %parallel_loop3A_360, 0 {pack_format = #tpu.pack_format<interleaved>} : vector<32xbf16> -> vector<16xf32>
        %parallel_loop3A_362 = tpu.unpack_subelements %parallel_loop3A_360, 1 {pack_format = #tpu.pack_format<interleaved>} : vector<32xbf16> -> vector<16xf32>
        %parallel_loop3A_363 = arith.addf %parallel_loop3A_355, %parallel_loop3A_358 : vector<16xf32>
        %parallel_loop3A_364 = arith.addf %parallel_loop3A_363, %parallel_loop3A_361 : vector<16xf32>
        %parallel_loop3A_365 = arith.constant 16 : i32
        %parallel_loop3A_366 = arith.muli %parallel_loop3A_365, %parallel_loop3A_85 : i32
        %parallel_loop3A_367 = arith.constant 10 : i32
        %parallel_loop3A_368 = arith.index_cast %parallel_loop3A_367 : i32 to index
        %parallel_loop3A_369 = arith.index_cast %parallel_loop3A_366 : i32 to index
        %parallel_loop3A_370 = tpu.vector_load %arg8[%parallel_loop3A_368, %parallel_loop3A_369] {strides = array<i32>} : memref<64x128xf32, #tpu.memory_space<vmem>>, vector<16xf32>,
        tpu.vector_store %arg8[%parallel_loop3A_368, %parallel_loop3A_369], %parallel_loop3A_364 {strides = array<i32>} : memref<64x128xf32, #tpu.memory_space<vmem>>, vector<16xf32>,
        %parallel_loop3A_371 = arith.addf %parallel_loop3A_356, %parallel_loop3A_359 : vector<16xf32>
        %parallel_loop3A_372 = arith.addf %parallel_loop3A_371, %parallel_loop3A_362 : vector<16xf32>
        %parallel_loop3A_373 = arith.constant 16 : i32
        %parallel_loop3A_374 = arith.muli %parallel_loop3A_373, %parallel_loop3A_85 : i32
        %parallel_loop3A_375 = arith.constant 11 : i32
        %parallel_loop3A_376 = arith.index_cast %parallel_loop3A_375 : i32 to index
        %parallel_loop3A_377 = arith.index_cast %parallel_loop3A_374 : i32 to index
        %parallel_loop3A_378 = tpu.vector_load %arg8[%parallel_loop3A_376, %parallel_loop3A_377] {strides = array<i32>} : memref<64x128xf32, #tpu.memory_space<vmem>>, vector<16xf32>,
        tpu.vector_store %arg8[%parallel_loop3A_376, %parallel_loop3A_377], %parallel_loop3A_372 {strides = array<i32>} : memref<64x128xf32, #tpu.memory_space<vmem>>, vector<16xf32>,
        %parallel_loop3A_379 = arith.constant 6 : i32
        %parallel_loop3A_380 = vector.broadcast %parallel_loop3A_379 : i32 to vector<16xi32>
        %parallel_loop3A_381 = arith.addi %parallel_loop3A_119, %parallel_loop3A_380 : vector<16xi32>
        %parallel_loop3A_382 = tpu.vector_load_idx %arg5[%parallel_loop3A_381] : memref<28743xi32, #tpu.memory_space<vmem>>[vector<16xi32>], vector<16xi32>,
        %parallel_loop3A_383 = arith.constant 6 : i32
        %parallel_loop3A_384 = vector.broadcast %parallel_loop3A_383 : i32 to vector<16xi32>
        %parallel_loop3A_385 = arith.addi %parallel_loop3A_143, %parallel_loop3A_384 : vector<16xi32>
        %parallel_loop3A_386 = tpu.vector_load_idx %arg5[%parallel_loop3A_385] : memref<28743xi32, #tpu.memory_space<vmem>>[vector<16xi32>], vector<16xi32>,
        %parallel_loop3A_387 = arith.constant 6 : i32
        %parallel_loop3A_388 = vector.broadcast %parallel_loop3A_387 : i32 to vector<16xi32>
        %parallel_loop3A_389 = arith.addi %parallel_loop3A_156, %parallel_loop3A_388 : vector<16xi32>
        %parallel_loop3A_390 = tpu.vector_load_idx %arg5[%parallel_loop3A_389] : memref<28743xi32, #tpu.memory_space<vmem>>[vector<16xi32>], vector<16xi32>,
        %parallel_loop3A_391 = vector.bitcast %parallel_loop3A_382 : vector<16xi32> to vector<32xbf16>
        %parallel_loop3A_392 = tpu.unpack_subelements %parallel_loop3A_391, 0 {pack_format = #tpu.pack_format<interleaved>} : vector<32xbf16> -> vector<16xf32>
        %parallel_loop3A_393 = tpu.unpack_subelements %parallel_loop3A_391, 1 {pack_format = #tpu.pack_format<interleaved>} : vector<32xbf16> -> vector<16xf32>
        %parallel_loop3A_394 = vector.bitcast %parallel_loop3A_386 : vector<16xi32> to vector<32xbf16>
        %parallel_loop3A_395 = tpu.unpack_subelements %parallel_loop3A_394, 0 {pack_format = #tpu.pack_format<interleaved>} : vector<32xbf16> -> vector<16xf32>
        %parallel_loop3A_396 = tpu.unpack_subelements %parallel_loop3A_394, 1 {pack_format = #tpu.pack_format<interleaved>} : vector<32xbf16> -> vector<16xf32>
        %parallel_loop3A_397 = vector.bitcast %parallel_loop3A_390 : vector<16xi32> to vector<32xbf16>
        %parallel_loop3A_398 = tpu.unpack_subelements %parallel_loop3A_397, 0 {pack_format = #tpu.pack_format<interleaved>} : vector<32xbf16> -> vector<16xf32>
        %parallel_loop3A_399 = tpu.unpack_subelements %parallel_loop3A_397, 1 {pack_format = #tpu.pack_format<interleaved>} : vector<32xbf16> -> vector<16xf32>
        %parallel_loop3A_400 = arith.addf %parallel_loop3A_392, %parallel_loop3A_395 : vector<16xf32>
        %parallel_loop3A_401 = arith.addf %parallel_loop3A_400, %parallel_loop3A_398 : vector<16xf32>
        %parallel_loop3A_402 = arith.constant 16 : i32
        %parallel_loop3A_403 = arith.muli %parallel_loop3A_402, %parallel_loop3A_85 : i32
        %parallel_loop3A_404 = arith.constant 12 : i32
        %parallel_loop3A_405 = arith.index_cast %parallel_loop3A_404 : i32 to index
        %parallel_loop3A_406 = arith.index_cast %parallel_loop3A_403 : i32 to index
        %parallel_loop3A_407 = tpu.vector_load %arg8[%parallel_loop3A_405, %parallel_loop3A_406] {strides = array<i32>} : memref<64x128xf32, #tpu.memory_space<vmem>>, vector<16xf32>,
        tpu.vector_store %arg8[%parallel_loop3A_405, %parallel_loop3A_406], %parallel_loop3A_401 {strides = array<i32>} : memref<64x128xf32, #tpu.memory_space<vmem>>, vector<16xf32>,
        %parallel_loop3A_408 = arith.addf %parallel_loop3A_393, %parallel_loop3A_396 : vector<16xf32>
        %parallel_loop3A_409 = arith.addf %parallel_loop3A_408, %parallel_loop3A_399 : vector<16xf32>
        %parallel_loop3A_410 = arith.constant 16 : i32
        %parallel_loop3A_411 = arith.muli %parallel_loop3A_410, %parallel_loop3A_85 : i32
        %parallel_loop3A_412 = arith.constant 13 : i32
        %parallel_loop3A_413 = arith.index_cast %parallel_loop3A_412 : i32 to index
        %parallel_loop3A_414 = arith.index_cast %parallel_loop3A_411 : i32 to index
        %parallel_loop3A_415 = tpu.vector_load %arg8[%parallel_loop3A_413, %parallel_loop3A_414] {strides = array<i32>} : memref<64x128xf32, #tpu.memory_space<vmem>>, vector<16xf32>,
        tpu.vector_store %arg8[%parallel_loop3A_413, %parallel_loop3A_414], %parallel_loop3A_409 {strides = array<i32>} : memref<64x128xf32, #tpu.memory_space<vmem>>, vector<16xf32>,
        %parallel_loop3A_416 = arith.constant 7 : i32
        %parallel_loop3A_417 = vector.broadcast %parallel_loop3A_416 : i32 to vector<16xi32>
        %parallel_loop3A_418 = arith.addi %parallel_loop3A_119, %parallel_loop3A_417 : vector<16xi32>
        %parallel_loop3A_419 = tpu.vector_load_idx %arg5[%parallel_loop3A_418] : memref<28743xi32, #tpu.memory_space<vmem>>[vector<16xi32>], vector<16xi32>,
        %parallel_loop3A_420 = arith.constant 7 : i32
        %parallel_loop3A_421 = vector.broadcast %parallel_loop3A_420 : i32 to vector<16xi32>
        %parallel_loop3A_422 = arith.addi %parallel_loop3A_143, %parallel_loop3A_421 : vector<16xi32>
        %parallel_loop3A_423 = tpu.vector_load_idx %arg5[%parallel_loop3A_422] : memref<28743xi32, #tpu.memory_space<vmem>>[vector<16xi32>], vector<16xi32>,
        %parallel_loop3A_424 = arith.constant 7 : i32
        %parallel_loop3A_425 = vector.broadcast %parallel_loop3A_424 : i32 to vector<16xi32>
        %parallel_loop3A_426 = arith.addi %parallel_loop3A_156, %parallel_loop3A_425 : vector<16xi32>
        %parallel_loop3A_427 = tpu.vector_load_idx %arg5[%parallel_loop3A_426] : memref<28743xi32, #tpu.memory_space<vmem>>[vector<16xi32>], vector<16xi32>,
        %parallel_loop3A_428 = vector.bitcast %parallel_loop3A_419 : vector<16xi32> to vector<32xbf16>
        %parallel_loop3A_429 = tpu.unpack_subelements %parallel_loop3A_428, 0 {pack_format = #tpu.pack_format<interleaved>} : vector<32xbf16> -> vector<16xf32>
        %parallel_loop3A_430 = tpu.unpack_subelements %parallel_loop3A_428, 1 {pack_format = #tpu.pack_format<interleaved>} : vector<32xbf16> -> vector<16xf32>
        %parallel_loop3A_431 = vector.bitcast %parallel_loop3A_423 : vector<16xi32> to vector<32xbf16>
        %parallel_loop3A_432 = tpu.unpack_subelements %parallel_loop3A_431, 0 {pack_format = #tpu.pack_format<interleaved>} : vector<32xbf16> -> vector<16xf32>
        %parallel_loop3A_433 = tpu.unpack_subelements %parallel_loop3A_431, 1 {pack_format = #tpu.pack_format<interleaved>} : vector<32xbf16> -> vector<16xf32>
        %parallel_loop3A_434 = vector.bitcast %parallel_loop3A_427 : vector<16xi32> to vector<32xbf16>
        %parallel_loop3A_435 = tpu.unpack_subelements %parallel_loop3A_434, 0 {pack_format = #tpu.pack_format<interleaved>} : vector<32xbf16> -> vector<16xf32>
        %parallel_loop3A_436 = tpu.unpack_subelements %parallel_loop3A_434, 1 {pack_format = #tpu.pack_format<interleaved>} : vector<32xbf16> -> vector<16xf32>
        %parallel_loop3A_437 = arith.addf %parallel_loop3A_429, %parallel_loop3A_432 : vector<16xf32>
        %parallel_loop3A_438 = arith.addf %parallel_loop3A_437, %parallel_loop3A_435 : vector<16xf32>
        %parallel_loop3A_439 = arith.constant 16 : i32
        %parallel_loop3A_440 = arith.muli %parallel_loop3A_439, %parallel_loop3A_85 : i32
        %parallel_loop3A_441 = arith.constant 14 : i32
        %parallel_loop3A_442 = arith.index_cast %parallel_loop3A_441 : i32 to index
        %parallel_loop3A_443 = arith.index_cast %parallel_loop3A_440 : i32 to index
        %parallel_loop3A_444 = tpu.vector_load %arg8[%parallel_loop3A_442, %parallel_loop3A_443] {strides = array<i32>} : memref<64x128xf32, #tpu.memory_space<vmem>>, vector<16xf32>,
        tpu.vector_store %arg8[%parallel_loop3A_442, %parallel_loop3A_443], %parallel_loop3A_438 {strides = array<i32>} : memref<64x128xf32, #tpu.memory_space<vmem>>, vector<16xf32>,
        %parallel_loop3A_445 = arith.addf %parallel_loop3A_430, %parallel_loop3A_433 : vector<16xf32>
        %parallel_loop3A_446 = arith.addf %parallel_loop3A_445, %parallel_loop3A_436 : vector<16xf32>
        %parallel_loop3A_447 = arith.constant 16 : i32
        %parallel_loop3A_448 = arith.muli %parallel_loop3A_447, %parallel_loop3A_85 : i32
        %parallel_loop3A_449 = arith.constant 15 : i32
        %parallel_loop3A_450 = arith.index_cast %parallel_loop3A_449 : i32 to index
        %parallel_loop3A_451 = arith.index_cast %parallel_loop3A_448 : i32 to index
        %parallel_loop3A_452 = tpu.vector_load %arg8[%parallel_loop3A_450, %parallel_loop3A_451] {strides = array<i32>} : memref<64x128xf32, #tpu.memory_space<vmem>>, vector<16xf32>,
        tpu.vector_store %arg8[%parallel_loop3A_450, %parallel_loop3A_451], %parallel_loop3A_446 {strides = array<i32>} : memref<64x128xf32, #tpu.memory_space<vmem>>, vector<16xf32>,
        %parallel_loop3A_453 = arith.constant 8 : i32
        %parallel_loop3A_454 = vector.broadcast %parallel_loop3A_453 : i32 to vector<16xi32>
        %parallel_loop3A_455 = arith.addi %parallel_loop3A_119, %parallel_loop3A_454 : vector<16xi32>
        %parallel_loop3A_456 = tpu.vector_load_idx %arg5[%parallel_loop3A_455] : memref<28743xi32, #tpu.memory_space<vmem>>[vector<16xi32>], vector<16xi32>,
        %parallel_loop3A_457 = arith.constant 8 : i32
        %parallel_loop3A_458 = vector.broadcast %parallel_loop3A_457 : i32 to vector<16xi32>
        %parallel_loop3A_459 = arith.addi %parallel_loop3A_143, %parallel_loop3A_458 : vector<16xi32>
        %parallel_loop3A_460 = tpu.vector_load_idx %arg5[%parallel_loop3A_459] : memref<28743xi32, #tpu.memory_space<vmem>>[vector<16xi32>], vector<16xi32>,
        %parallel_loop3A_461 = arith.constant 8 : i32
        %parallel_loop3A_462 = vector.broadcast %parallel_loop3A_461 : i32 to vector<16xi32>
        %parallel_loop3A_463 = arith.addi %parallel_loop3A_156, %parallel_loop3A_462 : vector<16xi32>
        %parallel_loop3A_464 = tpu.vector_load_idx %arg5[%parallel_loop3A_463] : memref<28743xi32, #tpu.memory_space<vmem>>[vector<16xi32>], vector<16xi32>,
        %parallel_loop3A_465 = vector.bitcast %parallel_loop3A_456 : vector<16xi32> to vector<32xbf16>
        %parallel_loop3A_466 = tpu.unpack_subelements %parallel_loop3A_465, 0 {pack_format = #tpu.pack_format<interleaved>} : vector<32xbf16> -> vector<16xf32>
        %parallel_loop3A_467 = tpu.unpack_subelements %parallel_loop3A_465, 1 {pack_format = #tpu.pack_format<interleaved>} : vector<32xbf16> -> vector<16xf32>
        %parallel_loop3A_468 = vector.bitcast %parallel_loop3A_460 : vector<16xi32> to vector<32xbf16>
        %parallel_loop3A_469 = tpu.unpack_subelements %parallel_loop3A_468, 0 {pack_format = #tpu.pack_format<interleaved>} : vector<32xbf16> -> vector<16xf32>
        %parallel_loop3A_470 = tpu.unpack_subelements %parallel_loop3A_468, 1 {pack_format = #tpu.pack_format<interleaved>} : vector<32xbf16> -> vector<16xf32>
        %parallel_loop3A_471 = vector.bitcast %parallel_loop3A_464 : vector<16xi32> to vector<32xbf16>
        %parallel_loop3A_472 = tpu.unpack_subelements %parallel_loop3A_471, 0 {pack_format = #tpu.pack_format<interleaved>} : vector<32xbf16> -> vector<16xf32>
        %parallel_loop3A_473 = tpu.unpack_subelements %parallel_loop3A_471, 1 {pack_format = #tpu.pack_format<interleaved>} : vector<32xbf16> -> vector<16xf32>
        %parallel_loop3A_474 = arith.addf %parallel_loop3A_466, %parallel_loop3A_469 : vector<16xf32>
        %parallel_loop3A_475 = arith.addf %parallel_loop3A_474, %parallel_loop3A_472 : vector<16xf32>
        %parallel_loop3A_476 = arith.constant 16 : i32
        %parallel_loop3A_477 = arith.muli %parallel_loop3A_476, %parallel_loop3A_85 : i32
        %parallel_loop3A_478 = arith.constant 16 : i32
        %parallel_loop3A_479 = arith.index_cast %parallel_loop3A_478 : i32 to index
        %parallel_loop3A_480 = arith.index_cast %parallel_loop3A_477 : i32 to index
        %parallel_loop3A_481 = tpu.vector_load %arg8[%parallel_loop3A_479, %parallel_loop3A_480] {strides = array<i32>} : memref<64x128xf32, #tpu.memory_space<vmem>>, vector<16xf32>,
        tpu.vector_store %arg8[%parallel_loop3A_479, %parallel_loop3A_480], %parallel_loop3A_475 {strides = array<i32>} : memref<64x128xf32, #tpu.memory_space<vmem>>, vector<16xf32>,
        %parallel_loop3A_482 = arith.addf %parallel_loop3A_467, %parallel_loop3A_470 : vector<16xf32>
        %parallel_loop3A_483 = arith.addf %parallel_loop3A_482, %parallel_loop3A_473 : vector<16xf32>
        %parallel_loop3A_484 = arith.constant 16 : i32
        %parallel_loop3A_485 = arith.muli %parallel_loop3A_484, %parallel_loop3A_85 : i32
        %parallel_loop3A_486 = arith.constant 17 : i32
        %parallel_loop3A_487 = arith.index_cast %parallel_loop3A_486 : i32 to index
        %parallel_loop3A_488 = arith.index_cast %parallel_loop3A_485 : i32 to index
        %parallel_loop3A_489 = tpu.vector_load %arg8[%parallel_loop3A_487, %parallel_loop3A_488] {strides = array<i32>} : memref<64x128xf32, #tpu.memory_space<vmem>>, vector<16xf32>,
        tpu.vector_store %arg8[%parallel_loop3A_487, %parallel_loop3A_488], %parallel_loop3A_483 {strides = array<i32>} : memref<64x128xf32, #tpu.memory_space<vmem>>, vector<16xf32>,
        %parallel_loop3A_490 = arith.constant 9 : i32
        %parallel_loop3A_491 = vector.broadcast %parallel_loop3A_490 : i32 to vector<16xi32>
        %parallel_loop3A_492 = arith.addi %parallel_loop3A_119, %parallel_loop3A_491 : vector<16xi32>
        %parallel_loop3A_493 = tpu.vector_load_idx %arg5[%parallel_loop3A_492] : memref<28743xi32, #tpu.memory_space<vmem>>[vector<16xi32>], vector<16xi32>,
        %parallel_loop3A_494 = arith.constant 9 : i32
        %parallel_loop3A_495 = vector.broadcast %parallel_loop3A_494 : i32 to vector<16xi32>
        %parallel_loop3A_496 = arith.addi %parallel_loop3A_143, %parallel_loop3A_495 : vector<16xi32>
        %parallel_loop3A_497 = tpu.vector_load_idx %arg5[%parallel_loop3A_496] : memref<28743xi32, #tpu.memory_space<vmem>>[vector<16xi32>], vector<16xi32>,
        %parallel_loop3A_498 = arith.constant 9 : i32
        %parallel_loop3A_499 = vector.broadcast %parallel_loop3A_498 : i32 to vector<16xi32>
        %parallel_loop3A_500 = arith.addi %parallel_loop3A_156, %parallel_loop3A_499 : vector<16xi32>
        %parallel_loop3A_501 = tpu.vector_load_idx %arg5[%parallel_loop3A_500] : memref<28743xi32, #tpu.memory_space<vmem>>[vector<16xi32>], vector<16xi32>,
        %parallel_loop3A_502 = vector.bitcast %parallel_loop3A_493 : vector<16xi32> to vector<32xbf16>
        %parallel_loop3A_503 = tpu.unpack_subelements %parallel_loop3A_502, 0 {pack_format = #tpu.pack_format<interleaved>} : vector<32xbf16> -> vector<16xf32>
        %parallel_loop3A_504 = tpu.unpack_subelements %parallel_loop3A_502, 1 {pack_format = #tpu.pack_format<interleaved>} : vector<32xbf16> -> vector<16xf32>
        %parallel_loop3A_505 = vector.bitcast %parallel_loop3A_497 : vector<16xi32> to vector<32xbf16>
        %parallel_loop3A_506 = tpu.unpack_subelements %parallel_loop3A_505, 0 {pack_format = #tpu.pack_format<interleaved>} : vector<32xbf16> -> vector<16xf32>
        %parallel_loop3A_507 = tpu.unpack_subelements %parallel_loop3A_505, 1 {pack_format = #tpu.pack_format<interleaved>} : vector<32xbf16> -> vector<16xf32>
        %parallel_loop3A_508 = vector.bitcast %parallel_loop3A_501 : vector<16xi32> to vector<32xbf16>
        %parallel_loop3A_509 = tpu.unpack_subelements %parallel_loop3A_508, 0 {pack_format = #tpu.pack_format<interleaved>} : vector<32xbf16> -> vector<16xf32>
        %parallel_loop3A_510 = tpu.unpack_subelements %parallel_loop3A_508, 1 {pack_format = #tpu.pack_format<interleaved>} : vector<32xbf16> -> vector<16xf32>
        %parallel_loop3A_511 = arith.addf %parallel_loop3A_503, %parallel_loop3A_506 : vector<16xf32>
        %parallel_loop3A_512 = arith.addf %parallel_loop3A_511, %parallel_loop3A_509 : vector<16xf32>
        %parallel_loop3A_513 = arith.constant 16 : i32
        %parallel_loop3A_514 = arith.muli %parallel_loop3A_513, %parallel_loop3A_85 : i32
        %parallel_loop3A_515 = arith.constant 18 : i32
        %parallel_loop3A_516 = arith.index_cast %parallel_loop3A_515 : i32 to index
        %parallel_loop3A_517 = arith.index_cast %parallel_loop3A_514 : i32 to index
        %parallel_loop3A_518 = tpu.vector_load %arg8[%parallel_loop3A_516, %parallel_loop3A_517] {strides = array<i32>} : memref<64x128xf32, #tpu.memory_space<vmem>>, vector<16xf32>,
        tpu.vector_store %arg8[%parallel_loop3A_516, %parallel_loop3A_517], %parallel_loop3A_512 {strides = array<i32>} : memref<64x128xf32, #tpu.memory_space<vmem>>, vector<16xf32>,
        %parallel_loop3A_519 = arith.addf %parallel_loop3A_504, %parallel_loop3A_507 : vector<16xf32>
        %parallel_loop3A_520 = arith.addf %parallel_loop3A_519, %parallel_loop3A_510 : vector<16xf32>
        %parallel_loop3A_521 = arith.constant 16 : i32
        %parallel_loop3A_522 = arith.muli %parallel_loop3A_521, %parallel_loop3A_85 : i32
        %parallel_loop3A_523 = arith.constant 19 : i32
        %parallel_loop3A_524 = arith.index_cast %parallel_loop3A_523 : i32 to index
        %parallel_loop3A_525 = arith.index_cast %parallel_loop3A_522 : i32 to index
        %parallel_loop3A_526 = tpu.vector_load %arg8[%parallel_loop3A_524, %parallel_loop3A_525] {strides = array<i32>} : memref<64x128xf32, #tpu.memory_space<vmem>>, vector<16xf32>,
        tpu.vector_store %arg8[%parallel_loop3A_524, %parallel_loop3A_525], %parallel_loop3A_520 {strides = array<i32>} : memref<64x128xf32, #tpu.memory_space<vmem>>, vector<16xf32>,
        %parallel_loop3A_527 = arith.constant 10 : i32
        %parallel_loop3A_528 = vector.broadcast %parallel_loop3A_527 : i32 to vector<16xi32>
        %parallel_loop3A_529 = arith.addi %parallel_loop3A_119, %parallel_loop3A_528 : vector<16xi32>
        %parallel_loop3A_530 = tpu.vector_load_idx %arg5[%parallel_loop3A_529] : memref<28743xi32, #tpu.memory_space<vmem>>[vector<16xi32>], vector<16xi32>,
        %parallel_loop3A_531 = arith.constant 10 : i32
        %parallel_loop3A_532 = vector.broadcast %parallel_loop3A_531 : i32 to vector<16xi32>
        %parallel_loop3A_533 = arith.addi %parallel_loop3A_143, %parallel_loop3A_532 : vector<16xi32>
        %parallel_loop3A_534 = tpu.vector_load_idx %arg5[%parallel_loop3A_533] : memref<28743xi32, #tpu.memory_space<vmem>>[vector<16xi32>], vector<16xi32>,
        %parallel_loop3A_535 = arith.constant 10 : i32
        %parallel_loop3A_536 = vector.broadcast %parallel_loop3A_535 : i32 to vector<16xi32>
        %parallel_loop3A_537 = arith.addi %parallel_loop3A_156, %parallel_loop3A_536 : vector<16xi32>
        %parallel_loop3A_538 = tpu.vector_load_idx %arg5[%parallel_loop3A_537] : memref<28743xi32, #tpu.memory_space<vmem>>[vector<16xi32>], vector<16xi32>,
        %parallel_loop3A_539 = vector.bitcast %parallel_loop3A_530 : vector<16xi32> to vector<32xbf16>
        %parallel_loop3A_540 = tpu.unpack_subelements %parallel_loop3A_539, 0 {pack_format = #tpu.pack_format<interleaved>} : vector<32xbf16> -> vector<16xf32>
        %parallel_loop3A_541 = tpu.unpack_subelements %parallel_loop3A_539, 1 {pack_format = #tpu.pack_format<interleaved>} : vector<32xbf16> -> vector<16xf32>
        %parallel_loop3A_542 = vector.bitcast %parallel_loop3A_534 : vector<16xi32> to vector<32xbf16>
        %parallel_loop3A_543 = tpu.unpack_subelements %parallel_loop3A_542, 0 {pack_format = #tpu.pack_format<interleaved>} : vector<32xbf16> -> vector<16xf32>
        %parallel_loop3A_544 = tpu.unpack_subelements %parallel_loop3A_542, 1 {pack_format = #tpu.pack_format<interleaved>} : vector<32xbf16> -> vector<16xf32>
        %parallel_loop3A_545 = vector.bitcast %parallel_loop3A_538 : vector<16xi32> to vector<32xbf16>
        %parallel_loop3A_546 = tpu.unpack_subelements %parallel_loop3A_545, 0 {pack_format = #tpu.pack_format<interleaved>} : vector<32xbf16> -> vector<16xf32>
        %parallel_loop3A_547 = tpu.unpack_subelements %parallel_loop3A_545, 1 {pack_format = #tpu.pack_format<interleaved>} : vector<32xbf16> -> vector<16xf32>
        %parallel_loop3A_548 = arith.addf %parallel_loop3A_540, %parallel_loop3A_543 : vector<16xf32>
        %parallel_loop3A_549 = arith.addf %parallel_loop3A_548, %parallel_loop3A_546 : vector<16xf32>
        %parallel_loop3A_550 = arith.constant 16 : i32
        %parallel_loop3A_551 = arith.muli %parallel_loop3A_550, %parallel_loop3A_85 : i32
        %parallel_loop3A_552 = arith.constant 20 : i32
        %parallel_loop3A_553 = arith.index_cast %parallel_loop3A_552 : i32 to index
        %parallel_loop3A_554 = arith.index_cast %parallel_loop3A_551 : i32 to index
        %parallel_loop3A_555 = tpu.vector_load %arg8[%parallel_loop3A_553, %parallel_loop3A_554] {strides = array<i32>} : memref<64x128xf32, #tpu.memory_space<vmem>>, vector<16xf32>,
        tpu.vector_store %arg8[%parallel_loop3A_553, %parallel_loop3A_554], %parallel_loop3A_549 {strides = array<i32>} : memref<64x128xf32, #tpu.memory_space<vmem>>, vector<16xf32>,
        %parallel_loop3A_556 = arith.addf %parallel_loop3A_541, %parallel_loop3A_544 : vector<16xf32>
        %parallel_loop3A_557 = arith.addf %parallel_loop3A_556, %parallel_loop3A_547 : vector<16xf32>
        %parallel_loop3A_558 = arith.constant 16 : i32
        %parallel_loop3A_559 = arith.muli %parallel_loop3A_558, %parallel_loop3A_85 : i32
        %parallel_loop3A_560 = arith.constant 21 : i32
        %parallel_loop3A_561 = arith.index_cast %parallel_loop3A_560 : i32 to index
        %parallel_loop3A_562 = arith.index_cast %parallel_loop3A_559 : i32 to index
        %parallel_loop3A_563 = tpu.vector_load %arg8[%parallel_loop3A_561, %parallel_loop3A_562] {strides = array<i32>} : memref<64x128xf32, #tpu.memory_space<vmem>>, vector<16xf32>,
        tpu.vector_store %arg8[%parallel_loop3A_561, %parallel_loop3A_562], %parallel_loop3A_557 {strides = array<i32>} : memref<64x128xf32, #tpu.memory_space<vmem>>, vector<16xf32>,
        %parallel_loop3A_564 = arith.constant 11 : i32
        %parallel_loop3A_565 = vector.broadcast %parallel_loop3A_564 : i32 to vector<16xi32>
        %parallel_loop3A_566 = arith.addi %parallel_loop3A_119, %parallel_loop3A_565 : vector<16xi32>
        %parallel_loop3A_567 = tpu.vector_load_idx %arg5[%parallel_loop3A_566] : memref<28743xi32, #tpu.memory_space<vmem>>[vector<16xi32>], vector<16xi32>,
        %parallel_loop3A_568 = arith.constant 11 : i32
        %parallel_loop3A_569 = vector.broadcast %parallel_loop3A_568 : i32 to vector<16xi32>
        %parallel_loop3A_570 = arith.addi %parallel_loop3A_143, %parallel_loop3A_569 : vector<16xi32>
        %parallel_loop3A_571 = tpu.vector_load_idx %arg5[%parallel_loop3A_570] : memref<28743xi32, #tpu.memory_space<vmem>>[vector<16xi32>], vector<16xi32>,
        %parallel_loop3A_572 = arith.constant 11 : i32
        %parallel_loop3A_573 = vector.broadcast %parallel_loop3A_572 : i32 to vector<16xi32>
        %parallel_loop3A_574 = arith.addi %parallel_loop3A_156, %parallel_loop3A_573 : vector<16xi32>
        %parallel_loop3A_575 = tpu.vector_load_idx %arg5[%parallel_loop3A_574] : memref<28743xi32, #tpu.memory_space<vmem>>[vector<16xi32>], vector<16xi32>,
        %parallel_loop3A_576 = vector.bitcast %parallel_loop3A_567 : vector<16xi32> to vector<32xbf16>
        %parallel_loop3A_577 = tpu.unpack_subelements %parallel_loop3A_576, 0 {pack_format = #tpu.pack_format<interleaved>} : vector<32xbf16> -> vector<16xf32>
        %parallel_loop3A_578 = tpu.unpack_subelements %parallel_loop3A_576, 1 {pack_format = #tpu.pack_format<interleaved>} : vector<32xbf16> -> vector<16xf32>
        %parallel_loop3A_579 = vector.bitcast %parallel_loop3A_571 : vector<16xi32> to vector<32xbf16>
        %parallel_loop3A_580 = tpu.unpack_subelements %parallel_loop3A_579, 0 {pack_format = #tpu.pack_format<interleaved>} : vector<32xbf16> -> vector<16xf32>
        %parallel_loop3A_581 = tpu.unpack_subelements %parallel_loop3A_579, 1 {pack_format = #tpu.pack_format<interleaved>} : vector<32xbf16> -> vector<16xf32>
        %parallel_loop3A_582 = vector.bitcast %parallel_loop3A_575 : vector<16xi32> to vector<32xbf16>
        %parallel_loop3A_583 = tpu.unpack_subelements %parallel_loop3A_582, 0 {pack_format = #tpu.pack_format<interleaved>} : vector<32xbf16> -> vector<16xf32>
        %parallel_loop3A_584 = tpu.unpack_subelements %parallel_loop3A_582, 1 {pack_format = #tpu.pack_format<interleaved>} : vector<32xbf16> -> vector<16xf32>
        %parallel_loop3A_585 = arith.addf %parallel_loop3A_577, %parallel_loop3A_580 : vector<16xf32>
        %parallel_loop3A_586 = arith.addf %parallel_loop3A_585, %parallel_loop3A_583 : vector<16xf32>
        %parallel_loop3A_587 = arith.constant 16 : i32
        %parallel_loop3A_588 = arith.muli %parallel_loop3A_587, %parallel_loop3A_85 : i32
        %parallel_loop3A_589 = arith.constant 22 : i32
        %parallel_loop3A_590 = arith.index_cast %parallel_loop3A_589 : i32 to index
        %parallel_loop3A_591 = arith.index_cast %parallel_loop3A_588 : i32 to index
        %parallel_loop3A_592 = tpu.vector_load %arg8[%parallel_loop3A_590, %parallel_loop3A_591] {strides = array<i32>} : memref<64x128xf32, #tpu.memory_space<vmem>>, vector<16xf32>,
        tpu.vector_store %arg8[%parallel_loop3A_590, %parallel_loop3A_591], %parallel_loop3A_586 {strides = array<i32>} : memref<64x128xf32, #tpu.memory_space<vmem>>, vector<16xf32>,
        %parallel_loop3A_593 = arith.addf %parallel_loop3A_578, %parallel_loop3A_581 : vector<16xf32>
        %parallel_loop3A_594 = arith.addf %parallel_loop3A_593, %parallel_loop3A_584 : vector<16xf32>
        %parallel_loop3A_595 = arith.constant 16 : i32
        %parallel_loop3A_596 = arith.muli %parallel_loop3A_595, %parallel_loop3A_85 : i32
        %parallel_loop3A_597 = arith.constant 23 : i32
        %parallel_loop3A_598 = arith.index_cast %parallel_loop3A_597 : i32 to index
        %parallel_loop3A_599 = arith.index_cast %parallel_loop3A_596 : i32 to index
        %parallel_loop3A_600 = tpu.vector_load %arg8[%parallel_loop3A_598, %parallel_loop3A_599] {strides = array<i32>} : memref<64x128xf32, #tpu.memory_space<vmem>>, vector<16xf32>,
        tpu.vector_store %arg8[%parallel_loop3A_598, %parallel_loop3A_599], %parallel_loop3A_594 {strides = array<i32>} : memref<64x128xf32, #tpu.memory_space<vmem>>, vector<16xf32>,
        %parallel_loop3A_601 = arith.constant 12 : i32
        %parallel_loop3A_602 = vector.broadcast %parallel_loop3A_601 : i32 to vector<16xi32>
        %parallel_loop3A_603 = arith.addi %parallel_loop3A_119, %parallel_loop3A_602 : vector<16xi32>
        %parallel_loop3A_604 = tpu.vector_load_idx %arg5[%parallel_loop3A_603] : memref<28743xi32, #tpu.memory_space<vmem>>[vector<16xi32>], vector<16xi32>,
        %parallel_loop3A_605 = arith.constant 12 : i32
        %parallel_loop3A_606 = vector.broadcast %parallel_loop3A_605 : i32 to vector<16xi32>
        %parallel_loop3A_607 = arith.addi %parallel_loop3A_143, %parallel_loop3A_606 : vector<16xi32>
        %parallel_loop3A_608 = tpu.vector_load_idx %arg5[%parallel_loop3A_607] : memref<28743xi32, #tpu.memory_space<vmem>>[vector<16xi32>], vector<16xi32>,
        %parallel_loop3A_609 = arith.constant 12 : i32
        %parallel_loop3A_610 = vector.broadcast %parallel_loop3A_609 : i32 to vector<16xi32>
        %parallel_loop3A_611 = arith.addi %parallel_loop3A_156, %parallel_loop3A_610 : vector<16xi32>
        %parallel_loop3A_612 = tpu.vector_load_idx %arg5[%parallel_loop3A_611] : memref<28743xi32, #tpu.memory_space<vmem>>[vector<16xi32>], vector<16xi32>,
        %parallel_loop3A_613 = vector.bitcast %parallel_loop3A_604 : vector<16xi32> to vector<32xbf16>
        %parallel_loop3A_614 = tpu.unpack_subelements %parallel_loop3A_613, 0 {pack_format = #tpu.pack_format<interleaved>} : vector<32xbf16> -> vector<16xf32>
        %parallel_loop3A_615 = tpu.unpack_subelements %parallel_loop3A_613, 1 {pack_format = #tpu.pack_format<interleaved>} : vector<32xbf16> -> vector<16xf32>
        %parallel_loop3A_616 = vector.bitcast %parallel_loop3A_608 : vector<16xi32> to vector<32xbf16>
        %parallel_loop3A_617 = tpu.unpack_subelements %parallel_loop3A_616, 0 {pack_format = #tpu.pack_format<interleaved>} : vector<32xbf16> -> vector<16xf32>
        %parallel_loop3A_618 = tpu.unpack_subelements %parallel_loop3A_616, 1 {pack_format = #tpu.pack_format<interleaved>} : vector<32xbf16> -> vector<16xf32>
        %parallel_loop3A_619 = vector.bitcast %parallel_loop3A_612 : vector<16xi32> to vector<32xbf16>
        %parallel_loop3A_620 = tpu.unpack_subelements %parallel_loop3A_619, 0 {pack_format = #tpu.pack_format<interleaved>} : vector<32xbf16> -> vector<16xf32>
        %parallel_loop3A_621 = tpu.unpack_subelements %parallel_loop3A_619, 1 {pack_format = #tpu.pack_format<interleaved>} : vector<32xbf16> -> vector<16xf32>
        %parallel_loop3A_622 = arith.addf %parallel_loop3A_614, %parallel_loop3A_617 : vector<16xf32>
        %parallel_loop3A_623 = arith.addf %parallel_loop3A_622, %parallel_loop3A_620 : vector<16xf32>
        %parallel_loop3A_624 = arith.constant 16 : i32
        %parallel_loop3A_625 = arith.muli %parallel_loop3A_624, %parallel_loop3A_85 : i32
        %parallel_loop3A_626 = arith.constant 24 : i32
        %parallel_loop3A_627 = arith.index_cast %parallel_loop3A_626 : i32 to index
        %parallel_loop3A_628 = arith.index_cast %parallel_loop3A_625 : i32 to index
        %parallel_loop3A_629 = tpu.vector_load %arg8[%parallel_loop3A_627, %parallel_loop3A_628] {strides = array<i32>} : memref<64x128xf32, #tpu.memory_space<vmem>>, vector<16xf32>,
        tpu.vector_store %arg8[%parallel_loop3A_627, %parallel_loop3A_628], %parallel_loop3A_623 {strides = array<i32>} : memref<64x128xf32, #tpu.memory_space<vmem>>, vector<16xf32>,
        %parallel_loop3A_630 = arith.addf %parallel_loop3A_615, %parallel_loop3A_618 : vector<16xf32>
        %parallel_loop3A_631 = arith.addf %parallel_loop3A_630, %parallel_loop3A_621 : vector<16xf32>
        %parallel_loop3A_632 = arith.constant 16 : i32
        %parallel_loop3A_633 = arith.muli %parallel_loop3A_632, %parallel_loop3A_85 : i32
        %parallel_loop3A_634 = arith.constant 25 : i32
        %parallel_loop3A_635 = arith.index_cast %parallel_loop3A_634 : i32 to index
        %parallel_loop3A_636 = arith.index_cast %parallel_loop3A_633 : i32 to index
        %parallel_loop3A_637 = tpu.vector_load %arg8[%parallel_loop3A_635, %parallel_loop3A_636] {strides = array<i32>} : memref<64x128xf32, #tpu.memory_space<vmem>>, vector<16xf32>,
        tpu.vector_store %arg8[%parallel_loop3A_635, %parallel_loop3A_636], %parallel_loop3A_631 {strides = array<i32>} : memref<64x128xf32, #tpu.memory_space<vmem>>, vector<16xf32>,
        %parallel_loop3A_638 = arith.constant 13 : i32
        %parallel_loop3A_639 = vector.broadcast %parallel_loop3A_638 : i32 to vector<16xi32>
        %parallel_loop3A_640 = arith.addi %parallel_loop3A_119, %parallel_loop3A_639 : vector<16xi32>
        %parallel_loop3A_641 = tpu.vector_load_idx %arg5[%parallel_loop3A_640] : memref<28743xi32, #tpu.memory_space<vmem>>[vector<16xi32>], vector<16xi32>,
        %parallel_loop3A_642 = arith.constant 13 : i32
        %parallel_loop3A_643 = vector.broadcast %parallel_loop3A_642 : i32 to vector<16xi32>
        %parallel_loop3A_644 = arith.addi %parallel_loop3A_143, %parallel_loop3A_643 : vector<16xi32>
        %parallel_loop3A_645 = tpu.vector_load_idx %arg5[%parallel_loop3A_644] : memref<28743xi32, #tpu.memory_space<vmem>>[vector<16xi32>], vector<16xi32>,
        %parallel_loop3A_646 = arith.constant 13 : i32
        %parallel_loop3A_647 = vector.broadcast %parallel_loop3A_646 : i32 to vector<16xi32>
        %parallel_loop3A_648 = arith.addi %parallel_loop3A_156, %parallel_loop3A_647 : vector<16xi32>
        %parallel_loop3A_649 = tpu.vector_load_idx %arg5[%parallel_loop3A_648] : memref<28743xi32, #tpu.memory_space<vmem>>[vector<16xi32>], vector<16xi32>,
        %parallel_loop3A_650 = vector.bitcast %parallel_loop3A_641 : vector<16xi32> to vector<32xbf16>
        %parallel_loop3A_651 = tpu.unpack_subelements %parallel_loop3A_650, 0 {pack_format = #tpu.pack_format<interleaved>} : vector<32xbf16> -> vector<16xf32>
        %parallel_loop3A_652 = tpu.unpack_subelements %parallel_loop3A_650, 1 {pack_format = #tpu.pack_format<interleaved>} : vector<32xbf16> -> vector<16xf32>
        %parallel_loop3A_653 = vector.bitcast %parallel_loop3A_645 : vector<16xi32> to vector<32xbf16>
        %parallel_loop3A_654 = tpu.unpack_subelements %parallel_loop3A_653, 0 {pack_format = #tpu.pack_format<interleaved>} : vector<32xbf16> -> vector<16xf32>
        %parallel_loop3A_655 = tpu.unpack_subelements %parallel_loop3A_653, 1 {pack_format = #tpu.pack_format<interleaved>} : vector<32xbf16> -> vector<16xf32>
        %parallel_loop3A_656 = vector.bitcast %parallel_loop3A_649 : vector<16xi32> to vector<32xbf16>
        %parallel_loop3A_657 = tpu.unpack_subelements %parallel_loop3A_656, 0 {pack_format = #tpu.pack_format<interleaved>} : vector<32xbf16> -> vector<16xf32>
        %parallel_loop3A_658 = tpu.unpack_subelements %parallel_loop3A_656, 1 {pack_format = #tpu.pack_format<interleaved>} : vector<32xbf16> -> vector<16xf32>
        %parallel_loop3A_659 = arith.addf %parallel_loop3A_651, %parallel_loop3A_654 : vector<16xf32>
        %parallel_loop3A_660 = arith.addf %parallel_loop3A_659, %parallel_loop3A_657 : vector<16xf32>
        %parallel_loop3A_661 = arith.constant 16 : i32
        %parallel_loop3A_662 = arith.muli %parallel_loop3A_661, %parallel_loop3A_85 : i32
        %parallel_loop3A_663 = arith.constant 26 : i32
        %parallel_loop3A_664 = arith.index_cast %parallel_loop3A_663 : i32 to index
        %parallel_loop3A_665 = arith.index_cast %parallel_loop3A_662 : i32 to index
        %parallel_loop3A_666 = tpu.vector_load %arg8[%parallel_loop3A_664, %parallel_loop3A_665] {strides = array<i32>} : memref<64x128xf32, #tpu.memory_space<vmem>>, vector<16xf32>,
        tpu.vector_store %arg8[%parallel_loop3A_664, %parallel_loop3A_665], %parallel_loop3A_660 {strides = array<i32>} : memref<64x128xf32, #tpu.memory_space<vmem>>, vector<16xf32>,
        %parallel_loop3A_667 = arith.addf %parallel_loop3A_652, %parallel_loop3A_655 : vector<16xf32>
        %parallel_loop3A_668 = arith.addf %parallel_loop3A_667, %parallel_loop3A_658 : vector<16xf32>
        %parallel_loop3A_669 = arith.constant 16 : i32
        %parallel_loop3A_670 = arith.muli %parallel_loop3A_669, %parallel_loop3A_85 : i32
        %parallel_loop3A_671 = arith.constant 27 : i32
        %parallel_loop3A_672 = arith.index_cast %parallel_loop3A_671 : i32 to index
        %parallel_loop3A_673 = arith.index_cast %parallel_loop3A_670 : i32 to index
        %parallel_loop3A_674 = tpu.vector_load %arg8[%parallel_loop3A_672, %parallel_loop3A_673] {strides = array<i32>} : memref<64x128xf32, #tpu.memory_space<vmem>>, vector<16xf32>,
        tpu.vector_store %arg8[%parallel_loop3A_672, %parallel_loop3A_673], %parallel_loop3A_668 {strides = array<i32>} : memref<64x128xf32, #tpu.memory_space<vmem>>, vector<16xf32>,
        %parallel_loop3A_675 = arith.constant 14 : i32
        %parallel_loop3A_676 = vector.broadcast %parallel_loop3A_675 : i32 to vector<16xi32>
        %parallel_loop3A_677 = arith.addi %parallel_loop3A_119, %parallel_loop3A_676 : vector<16xi32>
        %parallel_loop3A_678 = tpu.vector_load_idx %arg5[%parallel_loop3A_677] : memref<28743xi32, #tpu.memory_space<vmem>>[vector<16xi32>], vector<16xi32>,
        %parallel_loop3A_679 = arith.constant 14 : i32
        %parallel_loop3A_680 = vector.broadcast %parallel_loop3A_679 : i32 to vector<16xi32>
        %parallel_loop3A_681 = arith.addi %parallel_loop3A_143, %parallel_loop3A_680 : vector<16xi32>
        %parallel_loop3A_682 = tpu.vector_load_idx %arg5[%parallel_loop3A_681] : memref<28743xi32, #tpu.memory_space<vmem>>[vector<16xi32>], vector<16xi32>,
        %parallel_loop3A_683 = arith.constant 14 : i32
        %parallel_loop3A_684 = vector.broadcast %parallel_loop3A_683 : i32 to vector<16xi32>
        %parallel_loop3A_685 = arith.addi %parallel_loop3A_156, %parallel_loop3A_684 : vector<16xi32>
        %parallel_loop3A_686 = tpu.vector_load_idx %arg5[%parallel_loop3A_685] : memref<28743xi32, #tpu.memory_space<vmem>>[vector<16xi32>], vector<16xi32>,
        %parallel_loop3A_687 = vector.bitcast %parallel_loop3A_678 : vector<16xi32> to vector<32xbf16>
        %parallel_loop3A_688 = tpu.unpack_subelements %parallel_loop3A_687, 0 {pack_format = #tpu.pack_format<interleaved>} : vector<32xbf16> -> vector<16xf32>
        %parallel_loop3A_689 = tpu.unpack_subelements %parallel_loop3A_687, 1 {pack_format = #tpu.pack_format<interleaved>} : vector<32xbf16> -> vector<16xf32>
        %parallel_loop3A_690 = vector.bitcast %parallel_loop3A_682 : vector<16xi32> to vector<32xbf16>
        %parallel_loop3A_691 = tpu.unpack_subelements %parallel_loop3A_690, 0 {pack_format = #tpu.pack_format<interleaved>} : vector<32xbf16> -> vector<16xf32>
        %parallel_loop3A_692 = tpu.unpack_subelements %parallel_loop3A_690, 1 {pack_format = #tpu.pack_format<interleaved>} : vector<32xbf16> -> vector<16xf32>
        %parallel_loop3A_693 = vector.bitcast %parallel_loop3A_686 : vector<16xi32> to vector<32xbf16>
        %parallel_loop3A_694 = tpu.unpack_subelements %parallel_loop3A_693, 0 {pack_format = #tpu.pack_format<interleaved>} : vector<32xbf16> -> vector<16xf32>
        %parallel_loop3A_695 = tpu.unpack_subelements %parallel_loop3A_693, 1 {pack_format = #tpu.pack_format<interleaved>} : vector<32xbf16> -> vector<16xf32>
        %parallel_loop3A_696 = arith.addf %parallel_loop3A_688, %parallel_loop3A_691 : vector<16xf32>
        %parallel_loop3A_697 = arith.addf %parallel_loop3A_696, %parallel_loop3A_694 : vector<16xf32>
        %parallel_loop3A_698 = arith.constant 16 : i32
        %parallel_loop3A_699 = arith.muli %parallel_loop3A_698, %parallel_loop3A_85 : i32
        %parallel_loop3A_700 = arith.constant 28 : i32
        %parallel_loop3A_701 = arith.index_cast %parallel_loop3A_700 : i32 to index
        %parallel_loop3A_702 = arith.index_cast %parallel_loop3A_699 : i32 to index
        %parallel_loop3A_703 = tpu.vector_load %arg8[%parallel_loop3A_701, %parallel_loop3A_702] {strides = array<i32>} : memref<64x128xf32, #tpu.memory_space<vmem>>, vector<16xf32>,
        tpu.vector_store %arg8[%parallel_loop3A_701, %parallel_loop3A_702], %parallel_loop3A_697 {strides = array<i32>} : memref<64x128xf32, #tpu.memory_space<vmem>>, vector<16xf32>,
        %parallel_loop3A_704 = arith.addf %parallel_loop3A_689, %parallel_loop3A_692 : vector<16xf32>
        %parallel_loop3A_705 = arith.addf %parallel_loop3A_704, %parallel_loop3A_695 : vector<16xf32>
        %parallel_loop3A_706 = arith.constant 16 : i32
        %parallel_loop3A_707 = arith.muli %parallel_loop3A_706, %parallel_loop3A_85 : i32
        %parallel_loop3A_708 = arith.constant 29 : i32
        %parallel_loop3A_709 = arith.index_cast %parallel_loop3A_708 : i32 to index
        %parallel_loop3A_710 = arith.index_cast %parallel_loop3A_707 : i32 to index
        %parallel_loop3A_711 = tpu.vector_load %arg8[%parallel_loop3A_709, %parallel_loop3A_710] {strides = array<i32>} : memref<64x128xf32, #tpu.memory_space<vmem>>, vector<16xf32>,
        tpu.vector_store %arg8[%parallel_loop3A_709, %parallel_loop3A_710], %parallel_loop3A_705 {strides = array<i32>} : memref<64x128xf32, #tpu.memory_space<vmem>>, vector<16xf32>,
        %parallel_loop3A_712 = arith.constant 15 : i32
        %parallel_loop3A_713 = vector.broadcast %parallel_loop3A_712 : i32 to vector<16xi32>
        %parallel_loop3A_714 = arith.addi %parallel_loop3A_119, %parallel_loop3A_713 : vector<16xi32>
        %parallel_loop3A_715 = tpu.vector_load_idx %arg5[%parallel_loop3A_714] : memref<28743xi32, #tpu.memory_space<vmem>>[vector<16xi32>], vector<16xi32>,
        %parallel_loop3A_716 = arith.constant 15 : i32
        %parallel_loop3A_717 = vector.broadcast %parallel_loop3A_716 : i32 to vector<16xi32>
        %parallel_loop3A_718 = arith.addi %parallel_loop3A_143, %parallel_loop3A_717 : vector<16xi32>
        %parallel_loop3A_719 = tpu.vector_load_idx %arg5[%parallel_loop3A_718] : memref<28743xi32, #tpu.memory_space<vmem>>[vector<16xi32>], vector<16xi32>,
        %parallel_loop3A_720 = arith.constant 15 : i32
        %parallel_loop3A_721 = vector.broadcast %parallel_loop3A_720 : i32 to vector<16xi32>
        %parallel_loop3A_722 = arith.addi %parallel_loop3A_156, %parallel_loop3A_721 : vector<16xi32>
        %parallel_loop3A_723 = tpu.vector_load_idx %arg5[%parallel_loop3A_722] : memref<28743xi32, #tpu.memory_space<vmem>>[vector<16xi32>], vector<16xi32>,
        %parallel_loop3A_724 = vector.bitcast %parallel_loop3A_715 : vector<16xi32> to vector<32xbf16>
        %parallel_loop3A_725 = tpu.unpack_subelements %parallel_loop3A_724, 0 {pack_format = #tpu.pack_format<interleaved>} : vector<32xbf16> -> vector<16xf32>
        %parallel_loop3A_726 = tpu.unpack_subelements %parallel_loop3A_724, 1 {pack_format = #tpu.pack_format<interleaved>} : vector<32xbf16> -> vector<16xf32>
        %parallel_loop3A_727 = vector.bitcast %parallel_loop3A_719 : vector<16xi32> to vector<32xbf16>
        %parallel_loop3A_728 = tpu.unpack_subelements %parallel_loop3A_727, 0 {pack_format = #tpu.pack_format<interleaved>} : vector<32xbf16> -> vector<16xf32>
        %parallel_loop3A_729 = tpu.unpack_subelements %parallel_loop3A_727, 1 {pack_format = #tpu.pack_format<interleaved>} : vector<32xbf16> -> vector<16xf32>
        %parallel_loop3A_730 = vector.bitcast %parallel_loop3A_723 : vector<16xi32> to vector<32xbf16>
        %parallel_loop3A_731 = tpu.unpack_subelements %parallel_loop3A_730, 0 {pack_format = #tpu.pack_format<interleaved>} : vector<32xbf16> -> vector<16xf32>
        %parallel_loop3A_732 = tpu.unpack_subelements %parallel_loop3A_730, 1 {pack_format = #tpu.pack_format<interleaved>} : vector<32xbf16> -> vector<16xf32>
        %parallel_loop3A_733 = arith.addf %parallel_loop3A_725, %parallel_loop3A_728 : vector<16xf32>
        %parallel_loop3A_734 = arith.addf %parallel_loop3A_733, %parallel_loop3A_731 : vector<16xf32>
        %parallel_loop3A_735 = arith.constant 16 : i32
        %parallel_loop3A_736 = arith.muli %parallel_loop3A_735, %parallel_loop3A_85 : i32
        %parallel_loop3A_737 = arith.constant 30 : i32
        %parallel_loop3A_738 = arith.index_cast %parallel_loop3A_737 : i32 to index
        %parallel_loop3A_739 = arith.index_cast %parallel_loop3A_736 : i32 to index
        %parallel_loop3A_740 = tpu.vector_load %arg8[%parallel_loop3A_738, %parallel_loop3A_739] {strides = array<i32>} : memref<64x128xf32, #tpu.memory_space<vmem>>, vector<16xf32>,
        tpu.vector_store %arg8[%parallel_loop3A_738, %parallel_loop3A_739], %parallel_loop3A_734 {strides = array<i32>} : memref<64x128xf32, #tpu.memory_space<vmem>>, vector<16xf32>,
        %parallel_loop3A_741 = arith.addf %parallel_loop3A_726, %parallel_loop3A_729 : vector<16xf32>
        %parallel_loop3A_742 = arith.addf %parallel_loop3A_741, %parallel_loop3A_732 : vector<16xf32>
        %parallel_loop3A_743 = arith.constant 16 : i32
        %parallel_loop3A_744 = arith.muli %parallel_loop3A_743, %parallel_loop3A_85 : i32
        %parallel_loop3A_745 = arith.constant 31 : i32
        %parallel_loop3A_746 = arith.index_cast %parallel_loop3A_745 : i32 to index
        %parallel_loop3A_747 = arith.index_cast %parallel_loop3A_744 : i32 to index
        %parallel_loop3A_748 = tpu.vector_load %arg8[%parallel_loop3A_746, %parallel_loop3A_747] {strides = array<i32>} : memref<64x128xf32, #tpu.memory_space<vmem>>, vector<16xf32>,
        tpu.vector_store %arg8[%parallel_loop3A_746, %parallel_loop3A_747], %parallel_loop3A_742 {strides = array<i32>} : memref<64x128xf32, #tpu.memory_space<vmem>>, vector<16xf32>,
        %parallel_loop3A_749 = arith.constant 16 : i32
        %parallel_loop3A_750 = vector.broadcast %parallel_loop3A_749 : i32 to vector<16xi32>
        %parallel_loop3A_751 = arith.addi %parallel_loop3A_119, %parallel_loop3A_750 : vector<16xi32>
        %parallel_loop3A_752 = tpu.vector_load_idx %arg5[%parallel_loop3A_751] : memref<28743xi32, #tpu.memory_space<vmem>>[vector<16xi32>], vector<16xi32>,
        %parallel_loop3A_753 = arith.constant 16 : i32
        %parallel_loop3A_754 = vector.broadcast %parallel_loop3A_753 : i32 to vector<16xi32>
        %parallel_loop3A_755 = arith.addi %parallel_loop3A_143, %parallel_loop3A_754 : vector<16xi32>
        %parallel_loop3A_756 = tpu.vector_load_idx %arg5[%parallel_loop3A_755] : memref<28743xi32, #tpu.memory_space<vmem>>[vector<16xi32>], vector<16xi32>,
        %parallel_loop3A_757 = arith.constant 16 : i32
        %parallel_loop3A_758 = vector.broadcast %parallel_loop3A_757 : i32 to vector<16xi32>
        %parallel_loop3A_759 = arith.addi %parallel_loop3A_156, %parallel_loop3A_758 : vector<16xi32>
        %parallel_loop3A_760 = tpu.vector_load_idx %arg5[%parallel_loop3A_759] : memref<28743xi32, #tpu.memory_space<vmem>>[vector<16xi32>], vector<16xi32>,
        %parallel_loop3A_761 = vector.bitcast %parallel_loop3A_752 : vector<16xi32> to vector<32xbf16>
        %parallel_loop3A_762 = tpu.unpack_subelements %parallel_loop3A_761, 0 {pack_format = #tpu.pack_format<interleaved>} : vector<32xbf16> -> vector<16xf32>
        %parallel_loop3A_763 = tpu.unpack_subelements %parallel_loop3A_761, 1 {pack_format = #tpu.pack_format<interleaved>} : vector<32xbf16> -> vector<16xf32>
        %parallel_loop3A_764 = vector.bitcast %parallel_loop3A_756 : vector<16xi32> to vector<32xbf16>
        %parallel_loop3A_765 = tpu.unpack_subelements %parallel_loop3A_764, 0 {pack_format = #tpu.pack_format<interleaved>} : vector<32xbf16> -> vector<16xf32>
        %parallel_loop3A_766 = tpu.unpack_subelements %parallel_loop3A_764, 1 {pack_format = #tpu.pack_format<interleaved>} : vector<32xbf16> -> vector<16xf32>
        %parallel_loop3A_767 = vector.bitcast %parallel_loop3A_760 : vector<16xi32> to vector<32xbf16>
        %parallel_loop3A_768 = tpu.unpack_subelements %parallel_loop3A_767, 0 {pack_format = #tpu.pack_format<interleaved>} : vector<32xbf16> -> vector<16xf32>
        %parallel_loop3A_769 = tpu.unpack_subelements %parallel_loop3A_767, 1 {pack_format = #tpu.pack_format<interleaved>} : vector<32xbf16> -> vector<16xf32>
        %parallel_loop3A_770 = arith.addf %parallel_loop3A_762, %parallel_loop3A_765 : vector<16xf32>
        %parallel_loop3A_771 = arith.addf %parallel_loop3A_770, %parallel_loop3A_768 : vector<16xf32>
        %parallel_loop3A_772 = arith.constant 16 : i32
        %parallel_loop3A_773 = arith.muli %parallel_loop3A_772, %parallel_loop3A_85 : i32
        %parallel_loop3A_774 = arith.constant 32 : i32
        %parallel_loop3A_775 = arith.index_cast %parallel_loop3A_774 : i32 to index
        %parallel_loop3A_776 = arith.index_cast %parallel_loop3A_773 : i32 to index
        %parallel_loop3A_777 = tpu.vector_load %arg8[%parallel_loop3A_775, %parallel_loop3A_776] {strides = array<i32>} : memref<64x128xf32, #tpu.memory_space<vmem>>, vector<16xf32>,
        tpu.vector_store %arg8[%parallel_loop3A_775, %parallel_loop3A_776], %parallel_loop3A_771 {strides = array<i32>} : memref<64x128xf32, #tpu.memory_space<vmem>>, vector<16xf32>,
        %parallel_loop3A_778 = arith.addf %parallel_loop3A_763, %parallel_loop3A_766 : vector<16xf32>
        %parallel_loop3A_779 = arith.addf %parallel_loop3A_778, %parallel_loop3A_769 : vector<16xf32>
        %parallel_loop3A_780 = arith.constant 16 : i32
        %parallel_loop3A_781 = arith.muli %parallel_loop3A_780, %parallel_loop3A_85 : i32
        %parallel_loop3A_782 = arith.constant 33 : i32
        %parallel_loop3A_783 = arith.index_cast %parallel_loop3A_782 : i32 to index
        %parallel_loop3A_784 = arith.index_cast %parallel_loop3A_781 : i32 to index
        %parallel_loop3A_785 = tpu.vector_load %arg8[%parallel_loop3A_783, %parallel_loop3A_784] {strides = array<i32>} : memref<64x128xf32, #tpu.memory_space<vmem>>, vector<16xf32>,
        tpu.vector_store %arg8[%parallel_loop3A_783, %parallel_loop3A_784], %parallel_loop3A_779 {strides = array<i32>} : memref<64x128xf32, #tpu.memory_space<vmem>>, vector<16xf32>,
        %parallel_loop3A_786 = arith.constant 17 : i32
        %parallel_loop3A_787 = vector.broadcast %parallel_loop3A_786 : i32 to vector<16xi32>
        %parallel_loop3A_788 = arith.addi %parallel_loop3A_119, %parallel_loop3A_787 : vector<16xi32>
        %parallel_loop3A_789 = tpu.vector_load_idx %arg5[%parallel_loop3A_788] : memref<28743xi32, #tpu.memory_space<vmem>>[vector<16xi32>], vector<16xi32>,
        %parallel_loop3A_790 = arith.constant 17 : i32
        %parallel_loop3A_791 = vector.broadcast %parallel_loop3A_790 : i32 to vector<16xi32>
        %parallel_loop3A_792 = arith.addi %parallel_loop3A_143, %parallel_loop3A_791 : vector<16xi32>
        %parallel_loop3A_793 = tpu.vector_load_idx %arg5[%parallel_loop3A_792] : memref<28743xi32, #tpu.memory_space<vmem>>[vector<16xi32>], vector<16xi32>,
        %parallel_loop3A_794 = arith.constant 17 : i32
        %parallel_loop3A_795 = vector.broadcast %parallel_loop3A_794 : i32 to vector<16xi32>
        %parallel_loop3A_796 = arith.addi %parallel_loop3A_156, %parallel_loop3A_795 : vector<16xi32>
        %parallel_loop3A_797 = tpu.vector_load_idx %arg5[%parallel_loop3A_796] : memref<28743xi32, #tpu.memory_space<vmem>>[vector<16xi32>], vector<16xi32>,
        %parallel_loop3A_798 = vector.bitcast %parallel_loop3A_789 : vector<16xi32> to vector<32xbf16>
        %parallel_loop3A_799 = tpu.unpack_subelements %parallel_loop3A_798, 0 {pack_format = #tpu.pack_format<interleaved>} : vector<32xbf16> -> vector<16xf32>
        %parallel_loop3A_800 = tpu.unpack_subelements %parallel_loop3A_798, 1 {pack_format = #tpu.pack_format<interleaved>} : vector<32xbf16> -> vector<16xf32>
        %parallel_loop3A_801 = vector.bitcast %parallel_loop3A_793 : vector<16xi32> to vector<32xbf16>
        %parallel_loop3A_802 = tpu.unpack_subelements %parallel_loop3A_801, 0 {pack_format = #tpu.pack_format<interleaved>} : vector<32xbf16> -> vector<16xf32>
        %parallel_loop3A_803 = tpu.unpack_subelements %parallel_loop3A_801, 1 {pack_format = #tpu.pack_format<interleaved>} : vector<32xbf16> -> vector<16xf32>
        %parallel_loop3A_804 = vector.bitcast %parallel_loop3A_797 : vector<16xi32> to vector<32xbf16>
        %parallel_loop3A_805 = tpu.unpack_subelements %parallel_loop3A_804, 0 {pack_format = #tpu.pack_format<interleaved>} : vector<32xbf16> -> vector<16xf32>
        %parallel_loop3A_806 = tpu.unpack_subelements %parallel_loop3A_804, 1 {pack_format = #tpu.pack_format<interleaved>} : vector<32xbf16> -> vector<16xf32>
        %parallel_loop3A_807 = arith.addf %parallel_loop3A_799, %parallel_loop3A_802 : vector<16xf32>
        %parallel_loop3A_808 = arith.addf %parallel_loop3A_807, %parallel_loop3A_805 : vector<16xf32>
        %parallel_loop3A_809 = arith.constant 16 : i32
        %parallel_loop3A_810 = arith.muli %parallel_loop3A_809, %parallel_loop3A_85 : i32
        %parallel_loop3A_811 = arith.constant 34 : i32
        %parallel_loop3A_812 = arith.index_cast %parallel_loop3A_811 : i32 to index
        %parallel_loop3A_813 = arith.index_cast %parallel_loop3A_810 : i32 to index
        %parallel_loop3A_814 = tpu.vector_load %arg8[%parallel_loop3A_812, %parallel_loop3A_813] {strides = array<i32>} : memref<64x128xf32, #tpu.memory_space<vmem>>, vector<16xf32>,
        tpu.vector_store %arg8[%parallel_loop3A_812, %parallel_loop3A_813], %parallel_loop3A_808 {strides = array<i32>} : memref<64x128xf32, #tpu.memory_space<vmem>>, vector<16xf32>,
        %parallel_loop3A_815 = arith.addf %parallel_loop3A_800, %parallel_loop3A_803 : vector<16xf32>
        %parallel_loop3A_816 = arith.addf %parallel_loop3A_815, %parallel_loop3A_806 : vector<16xf32>
        %parallel_loop3A_817 = arith.constant 16 : i32
        %parallel_loop3A_818 = arith.muli %parallel_loop3A_817, %parallel_loop3A_85 : i32
        %parallel_loop3A_819 = arith.constant 35 : i32
        %parallel_loop3A_820 = arith.index_cast %parallel_loop3A_819 : i32 to index
        %parallel_loop3A_821 = arith.index_cast %parallel_loop3A_818 : i32 to index
        %parallel_loop3A_822 = tpu.vector_load %arg8[%parallel_loop3A_820, %parallel_loop3A_821] {strides = array<i32>} : memref<64x128xf32, #tpu.memory_space<vmem>>, vector<16xf32>,
        tpu.vector_store %arg8[%parallel_loop3A_820, %parallel_loop3A_821], %parallel_loop3A_816 {strides = array<i32>} : memref<64x128xf32, #tpu.memory_space<vmem>>, vector<16xf32>,
        %parallel_loop3A_823 = arith.constant 18 : i32
        %parallel_loop3A_824 = vector.broadcast %parallel_loop3A_823 : i32 to vector<16xi32>
        %parallel_loop3A_825 = arith.addi %parallel_loop3A_119, %parallel_loop3A_824 : vector<16xi32>
        %parallel_loop3A_826 = tpu.vector_load_idx %arg5[%parallel_loop3A_825] : memref<28743xi32, #tpu.memory_space<vmem>>[vector<16xi32>], vector<16xi32>,
        %parallel_loop3A_827 = arith.constant 18 : i32
        %parallel_loop3A_828 = vector.broadcast %parallel_loop3A_827 : i32 to vector<16xi32>
        %parallel_loop3A_829 = arith.addi %parallel_loop3A_143, %parallel_loop3A_828 : vector<16xi32>
        %parallel_loop3A_830 = tpu.vector_load_idx %arg5[%parallel_loop3A_829] : memref<28743xi32, #tpu.memory_space<vmem>>[vector<16xi32>], vector<16xi32>,
        %parallel_loop3A_831 = arith.constant 18 : i32
        %parallel_loop3A_832 = vector.broadcast %parallel_loop3A_831 : i32 to vector<16xi32>
        %parallel_loop3A_833 = arith.addi %parallel_loop3A_156, %parallel_loop3A_832 : vector<16xi32>
        %parallel_loop3A_834 = tpu.vector_load_idx %arg5[%parallel_loop3A_833] : memref<28743xi32, #tpu.memory_space<vmem>>[vector<16xi32>], vector<16xi32>,
        %parallel_loop3A_835 = vector.bitcast %parallel_loop3A_826 : vector<16xi32> to vector<32xbf16>
        %parallel_loop3A_836 = tpu.unpack_subelements %parallel_loop3A_835, 0 {pack_format = #tpu.pack_format<interleaved>} : vector<32xbf16> -> vector<16xf32>
        %parallel_loop3A_837 = tpu.unpack_subelements %parallel_loop3A_835, 1 {pack_format = #tpu.pack_format<interleaved>} : vector<32xbf16> -> vector<16xf32>
        %parallel_loop3A_838 = vector.bitcast %parallel_loop3A_830 : vector<16xi32> to vector<32xbf16>
        %parallel_loop3A_839 = tpu.unpack_subelements %parallel_loop3A_838, 0 {pack_format = #tpu.pack_format<interleaved>} : vector<32xbf16> -> vector<16xf32>
        %parallel_loop3A_840 = tpu.unpack_subelements %parallel_loop3A_838, 1 {pack_format = #tpu.pack_format<interleaved>} : vector<32xbf16> -> vector<16xf32>
        %parallel_loop3A_841 = vector.bitcast %parallel_loop3A_834 : vector<16xi32> to vector<32xbf16>
        %parallel_loop3A_842 = tpu.unpack_subelements %parallel_loop3A_841, 0 {pack_format = #tpu.pack_format<interleaved>} : vector<32xbf16> -> vector<16xf32>
        %parallel_loop3A_843 = tpu.unpack_subelements %parallel_loop3A_841, 1 {pack_format = #tpu.pack_format<interleaved>} : vector<32xbf16> -> vector<16xf32>
        %parallel_loop3A_844 = arith.addf %parallel_loop3A_836, %parallel_loop3A_839 : vector<16xf32>
        %parallel_loop3A_845 = arith.addf %parallel_loop3A_844, %parallel_loop3A_842 : vector<16xf32>
        %parallel_loop3A_846 = arith.constant 16 : i32
        %parallel_loop3A_847 = arith.muli %parallel_loop3A_846, %parallel_loop3A_85 : i32
        %parallel_loop3A_848 = arith.constant 36 : i32
        %parallel_loop3A_849 = arith.index_cast %parallel_loop3A_848 : i32 to index
        %parallel_loop3A_850 = arith.index_cast %parallel_loop3A_847 : i32 to index
        %parallel_loop3A_851 = tpu.vector_load %arg8[%parallel_loop3A_849, %parallel_loop3A_850] {strides = array<i32>} : memref<64x128xf32, #tpu.memory_space<vmem>>, vector<16xf32>,
        tpu.vector_store %arg8[%parallel_loop3A_849, %parallel_loop3A_850], %parallel_loop3A_845 {strides = array<i32>} : memref<64x128xf32, #tpu.memory_space<vmem>>, vector<16xf32>,
        %parallel_loop3A_852 = arith.addf %parallel_loop3A_837, %parallel_loop3A_840 : vector<16xf32>
        %parallel_loop3A_853 = arith.addf %parallel_loop3A_852, %parallel_loop3A_843 : vector<16xf32>
        %parallel_loop3A_854 = arith.constant 16 : i32
        %parallel_loop3A_855 = arith.muli %parallel_loop3A_854, %parallel_loop3A_85 : i32
        %parallel_loop3A_856 = arith.constant 37 : i32
        %parallel_loop3A_857 = arith.index_cast %parallel_loop3A_856 : i32 to index
        %parallel_loop3A_858 = arith.index_cast %parallel_loop3A_855 : i32 to index
        %parallel_loop3A_859 = tpu.vector_load %arg8[%parallel_loop3A_857, %parallel_loop3A_858] {strides = array<i32>} : memref<64x128xf32, #tpu.memory_space<vmem>>, vector<16xf32>,
        tpu.vector_store %arg8[%parallel_loop3A_857, %parallel_loop3A_858], %parallel_loop3A_853 {strides = array<i32>} : memref<64x128xf32, #tpu.memory_space<vmem>>, vector<16xf32>,
        %parallel_loop3A_860 = arith.constant 19 : i32
        %parallel_loop3A_861 = vector.broadcast %parallel_loop3A_860 : i32 to vector<16xi32>
        %parallel_loop3A_862 = arith.addi %parallel_loop3A_119, %parallel_loop3A_861 : vector<16xi32>
        %parallel_loop3A_863 = tpu.vector_load_idx %arg5[%parallel_loop3A_862] : memref<28743xi32, #tpu.memory_space<vmem>>[vector<16xi32>], vector<16xi32>,
        %parallel_loop3A_864 = arith.constant 19 : i32
        %parallel_loop3A_865 = vector.broadcast %parallel_loop3A_864 : i32 to vector<16xi32>
        %parallel_loop3A_866 = arith.addi %parallel_loop3A_143, %parallel_loop3A_865 : vector<16xi32>
        %parallel_loop3A_867 = tpu.vector_load_idx %arg5[%parallel_loop3A_866] : memref<28743xi32, #tpu.memory_space<vmem>>[vector<16xi32>], vector<16xi32>,
        %parallel_loop3A_868 = arith.constant 19 : i32
        %parallel_loop3A_869 = vector.broadcast %parallel_loop3A_868 : i32 to vector<16xi32>
        %parallel_loop3A_870 = arith.addi %parallel_loop3A_156, %parallel_loop3A_869 : vector<16xi32>
        %parallel_loop3A_871 = tpu.vector_load_idx %arg5[%parallel_loop3A_870] : memref<28743xi32, #tpu.memory_space<vmem>>[vector<16xi32>], vector<16xi32>,
        %parallel_loop3A_872 = vector.bitcast %parallel_loop3A_863 : vector<16xi32> to vector<32xbf16>
        %parallel_loop3A_873 = tpu.unpack_subelements %parallel_loop3A_872, 0 {pack_format = #tpu.pack_format<interleaved>} : vector<32xbf16> -> vector<16xf32>
        %parallel_loop3A_874 = tpu.unpack_subelements %parallel_loop3A_872, 1 {pack_format = #tpu.pack_format<interleaved>} : vector<32xbf16> -> vector<16xf32>
        %parallel_loop3A_875 = vector.bitcast %parallel_loop3A_867 : vector<16xi32> to vector<32xbf16>
        %parallel_loop3A_876 = tpu.unpack_subelements %parallel_loop3A_875, 0 {pack_format = #tpu.pack_format<interleaved>} : vector<32xbf16> -> vector<16xf32>
        %parallel_loop3A_877 = tpu.unpack_subelements %parallel_loop3A_875, 1 {pack_format = #tpu.pack_format<interleaved>} : vector<32xbf16> -> vector<16xf32>
        %parallel_loop3A_878 = vector.bitcast %parallel_loop3A_871 : vector<16xi32> to vector<32xbf16>
        %parallel_loop3A_879 = tpu.unpack_subelements %parallel_loop3A_878, 0 {pack_format = #tpu.pack_format<interleaved>} : vector<32xbf16> -> vector<16xf32>
        %parallel_loop3A_880 = tpu.unpack_subelements %parallel_loop3A_878, 1 {pack_format = #tpu.pack_format<interleaved>} : vector<32xbf16> -> vector<16xf32>
        %parallel_loop3A_881 = arith.addf %parallel_loop3A_873, %parallel_loop3A_876 : vector<16xf32>
        %parallel_loop3A_882 = arith.addf %parallel_loop3A_881, %parallel_loop3A_879 : vector<16xf32>
        %parallel_loop3A_883 = arith.constant 16 : i32
        %parallel_loop3A_884 = arith.muli %parallel_loop3A_883, %parallel_loop3A_85 : i32
        %parallel_loop3A_885 = arith.constant 38 : i32
        %parallel_loop3A_886 = arith.index_cast %parallel_loop3A_885 : i32 to index
        %parallel_loop3A_887 = arith.index_cast %parallel_loop3A_884 : i32 to index
        %parallel_loop3A_888 = tpu.vector_load %arg8[%parallel_loop3A_886, %parallel_loop3A_887] {strides = array<i32>} : memref<64x128xf32, #tpu.memory_space<vmem>>, vector<16xf32>,
        tpu.vector_store %arg8[%parallel_loop3A_886, %parallel_loop3A_887], %parallel_loop3A_882 {strides = array<i32>} : memref<64x128xf32, #tpu.memory_space<vmem>>, vector<16xf32>,
        %parallel_loop3A_889 = arith.addf %parallel_loop3A_874, %parallel_loop3A_877 : vector<16xf32>
        %parallel_loop3A_890 = arith.addf %parallel_loop3A_889, %parallel_loop3A_880 : vector<16xf32>
        %parallel_loop3A_891 = arith.constant 16 : i32
        %parallel_loop3A_892 = arith.muli %parallel_loop3A_891, %parallel_loop3A_85 : i32
        %parallel_loop3A_893 = arith.constant 39 : i32
        %parallel_loop3A_894 = arith.index_cast %parallel_loop3A_893 : i32 to index
        %parallel_loop3A_895 = arith.index_cast %parallel_loop3A_892 : i32 to index
        %parallel_loop3A_896 = tpu.vector_load %arg8[%parallel_loop3A_894, %parallel_loop3A_895] {strides = array<i32>} : memref<64x128xf32, #tpu.memory_space<vmem>>, vector<16xf32>,
        tpu.vector_store %arg8[%parallel_loop3A_894, %parallel_loop3A_895], %parallel_loop3A_890 {strides = array<i32>} : memref<64x128xf32, #tpu.memory_space<vmem>>, vector<16xf32>,
        %parallel_loop3A_897 = arith.constant 20 : i32
        %parallel_loop3A_898 = vector.broadcast %parallel_loop3A_897 : i32 to vector<16xi32>
        %parallel_loop3A_899 = arith.addi %parallel_loop3A_119, %parallel_loop3A_898 : vector<16xi32>
        %parallel_loop3A_900 = tpu.vector_load_idx %arg5[%parallel_loop3A_899] : memref<28743xi32, #tpu.memory_space<vmem>>[vector<16xi32>], vector<16xi32>,
        %parallel_loop3A_901 = arith.constant 20 : i32
        %parallel_loop3A_902 = vector.broadcast %parallel_loop3A_901 : i32 to vector<16xi32>
        %parallel_loop3A_903 = arith.addi %parallel_loop3A_143, %parallel_loop3A_902 : vector<16xi32>
        %parallel_loop3A_904 = tpu.vector_load_idx %arg5[%parallel_loop3A_903] : memref<28743xi32, #tpu.memory_space<vmem>>[vector<16xi32>], vector<16xi32>,
        %parallel_loop3A_905 = arith.constant 20 : i32
        %parallel_loop3A_906 = vector.broadcast %parallel_loop3A_905 : i32 to vector<16xi32>
        %parallel_loop3A_907 = arith.addi %parallel_loop3A_156, %parallel_loop3A_906 : vector<16xi32>
        %parallel_loop3A_908 = tpu.vector_load_idx %arg5[%parallel_loop3A_907] : memref<28743xi32, #tpu.memory_space<vmem>>[vector<16xi32>], vector<16xi32>,
        %parallel_loop3A_909 = vector.bitcast %parallel_loop3A_900 : vector<16xi32> to vector<32xbf16>
        %parallel_loop3A_910 = tpu.unpack_subelements %parallel_loop3A_909, 0 {pack_format = #tpu.pack_format<interleaved>} : vector<32xbf16> -> vector<16xf32>
        %parallel_loop3A_911 = tpu.unpack_subelements %parallel_loop3A_909, 1 {pack_format = #tpu.pack_format<interleaved>} : vector<32xbf16> -> vector<16xf32>
        %parallel_loop3A_912 = vector.bitcast %parallel_loop3A_904 : vector<16xi32> to vector<32xbf16>
        %parallel_loop3A_913 = tpu.unpack_subelements %parallel_loop3A_912, 0 {pack_format = #tpu.pack_format<interleaved>} : vector<32xbf16> -> vector<16xf32>
        %parallel_loop3A_914 = tpu.unpack_subelements %parallel_loop3A_912, 1 {pack_format = #tpu.pack_format<interleaved>} : vector<32xbf16> -> vector<16xf32>
        %parallel_loop3A_915 = vector.bitcast %parallel_loop3A_908 : vector<16xi32> to vector<32xbf16>
        %parallel_loop3A_916 = tpu.unpack_subelements %parallel_loop3A_915, 0 {pack_format = #tpu.pack_format<interleaved>} : vector<32xbf16> -> vector<16xf32>
        %parallel_loop3A_917 = tpu.unpack_subelements %parallel_loop3A_915, 1 {pack_format = #tpu.pack_format<interleaved>} : vector<32xbf16> -> vector<16xf32>
        %parallel_loop3A_918 = arith.addf %parallel_loop3A_910, %parallel_loop3A_913 : vector<16xf32>
        %parallel_loop3A_919 = arith.addf %parallel_loop3A_918, %parallel_loop3A_916 : vector<16xf32>
        %parallel_loop3A_920 = arith.constant 16 : i32
        %parallel_loop3A_921 = arith.muli %parallel_loop3A_920, %parallel_loop3A_85 : i32
        %parallel_loop3A_922 = arith.constant 40 : i32
        %parallel_loop3A_923 = arith.index_cast %parallel_loop3A_922 : i32 to index
        %parallel_loop3A_924 = arith.index_cast %parallel_loop3A_921 : i32 to index
        %parallel_loop3A_925 = tpu.vector_load %arg8[%parallel_loop3A_923, %parallel_loop3A_924] {strides = array<i32>} : memref<64x128xf32, #tpu.memory_space<vmem>>, vector<16xf32>,
        tpu.vector_store %arg8[%parallel_loop3A_923, %parallel_loop3A_924], %parallel_loop3A_919 {strides = array<i32>} : memref<64x128xf32, #tpu.memory_space<vmem>>, vector<16xf32>,
        %parallel_loop3A_926 = arith.addf %parallel_loop3A_911, %parallel_loop3A_914 : vector<16xf32>
        %parallel_loop3A_927 = arith.addf %parallel_loop3A_926, %parallel_loop3A_917 : vector<16xf32>
        %parallel_loop3A_928 = arith.constant 16 : i32
        %parallel_loop3A_929 = arith.muli %parallel_loop3A_928, %parallel_loop3A_85 : i32
        %parallel_loop3A_930 = arith.constant 41 : i32
        %parallel_loop3A_931 = arith.index_cast %parallel_loop3A_930 : i32 to index
        %parallel_loop3A_932 = arith.index_cast %parallel_loop3A_929 : i32 to index
        %parallel_loop3A_933 = tpu.vector_load %arg8[%parallel_loop3A_931, %parallel_loop3A_932] {strides = array<i32>} : memref<64x128xf32, #tpu.memory_space<vmem>>, vector<16xf32>,
        tpu.vector_store %arg8[%parallel_loop3A_931, %parallel_loop3A_932], %parallel_loop3A_927 {strides = array<i32>} : memref<64x128xf32, #tpu.memory_space<vmem>>, vector<16xf32>,
        %parallel_loop3A_934 = arith.constant 21 : i32
        %parallel_loop3A_935 = vector.broadcast %parallel_loop3A_934 : i32 to vector<16xi32>
        %parallel_loop3A_936 = arith.addi %parallel_loop3A_119, %parallel_loop3A_935 : vector<16xi32>
        %parallel_loop3A_937 = tpu.vector_load_idx %arg5[%parallel_loop3A_936] : memref<28743xi32, #tpu.memory_space<vmem>>[vector<16xi32>], vector<16xi32>,
        %parallel_loop3A_938 = arith.constant 21 : i32
        %parallel_loop3A_939 = vector.broadcast %parallel_loop3A_938 : i32 to vector<16xi32>
        %parallel_loop3A_940 = arith.addi %parallel_loop3A_143, %parallel_loop3A_939 : vector<16xi32>
        %parallel_loop3A_941 = tpu.vector_load_idx %arg5[%parallel_loop3A_940] : memref<28743xi32, #tpu.memory_space<vmem>>[vector<16xi32>], vector<16xi32>,
        %parallel_loop3A_942 = arith.constant 21 : i32
        %parallel_loop3A_943 = vector.broadcast %parallel_loop3A_942 : i32 to vector<16xi32>
        %parallel_loop3A_944 = arith.addi %parallel_loop3A_156, %parallel_loop3A_943 : vector<16xi32>
        %parallel_loop3A_945 = tpu.vector_load_idx %arg5[%parallel_loop3A_944] : memref<28743xi32, #tpu.memory_space<vmem>>[vector<16xi32>], vector<16xi32>,
        %parallel_loop3A_946 = vector.bitcast %parallel_loop3A_937 : vector<16xi32> to vector<32xbf16>
        %parallel_loop3A_947 = tpu.unpack_subelements %parallel_loop3A_946, 0 {pack_format = #tpu.pack_format<interleaved>} : vector<32xbf16> -> vector<16xf32>
        %parallel_loop3A_948 = tpu.unpack_subelements %parallel_loop3A_946, 1 {pack_format = #tpu.pack_format<interleaved>} : vector<32xbf16> -> vector<16xf32>
        %parallel_loop3A_949 = vector.bitcast %parallel_loop3A_941 : vector<16xi32> to vector<32xbf16>
        %parallel_loop3A_950 = tpu.unpack_subelements %parallel_loop3A_949, 0 {pack_format = #tpu.pack_format<interleaved>} : vector<32xbf16> -> vector<16xf32>
        %parallel_loop3A_951 = tpu.unpack_subelements %parallel_loop3A_949, 1 {pack_format = #tpu.pack_format<interleaved>} : vector<32xbf16> -> vector<16xf32>
        %parallel_loop3A_952 = vector.bitcast %parallel_loop3A_945 : vector<16xi32> to vector<32xbf16>
        %parallel_loop3A_953 = tpu.unpack_subelements %parallel_loop3A_952, 0 {pack_format = #tpu.pack_format<interleaved>} : vector<32xbf16> -> vector<16xf32>
        %parallel_loop3A_954 = tpu.unpack_subelements %parallel_loop3A_952, 1 {pack_format = #tpu.pack_format<interleaved>} : vector<32xbf16> -> vector<16xf32>
        %parallel_loop3A_955 = arith.addf %parallel_loop3A_947, %parallel_loop3A_950 : vector<16xf32>
        %parallel_loop3A_956 = arith.addf %parallel_loop3A_955, %parallel_loop3A_953 : vector<16xf32>
        %parallel_loop3A_957 = arith.constant 16 : i32
        %parallel_loop3A_958 = arith.muli %parallel_loop3A_957, %parallel_loop3A_85 : i32
        %parallel_loop3A_959 = arith.constant 42 : i32
        %parallel_loop3A_960 = arith.index_cast %parallel_loop3A_959 : i32 to index
        %parallel_loop3A_961 = arith.index_cast %parallel_loop3A_958 : i32 to index
        %parallel_loop3A_962 = tpu.vector_load %arg8[%parallel_loop3A_960, %parallel_loop3A_961] {strides = array<i32>} : memref<64x128xf32, #tpu.memory_space<vmem>>, vector<16xf32>,
        tpu.vector_store %arg8[%parallel_loop3A_960, %parallel_loop3A_961], %parallel_loop3A_956 {strides = array<i32>} : memref<64x128xf32, #tpu.memory_space<vmem>>, vector<16xf32>,
        %parallel_loop3A_963 = arith.addf %parallel_loop3A_948, %parallel_loop3A_951 : vector<16xf32>
        %parallel_loop3A_964 = arith.addf %parallel_loop3A_963, %parallel_loop3A_954 : vector<16xf32>
        %parallel_loop3A_965 = arith.constant 16 : i32
        %parallel_loop3A_966 = arith.muli %parallel_loop3A_965, %parallel_loop3A_85 : i32
        %parallel_loop3A_967 = arith.constant 43 : i32
        %parallel_loop3A_968 = arith.index_cast %parallel_loop3A_967 : i32 to index
        %parallel_loop3A_969 = arith.index_cast %parallel_loop3A_966 : i32 to index
        %parallel_loop3A_970 = tpu.vector_load %arg8[%parallel_loop3A_968, %parallel_loop3A_969] {strides = array<i32>} : memref<64x128xf32, #tpu.memory_space<vmem>>, vector<16xf32>,
        tpu.vector_store %arg8[%parallel_loop3A_968, %parallel_loop3A_969], %parallel_loop3A_964 {strides = array<i32>} : memref<64x128xf32, #tpu.memory_space<vmem>>, vector<16xf32>,
        %parallel_loop3A_971 = arith.constant 22 : i32
        %parallel_loop3A_972 = vector.broadcast %parallel_loop3A_971 : i32 to vector<16xi32>
        %parallel_loop3A_973 = arith.addi %parallel_loop3A_119, %parallel_loop3A_972 : vector<16xi32>
        %parallel_loop3A_974 = tpu.vector_load_idx %arg5[%parallel_loop3A_973] : memref<28743xi32, #tpu.memory_space<vmem>>[vector<16xi32>], vector<16xi32>,
        %parallel_loop3A_975 = arith.constant 22 : i32
        %parallel_loop3A_976 = vector.broadcast %parallel_loop3A_975 : i32 to vector<16xi32>
        %parallel_loop3A_977 = arith.addi %parallel_loop3A_143, %parallel_loop3A_976 : vector<16xi32>
        %parallel_loop3A_978 = tpu.vector_load_idx %arg5[%parallel_loop3A_977] : memref<28743xi32, #tpu.memory_space<vmem>>[vector<16xi32>], vector<16xi32>,
        %parallel_loop3A_979 = arith.constant 22 : i32
        %parallel_loop3A_980 = vector.broadcast %parallel_loop3A_979 : i32 to vector<16xi32>
        %parallel_loop3A_981 = arith.addi %parallel_loop3A_156, %parallel_loop3A_980 : vector<16xi32>
        %parallel_loop3A_982 = tpu.vector_load_idx %arg5[%parallel_loop3A_981] : memref<28743xi32, #tpu.memory_space<vmem>>[vector<16xi32>], vector<16xi32>,
        %parallel_loop3A_983 = vector.bitcast %parallel_loop3A_974 : vector<16xi32> to vector<32xbf16>
        %parallel_loop3A_984 = tpu.unpack_subelements %parallel_loop3A_983, 0 {pack_format = #tpu.pack_format<interleaved>} : vector<32xbf16> -> vector<16xf32>
        %parallel_loop3A_985 = tpu.unpack_subelements %parallel_loop3A_983, 1 {pack_format = #tpu.pack_format<interleaved>} : vector<32xbf16> -> vector<16xf32>
        %parallel_loop3A_986 = vector.bitcast %parallel_loop3A_978 : vector<16xi32> to vector<32xbf16>
        %parallel_loop3A_987 = tpu.unpack_subelements %parallel_loop3A_986, 0 {pack_format = #tpu.pack_format<interleaved>} : vector<32xbf16> -> vector<16xf32>
        %parallel_loop3A_988 = tpu.unpack_subelements %parallel_loop3A_986, 1 {pack_format = #tpu.pack_format<interleaved>} : vector<32xbf16> -> vector<16xf32>
        %parallel_loop3A_989 = vector.bitcast %parallel_loop3A_982 : vector<16xi32> to vector<32xbf16>
        %parallel_loop3A_990 = tpu.unpack_subelements %parallel_loop3A_989, 0 {pack_format = #tpu.pack_format<interleaved>} : vector<32xbf16> -> vector<16xf32>
        %parallel_loop3A_991 = tpu.unpack_subelements %parallel_loop3A_989, 1 {pack_format = #tpu.pack_format<interleaved>} : vector<32xbf16> -> vector<16xf32>
        %parallel_loop3A_992 = arith.addf %parallel_loop3A_984, %parallel_loop3A_987 : vector<16xf32>
        %parallel_loop3A_993 = arith.addf %parallel_loop3A_992, %parallel_loop3A_990 : vector<16xf32>
        %parallel_loop3A_994 = arith.constant 16 : i32
        %parallel_loop3A_995 = arith.muli %parallel_loop3A_994, %parallel_loop3A_85 : i32
        %parallel_loop3A_996 = arith.constant 44 : i32
        %parallel_loop3A_997 = arith.index_cast %parallel_loop3A_996 : i32 to index
        %parallel_loop3A_998 = arith.index_cast %parallel_loop3A_995 : i32 to index
        %parallel_loop3A_999 = tpu.vector_load %arg8[%parallel_loop3A_997, %parallel_loop3A_998] {strides = array<i32>} : memref<64x128xf32, #tpu.memory_space<vmem>>, vector<16xf32>,
        tpu.vector_store %arg8[%parallel_loop3A_997, %parallel_loop3A_998], %parallel_loop3A_993 {strides = array<i32>} : memref<64x128xf32, #tpu.memory_space<vmem>>, vector<16xf32>,
        %parallel_loop3A_1000 = arith.addf %parallel_loop3A_985, %parallel_loop3A_988 : vector<16xf32>
        %parallel_loop3A_1001 = arith.addf %parallel_loop3A_1000, %parallel_loop3A_991 : vector<16xf32>
        %parallel_loop3A_1002 = arith.constant 16 : i32
        %parallel_loop3A_1003 = arith.muli %parallel_loop3A_1002, %parallel_loop3A_85 : i32
        %parallel_loop3A_1004 = arith.constant 45 : i32
        %parallel_loop3A_1005 = arith.index_cast %parallel_loop3A_1004 : i32 to index
        %parallel_loop3A_1006 = arith.index_cast %parallel_loop3A_1003 : i32 to index
        %parallel_loop3A_1007 = tpu.vector_load %arg8[%parallel_loop3A_1005, %parallel_loop3A_1006] {strides = array<i32>} : memref<64x128xf32, #tpu.memory_space<vmem>>, vector<16xf32>,
        tpu.vector_store %arg8[%parallel_loop3A_1005, %parallel_loop3A_1006], %parallel_loop3A_1001 {strides = array<i32>} : memref<64x128xf32, #tpu.memory_space<vmem>>, vector<16xf32>,
        %parallel_loop3A_1008 = arith.constant 23 : i32
        %parallel_loop3A_1009 = vector.broadcast %parallel_loop3A_1008 : i32 to vector<16xi32>
        %parallel_loop3A_1010 = arith.addi %parallel_loop3A_119, %parallel_loop3A_1009 : vector<16xi32>
        %parallel_loop3A_1011 = tpu.vector_load_idx %arg5[%parallel_loop3A_1010] : memref<28743xi32, #tpu.memory_space<vmem>>[vector<16xi32>], vector<16xi32>,
        %parallel_loop3A_1012 = arith.constant 23 : i32
        %parallel_loop3A_1013 = vector.broadcast %parallel_loop3A_1012 : i32 to vector<16xi32>
        %parallel_loop3A_1014 = arith.addi %parallel_loop3A_143, %parallel_loop3A_1013 : vector<16xi32>
        %parallel_loop3A_1015 = tpu.vector_load_idx %arg5[%parallel_loop3A_1014] : memref<28743xi32, #tpu.memory_space<vmem>>[vector<16xi32>], vector<16xi32>,
        %parallel_loop3A_1016 = arith.constant 23 : i32
        %parallel_loop3A_1017 = vector.broadcast %parallel_loop3A_1016 : i32 to vector<16xi32>
        %parallel_loop3A_1018 = arith.addi %parallel_loop3A_156, %parallel_loop3A_1017 : vector<16xi32>
        %parallel_loop3A_1019 = tpu.vector_load_idx %arg5[%parallel_loop3A_1018] : memref<28743xi32, #tpu.memory_space<vmem>>[vector<16xi32>], vector<16xi32>,
        %parallel_loop3A_1020 = vector.bitcast %parallel_loop3A_1011 : vector<16xi32> to vector<32xbf16>
        %parallel_loop3A_1021 = tpu.unpack_subelements %parallel_loop3A_1020, 0 {pack_format = #tpu.pack_format<interleaved>} : vector<32xbf16> -> vector<16xf32>
        %parallel_loop3A_1022 = tpu.unpack_subelements %parallel_loop3A_1020, 1 {pack_format = #tpu.pack_format<interleaved>} : vector<32xbf16> -> vector<16xf32>
        %parallel_loop3A_1023 = vector.bitcast %parallel_loop3A_1015 : vector<16xi32> to vector<32xbf16>
        %parallel_loop3A_1024 = tpu.unpack_subelements %parallel_loop3A_1023, 0 {pack_format = #tpu.pack_format<interleaved>} : vector<32xbf16> -> vector<16xf32>
        %parallel_loop3A_1025 = tpu.unpack_subelements %parallel_loop3A_1023, 1 {pack_format = #tpu.pack_format<interleaved>} : vector<32xbf16> -> vector<16xf32>
        %parallel_loop3A_1026 = vector.bitcast %parallel_loop3A_1019 : vector<16xi32> to vector<32xbf16>
        %parallel_loop3A_1027 = tpu.unpack_subelements %parallel_loop3A_1026, 0 {pack_format = #tpu.pack_format<interleaved>} : vector<32xbf16> -> vector<16xf32>
        %parallel_loop3A_1028 = tpu.unpack_subelements %parallel_loop3A_1026, 1 {pack_format = #tpu.pack_format<interleaved>} : vector<32xbf16> -> vector<16xf32>
        %parallel_loop3A_1029 = arith.addf %parallel_loop3A_1021, %parallel_loop3A_1024 : vector<16xf32>
        %parallel_loop3A_1030 = arith.addf %parallel_loop3A_1029, %parallel_loop3A_1027 : vector<16xf32>
        %parallel_loop3A_1031 = arith.constant 16 : i32
        %parallel_loop3A_1032 = arith.muli %parallel_loop3A_1031, %parallel_loop3A_85 : i32
        %parallel_loop3A_1033 = arith.constant 46 : i32
        %parallel_loop3A_1034 = arith.index_cast %parallel_loop3A_1033 : i32 to index
        %parallel_loop3A_1035 = arith.index_cast %parallel_loop3A_1032 : i32 to index
        %parallel_loop3A_1036 = tpu.vector_load %arg8[%parallel_loop3A_1034, %parallel_loop3A_1035] {strides = array<i32>} : memref<64x128xf32, #tpu.memory_space<vmem>>, vector<16xf32>,
        tpu.vector_store %arg8[%parallel_loop3A_1034, %parallel_loop3A_1035], %parallel_loop3A_1030 {strides = array<i32>} : memref<64x128xf32, #tpu.memory_space<vmem>>, vector<16xf32>,
        %parallel_loop3A_1037 = arith.addf %parallel_loop3A_1022, %parallel_loop3A_1025 : vector<16xf32>
        %parallel_loop3A_1038 = arith.addf %parallel_loop3A_1037, %parallel_loop3A_1028 : vector<16xf32>
        %parallel_loop3A_1039 = arith.constant 16 : i32
        %parallel_loop3A_1040 = arith.muli %parallel_loop3A_1039, %parallel_loop3A_85 : i32
        %parallel_loop3A_1041 = arith.constant 47 : i32
        %parallel_loop3A_1042 = arith.index_cast %parallel_loop3A_1041 : i32 to index
        %parallel_loop3A_1043 = arith.index_cast %parallel_loop3A_1040 : i32 to index
        %parallel_loop3A_1044 = tpu.vector_load %arg8[%parallel_loop3A_1042, %parallel_loop3A_1043] {strides = array<i32>} : memref<64x128xf32, #tpu.memory_space<vmem>>, vector<16xf32>,
        tpu.vector_store %arg8[%parallel_loop3A_1042, %parallel_loop3A_1043], %parallel_loop3A_1038 {strides = array<i32>} : memref<64x128xf32, #tpu.memory_space<vmem>>, vector<16xf32>,
        %parallel_loop3A_1045 = arith.constant 24 : i32
        %parallel_loop3A_1046 = vector.broadcast %parallel_loop3A_1045 : i32 to vector<16xi32>
        %parallel_loop3A_1047 = arith.addi %parallel_loop3A_119, %parallel_loop3A_1046 : vector<16xi32>
        %parallel_loop3A_1048 = tpu.vector_load_idx %arg5[%parallel_loop3A_1047] : memref<28743xi32, #tpu.memory_space<vmem>>[vector<16xi32>], vector<16xi32>,
        %parallel_loop3A_1049 = arith.constant 24 : i32
        %parallel_loop3A_1050 = vector.broadcast %parallel_loop3A_1049 : i32 to vector<16xi32>
        %parallel_loop3A_1051 = arith.addi %parallel_loop3A_143, %parallel_loop3A_1050 : vector<16xi32>
        %parallel_loop3A_1052 = tpu.vector_load_idx %arg5[%parallel_loop3A_1051] : memref<28743xi32, #tpu.memory_space<vmem>>[vector<16xi32>], vector<16xi32>,
        %parallel_loop3A_1053 = arith.constant 24 : i32
        %parallel_loop3A_1054 = vector.broadcast %parallel_loop3A_1053 : i32 to vector<16xi32>
        %parallel_loop3A_1055 = arith.addi %parallel_loop3A_156, %parallel_loop3A_1054 : vector<16xi32>
        %parallel_loop3A_1056 = tpu.vector_load_idx %arg5[%parallel_loop3A_1055] : memref<28743xi32, #tpu.memory_space<vmem>>[vector<16xi32>], vector<16xi32>,
        %parallel_loop3A_1057 = vector.bitcast %parallel_loop3A_1048 : vector<16xi32> to vector<32xbf16>
        %parallel_loop3A_1058 = tpu.unpack_subelements %parallel_loop3A_1057, 0 {pack_format = #tpu.pack_format<interleaved>} : vector<32xbf16> -> vector<16xf32>
        %parallel_loop3A_1059 = tpu.unpack_subelements %parallel_loop3A_1057, 1 {pack_format = #tpu.pack_format<interleaved>} : vector<32xbf16> -> vector<16xf32>
        %parallel_loop3A_1060 = vector.bitcast %parallel_loop3A_1052 : vector<16xi32> to vector<32xbf16>
        %parallel_loop3A_1061 = tpu.unpack_subelements %parallel_loop3A_1060, 0 {pack_format = #tpu.pack_format<interleaved>} : vector<32xbf16> -> vector<16xf32>
        %parallel_loop3A_1062 = tpu.unpack_subelements %parallel_loop3A_1060, 1 {pack_format = #tpu.pack_format<interleaved>} : vector<32xbf16> -> vector<16xf32>
        %parallel_loop3A_1063 = vector.bitcast %parallel_loop3A_1056 : vector<16xi32> to vector<32xbf16>
        %parallel_loop3A_1064 = tpu.unpack_subelements %parallel_loop3A_1063, 0 {pack_format = #tpu.pack_format<interleaved>} : vector<32xbf16> -> vector<16xf32>
        %parallel_loop3A_1065 = tpu.unpack_subelements %parallel_loop3A_1063, 1 {pack_format = #tpu.pack_format<interleaved>} : vector<32xbf16> -> vector<16xf32>
        %parallel_loop3A_1066 = arith.addf %parallel_loop3A_1058, %parallel_loop3A_1061 : vector<16xf32>
        %parallel_loop3A_1067 = arith.addf %parallel_loop3A_1066, %parallel_loop3A_1064 : vector<16xf32>
        %parallel_loop3A_1068 = arith.constant 16 : i32
        %parallel_loop3A_1069 = arith.muli %parallel_loop3A_1068, %parallel_loop3A_85 : i32
        %parallel_loop3A_1070 = arith.constant 48 : i32
        %parallel_loop3A_1071 = arith.index_cast %parallel_loop3A_1070 : i32 to index
        %parallel_loop3A_1072 = arith.index_cast %parallel_loop3A_1069 : i32 to index
        %parallel_loop3A_1073 = tpu.vector_load %arg8[%parallel_loop3A_1071, %parallel_loop3A_1072] {strides = array<i32>} : memref<64x128xf32, #tpu.memory_space<vmem>>, vector<16xf32>,
        tpu.vector_store %arg8[%parallel_loop3A_1071, %parallel_loop3A_1072], %parallel_loop3A_1067 {strides = array<i32>} : memref<64x128xf32, #tpu.memory_space<vmem>>, vector<16xf32>,
        %parallel_loop3A_1074 = arith.addf %parallel_loop3A_1059, %parallel_loop3A_1062 : vector<16xf32>
        %parallel_loop3A_1075 = arith.addf %parallel_loop3A_1074, %parallel_loop3A_1065 : vector<16xf32>
        %parallel_loop3A_1076 = arith.constant 16 : i32
        %parallel_loop3A_1077 = arith.muli %parallel_loop3A_1076, %parallel_loop3A_85 : i32
        %parallel_loop3A_1078 = arith.constant 49 : i32
        %parallel_loop3A_1079 = arith.index_cast %parallel_loop3A_1078 : i32 to index
        %parallel_loop3A_1080 = arith.index_cast %parallel_loop3A_1077 : i32 to index
        %parallel_loop3A_1081 = tpu.vector_load %arg8[%parallel_loop3A_1079, %parallel_loop3A_1080] {strides = array<i32>} : memref<64x128xf32, #tpu.memory_space<vmem>>, vector<16xf32>,
        tpu.vector_store %arg8[%parallel_loop3A_1079, %parallel_loop3A_1080], %parallel_loop3A_1075 {strides = array<i32>} : memref<64x128xf32, #tpu.memory_space<vmem>>, vector<16xf32>,
        %parallel_loop3A_1082 = arith.constant 25 : i32
        %parallel_loop3A_1083 = vector.broadcast %parallel_loop3A_1082 : i32 to vector<16xi32>
        %parallel_loop3A_1084 = arith.addi %parallel_loop3A_119, %parallel_loop3A_1083 : vector<16xi32>
        %parallel_loop3A_1085 = tpu.vector_load_idx %arg5[%parallel_loop3A_1084] : memref<28743xi32, #tpu.memory_space<vmem>>[vector<16xi32>], vector<16xi32>,
        %parallel_loop3A_1086 = arith.constant 25 : i32
        %parallel_loop3A_1087 = vector.broadcast %parallel_loop3A_1086 : i32 to vector<16xi32>
        %parallel_loop3A_1088 = arith.addi %parallel_loop3A_143, %parallel_loop3A_1087 : vector<16xi32>
        %parallel_loop3A_1089 = tpu.vector_load_idx %arg5[%parallel_loop3A_1088] : memref<28743xi32, #tpu.memory_space<vmem>>[vector<16xi32>], vector<16xi32>,
        %parallel_loop3A_1090 = arith.constant 25 : i32
        %parallel_loop3A_1091 = vector.broadcast %parallel_loop3A_1090 : i32 to vector<16xi32>
        %parallel_loop3A_1092 = arith.addi %parallel_loop3A_156, %parallel_loop3A_1091 : vector<16xi32>
        %parallel_loop3A_1093 = tpu.vector_load_idx %arg5[%parallel_loop3A_1092] : memref<28743xi32, #tpu.memory_space<vmem>>[vector<16xi32>], vector<16xi32>,
        %parallel_loop3A_1094 = vector.bitcast %parallel_loop3A_1085 : vector<16xi32> to vector<32xbf16>
        %parallel_loop3A_1095 = tpu.unpack_subelements %parallel_loop3A_1094, 0 {pack_format = #tpu.pack_format<interleaved>} : vector<32xbf16> -> vector<16xf32>
        %parallel_loop3A_1096 = tpu.unpack_subelements %parallel_loop3A_1094, 1 {pack_format = #tpu.pack_format<interleaved>} : vector<32xbf16> -> vector<16xf32>
        %parallel_loop3A_1097 = vector.bitcast %parallel_loop3A_1089 : vector<16xi32> to vector<32xbf16>
        %parallel_loop3A_1098 = tpu.unpack_subelements %parallel_loop3A_1097, 0 {pack_format = #tpu.pack_format<interleaved>} : vector<32xbf16> -> vector<16xf32>
        %parallel_loop3A_1099 = tpu.unpack_subelements %parallel_loop3A_1097, 1 {pack_format = #tpu.pack_format<interleaved>} : vector<32xbf16> -> vector<16xf32>
        %parallel_loop3A_1100 = vector.bitcast %parallel_loop3A_1093 : vector<16xi32> to vector<32xbf16>
        %parallel_loop3A_1101 = tpu.unpack_subelements %parallel_loop3A_1100, 0 {pack_format = #tpu.pack_format<interleaved>} : vector<32xbf16> -> vector<16xf32>
        %parallel_loop3A_1102 = tpu.unpack_subelements %parallel_loop3A_1100, 1 {pack_format = #tpu.pack_format<interleaved>} : vector<32xbf16> -> vector<16xf32>
        %parallel_loop3A_1103 = arith.addf %parallel_loop3A_1095, %parallel_loop3A_1098 : vector<16xf32>
        %parallel_loop3A_1104 = arith.addf %parallel_loop3A_1103, %parallel_loop3A_1101 : vector<16xf32>
        %parallel_loop3A_1105 = arith.constant 16 : i32
        %parallel_loop3A_1106 = arith.muli %parallel_loop3A_1105, %parallel_loop3A_85 : i32
        %parallel_loop3A_1107 = arith.constant 50 : i32
        %parallel_loop3A_1108 = arith.index_cast %parallel_loop3A_1107 : i32 to index
        %parallel_loop3A_1109 = arith.index_cast %parallel_loop3A_1106 : i32 to index
        %parallel_loop3A_1110 = tpu.vector_load %arg8[%parallel_loop3A_1108, %parallel_loop3A_1109] {strides = array<i32>} : memref<64x128xf32, #tpu.memory_space<vmem>>, vector<16xf32>,
        tpu.vector_store %arg8[%parallel_loop3A_1108, %parallel_loop3A_1109], %parallel_loop3A_1104 {strides = array<i32>} : memref<64x128xf32, #tpu.memory_space<vmem>>, vector<16xf32>,
        %parallel_loop3A_1111 = arith.addf %parallel_loop3A_1096, %parallel_loop3A_1099 : vector<16xf32>
        %parallel_loop3A_1112 = arith.addf %parallel_loop3A_1111, %parallel_loop3A_1102 : vector<16xf32>
        %parallel_loop3A_1113 = arith.constant 16 : i32
        %parallel_loop3A_1114 = arith.muli %parallel_loop3A_1113, %parallel_loop3A_85 : i32
        %parallel_loop3A_1115 = arith.constant 51 : i32
        %parallel_loop3A_1116 = arith.index_cast %parallel_loop3A_1115 : i32 to index
        %parallel_loop3A_1117 = arith.index_cast %parallel_loop3A_1114 : i32 to index
        %parallel_loop3A_1118 = tpu.vector_load %arg8[%parallel_loop3A_1116, %parallel_loop3A_1117] {strides = array<i32>} : memref<64x128xf32, #tpu.memory_space<vmem>>, vector<16xf32>,
        tpu.vector_store %arg8[%parallel_loop3A_1116, %parallel_loop3A_1117], %parallel_loop3A_1112 {strides = array<i32>} : memref<64x128xf32, #tpu.memory_space<vmem>>, vector<16xf32>,
        %parallel_loop3A_1119 = arith.constant 26 : i32
        %parallel_loop3A_1120 = vector.broadcast %parallel_loop3A_1119 : i32 to vector<16xi32>
        %parallel_loop3A_1121 = arith.addi %parallel_loop3A_119, %parallel_loop3A_1120 : vector<16xi32>
        %parallel_loop3A_1122 = tpu.vector_load_idx %arg5[%parallel_loop3A_1121] : memref<28743xi32, #tpu.memory_space<vmem>>[vector<16xi32>], vector<16xi32>,
        %parallel_loop3A_1123 = arith.constant 26 : i32
        %parallel_loop3A_1124 = vector.broadcast %parallel_loop3A_1123 : i32 to vector<16xi32>
        %parallel_loop3A_1125 = arith.addi %parallel_loop3A_143, %parallel_loop3A_1124 : vector<16xi32>
        %parallel_loop3A_1126 = tpu.vector_load_idx %arg5[%parallel_loop3A_1125] : memref<28743xi32, #tpu.memory_space<vmem>>[vector<16xi32>], vector<16xi32>,
        %parallel_loop3A_1127 = arith.constant 26 : i32
        %parallel_loop3A_1128 = vector.broadcast %parallel_loop3A_1127 : i32 to vector<16xi32>
        %parallel_loop3A_1129 = arith.addi %parallel_loop3A_156, %parallel_loop3A_1128 : vector<16xi32>
        %parallel_loop3A_1130 = tpu.vector_load_idx %arg5[%parallel_loop3A_1129] : memref<28743xi32, #tpu.memory_space<vmem>>[vector<16xi32>], vector<16xi32>,
        %parallel_loop3A_1131 = vector.bitcast %parallel_loop3A_1122 : vector<16xi32> to vector<32xbf16>
        %parallel_loop3A_1132 = tpu.unpack_subelements %parallel_loop3A_1131, 0 {pack_format = #tpu.pack_format<interleaved>} : vector<32xbf16> -> vector<16xf32>
        %parallel_loop3A_1133 = tpu.unpack_subelements %parallel_loop3A_1131, 1 {pack_format = #tpu.pack_format<interleaved>} : vector<32xbf16> -> vector<16xf32>
        %parallel_loop3A_1134 = vector.bitcast %parallel_loop3A_1126 : vector<16xi32> to vector<32xbf16>
        %parallel_loop3A_1135 = tpu.unpack_subelements %parallel_loop3A_1134, 0 {pack_format = #tpu.pack_format<interleaved>} : vector<32xbf16> -> vector<16xf32>
        %parallel_loop3A_1136 = tpu.unpack_subelements %parallel_loop3A_1134, 1 {pack_format = #tpu.pack_format<interleaved>} : vector<32xbf16> -> vector<16xf32>
        %parallel_loop3A_1137 = vector.bitcast %parallel_loop3A_1130 : vector<16xi32> to vector<32xbf16>
        %parallel_loop3A_1138 = tpu.unpack_subelements %parallel_loop3A_1137, 0 {pack_format = #tpu.pack_format<interleaved>} : vector<32xbf16> -> vector<16xf32>
        %parallel_loop3A_1139 = tpu.unpack_subelements %parallel_loop3A_1137, 1 {pack_format = #tpu.pack_format<interleaved>} : vector<32xbf16> -> vector<16xf32>
        %parallel_loop3A_1140 = arith.addf %parallel_loop3A_1132, %parallel_loop3A_1135 : vector<16xf32>
        %parallel_loop3A_1141 = arith.addf %parallel_loop3A_1140, %parallel_loop3A_1138 : vector<16xf32>
        %parallel_loop3A_1142 = arith.constant 16 : i32
        %parallel_loop3A_1143 = arith.muli %parallel_loop3A_1142, %parallel_loop3A_85 : i32
        %parallel_loop3A_1144 = arith.constant 52 : i32
        %parallel_loop3A_1145 = arith.index_cast %parallel_loop3A_1144 : i32 to index
        %parallel_loop3A_1146 = arith.index_cast %parallel_loop3A_1143 : i32 to index
        %parallel_loop3A_1147 = tpu.vector_load %arg8[%parallel_loop3A_1145, %parallel_loop3A_1146] {strides = array<i32>} : memref<64x128xf32, #tpu.memory_space<vmem>>, vector<16xf32>,
        tpu.vector_store %arg8[%parallel_loop3A_1145, %parallel_loop3A_1146], %parallel_loop3A_1141 {strides = array<i32>} : memref<64x128xf32, #tpu.memory_space<vmem>>, vector<16xf32>,
        %parallel_loop3A_1148 = arith.addf %parallel_loop3A_1133, %parallel_loop3A_1136 : vector<16xf32>
        %parallel_loop3A_1149 = arith.addf %parallel_loop3A_1148, %parallel_loop3A_1139 : vector<16xf32>
        %parallel_loop3A_1150 = arith.constant 16 : i32
        %parallel_loop3A_1151 = arith.muli %parallel_loop3A_1150, %parallel_loop3A_85 : i32
        %parallel_loop3A_1152 = arith.constant 53 : i32
        %parallel_loop3A_1153 = arith.index_cast %parallel_loop3A_1152 : i32 to index
        %parallel_loop3A_1154 = arith.index_cast %parallel_loop3A_1151 : i32 to index
        %parallel_loop3A_1155 = tpu.vector_load %arg8[%parallel_loop3A_1153, %parallel_loop3A_1154] {strides = array<i32>} : memref<64x128xf32, #tpu.memory_space<vmem>>, vector<16xf32>,
        tpu.vector_store %arg8[%parallel_loop3A_1153, %parallel_loop3A_1154], %parallel_loop3A_1149 {strides = array<i32>} : memref<64x128xf32, #tpu.memory_space<vmem>>, vector<16xf32>,
        %parallel_loop3A_1156 = arith.constant 27 : i32
        %parallel_loop3A_1157 = vector.broadcast %parallel_loop3A_1156 : i32 to vector<16xi32>
        %parallel_loop3A_1158 = arith.addi %parallel_loop3A_119, %parallel_loop3A_1157 : vector<16xi32>
        %parallel_loop3A_1159 = tpu.vector_load_idx %arg5[%parallel_loop3A_1158] : memref<28743xi32, #tpu.memory_space<vmem>>[vector<16xi32>], vector<16xi32>,
        %parallel_loop3A_1160 = arith.constant 27 : i32
        %parallel_loop3A_1161 = vector.broadcast %parallel_loop3A_1160 : i32 to vector<16xi32>
        %parallel_loop3A_1162 = arith.addi %parallel_loop3A_143, %parallel_loop3A_1161 : vector<16xi32>
        %parallel_loop3A_1163 = tpu.vector_load_idx %arg5[%parallel_loop3A_1162] : memref<28743xi32, #tpu.memory_space<vmem>>[vector<16xi32>], vector<16xi32>,
        %parallel_loop3A_1164 = arith.constant 27 : i32
        %parallel_loop3A_1165 = vector.broadcast %parallel_loop3A_1164 : i32 to vector<16xi32>
        %parallel_loop3A_1166 = arith.addi %parallel_loop3A_156, %parallel_loop3A_1165 : vector<16xi32>
        %parallel_loop3A_1167 = tpu.vector_load_idx %arg5[%parallel_loop3A_1166] : memref<28743xi32, #tpu.memory_space<vmem>>[vector<16xi32>], vector<16xi32>,
        %parallel_loop3A_1168 = vector.bitcast %parallel_loop3A_1159 : vector<16xi32> to vector<32xbf16>
        %parallel_loop3A_1169 = tpu.unpack_subelements %parallel_loop3A_1168, 0 {pack_format = #tpu.pack_format<interleaved>} : vector<32xbf16> -> vector<16xf32>
        %parallel_loop3A_1170 = tpu.unpack_subelements %parallel_loop3A_1168, 1 {pack_format = #tpu.pack_format<interleaved>} : vector<32xbf16> -> vector<16xf32>
        %parallel_loop3A_1171 = vector.bitcast %parallel_loop3A_1163 : vector<16xi32> to vector<32xbf16>
        %parallel_loop3A_1172 = tpu.unpack_subelements %parallel_loop3A_1171, 0 {pack_format = #tpu.pack_format<interleaved>} : vector<32xbf16> -> vector<16xf32>
        %parallel_loop3A_1173 = tpu.unpack_subelements %parallel_loop3A_1171, 1 {pack_format = #tpu.pack_format<interleaved>} : vector<32xbf16> -> vector<16xf32>
        %parallel_loop3A_1174 = vector.bitcast %parallel_loop3A_1167 : vector<16xi32> to vector<32xbf16>
        %parallel_loop3A_1175 = tpu.unpack_subelements %parallel_loop3A_1174, 0 {pack_format = #tpu.pack_format<interleaved>} : vector<32xbf16> -> vector<16xf32>
        %parallel_loop3A_1176 = tpu.unpack_subelements %parallel_loop3A_1174, 1 {pack_format = #tpu.pack_format<interleaved>} : vector<32xbf16> -> vector<16xf32>
        %parallel_loop3A_1177 = arith.addf %parallel_loop3A_1169, %parallel_loop3A_1172 : vector<16xf32>
        %parallel_loop3A_1178 = arith.addf %parallel_loop3A_1177, %parallel_loop3A_1175 : vector<16xf32>
        %parallel_loop3A_1179 = arith.constant 16 : i32
        %parallel_loop3A_1180 = arith.muli %parallel_loop3A_1179, %parallel_loop3A_85 : i32
        %parallel_loop3A_1181 = arith.constant 54 : i32
        %parallel_loop3A_1182 = arith.index_cast %parallel_loop3A_1181 : i32 to index
        %parallel_loop3A_1183 = arith.index_cast %parallel_loop3A_1180 : i32 to index
        %parallel_loop3A_1184 = tpu.vector_load %arg8[%parallel_loop3A_1182, %parallel_loop3A_1183] {strides = array<i32>} : memref<64x128xf32, #tpu.memory_space<vmem>>, vector<16xf32>,
        tpu.vector_store %arg8[%parallel_loop3A_1182, %parallel_loop3A_1183], %parallel_loop3A_1178 {strides = array<i32>} : memref<64x128xf32, #tpu.memory_space<vmem>>, vector<16xf32>,
        %parallel_loop3A_1185 = arith.addf %parallel_loop3A_1170, %parallel_loop3A_1173 : vector<16xf32>
        %parallel_loop3A_1186 = arith.addf %parallel_loop3A_1185, %parallel_loop3A_1176 : vector<16xf32>
        %parallel_loop3A_1187 = arith.constant 16 : i32
        %parallel_loop3A_1188 = arith.muli %parallel_loop3A_1187, %parallel_loop3A_85 : i32
        %parallel_loop3A_1189 = arith.constant 55 : i32
        %parallel_loop3A_1190 = arith.index_cast %parallel_loop3A_1189 : i32 to index
        %parallel_loop3A_1191 = arith.index_cast %parallel_loop3A_1188 : i32 to index
        %parallel_loop3A_1192 = tpu.vector_load %arg8[%parallel_loop3A_1190, %parallel_loop3A_1191] {strides = array<i32>} : memref<64x128xf32, #tpu.memory_space<vmem>>, vector<16xf32>,
        tpu.vector_store %arg8[%parallel_loop3A_1190, %parallel_loop3A_1191], %parallel_loop3A_1186 {strides = array<i32>} : memref<64x128xf32, #tpu.memory_space<vmem>>, vector<16xf32>,
        %parallel_loop3A_1193 = arith.constant 28 : i32
        %parallel_loop3A_1194 = vector.broadcast %parallel_loop3A_1193 : i32 to vector<16xi32>
        %parallel_loop3A_1195 = arith.addi %parallel_loop3A_119, %parallel_loop3A_1194 : vector<16xi32>
        %parallel_loop3A_1196 = tpu.vector_load_idx %arg5[%parallel_loop3A_1195] : memref<28743xi32, #tpu.memory_space<vmem>>[vector<16xi32>], vector<16xi32>,
        %parallel_loop3A_1197 = arith.constant 28 : i32
        %parallel_loop3A_1198 = vector.broadcast %parallel_loop3A_1197 : i32 to vector<16xi32>
        %parallel_loop3A_1199 = arith.addi %parallel_loop3A_143, %parallel_loop3A_1198 : vector<16xi32>
        %parallel_loop3A_1200 = tpu.vector_load_idx %arg5[%parallel_loop3A_1199] : memref<28743xi32, #tpu.memory_space<vmem>>[vector<16xi32>], vector<16xi32>,
        %parallel_loop3A_1201 = arith.constant 28 : i32
        %parallel_loop3A_1202 = vector.broadcast %parallel_loop3A_1201 : i32 to vector<16xi32>
        %parallel_loop3A_1203 = arith.addi %parallel_loop3A_156, %parallel_loop3A_1202 : vector<16xi32>
        %parallel_loop3A_1204 = tpu.vector_load_idx %arg5[%parallel_loop3A_1203] : memref<28743xi32, #tpu.memory_space<vmem>>[vector<16xi32>], vector<16xi32>,
        %parallel_loop3A_1205 = vector.bitcast %parallel_loop3A_1196 : vector<16xi32> to vector<32xbf16>
        %parallel_loop3A_1206 = tpu.unpack_subelements %parallel_loop3A_1205, 0 {pack_format = #tpu.pack_format<interleaved>} : vector<32xbf16> -> vector<16xf32>
        %parallel_loop3A_1207 = tpu.unpack_subelements %parallel_loop3A_1205, 1 {pack_format = #tpu.pack_format<interleaved>} : vector<32xbf16> -> vector<16xf32>
        %parallel_loop3A_1208 = vector.bitcast %parallel_loop3A_1200 : vector<16xi32> to vector<32xbf16>
        %parallel_loop3A_1209 = tpu.unpack_subelements %parallel_loop3A_1208, 0 {pack_format = #tpu.pack_format<interleaved>} : vector<32xbf16> -> vector<16xf32>
        %parallel_loop3A_1210 = tpu.unpack_subelements %parallel_loop3A_1208, 1 {pack_format = #tpu.pack_format<interleaved>} : vector<32xbf16> -> vector<16xf32>
        %parallel_loop3A_1211 = vector.bitcast %parallel_loop3A_1204 : vector<16xi32> to vector<32xbf16>
        %parallel_loop3A_1212 = tpu.unpack_subelements %parallel_loop3A_1211, 0 {pack_format = #tpu.pack_format<interleaved>} : vector<32xbf16> -> vector<16xf32>
        %parallel_loop3A_1213 = tpu.unpack_subelements %parallel_loop3A_1211, 1 {pack_format = #tpu.pack_format<interleaved>} : vector<32xbf16> -> vector<16xf32>
        %parallel_loop3A_1214 = arith.addf %parallel_loop3A_1206, %parallel_loop3A_1209 : vector<16xf32>
        %parallel_loop3A_1215 = arith.addf %parallel_loop3A_1214, %parallel_loop3A_1212 : vector<16xf32>
        %parallel_loop3A_1216 = arith.constant 16 : i32
        %parallel_loop3A_1217 = arith.muli %parallel_loop3A_1216, %parallel_loop3A_85 : i32
        %parallel_loop3A_1218 = arith.constant 56 : i32
        %parallel_loop3A_1219 = arith.index_cast %parallel_loop3A_1218 : i32 to index
        %parallel_loop3A_1220 = arith.index_cast %parallel_loop3A_1217 : i32 to index
        %parallel_loop3A_1221 = tpu.vector_load %arg8[%parallel_loop3A_1219, %parallel_loop3A_1220] {strides = array<i32>} : memref<64x128xf32, #tpu.memory_space<vmem>>, vector<16xf32>,
        tpu.vector_store %arg8[%parallel_loop3A_1219, %parallel_loop3A_1220], %parallel_loop3A_1215 {strides = array<i32>} : memref<64x128xf32, #tpu.memory_space<vmem>>, vector<16xf32>,
        %parallel_loop3A_1222 = arith.addf %parallel_loop3A_1207, %parallel_loop3A_1210 : vector<16xf32>
        %parallel_loop3A_1223 = arith.addf %parallel_loop3A_1222, %parallel_loop3A_1213 : vector<16xf32>
        %parallel_loop3A_1224 = arith.constant 16 : i32
        %parallel_loop3A_1225 = arith.muli %parallel_loop3A_1224, %parallel_loop3A_85 : i32
        %parallel_loop3A_1226 = arith.constant 57 : i32
        %parallel_loop3A_1227 = arith.index_cast %parallel_loop3A_1226 : i32 to index
        %parallel_loop3A_1228 = arith.index_cast %parallel_loop3A_1225 : i32 to index
        %parallel_loop3A_1229 = tpu.vector_load %arg8[%parallel_loop3A_1227, %parallel_loop3A_1228] {strides = array<i32>} : memref<64x128xf32, #tpu.memory_space<vmem>>, vector<16xf32>,
        tpu.vector_store %arg8[%parallel_loop3A_1227, %parallel_loop3A_1228], %parallel_loop3A_1223 {strides = array<i32>} : memref<64x128xf32, #tpu.memory_space<vmem>>, vector<16xf32>,
        %parallel_loop3A_1230 = arith.constant 29 : i32
        %parallel_loop3A_1231 = vector.broadcast %parallel_loop3A_1230 : i32 to vector<16xi32>
        %parallel_loop3A_1232 = arith.addi %parallel_loop3A_119, %parallel_loop3A_1231 : vector<16xi32>
        %parallel_loop3A_1233 = tpu.vector_load_idx %arg5[%parallel_loop3A_1232] : memref<28743xi32, #tpu.memory_space<vmem>>[vector<16xi32>], vector<16xi32>,
        %parallel_loop3A_1234 = arith.constant 29 : i32
        %parallel_loop3A_1235 = vector.broadcast %parallel_loop3A_1234 : i32 to vector<16xi32>
        %parallel_loop3A_1236 = arith.addi %parallel_loop3A_143, %parallel_loop3A_1235 : vector<16xi32>
        %parallel_loop3A_1237 = tpu.vector_load_idx %arg5[%parallel_loop3A_1236] : memref<28743xi32, #tpu.memory_space<vmem>>[vector<16xi32>], vector<16xi32>,
        %parallel_loop3A_1238 = arith.constant 29 : i32
        %parallel_loop3A_1239 = vector.broadcast %parallel_loop3A_1238 : i32 to vector<16xi32>
        %parallel_loop3A_1240 = arith.addi %parallel_loop3A_156, %parallel_loop3A_1239 : vector<16xi32>
        %parallel_loop3A_1241 = tpu.vector_load_idx %arg5[%parallel_loop3A_1240] : memref<28743xi32, #tpu.memory_space<vmem>>[vector<16xi32>], vector<16xi32>,
        %parallel_loop3A_1242 = vector.bitcast %parallel_loop3A_1233 : vector<16xi32> to vector<32xbf16>
        %parallel_loop3A_1243 = tpu.unpack_subelements %parallel_loop3A_1242, 0 {pack_format = #tpu.pack_format<interleaved>} : vector<32xbf16> -> vector<16xf32>
        %parallel_loop3A_1244 = tpu.unpack_subelements %parallel_loop3A_1242, 1 {pack_format = #tpu.pack_format<interleaved>} : vector<32xbf16> -> vector<16xf32>
        %parallel_loop3A_1245 = vector.bitcast %parallel_loop3A_1237 : vector<16xi32> to vector<32xbf16>
        %parallel_loop3A_1246 = tpu.unpack_subelements %parallel_loop3A_1245, 0 {pack_format = #tpu.pack_format<interleaved>} : vector<32xbf16> -> vector<16xf32>
        %parallel_loop3A_1247 = tpu.unpack_subelements %parallel_loop3A_1245, 1 {pack_format = #tpu.pack_format<interleaved>} : vector<32xbf16> -> vector<16xf32>
        %parallel_loop3A_1248 = vector.bitcast %parallel_loop3A_1241 : vector<16xi32> to vector<32xbf16>
        %parallel_loop3A_1249 = tpu.unpack_subelements %parallel_loop3A_1248, 0 {pack_format = #tpu.pack_format<interleaved>} : vector<32xbf16> -> vector<16xf32>
        %parallel_loop3A_1250 = tpu.unpack_subelements %parallel_loop3A_1248, 1 {pack_format = #tpu.pack_format<interleaved>} : vector<32xbf16> -> vector<16xf32>
        %parallel_loop3A_1251 = arith.addf %parallel_loop3A_1243, %parallel_loop3A_1246 : vector<16xf32>
        %parallel_loop3A_1252 = arith.addf %parallel_loop3A_1251, %parallel_loop3A_1249 : vector<16xf32>
        %parallel_loop3A_1253 = arith.constant 16 : i32
        %parallel_loop3A_1254 = arith.muli %parallel_loop3A_1253, %parallel_loop3A_85 : i32
        %parallel_loop3A_1255 = arith.constant 58 : i32
        %parallel_loop3A_1256 = arith.index_cast %parallel_loop3A_1255 : i32 to index
        %parallel_loop3A_1257 = arith.index_cast %parallel_loop3A_1254 : i32 to index
        %parallel_loop3A_1258 = tpu.vector_load %arg8[%parallel_loop3A_1256, %parallel_loop3A_1257] {strides = array<i32>} : memref<64x128xf32, #tpu.memory_space<vmem>>, vector<16xf32>,
        tpu.vector_store %arg8[%parallel_loop3A_1256, %parallel_loop3A_1257], %parallel_loop3A_1252 {strides = array<i32>} : memref<64x128xf32, #tpu.memory_space<vmem>>, vector<16xf32>,
        %parallel_loop3A_1259 = arith.addf %parallel_loop3A_1244, %parallel_loop3A_1247 : vector<16xf32>
        %parallel_loop3A_1260 = arith.addf %parallel_loop3A_1259, %parallel_loop3A_1250 : vector<16xf32>
        %parallel_loop3A_1261 = arith.constant 16 : i32
        %parallel_loop3A_1262 = arith.muli %parallel_loop3A_1261, %parallel_loop3A_85 : i32
        %parallel_loop3A_1263 = arith.constant 59 : i32
        %parallel_loop3A_1264 = arith.index_cast %parallel_loop3A_1263 : i32 to index
        %parallel_loop3A_1265 = arith.index_cast %parallel_loop3A_1262 : i32 to index
        %parallel_loop3A_1266 = tpu.vector_load %arg8[%parallel_loop3A_1264, %parallel_loop3A_1265] {strides = array<i32>} : memref<64x128xf32, #tpu.memory_space<vmem>>, vector<16xf32>,
        tpu.vector_store %arg8[%parallel_loop3A_1264, %parallel_loop3A_1265], %parallel_loop3A_1260 {strides = array<i32>} : memref<64x128xf32, #tpu.memory_space<vmem>>, vector<16xf32>,
        %parallel_loop3A_1267 = arith.constant 30 : i32
        %parallel_loop3A_1268 = vector.broadcast %parallel_loop3A_1267 : i32 to vector<16xi32>
        %parallel_loop3A_1269 = arith.addi %parallel_loop3A_119, %parallel_loop3A_1268 : vector<16xi32>
        %parallel_loop3A_1270 = tpu.vector_load_idx %arg5[%parallel_loop3A_1269] : memref<28743xi32, #tpu.memory_space<vmem>>[vector<16xi32>], vector<16xi32>,
        %parallel_loop3A_1271 = arith.constant 30 : i32
        %parallel_loop3A_1272 = vector.broadcast %parallel_loop3A_1271 : i32 to vector<16xi32>
        %parallel_loop3A_1273 = arith.addi %parallel_loop3A_143, %parallel_loop3A_1272 : vector<16xi32>
        %parallel_loop3A_1274 = tpu.vector_load_idx %arg5[%parallel_loop3A_1273] : memref<28743xi32, #tpu.memory_space<vmem>>[vector<16xi32>], vector<16xi32>,
        %parallel_loop3A_1275 = arith.constant 30 : i32
        %parallel_loop3A_1276 = vector.broadcast %parallel_loop3A_1275 : i32 to vector<16xi32>
        %parallel_loop3A_1277 = arith.addi %parallel_loop3A_156, %parallel_loop3A_1276 : vector<16xi32>
        %parallel_loop3A_1278 = tpu.vector_load_idx %arg5[%parallel_loop3A_1277] : memref<28743xi32, #tpu.memory_space<vmem>>[vector<16xi32>], vector<16xi32>,
        %parallel_loop3A_1279 = vector.bitcast %parallel_loop3A_1270 : vector<16xi32> to vector<32xbf16>
        %parallel_loop3A_1280 = tpu.unpack_subelements %parallel_loop3A_1279, 0 {pack_format = #tpu.pack_format<interleaved>} : vector<32xbf16> -> vector<16xf32>
        %parallel_loop3A_1281 = tpu.unpack_subelements %parallel_loop3A_1279, 1 {pack_format = #tpu.pack_format<interleaved>} : vector<32xbf16> -> vector<16xf32>
        %parallel_loop3A_1282 = vector.bitcast %parallel_loop3A_1274 : vector<16xi32> to vector<32xbf16>
        %parallel_loop3A_1283 = tpu.unpack_subelements %parallel_loop3A_1282, 0 {pack_format = #tpu.pack_format<interleaved>} : vector<32xbf16> -> vector<16xf32>
        %parallel_loop3A_1284 = tpu.unpack_subelements %parallel_loop3A_1282, 1 {pack_format = #tpu.pack_format<interleaved>} : vector<32xbf16> -> vector<16xf32>
        %parallel_loop3A_1285 = vector.bitcast %parallel_loop3A_1278 : vector<16xi32> to vector<32xbf16>
        %parallel_loop3A_1286 = tpu.unpack_subelements %parallel_loop3A_1285, 0 {pack_format = #tpu.pack_format<interleaved>} : vector<32xbf16> -> vector<16xf32>
        %parallel_loop3A_1287 = tpu.unpack_subelements %parallel_loop3A_1285, 1 {pack_format = #tpu.pack_format<interleaved>} : vector<32xbf16> -> vector<16xf32>
        %parallel_loop3A_1288 = arith.addf %parallel_loop3A_1280, %parallel_loop3A_1283 : vector<16xf32>
        %parallel_loop3A_1289 = arith.addf %parallel_loop3A_1288, %parallel_loop3A_1286 : vector<16xf32>
        %parallel_loop3A_1290 = arith.constant 16 : i32
        %parallel_loop3A_1291 = arith.muli %parallel_loop3A_1290, %parallel_loop3A_85 : i32
        %parallel_loop3A_1292 = arith.constant 60 : i32
        %parallel_loop3A_1293 = arith.index_cast %parallel_loop3A_1292 : i32 to index
        %parallel_loop3A_1294 = arith.index_cast %parallel_loop3A_1291 : i32 to index
        %parallel_loop3A_1295 = tpu.vector_load %arg8[%parallel_loop3A_1293, %parallel_loop3A_1294] {strides = array<i32>} : memref<64x128xf32, #tpu.memory_space<vmem>>, vector<16xf32>,
        tpu.vector_store %arg8[%parallel_loop3A_1293, %parallel_loop3A_1294], %parallel_loop3A_1289 {strides = array<i32>} : memref<64x128xf32, #tpu.memory_space<vmem>>, vector<16xf32>,
        %parallel_loop3A_1296 = arith.addf %parallel_loop3A_1281, %parallel_loop3A_1284 : vector<16xf32>
        %parallel_loop3A_1297 = arith.addf %parallel_loop3A_1296, %parallel_loop3A_1287 : vector<16xf32>
        %parallel_loop3A_1298 = arith.constant 16 : i32
        %parallel_loop3A_1299 = arith.muli %parallel_loop3A_1298, %parallel_loop3A_85 : i32
        %parallel_loop3A_1300 = arith.constant 61 : i32
        %parallel_loop3A_1301 = arith.index_cast %parallel_loop3A_1300 : i32 to index
        %parallel_loop3A_1302 = arith.index_cast %parallel_loop3A_1299 : i32 to index
        %parallel_loop3A_1303 = tpu.vector_load %arg8[%parallel_loop3A_1301, %parallel_loop3A_1302] {strides = array<i32>} : memref<64x128xf32, #tpu.memory_space<vmem>>, vector<16xf32>,
        tpu.vector_store %arg8[%parallel_loop3A_1301, %parallel_loop3A_1302], %parallel_loop3A_1297 {strides = array<i32>} : memref<64x128xf32, #tpu.memory_space<vmem>>, vector<16xf32>,
        %parallel_loop3A_1304 = arith.constant 31 : i32
        %parallel_loop3A_1305 = vector.broadcast %parallel_loop3A_1304 : i32 to vector<16xi32>
        %parallel_loop3A_1306 = arith.addi %parallel_loop3A_119, %parallel_loop3A_1305 : vector<16xi32>
        %parallel_loop3A_1307 = tpu.vector_load_idx %arg5[%parallel_loop3A_1306] : memref<28743xi32, #tpu.memory_space<vmem>>[vector<16xi32>], vector<16xi32>,
        %parallel_loop3A_1308 = arith.constant 31 : i32
        %parallel_loop3A_1309 = vector.broadcast %parallel_loop3A_1308 : i32 to vector<16xi32>
        %parallel_loop3A_1310 = arith.addi %parallel_loop3A_143, %parallel_loop3A_1309 : vector<16xi32>
        %parallel_loop3A_1311 = tpu.vector_load_idx %arg5[%parallel_loop3A_1310] : memref<28743xi32, #tpu.memory_space<vmem>>[vector<16xi32>], vector<16xi32>,
        %parallel_loop3A_1312 = arith.constant 31 : i32
        %parallel_loop3A_1313 = vector.broadcast %parallel_loop3A_1312 : i32 to vector<16xi32>
        %parallel_loop3A_1314 = arith.addi %parallel_loop3A_156, %parallel_loop3A_1313 : vector<16xi32>
        %parallel_loop3A_1315 = tpu.vector_load_idx %arg5[%parallel_loop3A_1314] : memref<28743xi32, #tpu.memory_space<vmem>>[vector<16xi32>], vector<16xi32>,
        %parallel_loop3A_1316 = vector.bitcast %parallel_loop3A_1307 : vector<16xi32> to vector<32xbf16>
        %parallel_loop3A_1317 = tpu.unpack_subelements %parallel_loop3A_1316, 0 {pack_format = #tpu.pack_format<interleaved>} : vector<32xbf16> -> vector<16xf32>
        %parallel_loop3A_1318 = tpu.unpack_subelements %parallel_loop3A_1316, 1 {pack_format = #tpu.pack_format<interleaved>} : vector<32xbf16> -> vector<16xf32>
        %parallel_loop3A_1319 = vector.bitcast %parallel_loop3A_1311 : vector<16xi32> to vector<32xbf16>
        %parallel_loop3A_1320 = tpu.unpack_subelements %parallel_loop3A_1319, 0 {pack_format = #tpu.pack_format<interleaved>} : vector<32xbf16> -> vector<16xf32>
        %parallel_loop3A_1321 = tpu.unpack_subelements %parallel_loop3A_1319, 1 {pack_format = #tpu.pack_format<interleaved>} : vector<32xbf16> -> vector<16xf32>
        %parallel_loop3A_1322 = vector.bitcast %parallel_loop3A_1315 : vector<16xi32> to vector<32xbf16>
        %parallel_loop3A_1323 = tpu.unpack_subelements %parallel_loop3A_1322, 0 {pack_format = #tpu.pack_format<interleaved>} : vector<32xbf16> -> vector<16xf32>
        %parallel_loop3A_1324 = tpu.unpack_subelements %parallel_loop3A_1322, 1 {pack_format = #tpu.pack_format<interleaved>} : vector<32xbf16> -> vector<16xf32>
        %parallel_loop3A_1325 = arith.addf %parallel_loop3A_1317, %parallel_loop3A_1320 : vector<16xf32>
        %parallel_loop3A_1326 = arith.addf %parallel_loop3A_1325, %parallel_loop3A_1323 : vector<16xf32>
        %parallel_loop3A_1327 = arith.constant 16 : i32
        %parallel_loop3A_1328 = arith.muli %parallel_loop3A_1327, %parallel_loop3A_85 : i32
        %parallel_loop3A_1329 = arith.constant 62 : i32
        %parallel_loop3A_1330 = arith.index_cast %parallel_loop3A_1329 : i32 to index
        %parallel_loop3A_1331 = arith.index_cast %parallel_loop3A_1328 : i32 to index
        %parallel_loop3A_1332 = tpu.vector_load %arg8[%parallel_loop3A_1330, %parallel_loop3A_1331] {strides = array<i32>} : memref<64x128xf32, #tpu.memory_space<vmem>>, vector<16xf32>,
        tpu.vector_store %arg8[%parallel_loop3A_1330, %parallel_loop3A_1331], %parallel_loop3A_1326 {strides = array<i32>} : memref<64x128xf32, #tpu.memory_space<vmem>>, vector<16xf32>,
        %parallel_loop3A_1333 = arith.addf %parallel_loop3A_1318, %parallel_loop3A_1321 : vector<16xf32>
        %parallel_loop3A_1334 = arith.addf %parallel_loop3A_1333, %parallel_loop3A_1324 : vector<16xf32>
        %parallel_loop3A_1335 = arith.constant 16 : i32
        %parallel_loop3A_1336 = arith.muli %parallel_loop3A_1335, %parallel_loop3A_85 : i32
        %parallel_loop3A_1337 = arith.constant 63 : i32
        %parallel_loop3A_1338 = arith.index_cast %parallel_loop3A_1337 : i32 to index
        %parallel_loop3A_1339 = arith.index_cast %parallel_loop3A_1336 : i32 to index
        %parallel_loop3A_1340 = tpu.vector_load %arg8[%parallel_loop3A_1338, %parallel_loop3A_1339] {strides = array<i32>} : memref<64x128xf32, #tpu.memory_space<vmem>>, vector<16xf32>,
        tpu.vector_store %arg8[%parallel_loop3A_1338, %parallel_loop3A_1339], %parallel_loop3A_1334 {strides = array<i32>} : memref<64x128xf32, #tpu.memory_space<vmem>>, vector<16xf32>,
      } {sc.loop_unroll_factor = 2 : i64, sc.parallel_access}
      %dma_start3A_48 = arith.constant 0 : i32
      %dma_start3A_49 = tpu.memref_slice %arg4[%add3A_31, %dma_start3A_48, %mul3A_2] : memref<200x64x4096xf32, #tpu.memory_space<hbm>> -> memref<1x64x128xf32, #tpu.memory_space<hbm>>
      %dma_start3A_50 = tpu.memref_squeeze %dma_start3A_49 : memref<1x64x128xf32, #tpu.memory_space<hbm>> -> memref<64x128xf32, #tpu.memory_space<hbm>>
      %dma_start3A_51 = arith.constant 0 : i32
      %dma_start3A_52 = tpu.memref_slice %arg4[%add3A_31, %dma_start3A_51, %mul3A_2] : memref<200x64x4096xf32, #tpu.memory_space<hbm>> -> memref<1x64x128xf32, #tpu.memory_space<hbm>>
      %dma_start3A_53 = tpu.memref_squeeze %dma_start3A_52 : memref<1x64x128xf32, #tpu.memory_space<hbm>> -> memref<64x128xf32, #tpu.memory_space<hbm>>
      tpu.enqueue_dma source(%arg8 : memref<64x128xf32, #tpu.memory_space<vmem>>) target(%dma_start3A_53 : memref<64x128xf32, #tpu.memory_space<hbm>>) target_semaphore(%arg12 : memref<!tpu.dma_semaphore, #tpu.memory_space<semaphore_mem>>)
      %mul3A_54 = arith.constant 2 : i32
      %mul3A_55 = arith.muli %mul3A_54, %scan3A_27 : i32
      %add3A_56 = arith.constant 1 : i32
      %add3A_57 = arith.addi %mul3A_55, %add3A_56 : i32
      %dma_wait3A_58 = arith.constant 0 : i32
      %dma_wait3A_59 = tpu.memref_slice %arg2[%add3A_57, %dma_wait3A_58, %mul3A_2] : memref<200x4x4096xf32, #tpu.memory_space<hbm>> -> memref<1x4x128xf32, #tpu.memory_space<hbm>>
      %dma_wait3A_60 = tpu.memref_squeeze %dma_wait3A_59 : memref<1x4x128xf32, #tpu.memory_space<hbm>> -> memref<4x128xf32, #tpu.memory_space<hbm>>
      %dma_wait3A_61 = arith.constant 0 : i32
      %dma_wait3A_62 = tpu.memref_slice %arg2[%add3A_57, %dma_wait3A_61, %mul3A_2] : memref<200x4x4096xf32, #tpu.memory_space<hbm>> -> memref<1x4x128xf32, #tpu.memory_space<hbm>>
      %dma_wait3A_63 = tpu.memref_squeeze %dma_wait3A_62 : memref<1x4x128xf32, #tpu.memory_space<hbm>> -> memref<4x128xf32, #tpu.memory_space<hbm>>
      tpu.wait_dma2 semaphore(%arg11 : memref<!tpu.dma_semaphore, #tpu.memory_space<semaphore_mem>>) src(%dma_wait3A_63 : memref<4x128xf32, #tpu.memory_space<hbm>>) dst(%arg7 : memref<4x128xf32, #tpu.memory_space<vmem>>)
      %add3A_64 = arith.constant 1 : i32
      %add3A_65 = arith.addi %add3A_57, %add3A_64 : i32
      %lt3A_66 = arith.constant 200 : i32
      %lt3A_67 = arith.cmpi slt, %add3A_65, %lt3A_66 : i32
      %convert_element_type3A_68 = arith.extui %lt3A_67 : i1 to i32
      %cond3A_69 = arith.constant 0 : i32
      %cond3A_70 = arith.cmpi ne, %convert_element_type3A_68, %cond3A_69 : i32
      scf.if %cond3A_70 {
        %add3A_85 = arith.constant 1 : i32
        %add3A_86 = arith.addi %add3A_57, %add3A_85 : i32
        %dma_start3A_87 = arith.constant 0 : i32
        %dma_start3A_88 = tpu.memref_slice %arg2[%add3A_86, %dma_start3A_87, %mul3A_2] : memref<200x4x4096xf32, #tpu.memory_space<hbm>> -> memref<1x4x128xf32, #tpu.memory_space<hbm>>
        %dma_start3A_89 = tpu.memref_squeeze %dma_start3A_88 : memref<1x4x128xf32, #tpu.memory_space<hbm>> -> memref<4x128xf32, #tpu.memory_space<hbm>>
        %dma_start3A_90 = arith.constant 0 : i32
        %dma_start3A_91 = tpu.memref_slice %arg2[%add3A_86, %dma_start3A_90, %mul3A_2] : memref<200x4x4096xf32, #tpu.memory_space<hbm>> -> memref<1x4x128xf32, #tpu.memory_space<hbm>>
        %dma_start3A_92 = tpu.memref_squeeze %dma_start3A_91 : memref<1x4x128xf32, #tpu.memory_space<hbm>> -> memref<4x128xf32, #tpu.memory_space<hbm>>
        tpu.enqueue_dma source(%dma_start3A_92 : memref<4x128xf32, #tpu.memory_space<hbm>>) target(%arg6 : memref<4x128xf32, #tpu.memory_space<vmem>>) target_semaphore(%arg10 : memref<!tpu.dma_semaphore, #tpu.memory_space<semaphore_mem>>)
      } else {
      }
      %ge3A_71 = arith.constant 2 : i32
      %ge3A_72 = arith.cmpi sge, %add3A_57, %ge3A_71 : i32
      %convert_element_type3A_73 = arith.extui %ge3A_72 : i1 to i32
      %cond3A_74 = arith.constant 0 : i32
      %cond3A_75 = arith.cmpi ne, %convert_element_type3A_73, %cond3A_74 : i32
      scf.if %cond3A_75 {
        %sub3A = arith.constant 2 : i32
        %sub3A_85 = arith.subi %add3A_57, %sub3A : i32
        %dma_wait3A_86 = arith.constant 0 : i32
        %dma_wait3A_87 = tpu.memref_slice %arg4[%sub3A_85, %dma_wait3A_86, %mul3A_2] : memref<200x64x4096xf32, #tpu.memory_space<hbm>> -> memref<1x64x128xf32, #tpu.memory_space<hbm>>
        %dma_wait3A_88 = tpu.memref_squeeze %dma_wait3A_87 : memref<1x64x128xf32, #tpu.memory_space<hbm>> -> memref<64x128xf32, #tpu.memory_space<hbm>>
        %dma_wait3A_89 = arith.constant 0 : i32
        %dma_wait3A_90 = tpu.memref_slice %arg4[%sub3A_85, %dma_wait3A_89, %mul3A_2] : memref<200x64x4096xf32, #tpu.memory_space<hbm>> -> memref<1x64x128xf32, #tpu.memory_space<hbm>>
        %dma_wait3A_91 = tpu.memref_squeeze %dma_wait3A_90 : memref<1x64x128xf32, #tpu.memory_space<hbm>> -> memref<64x128xf32, #tpu.memory_space<hbm>>
        tpu.wait_dma2 semaphore(%arg13 : memref<!tpu.dma_semaphore, #tpu.memory_space<semaphore_mem>>) src(%arg9 : memref<64x128xf32, #tpu.memory_space<vmem>>) dst(%dma_wait3A_91 : memref<64x128xf32, #tpu.memory_space<hbm>>)
      } else {
      }
      %parallel_loop3A_76 = arith.constant 0 : i32
      %parallel_loop3A_77 = arith.constant 8 : i32
      %parallel_loop3A_78 = arith.constant 1 : i32
      scf.for %parallel_loop3A_85 = %parallel_loop3A_76 to %parallel_loop3A_77 step %parallel_loop3A_78  : i32 {
        %parallel_loop3A_86 = arith.constant 16 : i32
        %parallel_loop3A_87 = arith.muli %parallel_loop3A_86, %parallel_loop3A_85 : i32
        %parallel_loop3A_88 = arith.constant 0 : i32
        %parallel_loop3A_89 = arith.index_cast %parallel_loop3A_88 : i32 to index
        %parallel_loop3A_90 = arith.index_cast %parallel_loop3A_87 : i32 to index
        %parallel_loop3A_91 = tpu.vector_load %arg7[%parallel_loop3A_89, %parallel_loop3A_90] {strides = array<i32>} : memref<4x128xf32, #tpu.memory_space<vmem>>, vector<16xf32>,
        %parallel_loop3A_92 = arith.constant 16 : i32
        %parallel_loop3A_93 = arith.muli %parallel_loop3A_92, %parallel_loop3A_85 : i32
        %parallel_loop3A_94 = arith.constant 1 : i32
        %parallel_loop3A_95 = arith.index_cast %parallel_loop3A_94 : i32 to index
        %parallel_loop3A_96 = arith.index_cast %parallel_loop3A_93 : i32 to index
        %parallel_loop3A_97 = tpu.vector_load %arg7[%parallel_loop3A_95, %parallel_loop3A_96] {strides = array<i32>} : memref<4x128xf32, #tpu.memory_space<vmem>>, vector<16xf32>,
        %parallel_loop3A_98 = arith.constant 16 : i32
        %parallel_loop3A_99 = arith.muli %parallel_loop3A_98, %parallel_loop3A_85 : i32
        %parallel_loop3A_100 = arith.constant 2 : i32
        %parallel_loop3A_101 = arith.index_cast %parallel_loop3A_100 : i32 to index
        %parallel_loop3A_102 = arith.index_cast %parallel_loop3A_99 : i32 to index
        %parallel_loop3A_103 = tpu.vector_load %arg7[%parallel_loop3A_101, %parallel_loop3A_102] {strides = array<i32>} : memref<4x128xf32, #tpu.memory_space<vmem>>, vector<16xf32>,
        %parallel_loop3A_104 = arith.constant 16 : i32
        %parallel_loop3A_105 = arith.muli %parallel_loop3A_104, %parallel_loop3A_85 : i32
        %parallel_loop3A_106 = arith.constant 3 : i32
        %parallel_loop3A_107 = arith.index_cast %parallel_loop3A_106 : i32 to index
        %parallel_loop3A_108 = arith.index_cast %parallel_loop3A_105 : i32 to index
        %parallel_loop3A_109 = tpu.vector_load %arg7[%parallel_loop3A_107, %parallel_loop3A_108] {strides = array<i32>} : memref<4x128xf32, #tpu.memory_space<vmem>>, vector<16xf32>,
        %parallel_loop3A_110 = arith.constant 5.000000e-01 : f32
        %parallel_loop3A_111 = vector.broadcast %parallel_loop3A_110 : f32 to vector<16xf32>
        %parallel_loop3A_112 = arith.addf %parallel_loop3A_91, %parallel_loop3A_111 : vector<16xf32>
        %parallel_loop3A_113 = arith.constant 2.880000e+02 : f32
        %parallel_loop3A_114 = vector.broadcast %parallel_loop3A_113 : f32 to vector<16xf32>
        %parallel_loop3A_115 = arith.mulf %parallel_loop3A_112, %parallel_loop3A_114 : vector<16xf32>
        %parallel_loop3A_116 = arith.fptosi %parallel_loop3A_115 : vector<16xf32> to vector<16xi32>
        %parallel_loop3A_117 = arith.constant 33 : i32
        %parallel_loop3A_118 = vector.broadcast %parallel_loop3A_117 : i32 to vector<16xi32>
        %parallel_loop3A_119 = arith.muli %parallel_loop3A_116, %parallel_loop3A_118 : vector<16xi32>
        %parallel_loop3A_120 = arith.constant 5.000000e-01 : f32
        %parallel_loop3A_121 = vector.broadcast %parallel_loop3A_120 : f32 to vector<16xf32>
        %parallel_loop3A_122 = arith.addf %parallel_loop3A_97, %parallel_loop3A_121 : vector<16xf32>
        %parallel_loop3A_123 = arith.constant 7.000000e+00 : f32
        %parallel_loop3A_124 = vector.broadcast %parallel_loop3A_123 : f32 to vector<16xf32>
        %parallel_loop3A_125 = arith.mulf %parallel_loop3A_122, %parallel_loop3A_124 : vector<16xf32>
        %parallel_loop3A_126 = arith.fptosi %parallel_loop3A_125 : vector<16xf32> to vector<16xi32>
        %parallel_loop3A_127 = arith.constant 5.000000e-01 : f32
        %parallel_loop3A_128 = vector.broadcast %parallel_loop3A_127 : f32 to vector<16xf32>
        %parallel_loop3A_129 = arith.addf %parallel_loop3A_103, %parallel_loop3A_128 : vector<16xf32>
        %parallel_loop3A_130 = arith.constant 3.100000e+01 : f32
        %parallel_loop3A_131 = vector.broadcast %parallel_loop3A_130 : f32 to vector<16xf32>
        %parallel_loop3A_132 = arith.mulf %parallel_loop3A_129, %parallel_loop3A_131 : vector<16xf32>
        %parallel_loop3A_133 = arith.fptosi %parallel_loop3A_132 : vector<16xf32> to vector<16xi32>
        %parallel_loop3A_134 = arith.constant 1023 : i32
        %parallel_loop3A_135 = vector.broadcast %parallel_loop3A_134 : i32 to vector<16xi32>
        %parallel_loop3A_136 = arith.muli %parallel_loop3A_126, %parallel_loop3A_135 : vector<16xi32>
        %parallel_loop3A_137 = arith.constant 33 : i32
        %parallel_loop3A_138 = vector.broadcast %parallel_loop3A_137 : i32 to vector<16xi32>
        %parallel_loop3A_139 = arith.muli %parallel_loop3A_133, %parallel_loop3A_138 : vector<16xi32>
        %parallel_loop3A_140 = arith.addi %parallel_loop3A_136, %parallel_loop3A_139 : vector<16xi32>
        %parallel_loop3A_141 = arith.constant 9504 : i32
        %parallel_loop3A_142 = vector.broadcast %parallel_loop3A_141 : i32 to vector<16xi32>
        %parallel_loop3A_143 = arith.addi %parallel_loop3A_140, %parallel_loop3A_142 : vector<16xi32>
        %parallel_loop3A_144 = arith.constant 5.000000e-01 : f32
        %parallel_loop3A_145 = vector.broadcast %parallel_loop3A_144 : f32 to vector<16xf32>
        %parallel_loop3A_146 = arith.addf %parallel_loop3A_109, %parallel_loop3A_145 : vector<16xf32>
        %parallel_loop3A_147 = arith.constant 3.660000e+02 : f32
        %parallel_loop3A_148 = vector.broadcast %parallel_loop3A_147 : f32 to vector<16xf32>
        %parallel_loop3A_149 = arith.mulf %parallel_loop3A_146, %parallel_loop3A_148 : vector<16xf32>
        %parallel_loop3A_150 = arith.fptosi %parallel_loop3A_149 : vector<16xf32> to vector<16xi32>
        %parallel_loop3A_151 = arith.constant 33 : i32
        %parallel_loop3A_152 = vector.broadcast %parallel_loop3A_151 : i32 to vector<16xi32>
        %parallel_loop3A_153 = arith.muli %parallel_loop3A_150, %parallel_loop3A_152 : vector<16xi32>
        %parallel_loop3A_154 = arith.constant 16665 : i32
        %parallel_loop3A_155 = vector.broadcast %parallel_loop3A_154 : i32 to vector<16xi32>
        %parallel_loop3A_156 = arith.addi %parallel_loop3A_153, %parallel_loop3A_155 : vector<16xi32>
        %parallel_loop3A_157 = arith.constant 0 : i32
        %parallel_loop3A_158 = vector.broadcast %parallel_loop3A_157 : i32 to vector<16xi32>
        %parallel_loop3A_159 = arith.addi %parallel_loop3A_119, %parallel_loop3A_158 : vector<16xi32>
        %parallel_loop3A_160 = tpu.vector_load_idx %arg5[%parallel_loop3A_159] : memref<28743xi32, #tpu.memory_space<vmem>>[vector<16xi32>], vector<16xi32>,
        %parallel_loop3A_161 = arith.constant 0 : i32
        %parallel_loop3A_162 = vector.broadcast %parallel_loop3A_161 : i32 to vector<16xi32>
        %parallel_loop3A_163 = arith.addi %parallel_loop3A_143, %parallel_loop3A_162 : vector<16xi32>
        %parallel_loop3A_164 = tpu.vector_load_idx %arg5[%parallel_loop3A_163] : memref<28743xi32, #tpu.memory_space<vmem>>[vector<16xi32>], vector<16xi32>,
        %parallel_loop3A_165 = arith.constant 0 : i32
        %parallel_loop3A_166 = vector.broadcast %parallel_loop3A_165 : i32 to vector<16xi32>
        %parallel_loop3A_167 = arith.addi %parallel_loop3A_156, %parallel_loop3A_166 : vector<16xi32>
        %parallel_loop3A_168 = tpu.vector_load_idx %arg5[%parallel_loop3A_167] : memref<28743xi32, #tpu.memory_space<vmem>>[vector<16xi32>], vector<16xi32>,
        %parallel_loop3A_169 = vector.bitcast %parallel_loop3A_160 : vector<16xi32> to vector<32xbf16>
        %parallel_loop3A_170 = tpu.unpack_subelements %parallel_loop3A_169, 0 {pack_format = #tpu.pack_format<interleaved>} : vector<32xbf16> -> vector<16xf32>
        %parallel_loop3A_171 = tpu.unpack_subelements %parallel_loop3A_169, 1 {pack_format = #tpu.pack_format<interleaved>} : vector<32xbf16> -> vector<16xf32>
        %parallel_loop3A_172 = vector.bitcast %parallel_loop3A_164 : vector<16xi32> to vector<32xbf16>
        %parallel_loop3A_173 = tpu.unpack_subelements %parallel_loop3A_172, 0 {pack_format = #tpu.pack_format<interleaved>} : vector<32xbf16> -> vector<16xf32>
        %parallel_loop3A_174 = tpu.unpack_subelements %parallel_loop3A_172, 1 {pack_format = #tpu.pack_format<interleaved>} : vector<32xbf16> -> vector<16xf32>
        %parallel_loop3A_175 = vector.bitcast %parallel_loop3A_168 : vector<16xi32> to vector<32xbf16>
        %parallel_loop3A_176 = tpu.unpack_subelements %parallel_loop3A_175, 0 {pack_format = #tpu.pack_format<interleaved>} : vector<32xbf16> -> vector<16xf32>
        %parallel_loop3A_177 = tpu.unpack_subelements %parallel_loop3A_175, 1 {pack_format = #tpu.pack_format<interleaved>} : vector<32xbf16> -> vector<16xf32>
        %parallel_loop3A_178 = arith.addf %parallel_loop3A_170, %parallel_loop3A_173 : vector<16xf32>
        %parallel_loop3A_179 = arith.addf %parallel_loop3A_178, %parallel_loop3A_176 : vector<16xf32>
        %parallel_loop3A_180 = arith.constant 16 : i32
        %parallel_loop3A_181 = arith.muli %parallel_loop3A_180, %parallel_loop3A_85 : i32
        %parallel_loop3A_182 = arith.constant 0 : i32
        %parallel_loop3A_183 = arith.index_cast %parallel_loop3A_182 : i32 to index
        %parallel_loop3A_184 = arith.index_cast %parallel_loop3A_181 : i32 to index
        %parallel_loop3A_185 = tpu.vector_load %arg9[%parallel_loop3A_183, %parallel_loop3A_184] {strides = array<i32>} : memref<64x128xf32, #tpu.memory_space<vmem>>, vector<16xf32>,
        tpu.vector_store %arg9[%parallel_loop3A_183, %parallel_loop3A_184], %parallel_loop3A_179 {strides = array<i32>} : memref<64x128xf32, #tpu.memory_space<vmem>>, vector<16xf32>,
        %parallel_loop3A_186 = arith.addf %parallel_loop3A_171, %parallel_loop3A_174 : vector<16xf32>
        %parallel_loop3A_187 = arith.addf %parallel_loop3A_186, %parallel_loop3A_177 : vector<16xf32>
        %parallel_loop3A_188 = arith.constant 16 : i32
        %parallel_loop3A_189 = arith.muli %parallel_loop3A_188, %parallel_loop3A_85 : i32
        %parallel_loop3A_190 = arith.constant 1 : i32
        %parallel_loop3A_191 = arith.index_cast %parallel_loop3A_190 : i32 to index
        %parallel_loop3A_192 = arith.index_cast %parallel_loop3A_189 : i32 to index
        %parallel_loop3A_193 = tpu.vector_load %arg9[%parallel_loop3A_191, %parallel_loop3A_192] {strides = array<i32>} : memref<64x128xf32, #tpu.memory_space<vmem>>, vector<16xf32>,
        tpu.vector_store %arg9[%parallel_loop3A_191, %parallel_loop3A_192], %parallel_loop3A_187 {strides = array<i32>} : memref<64x128xf32, #tpu.memory_space<vmem>>, vector<16xf32>,
        %parallel_loop3A_194 = arith.constant 1 : i32
        %parallel_loop3A_195 = vector.broadcast %parallel_loop3A_194 : i32 to vector<16xi32>
        %parallel_loop3A_196 = arith.addi %parallel_loop3A_119, %parallel_loop3A_195 : vector<16xi32>
        %parallel_loop3A_197 = tpu.vector_load_idx %arg5[%parallel_loop3A_196] : memref<28743xi32, #tpu.memory_space<vmem>>[vector<16xi32>], vector<16xi32>,
        %parallel_loop3A_198 = arith.constant 1 : i32
        %parallel_loop3A_199 = vector.broadcast %parallel_loop3A_198 : i32 to vector<16xi32>
        %parallel_loop3A_200 = arith.addi %parallel_loop3A_143, %parallel_loop3A_199 : vector<16xi32>
        %parallel_loop3A_201 = tpu.vector_load_idx %arg5[%parallel_loop3A_200] : memref<28743xi32, #tpu.memory_space<vmem>>[vector<16xi32>], vector<16xi32>,
        %parallel_loop3A_202 = arith.constant 1 : i32
        %parallel_loop3A_203 = vector.broadcast %parallel_loop3A_202 : i32 to vector<16xi32>
        %parallel_loop3A_204 = arith.addi %parallel_loop3A_156, %parallel_loop3A_203 : vector<16xi32>
        %parallel_loop3A_205 = tpu.vector_load_idx %arg5[%parallel_loop3A_204] : memref<28743xi32, #tpu.memory_space<vmem>>[vector<16xi32>], vector<16xi32>,
        %parallel_loop3A_206 = vector.bitcast %parallel_loop3A_197 : vector<16xi32> to vector<32xbf16>
        %parallel_loop3A_207 = tpu.unpack_subelements %parallel_loop3A_206, 0 {pack_format = #tpu.pack_format<interleaved>} : vector<32xbf16> -> vector<16xf32>
        %parallel_loop3A_208 = tpu.unpack_subelements %parallel_loop3A_206, 1 {pack_format = #tpu.pack_format<interleaved>} : vector<32xbf16> -> vector<16xf32>
        %parallel_loop3A_209 = vector.bitcast %parallel_loop3A_201 : vector<16xi32> to vector<32xbf16>
        %parallel_loop3A_210 = tpu.unpack_subelements %parallel_loop3A_209, 0 {pack_format = #tpu.pack_format<interleaved>} : vector<32xbf16> -> vector<16xf32>
        %parallel_loop3A_211 = tpu.unpack_subelements %parallel_loop3A_209, 1 {pack_format = #tpu.pack_format<interleaved>} : vector<32xbf16> -> vector<16xf32>
        %parallel_loop3A_212 = vector.bitcast %parallel_loop3A_205 : vector<16xi32> to vector<32xbf16>
        %parallel_loop3A_213 = tpu.unpack_subelements %parallel_loop3A_212, 0 {pack_format = #tpu.pack_format<interleaved>} : vector<32xbf16> -> vector<16xf32>
        %parallel_loop3A_214 = tpu.unpack_subelements %parallel_loop3A_212, 1 {pack_format = #tpu.pack_format<interleaved>} : vector<32xbf16> -> vector<16xf32>
        %parallel_loop3A_215 = arith.addf %parallel_loop3A_207, %parallel_loop3A_210 : vector<16xf32>
        %parallel_loop3A_216 = arith.addf %parallel_loop3A_215, %parallel_loop3A_213 : vector<16xf32>
        %parallel_loop3A_217 = arith.constant 16 : i32
        %parallel_loop3A_218 = arith.muli %parallel_loop3A_217, %parallel_loop3A_85 : i32
        %parallel_loop3A_219 = arith.constant 2 : i32
        %parallel_loop3A_220 = arith.index_cast %parallel_loop3A_219 : i32 to index
        %parallel_loop3A_221 = arith.index_cast %parallel_loop3A_218 : i32 to index
        %parallel_loop3A_222 = tpu.vector_load %arg9[%parallel_loop3A_220, %parallel_loop3A_221] {strides = array<i32>} : memref<64x128xf32, #tpu.memory_space<vmem>>, vector<16xf32>,
        tpu.vector_store %arg9[%parallel_loop3A_220, %parallel_loop3A_221], %parallel_loop3A_216 {strides = array<i32>} : memref<64x128xf32, #tpu.memory_space<vmem>>, vector<16xf32>,
        %parallel_loop3A_223 = arith.addf %parallel_loop3A_208, %parallel_loop3A_211 : vector<16xf32>
        %parallel_loop3A_224 = arith.addf %parallel_loop3A_223, %parallel_loop3A_214 : vector<16xf32>
        %parallel_loop3A_225 = arith.constant 16 : i32
        %parallel_loop3A_226 = arith.muli %parallel_loop3A_225, %parallel_loop3A_85 : i32
        %parallel_loop3A_227 = arith.constant 3 : i32
        %parallel_loop3A_228 = arith.index_cast %parallel_loop3A_227 : i32 to index
        %parallel_loop3A_229 = arith.index_cast %parallel_loop3A_226 : i32 to index
        %parallel_loop3A_230 = tpu.vector_load %arg9[%parallel_loop3A_228, %parallel_loop3A_229] {strides = array<i32>} : memref<64x128xf32, #tpu.memory_space<vmem>>, vector<16xf32>,
        tpu.vector_store %arg9[%parallel_loop3A_228, %parallel_loop3A_229], %parallel_loop3A_224 {strides = array<i32>} : memref<64x128xf32, #tpu.memory_space<vmem>>, vector<16xf32>,
        %parallel_loop3A_231 = arith.constant 2 : i32
        %parallel_loop3A_232 = vector.broadcast %parallel_loop3A_231 : i32 to vector<16xi32>
        %parallel_loop3A_233 = arith.addi %parallel_loop3A_119, %parallel_loop3A_232 : vector<16xi32>
        %parallel_loop3A_234 = tpu.vector_load_idx %arg5[%parallel_loop3A_233] : memref<28743xi32, #tpu.memory_space<vmem>>[vector<16xi32>], vector<16xi32>,
        %parallel_loop3A_235 = arith.constant 2 : i32
        %parallel_loop3A_236 = vector.broadcast %parallel_loop3A_235 : i32 to vector<16xi32>
        %parallel_loop3A_237 = arith.addi %parallel_loop3A_143, %parallel_loop3A_236 : vector<16xi32>
        %parallel_loop3A_238 = tpu.vector_load_idx %arg5[%parallel_loop3A_237] : memref<28743xi32, #tpu.memory_space<vmem>>[vector<16xi32>], vector<16xi32>,
        %parallel_loop3A_239 = arith.constant 2 : i32
        %parallel_loop3A_240 = vector.broadcast %parallel_loop3A_239 : i32 to vector<16xi32>
        %parallel_loop3A_241 = arith.addi %parallel_loop3A_156, %parallel_loop3A_240 : vector<16xi32>
        %parallel_loop3A_242 = tpu.vector_load_idx %arg5[%parallel_loop3A_241] : memref<28743xi32, #tpu.memory_space<vmem>>[vector<16xi32>], vector<16xi32>,
        %parallel_loop3A_243 = vector.bitcast %parallel_loop3A_234 : vector<16xi32> to vector<32xbf16>
        %parallel_loop3A_244 = tpu.unpack_subelements %parallel_loop3A_243, 0 {pack_format = #tpu.pack_format<interleaved>} : vector<32xbf16> -> vector<16xf32>
        %parallel_loop3A_245 = tpu.unpack_subelements %parallel_loop3A_243, 1 {pack_format = #tpu.pack_format<interleaved>} : vector<32xbf16> -> vector<16xf32>
        %parallel_loop3A_246 = vector.bitcast %parallel_loop3A_238 : vector<16xi32> to vector<32xbf16>
        %parallel_loop3A_247 = tpu.unpack_subelements %parallel_loop3A_246, 0 {pack_format = #tpu.pack_format<interleaved>} : vector<32xbf16> -> vector<16xf32>
        %parallel_loop3A_248 = tpu.unpack_subelements %parallel_loop3A_246, 1 {pack_format = #tpu.pack_format<interleaved>} : vector<32xbf16> -> vector<16xf32>
        %parallel_loop3A_249 = vector.bitcast %parallel_loop3A_242 : vector<16xi32> to vector<32xbf16>
        %parallel_loop3A_250 = tpu.unpack_subelements %parallel_loop3A_249, 0 {pack_format = #tpu.pack_format<interleaved>} : vector<32xbf16> -> vector<16xf32>
        %parallel_loop3A_251 = tpu.unpack_subelements %parallel_loop3A_249, 1 {pack_format = #tpu.pack_format<interleaved>} : vector<32xbf16> -> vector<16xf32>
        %parallel_loop3A_252 = arith.addf %parallel_loop3A_244, %parallel_loop3A_247 : vector<16xf32>
        %parallel_loop3A_253 = arith.addf %parallel_loop3A_252, %parallel_loop3A_250 : vector<16xf32>
        %parallel_loop3A_254 = arith.constant 16 : i32
        %parallel_loop3A_255 = arith.muli %parallel_loop3A_254, %parallel_loop3A_85 : i32
        %parallel_loop3A_256 = arith.constant 4 : i32
        %parallel_loop3A_257 = arith.index_cast %parallel_loop3A_256 : i32 to index
        %parallel_loop3A_258 = arith.index_cast %parallel_loop3A_255 : i32 to index
        %parallel_loop3A_259 = tpu.vector_load %arg9[%parallel_loop3A_257, %parallel_loop3A_258] {strides = array<i32>} : memref<64x128xf32, #tpu.memory_space<vmem>>, vector<16xf32>,
        tpu.vector_store %arg9[%parallel_loop3A_257, %parallel_loop3A_258], %parallel_loop3A_253 {strides = array<i32>} : memref<64x128xf32, #tpu.memory_space<vmem>>, vector<16xf32>,
        %parallel_loop3A_260 = arith.addf %parallel_loop3A_245, %parallel_loop3A_248 : vector<16xf32>
        %parallel_loop3A_261 = arith.addf %parallel_loop3A_260, %parallel_loop3A_251 : vector<16xf32>
        %parallel_loop3A_262 = arith.constant 16 : i32
        %parallel_loop3A_263 = arith.muli %parallel_loop3A_262, %parallel_loop3A_85 : i32
        %parallel_loop3A_264 = arith.constant 5 : i32
        %parallel_loop3A_265 = arith.index_cast %parallel_loop3A_264 : i32 to index
        %parallel_loop3A_266 = arith.index_cast %parallel_loop3A_263 : i32 to index
        %parallel_loop3A_267 = tpu.vector_load %arg9[%parallel_loop3A_265, %parallel_loop3A_266] {strides = array<i32>} : memref<64x128xf32, #tpu.memory_space<vmem>>, vector<16xf32>,
        tpu.vector_store %arg9[%parallel_loop3A_265, %parallel_loop3A_266], %parallel_loop3A_261 {strides = array<i32>} : memref<64x128xf32, #tpu.memory_space<vmem>>, vector<16xf32>,
        %parallel_loop3A_268 = arith.constant 3 : i32
        %parallel_loop3A_269 = vector.broadcast %parallel_loop3A_268 : i32 to vector<16xi32>
        %parallel_loop3A_270 = arith.addi %parallel_loop3A_119, %parallel_loop3A_269 : vector<16xi32>
        %parallel_loop3A_271 = tpu.vector_load_idx %arg5[%parallel_loop3A_270] : memref<28743xi32, #tpu.memory_space<vmem>>[vector<16xi32>], vector<16xi32>,
        %parallel_loop3A_272 = arith.constant 3 : i32
        %parallel_loop3A_273 = vector.broadcast %parallel_loop3A_272 : i32 to vector<16xi32>
        %parallel_loop3A_274 = arith.addi %parallel_loop3A_143, %parallel_loop3A_273 : vector<16xi32>
        %parallel_loop3A_275 = tpu.vector_load_idx %arg5[%parallel_loop3A_274] : memref<28743xi32, #tpu.memory_space<vmem>>[vector<16xi32>], vector<16xi32>,
        %parallel_loop3A_276 = arith.constant 3 : i32
        %parallel_loop3A_277 = vector.broadcast %parallel_loop3A_276 : i32 to vector<16xi32>
        %parallel_loop3A_278 = arith.addi %parallel_loop3A_156, %parallel_loop3A_277 : vector<16xi32>
        %parallel_loop3A_279 = tpu.vector_load_idx %arg5[%parallel_loop3A_278] : memref<28743xi32, #tpu.memory_space<vmem>>[vector<16xi32>], vector<16xi32>,
        %parallel_loop3A_280 = vector.bitcast %parallel_loop3A_271 : vector<16xi32> to vector<32xbf16>
        %parallel_loop3A_281 = tpu.unpack_subelements %parallel_loop3A_280, 0 {pack_format = #tpu.pack_format<interleaved>} : vector<32xbf16> -> vector<16xf32>
        %parallel_loop3A_282 = tpu.unpack_subelements %parallel_loop3A_280, 1 {pack_format = #tpu.pack_format<interleaved>} : vector<32xbf16> -> vector<16xf32>
        %parallel_loop3A_283 = vector.bitcast %parallel_loop3A_275 : vector<16xi32> to vector<32xbf16>
        %parallel_loop3A_284 = tpu.unpack_subelements %parallel_loop3A_283, 0 {pack_format = #tpu.pack_format<interleaved>} : vector<32xbf16> -> vector<16xf32>
        %parallel_loop3A_285 = tpu.unpack_subelements %parallel_loop3A_283, 1 {pack_format = #tpu.pack_format<interleaved>} : vector<32xbf16> -> vector<16xf32>
        %parallel_loop3A_286 = vector.bitcast %parallel_loop3A_279 : vector<16xi32> to vector<32xbf16>
        %parallel_loop3A_287 = tpu.unpack_subelements %parallel_loop3A_286, 0 {pack_format = #tpu.pack_format<interleaved>} : vector<32xbf16> -> vector<16xf32>
        %parallel_loop3A_288 = tpu.unpack_subelements %parallel_loop3A_286, 1 {pack_format = #tpu.pack_format<interleaved>} : vector<32xbf16> -> vector<16xf32>
        %parallel_loop3A_289 = arith.addf %parallel_loop3A_281, %parallel_loop3A_284 : vector<16xf32>
        %parallel_loop3A_290 = arith.addf %parallel_loop3A_289, %parallel_loop3A_287 : vector<16xf32>
        %parallel_loop3A_291 = arith.constant 16 : i32
        %parallel_loop3A_292 = arith.muli %parallel_loop3A_291, %parallel_loop3A_85 : i32
        %parallel_loop3A_293 = arith.constant 6 : i32
        %parallel_loop3A_294 = arith.index_cast %parallel_loop3A_293 : i32 to index
        %parallel_loop3A_295 = arith.index_cast %parallel_loop3A_292 : i32 to index
        %parallel_loop3A_296 = tpu.vector_load %arg9[%parallel_loop3A_294, %parallel_loop3A_295] {strides = array<i32>} : memref<64x128xf32, #tpu.memory_space<vmem>>, vector<16xf32>,
        tpu.vector_store %arg9[%parallel_loop3A_294, %parallel_loop3A_295], %parallel_loop3A_290 {strides = array<i32>} : memref<64x128xf32, #tpu.memory_space<vmem>>, vector<16xf32>,
        %parallel_loop3A_297 = arith.addf %parallel_loop3A_282, %parallel_loop3A_285 : vector<16xf32>
        %parallel_loop3A_298 = arith.addf %parallel_loop3A_297, %parallel_loop3A_288 : vector<16xf32>
        %parallel_loop3A_299 = arith.constant 16 : i32
        %parallel_loop3A_300 = arith.muli %parallel_loop3A_299, %parallel_loop3A_85 : i32
        %parallel_loop3A_301 = arith.constant 7 : i32
        %parallel_loop3A_302 = arith.index_cast %parallel_loop3A_301 : i32 to index
        %parallel_loop3A_303 = arith.index_cast %parallel_loop3A_300 : i32 to index
        %parallel_loop3A_304 = tpu.vector_load %arg9[%parallel_loop3A_302, %parallel_loop3A_303] {strides = array<i32>} : memref<64x128xf32, #tpu.memory_space<vmem>>, vector<16xf32>,
        tpu.vector_store %arg9[%parallel_loop3A_302, %parallel_loop3A_303], %parallel_loop3A_298 {strides = array<i32>} : memref<64x128xf32, #tpu.memory_space<vmem>>, vector<16xf32>,
        %parallel_loop3A_305 = arith.constant 4 : i32
        %parallel_loop3A_306 = vector.broadcast %parallel_loop3A_305 : i32 to vector<16xi32>
        %parallel_loop3A_307 = arith.addi %parallel_loop3A_119, %parallel_loop3A_306 : vector<16xi32>
        %parallel_loop3A_308 = tpu.vector_load_idx %arg5[%parallel_loop3A_307] : memref<28743xi32, #tpu.memory_space<vmem>>[vector<16xi32>], vector<16xi32>,
        %parallel_loop3A_309 = arith.constant 4 : i32
        %parallel_loop3A_310 = vector.broadcast %parallel_loop3A_309 : i32 to vector<16xi32>
        %parallel_loop3A_311 = arith.addi %parallel_loop3A_143, %parallel_loop3A_310 : vector<16xi32>
        %parallel_loop3A_312 = tpu.vector_load_idx %arg5[%parallel_loop3A_311] : memref<28743xi32, #tpu.memory_space<vmem>>[vector<16xi32>], vector<16xi32>,
        %parallel_loop3A_313 = arith.constant 4 : i32
        %parallel_loop3A_314 = vector.broadcast %parallel_loop3A_313 : i32 to vector<16xi32>
        %parallel_loop3A_315 = arith.addi %parallel_loop3A_156, %parallel_loop3A_314 : vector<16xi32>
        %parallel_loop3A_316 = tpu.vector_load_idx %arg5[%parallel_loop3A_315] : memref<28743xi32, #tpu.memory_space<vmem>>[vector<16xi32>], vector<16xi32>,
        %parallel_loop3A_317 = vector.bitcast %parallel_loop3A_308 : vector<16xi32> to vector<32xbf16>
        %parallel_loop3A_318 = tpu.unpack_subelements %parallel_loop3A_317, 0 {pack_format = #tpu.pack_format<interleaved>} : vector<32xbf16> -> vector<16xf32>
        %parallel_loop3A_319 = tpu.unpack_subelements %parallel_loop3A_317, 1 {pack_format = #tpu.pack_format<interleaved>} : vector<32xbf16> -> vector<16xf32>
        %parallel_loop3A_320 = vector.bitcast %parallel_loop3A_312 : vector<16xi32> to vector<32xbf16>
        %parallel_loop3A_321 = tpu.unpack_subelements %parallel_loop3A_320, 0 {pack_format = #tpu.pack_format<interleaved>} : vector<32xbf16> -> vector<16xf32>
        %parallel_loop3A_322 = tpu.unpack_subelements %parallel_loop3A_320, 1 {pack_format = #tpu.pack_format<interleaved>} : vector<32xbf16> -> vector<16xf32>
        %parallel_loop3A_323 = vector.bitcast %parallel_loop3A_316 : vector<16xi32> to vector<32xbf16>
        %parallel_loop3A_324 = tpu.unpack_subelements %parallel_loop3A_323, 0 {pack_format = #tpu.pack_format<interleaved>} : vector<32xbf16> -> vector<16xf32>
        %parallel_loop3A_325 = tpu.unpack_subelements %parallel_loop3A_323, 1 {pack_format = #tpu.pack_format<interleaved>} : vector<32xbf16> -> vector<16xf32>
        %parallel_loop3A_326 = arith.addf %parallel_loop3A_318, %parallel_loop3A_321 : vector<16xf32>
        %parallel_loop3A_327 = arith.addf %parallel_loop3A_326, %parallel_loop3A_324 : vector<16xf32>
        %parallel_loop3A_328 = arith.constant 16 : i32
        %parallel_loop3A_329 = arith.muli %parallel_loop3A_328, %parallel_loop3A_85 : i32
        %parallel_loop3A_330 = arith.constant 8 : i32
        %parallel_loop3A_331 = arith.index_cast %parallel_loop3A_330 : i32 to index
        %parallel_loop3A_332 = arith.index_cast %parallel_loop3A_329 : i32 to index
        %parallel_loop3A_333 = tpu.vector_load %arg9[%parallel_loop3A_331, %parallel_loop3A_332] {strides = array<i32>} : memref<64x128xf32, #tpu.memory_space<vmem>>, vector<16xf32>,
        tpu.vector_store %arg9[%parallel_loop3A_331, %parallel_loop3A_332], %parallel_loop3A_327 {strides = array<i32>} : memref<64x128xf32, #tpu.memory_space<vmem>>, vector<16xf32>,
        %parallel_loop3A_334 = arith.addf %parallel_loop3A_319, %parallel_loop3A_322 : vector<16xf32>
        %parallel_loop3A_335 = arith.addf %parallel_loop3A_334, %parallel_loop3A_325 : vector<16xf32>
        %parallel_loop3A_336 = arith.constant 16 : i32
        %parallel_loop3A_337 = arith.muli %parallel_loop3A_336, %parallel_loop3A_85 : i32
        %parallel_loop3A_338 = arith.constant 9 : i32
        %parallel_loop3A_339 = arith.index_cast %parallel_loop3A_338 : i32 to index
        %parallel_loop3A_340 = arith.index_cast %parallel_loop3A_337 : i32 to index
        %parallel_loop3A_341 = tpu.vector_load %arg9[%parallel_loop3A_339, %parallel_loop3A_340] {strides = array<i32>} : memref<64x128xf32, #tpu.memory_space<vmem>>, vector<16xf32>,
        tpu.vector_store %arg9[%parallel_loop3A_339, %parallel_loop3A_340], %parallel_loop3A_335 {strides = array<i32>} : memref<64x128xf32, #tpu.memory_space<vmem>>, vector<16xf32>,
        %parallel_loop3A_342 = arith.constant 5 : i32
        %parallel_loop3A_343 = vector.broadcast %parallel_loop3A_342 : i32 to vector<16xi32>
        %parallel_loop3A_344 = arith.addi %parallel_loop3A_119, %parallel_loop3A_343 : vector<16xi32>
        %parallel_loop3A_345 = tpu.vector_load_idx %arg5[%parallel_loop3A_344] : memref<28743xi32, #tpu.memory_space<vmem>>[vector<16xi32>], vector<16xi32>,
        %parallel_loop3A_346 = arith.constant 5 : i32
        %parallel_loop3A_347 = vector.broadcast %parallel_loop3A_346 : i32 to vector<16xi32>
        %parallel_loop3A_348 = arith.addi %parallel_loop3A_143, %parallel_loop3A_347 : vector<16xi32>
        %parallel_loop3A_349 = tpu.vector_load_idx %arg5[%parallel_loop3A_348] : memref<28743xi32, #tpu.memory_space<vmem>>[vector<16xi32>], vector<16xi32>,
        %parallel_loop3A_350 = arith.constant 5 : i32
        %parallel_loop3A_351 = vector.broadcast %parallel_loop3A_350 : i32 to vector<16xi32>
        %parallel_loop3A_352 = arith.addi %parallel_loop3A_156, %parallel_loop3A_351 : vector<16xi32>
        %parallel_loop3A_353 = tpu.vector_load_idx %arg5[%parallel_loop3A_352] : memref<28743xi32, #tpu.memory_space<vmem>>[vector<16xi32>], vector<16xi32>,
        %parallel_loop3A_354 = vector.bitcast %parallel_loop3A_345 : vector<16xi32> to vector<32xbf16>
        %parallel_loop3A_355 = tpu.unpack_subelements %parallel_loop3A_354, 0 {pack_format = #tpu.pack_format<interleaved>} : vector<32xbf16> -> vector<16xf32>
        %parallel_loop3A_356 = tpu.unpack_subelements %parallel_loop3A_354, 1 {pack_format = #tpu.pack_format<interleaved>} : vector<32xbf16> -> vector<16xf32>
        %parallel_loop3A_357 = vector.bitcast %parallel_loop3A_349 : vector<16xi32> to vector<32xbf16>
        %parallel_loop3A_358 = tpu.unpack_subelements %parallel_loop3A_357, 0 {pack_format = #tpu.pack_format<interleaved>} : vector<32xbf16> -> vector<16xf32>
        %parallel_loop3A_359 = tpu.unpack_subelements %parallel_loop3A_357, 1 {pack_format = #tpu.pack_format<interleaved>} : vector<32xbf16> -> vector<16xf32>
        %parallel_loop3A_360 = vector.bitcast %parallel_loop3A_353 : vector<16xi32> to vector<32xbf16>
        %parallel_loop3A_361 = tpu.unpack_subelements %parallel_loop3A_360, 0 {pack_format = #tpu.pack_format<interleaved>} : vector<32xbf16> -> vector<16xf32>
        %parallel_loop3A_362 = tpu.unpack_subelements %parallel_loop3A_360, 1 {pack_format = #tpu.pack_format<interleaved>} : vector<32xbf16> -> vector<16xf32>
        %parallel_loop3A_363 = arith.addf %parallel_loop3A_355, %parallel_loop3A_358 : vector<16xf32>
        %parallel_loop3A_364 = arith.addf %parallel_loop3A_363, %parallel_loop3A_361 : vector<16xf32>
        %parallel_loop3A_365 = arith.constant 16 : i32
        %parallel_loop3A_366 = arith.muli %parallel_loop3A_365, %parallel_loop3A_85 : i32
        %parallel_loop3A_367 = arith.constant 10 : i32
        %parallel_loop3A_368 = arith.index_cast %parallel_loop3A_367 : i32 to index
        %parallel_loop3A_369 = arith.index_cast %parallel_loop3A_366 : i32 to index
        %parallel_loop3A_370 = tpu.vector_load %arg9[%parallel_loop3A_368, %parallel_loop3A_369] {strides = array<i32>} : memref<64x128xf32, #tpu.memory_space<vmem>>, vector<16xf32>,
        tpu.vector_store %arg9[%parallel_loop3A_368, %parallel_loop3A_369], %parallel_loop3A_364 {strides = array<i32>} : memref<64x128xf32, #tpu.memory_space<vmem>>, vector<16xf32>,
        %parallel_loop3A_371 = arith.addf %parallel_loop3A_356, %parallel_loop3A_359 : vector<16xf32>
        %parallel_loop3A_372 = arith.addf %parallel_loop3A_371, %parallel_loop3A_362 : vector<16xf32>
        %parallel_loop3A_373 = arith.constant 16 : i32
        %parallel_loop3A_374 = arith.muli %parallel_loop3A_373, %parallel_loop3A_85 : i32
        %parallel_loop3A_375 = arith.constant 11 : i32
        %parallel_loop3A_376 = arith.index_cast %parallel_loop3A_375 : i32 to index
        %parallel_loop3A_377 = arith.index_cast %parallel_loop3A_374 : i32 to index
        %parallel_loop3A_378 = tpu.vector_load %arg9[%parallel_loop3A_376, %parallel_loop3A_377] {strides = array<i32>} : memref<64x128xf32, #tpu.memory_space<vmem>>, vector<16xf32>,
        tpu.vector_store %arg9[%parallel_loop3A_376, %parallel_loop3A_377], %parallel_loop3A_372 {strides = array<i32>} : memref<64x128xf32, #tpu.memory_space<vmem>>, vector<16xf32>,
        %parallel_loop3A_379 = arith.constant 6 : i32
        %parallel_loop3A_380 = vector.broadcast %parallel_loop3A_379 : i32 to vector<16xi32>
        %parallel_loop3A_381 = arith.addi %parallel_loop3A_119, %parallel_loop3A_380 : vector<16xi32>
        %parallel_loop3A_382 = tpu.vector_load_idx %arg5[%parallel_loop3A_381] : memref<28743xi32, #tpu.memory_space<vmem>>[vector<16xi32>], vector<16xi32>,
        %parallel_loop3A_383 = arith.constant 6 : i32
        %parallel_loop3A_384 = vector.broadcast %parallel_loop3A_383 : i32 to vector<16xi32>
        %parallel_loop3A_385 = arith.addi %parallel_loop3A_143, %parallel_loop3A_384 : vector<16xi32>
        %parallel_loop3A_386 = tpu.vector_load_idx %arg5[%parallel_loop3A_385] : memref<28743xi32, #tpu.memory_space<vmem>>[vector<16xi32>], vector<16xi32>,
        %parallel_loop3A_387 = arith.constant 6 : i32
        %parallel_loop3A_388 = vector.broadcast %parallel_loop3A_387 : i32 to vector<16xi32>
        %parallel_loop3A_389 = arith.addi %parallel_loop3A_156, %parallel_loop3A_388 : vector<16xi32>
        %parallel_loop3A_390 = tpu.vector_load_idx %arg5[%parallel_loop3A_389] : memref<28743xi32, #tpu.memory_space<vmem>>[vector<16xi32>], vector<16xi32>,
        %parallel_loop3A_391 = vector.bitcast %parallel_loop3A_382 : vector<16xi32> to vector<32xbf16>
        %parallel_loop3A_392 = tpu.unpack_subelements %parallel_loop3A_391, 0 {pack_format = #tpu.pack_format<interleaved>} : vector<32xbf16> -> vector<16xf32>
        %parallel_loop3A_393 = tpu.unpack_subelements %parallel_loop3A_391, 1 {pack_format = #tpu.pack_format<interleaved>} : vector<32xbf16> -> vector<16xf32>
        %parallel_loop3A_394 = vector.bitcast %parallel_loop3A_386 : vector<16xi32> to vector<32xbf16>
        %parallel_loop3A_395 = tpu.unpack_subelements %parallel_loop3A_394, 0 {pack_format = #tpu.pack_format<interleaved>} : vector<32xbf16> -> vector<16xf32>
        %parallel_loop3A_396 = tpu.unpack_subelements %parallel_loop3A_394, 1 {pack_format = #tpu.pack_format<interleaved>} : vector<32xbf16> -> vector<16xf32>
        %parallel_loop3A_397 = vector.bitcast %parallel_loop3A_390 : vector<16xi32> to vector<32xbf16>
        %parallel_loop3A_398 = tpu.unpack_subelements %parallel_loop3A_397, 0 {pack_format = #tpu.pack_format<interleaved>} : vector<32xbf16> -> vector<16xf32>
        %parallel_loop3A_399 = tpu.unpack_subelements %parallel_loop3A_397, 1 {pack_format = #tpu.pack_format<interleaved>} : vector<32xbf16> -> vector<16xf32>
        %parallel_loop3A_400 = arith.addf %parallel_loop3A_392, %parallel_loop3A_395 : vector<16xf32>
        %parallel_loop3A_401 = arith.addf %parallel_loop3A_400, %parallel_loop3A_398 : vector<16xf32>
        %parallel_loop3A_402 = arith.constant 16 : i32
        %parallel_loop3A_403 = arith.muli %parallel_loop3A_402, %parallel_loop3A_85 : i32
        %parallel_loop3A_404 = arith.constant 12 : i32
        %parallel_loop3A_405 = arith.index_cast %parallel_loop3A_404 : i32 to index
        %parallel_loop3A_406 = arith.index_cast %parallel_loop3A_403 : i32 to index
        %parallel_loop3A_407 = tpu.vector_load %arg9[%parallel_loop3A_405, %parallel_loop3A_406] {strides = array<i32>} : memref<64x128xf32, #tpu.memory_space<vmem>>, vector<16xf32>,
        tpu.vector_store %arg9[%parallel_loop3A_405, %parallel_loop3A_406], %parallel_loop3A_401 {strides = array<i32>} : memref<64x128xf32, #tpu.memory_space<vmem>>, vector<16xf32>,
        %parallel_loop3A_408 = arith.addf %parallel_loop3A_393, %parallel_loop3A_396 : vector<16xf32>
        %parallel_loop3A_409 = arith.addf %parallel_loop3A_408, %parallel_loop3A_399 : vector<16xf32>
        %parallel_loop3A_410 = arith.constant 16 : i32
        %parallel_loop3A_411 = arith.muli %parallel_loop3A_410, %parallel_loop3A_85 : i32
        %parallel_loop3A_412 = arith.constant 13 : i32
        %parallel_loop3A_413 = arith.index_cast %parallel_loop3A_412 : i32 to index
        %parallel_loop3A_414 = arith.index_cast %parallel_loop3A_411 : i32 to index
        %parallel_loop3A_415 = tpu.vector_load %arg9[%parallel_loop3A_413, %parallel_loop3A_414] {strides = array<i32>} : memref<64x128xf32, #tpu.memory_space<vmem>>, vector<16xf32>,
        tpu.vector_store %arg9[%parallel_loop3A_413, %parallel_loop3A_414], %parallel_loop3A_409 {strides = array<i32>} : memref<64x128xf32, #tpu.memory_space<vmem>>, vector<16xf32>,
        %parallel_loop3A_416 = arith.constant 7 : i32
        %parallel_loop3A_417 = vector.broadcast %parallel_loop3A_416 : i32 to vector<16xi32>
        %parallel_loop3A_418 = arith.addi %parallel_loop3A_119, %parallel_loop3A_417 : vector<16xi32>
        %parallel_loop3A_419 = tpu.vector_load_idx %arg5[%parallel_loop3A_418] : memref<28743xi32, #tpu.memory_space<vmem>>[vector<16xi32>], vector<16xi32>,
        %parallel_loop3A_420 = arith.constant 7 : i32
        %parallel_loop3A_421 = vector.broadcast %parallel_loop3A_420 : i32 to vector<16xi32>
        %parallel_loop3A_422 = arith.addi %parallel_loop3A_143, %parallel_loop3A_421 : vector<16xi32>
        %parallel_loop3A_423 = tpu.vector_load_idx %arg5[%parallel_loop3A_422] : memref<28743xi32, #tpu.memory_space<vmem>>[vector<16xi32>], vector<16xi32>,
        %parallel_loop3A_424 = arith.constant 7 : i32
        %parallel_loop3A_425 = vector.broadcast %parallel_loop3A_424 : i32 to vector<16xi32>
        %parallel_loop3A_426 = arith.addi %parallel_loop3A_156, %parallel_loop3A_425 : vector<16xi32>
        %parallel_loop3A_427 = tpu.vector_load_idx %arg5[%parallel_loop3A_426] : memref<28743xi32, #tpu.memory_space<vmem>>[vector<16xi32>], vector<16xi32>,
        %parallel_loop3A_428 = vector.bitcast %parallel_loop3A_419 : vector<16xi32> to vector<32xbf16>
        %parallel_loop3A_429 = tpu.unpack_subelements %parallel_loop3A_428, 0 {pack_format = #tpu.pack_format<interleaved>} : vector<32xbf16> -> vector<16xf32>
        %parallel_loop3A_430 = tpu.unpack_subelements %parallel_loop3A_428, 1 {pack_format = #tpu.pack_format<interleaved>} : vector<32xbf16> -> vector<16xf32>
        %parallel_loop3A_431 = vector.bitcast %parallel_loop3A_423 : vector<16xi32> to vector<32xbf16>
        %parallel_loop3A_432 = tpu.unpack_subelements %parallel_loop3A_431, 0 {pack_format = #tpu.pack_format<interleaved>} : vector<32xbf16> -> vector<16xf32>
        %parallel_loop3A_433 = tpu.unpack_subelements %parallel_loop3A_431, 1 {pack_format = #tpu.pack_format<interleaved>} : vector<32xbf16> -> vector<16xf32>
        %parallel_loop3A_434 = vector.bitcast %parallel_loop3A_427 : vector<16xi32> to vector<32xbf16>
        %parallel_loop3A_435 = tpu.unpack_subelements %parallel_loop3A_434, 0 {pack_format = #tpu.pack_format<interleaved>} : vector<32xbf16> -> vector<16xf32>
        %parallel_loop3A_436 = tpu.unpack_subelements %parallel_loop3A_434, 1 {pack_format = #tpu.pack_format<interleaved>} : vector<32xbf16> -> vector<16xf32>
        %parallel_loop3A_437 = arith.addf %parallel_loop3A_429, %parallel_loop3A_432 : vector<16xf32>
        %parallel_loop3A_438 = arith.addf %parallel_loop3A_437, %parallel_loop3A_435 : vector<16xf32>
        %parallel_loop3A_439 = arith.constant 16 : i32
        %parallel_loop3A_440 = arith.muli %parallel_loop3A_439, %parallel_loop3A_85 : i32
        %parallel_loop3A_441 = arith.constant 14 : i32
        %parallel_loop3A_442 = arith.index_cast %parallel_loop3A_441 : i32 to index
        %parallel_loop3A_443 = arith.index_cast %parallel_loop3A_440 : i32 to index
        %parallel_loop3A_444 = tpu.vector_load %arg9[%parallel_loop3A_442, %parallel_loop3A_443] {strides = array<i32>} : memref<64x128xf32, #tpu.memory_space<vmem>>, vector<16xf32>,
        tpu.vector_store %arg9[%parallel_loop3A_442, %parallel_loop3A_443], %parallel_loop3A_438 {strides = array<i32>} : memref<64x128xf32, #tpu.memory_space<vmem>>, vector<16xf32>,
        %parallel_loop3A_445 = arith.addf %parallel_loop3A_430, %parallel_loop3A_433 : vector<16xf32>
        %parallel_loop3A_446 = arith.addf %parallel_loop3A_445, %parallel_loop3A_436 : vector<16xf32>
        %parallel_loop3A_447 = arith.constant 16 : i32
        %parallel_loop3A_448 = arith.muli %parallel_loop3A_447, %parallel_loop3A_85 : i32
        %parallel_loop3A_449 = arith.constant 15 : i32
        %parallel_loop3A_450 = arith.index_cast %parallel_loop3A_449 : i32 to index
        %parallel_loop3A_451 = arith.index_cast %parallel_loop3A_448 : i32 to index
        %parallel_loop3A_452 = tpu.vector_load %arg9[%parallel_loop3A_450, %parallel_loop3A_451] {strides = array<i32>} : memref<64x128xf32, #tpu.memory_space<vmem>>, vector<16xf32>,
        tpu.vector_store %arg9[%parallel_loop3A_450, %parallel_loop3A_451], %parallel_loop3A_446 {strides = array<i32>} : memref<64x128xf32, #tpu.memory_space<vmem>>, vector<16xf32>,
        %parallel_loop3A_453 = arith.constant 8 : i32
        %parallel_loop3A_454 = vector.broadcast %parallel_loop3A_453 : i32 to vector<16xi32>
        %parallel_loop3A_455 = arith.addi %parallel_loop3A_119, %parallel_loop3A_454 : vector<16xi32>
        %parallel_loop3A_456 = tpu.vector_load_idx %arg5[%parallel_loop3A_455] : memref<28743xi32, #tpu.memory_space<vmem>>[vector<16xi32>], vector<16xi32>,
        %parallel_loop3A_457 = arith.constant 8 : i32
        %parallel_loop3A_458 = vector.broadcast %parallel_loop3A_457 : i32 to vector<16xi32>
        %parallel_loop3A_459 = arith.addi %parallel_loop3A_143, %parallel_loop3A_458 : vector<16xi32>
        %parallel_loop3A_460 = tpu.vector_load_idx %arg5[%parallel_loop3A_459] : memref<28743xi32, #tpu.memory_space<vmem>>[vector<16xi32>], vector<16xi32>,
        %parallel_loop3A_461 = arith.constant 8 : i32
        %parallel_loop3A_462 = vector.broadcast %parallel_loop3A_461 : i32 to vector<16xi32>
        %parallel_loop3A_463 = arith.addi %parallel_loop3A_156, %parallel_loop3A_462 : vector<16xi32>
        %parallel_loop3A_464 = tpu.vector_load_idx %arg5[%parallel_loop3A_463] : memref<28743xi32, #tpu.memory_space<vmem>>[vector<16xi32>], vector<16xi32>,
        %parallel_loop3A_465 = vector.bitcast %parallel_loop3A_456 : vector<16xi32> to vector<32xbf16>
        %parallel_loop3A_466 = tpu.unpack_subelements %parallel_loop3A_465, 0 {pack_format = #tpu.pack_format<interleaved>} : vector<32xbf16> -> vector<16xf32>
        %parallel_loop3A_467 = tpu.unpack_subelements %parallel_loop3A_465, 1 {pack_format = #tpu.pack_format<interleaved>} : vector<32xbf16> -> vector<16xf32>
        %parallel_loop3A_468 = vector.bitcast %parallel_loop3A_460 : vector<16xi32> to vector<32xbf16>
        %parallel_loop3A_469 = tpu.unpack_subelements %parallel_loop3A_468, 0 {pack_format = #tpu.pack_format<interleaved>} : vector<32xbf16> -> vector<16xf32>
        %parallel_loop3A_470 = tpu.unpack_subelements %parallel_loop3A_468, 1 {pack_format = #tpu.pack_format<interleaved>} : vector<32xbf16> -> vector<16xf32>
        %parallel_loop3A_471 = vector.bitcast %parallel_loop3A_464 : vector<16xi32> to vector<32xbf16>
        %parallel_loop3A_472 = tpu.unpack_subelements %parallel_loop3A_471, 0 {pack_format = #tpu.pack_format<interleaved>} : vector<32xbf16> -> vector<16xf32>
        %parallel_loop3A_473 = tpu.unpack_subelements %parallel_loop3A_471, 1 {pack_format = #tpu.pack_format<interleaved>} : vector<32xbf16> -> vector<16xf32>
        %parallel_loop3A_474 = arith.addf %parallel_loop3A_466, %parallel_loop3A_469 : vector<16xf32>
        %parallel_loop3A_475 = arith.addf %parallel_loop3A_474, %parallel_loop3A_472 : vector<16xf32>
        %parallel_loop3A_476 = arith.constant 16 : i32
        %parallel_loop3A_477 = arith.muli %parallel_loop3A_476, %parallel_loop3A_85 : i32
        %parallel_loop3A_478 = arith.constant 16 : i32
        %parallel_loop3A_479 = arith.index_cast %parallel_loop3A_478 : i32 to index
        %parallel_loop3A_480 = arith.index_cast %parallel_loop3A_477 : i32 to index
        %parallel_loop3A_481 = tpu.vector_load %arg9[%parallel_loop3A_479, %parallel_loop3A_480] {strides = array<i32>} : memref<64x128xf32, #tpu.memory_space<vmem>>, vector<16xf32>,
        tpu.vector_store %arg9[%parallel_loop3A_479, %parallel_loop3A_480], %parallel_loop3A_475 {strides = array<i32>} : memref<64x128xf32, #tpu.memory_space<vmem>>, vector<16xf32>,
        %parallel_loop3A_482 = arith.addf %parallel_loop3A_467, %parallel_loop3A_470 : vector<16xf32>
        %parallel_loop3A_483 = arith.addf %parallel_loop3A_482, %parallel_loop3A_473 : vector<16xf32>
        %parallel_loop3A_484 = arith.constant 16 : i32
        %parallel_loop3A_485 = arith.muli %parallel_loop3A_484, %parallel_loop3A_85 : i32
        %parallel_loop3A_486 = arith.constant 17 : i32
        %parallel_loop3A_487 = arith.index_cast %parallel_loop3A_486 : i32 to index
        %parallel_loop3A_488 = arith.index_cast %parallel_loop3A_485 : i32 to index
        %parallel_loop3A_489 = tpu.vector_load %arg9[%parallel_loop3A_487, %parallel_loop3A_488] {strides = array<i32>} : memref<64x128xf32, #tpu.memory_space<vmem>>, vector<16xf32>,
        tpu.vector_store %arg9[%parallel_loop3A_487, %parallel_loop3A_488], %parallel_loop3A_483 {strides = array<i32>} : memref<64x128xf32, #tpu.memory_space<vmem>>, vector<16xf32>,
        %parallel_loop3A_490 = arith.constant 9 : i32
        %parallel_loop3A_491 = vector.broadcast %parallel_loop3A_490 : i32 to vector<16xi32>
        %parallel_loop3A_492 = arith.addi %parallel_loop3A_119, %parallel_loop3A_491 : vector<16xi32>
        %parallel_loop3A_493 = tpu.vector_load_idx %arg5[%parallel_loop3A_492] : memref<28743xi32, #tpu.memory_space<vmem>>[vector<16xi32>], vector<16xi32>,
        %parallel_loop3A_494 = arith.constant 9 : i32
        %parallel_loop3A_495 = vector.broadcast %parallel_loop3A_494 : i32 to vector<16xi32>
        %parallel_loop3A_496 = arith.addi %parallel_loop3A_143, %parallel_loop3A_495 : vector<16xi32>
        %parallel_loop3A_497 = tpu.vector_load_idx %arg5[%parallel_loop3A_496] : memref<28743xi32, #tpu.memory_space<vmem>>[vector<16xi32>], vector<16xi32>,
        %parallel_loop3A_498 = arith.constant 9 : i32
        %parallel_loop3A_499 = vector.broadcast %parallel_loop3A_498 : i32 to vector<16xi32>
        %parallel_loop3A_500 = arith.addi %parallel_loop3A_156, %parallel_loop3A_499 : vector<16xi32>
        %parallel_loop3A_501 = tpu.vector_load_idx %arg5[%parallel_loop3A_500] : memref<28743xi32, #tpu.memory_space<vmem>>[vector<16xi32>], vector<16xi32>,
        %parallel_loop3A_502 = vector.bitcast %parallel_loop3A_493 : vector<16xi32> to vector<32xbf16>
        %parallel_loop3A_503 = tpu.unpack_subelements %parallel_loop3A_502, 0 {pack_format = #tpu.pack_format<interleaved>} : vector<32xbf16> -> vector<16xf32>
        %parallel_loop3A_504 = tpu.unpack_subelements %parallel_loop3A_502, 1 {pack_format = #tpu.pack_format<interleaved>} : vector<32xbf16> -> vector<16xf32>
        %parallel_loop3A_505 = vector.bitcast %parallel_loop3A_497 : vector<16xi32> to vector<32xbf16>
        %parallel_loop3A_506 = tpu.unpack_subelements %parallel_loop3A_505, 0 {pack_format = #tpu.pack_format<interleaved>} : vector<32xbf16> -> vector<16xf32>
        %parallel_loop3A_507 = tpu.unpack_subelements %parallel_loop3A_505, 1 {pack_format = #tpu.pack_format<interleaved>} : vector<32xbf16> -> vector<16xf32>
        %parallel_loop3A_508 = vector.bitcast %parallel_loop3A_501 : vector<16xi32> to vector<32xbf16>
        %parallel_loop3A_509 = tpu.unpack_subelements %parallel_loop3A_508, 0 {pack_format = #tpu.pack_format<interleaved>} : vector<32xbf16> -> vector<16xf32>
        %parallel_loop3A_510 = tpu.unpack_subelements %parallel_loop3A_508, 1 {pack_format = #tpu.pack_format<interleaved>} : vector<32xbf16> -> vector<16xf32>
        %parallel_loop3A_511 = arith.addf %parallel_loop3A_503, %parallel_loop3A_506 : vector<16xf32>
        %parallel_loop3A_512 = arith.addf %parallel_loop3A_511, %parallel_loop3A_509 : vector<16xf32>
        %parallel_loop3A_513 = arith.constant 16 : i32
        %parallel_loop3A_514 = arith.muli %parallel_loop3A_513, %parallel_loop3A_85 : i32
        %parallel_loop3A_515 = arith.constant 18 : i32
        %parallel_loop3A_516 = arith.index_cast %parallel_loop3A_515 : i32 to index
        %parallel_loop3A_517 = arith.index_cast %parallel_loop3A_514 : i32 to index
        %parallel_loop3A_518 = tpu.vector_load %arg9[%parallel_loop3A_516, %parallel_loop3A_517] {strides = array<i32>} : memref<64x128xf32, #tpu.memory_space<vmem>>, vector<16xf32>,
        tpu.vector_store %arg9[%parallel_loop3A_516, %parallel_loop3A_517], %parallel_loop3A_512 {strides = array<i32>} : memref<64x128xf32, #tpu.memory_space<vmem>>, vector<16xf32>,
        %parallel_loop3A_519 = arith.addf %parallel_loop3A_504, %parallel_loop3A_507 : vector<16xf32>
        %parallel_loop3A_520 = arith.addf %parallel_loop3A_519, %parallel_loop3A_510 : vector<16xf32>
        %parallel_loop3A_521 = arith.constant 16 : i32
        %parallel_loop3A_522 = arith.muli %parallel_loop3A_521, %parallel_loop3A_85 : i32
        %parallel_loop3A_523 = arith.constant 19 : i32
        %parallel_loop3A_524 = arith.index_cast %parallel_loop3A_523 : i32 to index
        %parallel_loop3A_525 = arith.index_cast %parallel_loop3A_522 : i32 to index
        %parallel_loop3A_526 = tpu.vector_load %arg9[%parallel_loop3A_524, %parallel_loop3A_525] {strides = array<i32>} : memref<64x128xf32, #tpu.memory_space<vmem>>, vector<16xf32>,
        tpu.vector_store %arg9[%parallel_loop3A_524, %parallel_loop3A_525], %parallel_loop3A_520 {strides = array<i32>} : memref<64x128xf32, #tpu.memory_space<vmem>>, vector<16xf32>,
        %parallel_loop3A_527 = arith.constant 10 : i32
        %parallel_loop3A_528 = vector.broadcast %parallel_loop3A_527 : i32 to vector<16xi32>
        %parallel_loop3A_529 = arith.addi %parallel_loop3A_119, %parallel_loop3A_528 : vector<16xi32>
        %parallel_loop3A_530 = tpu.vector_load_idx %arg5[%parallel_loop3A_529] : memref<28743xi32, #tpu.memory_space<vmem>>[vector<16xi32>], vector<16xi32>,
        %parallel_loop3A_531 = arith.constant 10 : i32
        %parallel_loop3A_532 = vector.broadcast %parallel_loop3A_531 : i32 to vector<16xi32>
        %parallel_loop3A_533 = arith.addi %parallel_loop3A_143, %parallel_loop3A_532 : vector<16xi32>
        %parallel_loop3A_534 = tpu.vector_load_idx %arg5[%parallel_loop3A_533] : memref<28743xi32, #tpu.memory_space<vmem>>[vector<16xi32>], vector<16xi32>,
        %parallel_loop3A_535 = arith.constant 10 : i32
        %parallel_loop3A_536 = vector.broadcast %parallel_loop3A_535 : i32 to vector<16xi32>
        %parallel_loop3A_537 = arith.addi %parallel_loop3A_156, %parallel_loop3A_536 : vector<16xi32>
        %parallel_loop3A_538 = tpu.vector_load_idx %arg5[%parallel_loop3A_537] : memref<28743xi32, #tpu.memory_space<vmem>>[vector<16xi32>], vector<16xi32>,
        %parallel_loop3A_539 = vector.bitcast %parallel_loop3A_530 : vector<16xi32> to vector<32xbf16>
        %parallel_loop3A_540 = tpu.unpack_subelements %parallel_loop3A_539, 0 {pack_format = #tpu.pack_format<interleaved>} : vector<32xbf16> -> vector<16xf32>
        %parallel_loop3A_541 = tpu.unpack_subelements %parallel_loop3A_539, 1 {pack_format = #tpu.pack_format<interleaved>} : vector<32xbf16> -> vector<16xf32>
        %parallel_loop3A_542 = vector.bitcast %parallel_loop3A_534 : vector<16xi32> to vector<32xbf16>
        %parallel_loop3A_543 = tpu.unpack_subelements %parallel_loop3A_542, 0 {pack_format = #tpu.pack_format<interleaved>} : vector<32xbf16> -> vector<16xf32>
        %parallel_loop3A_544 = tpu.unpack_subelements %parallel_loop3A_542, 1 {pack_format = #tpu.pack_format<interleaved>} : vector<32xbf16> -> vector<16xf32>
        %parallel_loop3A_545 = vector.bitcast %parallel_loop3A_538 : vector<16xi32> to vector<32xbf16>
        %parallel_loop3A_546 = tpu.unpack_subelements %parallel_loop3A_545, 0 {pack_format = #tpu.pack_format<interleaved>} : vector<32xbf16> -> vector<16xf32>
        %parallel_loop3A_547 = tpu.unpack_subelements %parallel_loop3A_545, 1 {pack_format = #tpu.pack_format<interleaved>} : vector<32xbf16> -> vector<16xf32>
        %parallel_loop3A_548 = arith.addf %parallel_loop3A_540, %parallel_loop3A_543 : vector<16xf32>
        %parallel_loop3A_549 = arith.addf %parallel_loop3A_548, %parallel_loop3A_546 : vector<16xf32>
        %parallel_loop3A_550 = arith.constant 16 : i32
        %parallel_loop3A_551 = arith.muli %parallel_loop3A_550, %parallel_loop3A_85 : i32
        %parallel_loop3A_552 = arith.constant 20 : i32
        %parallel_loop3A_553 = arith.index_cast %parallel_loop3A_552 : i32 to index
        %parallel_loop3A_554 = arith.index_cast %parallel_loop3A_551 : i32 to index
        %parallel_loop3A_555 = tpu.vector_load %arg9[%parallel_loop3A_553, %parallel_loop3A_554] {strides = array<i32>} : memref<64x128xf32, #tpu.memory_space<vmem>>, vector<16xf32>,
        tpu.vector_store %arg9[%parallel_loop3A_553, %parallel_loop3A_554], %parallel_loop3A_549 {strides = array<i32>} : memref<64x128xf32, #tpu.memory_space<vmem>>, vector<16xf32>,
        %parallel_loop3A_556 = arith.addf %parallel_loop3A_541, %parallel_loop3A_544 : vector<16xf32>
        %parallel_loop3A_557 = arith.addf %parallel_loop3A_556, %parallel_loop3A_547 : vector<16xf32>
        %parallel_loop3A_558 = arith.constant 16 : i32
        %parallel_loop3A_559 = arith.muli %parallel_loop3A_558, %parallel_loop3A_85 : i32
        %parallel_loop3A_560 = arith.constant 21 : i32
        %parallel_loop3A_561 = arith.index_cast %parallel_loop3A_560 : i32 to index
        %parallel_loop3A_562 = arith.index_cast %parallel_loop3A_559 : i32 to index
        %parallel_loop3A_563 = tpu.vector_load %arg9[%parallel_loop3A_561, %parallel_loop3A_562] {strides = array<i32>} : memref<64x128xf32, #tpu.memory_space<vmem>>, vector<16xf32>,
        tpu.vector_store %arg9[%parallel_loop3A_561, %parallel_loop3A_562], %parallel_loop3A_557 {strides = array<i32>} : memref<64x128xf32, #tpu.memory_space<vmem>>, vector<16xf32>,
        %parallel_loop3A_564 = arith.constant 11 : i32
        %parallel_loop3A_565 = vector.broadcast %parallel_loop3A_564 : i32 to vector<16xi32>
        %parallel_loop3A_566 = arith.addi %parallel_loop3A_119, %parallel_loop3A_565 : vector<16xi32>
        %parallel_loop3A_567 = tpu.vector_load_idx %arg5[%parallel_loop3A_566] : memref<28743xi32, #tpu.memory_space<vmem>>[vector<16xi32>], vector<16xi32>,
        %parallel_loop3A_568 = arith.constant 11 : i32
        %parallel_loop3A_569 = vector.broadcast %parallel_loop3A_568 : i32 to vector<16xi32>
        %parallel_loop3A_570 = arith.addi %parallel_loop3A_143, %parallel_loop3A_569 : vector<16xi32>
        %parallel_loop3A_571 = tpu.vector_load_idx %arg5[%parallel_loop3A_570] : memref<28743xi32, #tpu.memory_space<vmem>>[vector<16xi32>], vector<16xi32>,
        %parallel_loop3A_572 = arith.constant 11 : i32
        %parallel_loop3A_573 = vector.broadcast %parallel_loop3A_572 : i32 to vector<16xi32>
        %parallel_loop3A_574 = arith.addi %parallel_loop3A_156, %parallel_loop3A_573 : vector<16xi32>
        %parallel_loop3A_575 = tpu.vector_load_idx %arg5[%parallel_loop3A_574] : memref<28743xi32, #tpu.memory_space<vmem>>[vector<16xi32>], vector<16xi32>,
        %parallel_loop3A_576 = vector.bitcast %parallel_loop3A_567 : vector<16xi32> to vector<32xbf16>
        %parallel_loop3A_577 = tpu.unpack_subelements %parallel_loop3A_576, 0 {pack_format = #tpu.pack_format<interleaved>} : vector<32xbf16> -> vector<16xf32>
        %parallel_loop3A_578 = tpu.unpack_subelements %parallel_loop3A_576, 1 {pack_format = #tpu.pack_format<interleaved>} : vector<32xbf16> -> vector<16xf32>
        %parallel_loop3A_579 = vector.bitcast %parallel_loop3A_571 : vector<16xi32> to vector<32xbf16>
        %parallel_loop3A_580 = tpu.unpack_subelements %parallel_loop3A_579, 0 {pack_format = #tpu.pack_format<interleaved>} : vector<32xbf16> -> vector<16xf32>
        %parallel_loop3A_581 = tpu.unpack_subelements %parallel_loop3A_579, 1 {pack_format = #tpu.pack_format<interleaved>} : vector<32xbf16> -> vector<16xf32>
        %parallel_loop3A_582 = vector.bitcast %parallel_loop3A_575 : vector<16xi32> to vector<32xbf16>
        %parallel_loop3A_583 = tpu.unpack_subelements %parallel_loop3A_582, 0 {pack_format = #tpu.pack_format<interleaved>} : vector<32xbf16> -> vector<16xf32>
        %parallel_loop3A_584 = tpu.unpack_subelements %parallel_loop3A_582, 1 {pack_format = #tpu.pack_format<interleaved>} : vector<32xbf16> -> vector<16xf32>
        %parallel_loop3A_585 = arith.addf %parallel_loop3A_577, %parallel_loop3A_580 : vector<16xf32>
        %parallel_loop3A_586 = arith.addf %parallel_loop3A_585, %parallel_loop3A_583 : vector<16xf32>
        %parallel_loop3A_587 = arith.constant 16 : i32
        %parallel_loop3A_588 = arith.muli %parallel_loop3A_587, %parallel_loop3A_85 : i32
        %parallel_loop3A_589 = arith.constant 22 : i32
        %parallel_loop3A_590 = arith.index_cast %parallel_loop3A_589 : i32 to index
        %parallel_loop3A_591 = arith.index_cast %parallel_loop3A_588 : i32 to index
        %parallel_loop3A_592 = tpu.vector_load %arg9[%parallel_loop3A_590, %parallel_loop3A_591] {strides = array<i32>} : memref<64x128xf32, #tpu.memory_space<vmem>>, vector<16xf32>,
        tpu.vector_store %arg9[%parallel_loop3A_590, %parallel_loop3A_591], %parallel_loop3A_586 {strides = array<i32>} : memref<64x128xf32, #tpu.memory_space<vmem>>, vector<16xf32>,
        %parallel_loop3A_593 = arith.addf %parallel_loop3A_578, %parallel_loop3A_581 : vector<16xf32>
        %parallel_loop3A_594 = arith.addf %parallel_loop3A_593, %parallel_loop3A_584 : vector<16xf32>
        %parallel_loop3A_595 = arith.constant 16 : i32
        %parallel_loop3A_596 = arith.muli %parallel_loop3A_595, %parallel_loop3A_85 : i32
        %parallel_loop3A_597 = arith.constant 23 : i32
        %parallel_loop3A_598 = arith.index_cast %parallel_loop3A_597 : i32 to index
        %parallel_loop3A_599 = arith.index_cast %parallel_loop3A_596 : i32 to index
        %parallel_loop3A_600 = tpu.vector_load %arg9[%parallel_loop3A_598, %parallel_loop3A_599] {strides = array<i32>} : memref<64x128xf32, #tpu.memory_space<vmem>>, vector<16xf32>,
        tpu.vector_store %arg9[%parallel_loop3A_598, %parallel_loop3A_599], %parallel_loop3A_594 {strides = array<i32>} : memref<64x128xf32, #tpu.memory_space<vmem>>, vector<16xf32>,
        %parallel_loop3A_601 = arith.constant 12 : i32
        %parallel_loop3A_602 = vector.broadcast %parallel_loop3A_601 : i32 to vector<16xi32>
        %parallel_loop3A_603 = arith.addi %parallel_loop3A_119, %parallel_loop3A_602 : vector<16xi32>
        %parallel_loop3A_604 = tpu.vector_load_idx %arg5[%parallel_loop3A_603] : memref<28743xi32, #tpu.memory_space<vmem>>[vector<16xi32>], vector<16xi32>,
        %parallel_loop3A_605 = arith.constant 12 : i32
        %parallel_loop3A_606 = vector.broadcast %parallel_loop3A_605 : i32 to vector<16xi32>
        %parallel_loop3A_607 = arith.addi %parallel_loop3A_143, %parallel_loop3A_606 : vector<16xi32>
        %parallel_loop3A_608 = tpu.vector_load_idx %arg5[%parallel_loop3A_607] : memref<28743xi32, #tpu.memory_space<vmem>>[vector<16xi32>], vector<16xi32>,
        %parallel_loop3A_609 = arith.constant 12 : i32
        %parallel_loop3A_610 = vector.broadcast %parallel_loop3A_609 : i32 to vector<16xi32>
        %parallel_loop3A_611 = arith.addi %parallel_loop3A_156, %parallel_loop3A_610 : vector<16xi32>
        %parallel_loop3A_612 = tpu.vector_load_idx %arg5[%parallel_loop3A_611] : memref<28743xi32, #tpu.memory_space<vmem>>[vector<16xi32>], vector<16xi32>,
        %parallel_loop3A_613 = vector.bitcast %parallel_loop3A_604 : vector<16xi32> to vector<32xbf16>
        %parallel_loop3A_614 = tpu.unpack_subelements %parallel_loop3A_613, 0 {pack_format = #tpu.pack_format<interleaved>} : vector<32xbf16> -> vector<16xf32>
        %parallel_loop3A_615 = tpu.unpack_subelements %parallel_loop3A_613, 1 {pack_format = #tpu.pack_format<interleaved>} : vector<32xbf16> -> vector<16xf32>
        %parallel_loop3A_616 = vector.bitcast %parallel_loop3A_608 : vector<16xi32> to vector<32xbf16>
        %parallel_loop3A_617 = tpu.unpack_subelements %parallel_loop3A_616, 0 {pack_format = #tpu.pack_format<interleaved>} : vector<32xbf16> -> vector<16xf32>
        %parallel_loop3A_618 = tpu.unpack_subelements %parallel_loop3A_616, 1 {pack_format = #tpu.pack_format<interleaved>} : vector<32xbf16> -> vector<16xf32>
        %parallel_loop3A_619 = vector.bitcast %parallel_loop3A_612 : vector<16xi32> to vector<32xbf16>
        %parallel_loop3A_620 = tpu.unpack_subelements %parallel_loop3A_619, 0 {pack_format = #tpu.pack_format<interleaved>} : vector<32xbf16> -> vector<16xf32>
        %parallel_loop3A_621 = tpu.unpack_subelements %parallel_loop3A_619, 1 {pack_format = #tpu.pack_format<interleaved>} : vector<32xbf16> -> vector<16xf32>
        %parallel_loop3A_622 = arith.addf %parallel_loop3A_614, %parallel_loop3A_617 : vector<16xf32>
        %parallel_loop3A_623 = arith.addf %parallel_loop3A_622, %parallel_loop3A_620 : vector<16xf32>
        %parallel_loop3A_624 = arith.constant 16 : i32
        %parallel_loop3A_625 = arith.muli %parallel_loop3A_624, %parallel_loop3A_85 : i32
        %parallel_loop3A_626 = arith.constant 24 : i32
        %parallel_loop3A_627 = arith.index_cast %parallel_loop3A_626 : i32 to index
        %parallel_loop3A_628 = arith.index_cast %parallel_loop3A_625 : i32 to index
        %parallel_loop3A_629 = tpu.vector_load %arg9[%parallel_loop3A_627, %parallel_loop3A_628] {strides = array<i32>} : memref<64x128xf32, #tpu.memory_space<vmem>>, vector<16xf32>,
        tpu.vector_store %arg9[%parallel_loop3A_627, %parallel_loop3A_628], %parallel_loop3A_623 {strides = array<i32>} : memref<64x128xf32, #tpu.memory_space<vmem>>, vector<16xf32>,
        %parallel_loop3A_630 = arith.addf %parallel_loop3A_615, %parallel_loop3A_618 : vector<16xf32>
        %parallel_loop3A_631 = arith.addf %parallel_loop3A_630, %parallel_loop3A_621 : vector<16xf32>
        %parallel_loop3A_632 = arith.constant 16 : i32
        %parallel_loop3A_633 = arith.muli %parallel_loop3A_632, %parallel_loop3A_85 : i32
        %parallel_loop3A_634 = arith.constant 25 : i32
        %parallel_loop3A_635 = arith.index_cast %parallel_loop3A_634 : i32 to index
        %parallel_loop3A_636 = arith.index_cast %parallel_loop3A_633 : i32 to index
        %parallel_loop3A_637 = tpu.vector_load %arg9[%parallel_loop3A_635, %parallel_loop3A_636] {strides = array<i32>} : memref<64x128xf32, #tpu.memory_space<vmem>>, vector<16xf32>,
        tpu.vector_store %arg9[%parallel_loop3A_635, %parallel_loop3A_636], %parallel_loop3A_631 {strides = array<i32>} : memref<64x128xf32, #tpu.memory_space<vmem>>, vector<16xf32>,
        %parallel_loop3A_638 = arith.constant 13 : i32
        %parallel_loop3A_639 = vector.broadcast %parallel_loop3A_638 : i32 to vector<16xi32>
        %parallel_loop3A_640 = arith.addi %parallel_loop3A_119, %parallel_loop3A_639 : vector<16xi32>
        %parallel_loop3A_641 = tpu.vector_load_idx %arg5[%parallel_loop3A_640] : memref<28743xi32, #tpu.memory_space<vmem>>[vector<16xi32>], vector<16xi32>,
        %parallel_loop3A_642 = arith.constant 13 : i32
        %parallel_loop3A_643 = vector.broadcast %parallel_loop3A_642 : i32 to vector<16xi32>
        %parallel_loop3A_644 = arith.addi %parallel_loop3A_143, %parallel_loop3A_643 : vector<16xi32>
        %parallel_loop3A_645 = tpu.vector_load_idx %arg5[%parallel_loop3A_644] : memref<28743xi32, #tpu.memory_space<vmem>>[vector<16xi32>], vector<16xi32>,
        %parallel_loop3A_646 = arith.constant 13 : i32
        %parallel_loop3A_647 = vector.broadcast %parallel_loop3A_646 : i32 to vector<16xi32>
        %parallel_loop3A_648 = arith.addi %parallel_loop3A_156, %parallel_loop3A_647 : vector<16xi32>
        %parallel_loop3A_649 = tpu.vector_load_idx %arg5[%parallel_loop3A_648] : memref<28743xi32, #tpu.memory_space<vmem>>[vector<16xi32>], vector<16xi32>,
        %parallel_loop3A_650 = vector.bitcast %parallel_loop3A_641 : vector<16xi32> to vector<32xbf16>
        %parallel_loop3A_651 = tpu.unpack_subelements %parallel_loop3A_650, 0 {pack_format = #tpu.pack_format<interleaved>} : vector<32xbf16> -> vector<16xf32>
        %parallel_loop3A_652 = tpu.unpack_subelements %parallel_loop3A_650, 1 {pack_format = #tpu.pack_format<interleaved>} : vector<32xbf16> -> vector<16xf32>
        %parallel_loop3A_653 = vector.bitcast %parallel_loop3A_645 : vector<16xi32> to vector<32xbf16>
        %parallel_loop3A_654 = tpu.unpack_subelements %parallel_loop3A_653, 0 {pack_format = #tpu.pack_format<interleaved>} : vector<32xbf16> -> vector<16xf32>
        %parallel_loop3A_655 = tpu.unpack_subelements %parallel_loop3A_653, 1 {pack_format = #tpu.pack_format<interleaved>} : vector<32xbf16> -> vector<16xf32>
        %parallel_loop3A_656 = vector.bitcast %parallel_loop3A_649 : vector<16xi32> to vector<32xbf16>
        %parallel_loop3A_657 = tpu.unpack_subelements %parallel_loop3A_656, 0 {pack_format = #tpu.pack_format<interleaved>} : vector<32xbf16> -> vector<16xf32>
        %parallel_loop3A_658 = tpu.unpack_subelements %parallel_loop3A_656, 1 {pack_format = #tpu.pack_format<interleaved>} : vector<32xbf16> -> vector<16xf32>
        %parallel_loop3A_659 = arith.addf %parallel_loop3A_651, %parallel_loop3A_654 : vector<16xf32>
        %parallel_loop3A_660 = arith.addf %parallel_loop3A_659, %parallel_loop3A_657 : vector<16xf32>
        %parallel_loop3A_661 = arith.constant 16 : i32
        %parallel_loop3A_662 = arith.muli %parallel_loop3A_661, %parallel_loop3A_85 : i32
        %parallel_loop3A_663 = arith.constant 26 : i32
        %parallel_loop3A_664 = arith.index_cast %parallel_loop3A_663 : i32 to index
        %parallel_loop3A_665 = arith.index_cast %parallel_loop3A_662 : i32 to index
        %parallel_loop3A_666 = tpu.vector_load %arg9[%parallel_loop3A_664, %parallel_loop3A_665] {strides = array<i32>} : memref<64x128xf32, #tpu.memory_space<vmem>>, vector<16xf32>,
        tpu.vector_store %arg9[%parallel_loop3A_664, %parallel_loop3A_665], %parallel_loop3A_660 {strides = array<i32>} : memref<64x128xf32, #tpu.memory_space<vmem>>, vector<16xf32>,
        %parallel_loop3A_667 = arith.addf %parallel_loop3A_652, %parallel_loop3A_655 : vector<16xf32>
        %parallel_loop3A_668 = arith.addf %parallel_loop3A_667, %parallel_loop3A_658 : vector<16xf32>
        %parallel_loop3A_669 = arith.constant 16 : i32
        %parallel_loop3A_670 = arith.muli %parallel_loop3A_669, %parallel_loop3A_85 : i32
        %parallel_loop3A_671 = arith.constant 27 : i32
        %parallel_loop3A_672 = arith.index_cast %parallel_loop3A_671 : i32 to index
        %parallel_loop3A_673 = arith.index_cast %parallel_loop3A_670 : i32 to index
        %parallel_loop3A_674 = tpu.vector_load %arg9[%parallel_loop3A_672, %parallel_loop3A_673] {strides = array<i32>} : memref<64x128xf32, #tpu.memory_space<vmem>>, vector<16xf32>,
        tpu.vector_store %arg9[%parallel_loop3A_672, %parallel_loop3A_673], %parallel_loop3A_668 {strides = array<i32>} : memref<64x128xf32, #tpu.memory_space<vmem>>, vector<16xf32>,
        %parallel_loop3A_675 = arith.constant 14 : i32
        %parallel_loop3A_676 = vector.broadcast %parallel_loop3A_675 : i32 to vector<16xi32>
        %parallel_loop3A_677 = arith.addi %parallel_loop3A_119, %parallel_loop3A_676 : vector<16xi32>
        %parallel_loop3A_678 = tpu.vector_load_idx %arg5[%parallel_loop3A_677] : memref<28743xi32, #tpu.memory_space<vmem>>[vector<16xi32>], vector<16xi32>,
        %parallel_loop3A_679 = arith.constant 14 : i32
        %parallel_loop3A_680 = vector.broadcast %parallel_loop3A_679 : i32 to vector<16xi32>
        %parallel_loop3A_681 = arith.addi %parallel_loop3A_143, %parallel_loop3A_680 : vector<16xi32>
        %parallel_loop3A_682 = tpu.vector_load_idx %arg5[%parallel_loop3A_681] : memref<28743xi32, #tpu.memory_space<vmem>>[vector<16xi32>], vector<16xi32>,
        %parallel_loop3A_683 = arith.constant 14 : i32
        %parallel_loop3A_684 = vector.broadcast %parallel_loop3A_683 : i32 to vector<16xi32>
        %parallel_loop3A_685 = arith.addi %parallel_loop3A_156, %parallel_loop3A_684 : vector<16xi32>
        %parallel_loop3A_686 = tpu.vector_load_idx %arg5[%parallel_loop3A_685] : memref<28743xi32, #tpu.memory_space<vmem>>[vector<16xi32>], vector<16xi32>,
        %parallel_loop3A_687 = vector.bitcast %parallel_loop3A_678 : vector<16xi32> to vector<32xbf16>
        %parallel_loop3A_688 = tpu.unpack_subelements %parallel_loop3A_687, 0 {pack_format = #tpu.pack_format<interleaved>} : vector<32xbf16> -> vector<16xf32>
        %parallel_loop3A_689 = tpu.unpack_subelements %parallel_loop3A_687, 1 {pack_format = #tpu.pack_format<interleaved>} : vector<32xbf16> -> vector<16xf32>
        %parallel_loop3A_690 = vector.bitcast %parallel_loop3A_682 : vector<16xi32> to vector<32xbf16>
        %parallel_loop3A_691 = tpu.unpack_subelements %parallel_loop3A_690, 0 {pack_format = #tpu.pack_format<interleaved>} : vector<32xbf16> -> vector<16xf32>
        %parallel_loop3A_692 = tpu.unpack_subelements %parallel_loop3A_690, 1 {pack_format = #tpu.pack_format<interleaved>} : vector<32xbf16> -> vector<16xf32>
        %parallel_loop3A_693 = vector.bitcast %parallel_loop3A_686 : vector<16xi32> to vector<32xbf16>
        %parallel_loop3A_694 = tpu.unpack_subelements %parallel_loop3A_693, 0 {pack_format = #tpu.pack_format<interleaved>} : vector<32xbf16> -> vector<16xf32>
        %parallel_loop3A_695 = tpu.unpack_subelements %parallel_loop3A_693, 1 {pack_format = #tpu.pack_format<interleaved>} : vector<32xbf16> -> vector<16xf32>
        %parallel_loop3A_696 = arith.addf %parallel_loop3A_688, %parallel_loop3A_691 : vector<16xf32>
        %parallel_loop3A_697 = arith.addf %parallel_loop3A_696, %parallel_loop3A_694 : vector<16xf32>
        %parallel_loop3A_698 = arith.constant 16 : i32
        %parallel_loop3A_699 = arith.muli %parallel_loop3A_698, %parallel_loop3A_85 : i32
        %parallel_loop3A_700 = arith.constant 28 : i32
        %parallel_loop3A_701 = arith.index_cast %parallel_loop3A_700 : i32 to index
        %parallel_loop3A_702 = arith.index_cast %parallel_loop3A_699 : i32 to index
        %parallel_loop3A_703 = tpu.vector_load %arg9[%parallel_loop3A_701, %parallel_loop3A_702] {strides = array<i32>} : memref<64x128xf32, #tpu.memory_space<vmem>>, vector<16xf32>,
        tpu.vector_store %arg9[%parallel_loop3A_701, %parallel_loop3A_702], %parallel_loop3A_697 {strides = array<i32>} : memref<64x128xf32, #tpu.memory_space<vmem>>, vector<16xf32>,
        %parallel_loop3A_704 = arith.addf %parallel_loop3A_689, %parallel_loop3A_692 : vector<16xf32>
        %parallel_loop3A_705 = arith.addf %parallel_loop3A_704, %parallel_loop3A_695 : vector<16xf32>
        %parallel_loop3A_706 = arith.constant 16 : i32
        %parallel_loop3A_707 = arith.muli %parallel_loop3A_706, %parallel_loop3A_85 : i32
        %parallel_loop3A_708 = arith.constant 29 : i32
        %parallel_loop3A_709 = arith.index_cast %parallel_loop3A_708 : i32 to index
        %parallel_loop3A_710 = arith.index_cast %parallel_loop3A_707 : i32 to index
        %parallel_loop3A_711 = tpu.vector_load %arg9[%parallel_loop3A_709, %parallel_loop3A_710] {strides = array<i32>} : memref<64x128xf32, #tpu.memory_space<vmem>>, vector<16xf32>,
        tpu.vector_store %arg9[%parallel_loop3A_709, %parallel_loop3A_710], %parallel_loop3A_705 {strides = array<i32>} : memref<64x128xf32, #tpu.memory_space<vmem>>, vector<16xf32>,
        %parallel_loop3A_712 = arith.constant 15 : i32
        %parallel_loop3A_713 = vector.broadcast %parallel_loop3A_712 : i32 to vector<16xi32>
        %parallel_loop3A_714 = arith.addi %parallel_loop3A_119, %parallel_loop3A_713 : vector<16xi32>
        %parallel_loop3A_715 = tpu.vector_load_idx %arg5[%parallel_loop3A_714] : memref<28743xi32, #tpu.memory_space<vmem>>[vector<16xi32>], vector<16xi32>,
        %parallel_loop3A_716 = arith.constant 15 : i32
        %parallel_loop3A_717 = vector.broadcast %parallel_loop3A_716 : i32 to vector<16xi32>
        %parallel_loop3A_718 = arith.addi %parallel_loop3A_143, %parallel_loop3A_717 : vector<16xi32>
        %parallel_loop3A_719 = tpu.vector_load_idx %arg5[%parallel_loop3A_718] : memref<28743xi32, #tpu.memory_space<vmem>>[vector<16xi32>], vector<16xi32>,
        %parallel_loop3A_720 = arith.constant 15 : i32
        %parallel_loop3A_721 = vector.broadcast %parallel_loop3A_720 : i32 to vector<16xi32>
        %parallel_loop3A_722 = arith.addi %parallel_loop3A_156, %parallel_loop3A_721 : vector<16xi32>
        %parallel_loop3A_723 = tpu.vector_load_idx %arg5[%parallel_loop3A_722] : memref<28743xi32, #tpu.memory_space<vmem>>[vector<16xi32>], vector<16xi32>,
        %parallel_loop3A_724 = vector.bitcast %parallel_loop3A_715 : vector<16xi32> to vector<32xbf16>
        %parallel_loop3A_725 = tpu.unpack_subelements %parallel_loop3A_724, 0 {pack_format = #tpu.pack_format<interleaved>} : vector<32xbf16> -> vector<16xf32>
        %parallel_loop3A_726 = tpu.unpack_subelements %parallel_loop3A_724, 1 {pack_format = #tpu.pack_format<interleaved>} : vector<32xbf16> -> vector<16xf32>
        %parallel_loop3A_727 = vector.bitcast %parallel_loop3A_719 : vector<16xi32> to vector<32xbf16>
        %parallel_loop3A_728 = tpu.unpack_subelements %parallel_loop3A_727, 0 {pack_format = #tpu.pack_format<interleaved>} : vector<32xbf16> -> vector<16xf32>
        %parallel_loop3A_729 = tpu.unpack_subelements %parallel_loop3A_727, 1 {pack_format = #tpu.pack_format<interleaved>} : vector<32xbf16> -> vector<16xf32>
        %parallel_loop3A_730 = vector.bitcast %parallel_loop3A_723 : vector<16xi32> to vector<32xbf16>
        %parallel_loop3A_731 = tpu.unpack_subelements %parallel_loop3A_730, 0 {pack_format = #tpu.pack_format<interleaved>} : vector<32xbf16> -> vector<16xf32>
        %parallel_loop3A_732 = tpu.unpack_subelements %parallel_loop3A_730, 1 {pack_format = #tpu.pack_format<interleaved>} : vector<32xbf16> -> vector<16xf32>
        %parallel_loop3A_733 = arith.addf %parallel_loop3A_725, %parallel_loop3A_728 : vector<16xf32>
        %parallel_loop3A_734 = arith.addf %parallel_loop3A_733, %parallel_loop3A_731 : vector<16xf32>
        %parallel_loop3A_735 = arith.constant 16 : i32
        %parallel_loop3A_736 = arith.muli %parallel_loop3A_735, %parallel_loop3A_85 : i32
        %parallel_loop3A_737 = arith.constant 30 : i32
        %parallel_loop3A_738 = arith.index_cast %parallel_loop3A_737 : i32 to index
        %parallel_loop3A_739 = arith.index_cast %parallel_loop3A_736 : i32 to index
        %parallel_loop3A_740 = tpu.vector_load %arg9[%parallel_loop3A_738, %parallel_loop3A_739] {strides = array<i32>} : memref<64x128xf32, #tpu.memory_space<vmem>>, vector<16xf32>,
        tpu.vector_store %arg9[%parallel_loop3A_738, %parallel_loop3A_739], %parallel_loop3A_734 {strides = array<i32>} : memref<64x128xf32, #tpu.memory_space<vmem>>, vector<16xf32>,
        %parallel_loop3A_741 = arith.addf %parallel_loop3A_726, %parallel_loop3A_729 : vector<16xf32>
        %parallel_loop3A_742 = arith.addf %parallel_loop3A_741, %parallel_loop3A_732 : vector<16xf32>
        %parallel_loop3A_743 = arith.constant 16 : i32
        %parallel_loop3A_744 = arith.muli %parallel_loop3A_743, %parallel_loop3A_85 : i32
        %parallel_loop3A_745 = arith.constant 31 : i32
        %parallel_loop3A_746 = arith.index_cast %parallel_loop3A_745 : i32 to index
        %parallel_loop3A_747 = arith.index_cast %parallel_loop3A_744 : i32 to index
        %parallel_loop3A_748 = tpu.vector_load %arg9[%parallel_loop3A_746, %parallel_loop3A_747] {strides = array<i32>} : memref<64x128xf32, #tpu.memory_space<vmem>>, vector<16xf32>,
        tpu.vector_store %arg9[%parallel_loop3A_746, %parallel_loop3A_747], %parallel_loop3A_742 {strides = array<i32>} : memref<64x128xf32, #tpu.memory_space<vmem>>, vector<16xf32>,
        %parallel_loop3A_749 = arith.constant 16 : i32
        %parallel_loop3A_750 = vector.broadcast %parallel_loop3A_749 : i32 to vector<16xi32>
        %parallel_loop3A_751 = arith.addi %parallel_loop3A_119, %parallel_loop3A_750 : vector<16xi32>
        %parallel_loop3A_752 = tpu.vector_load_idx %arg5[%parallel_loop3A_751] : memref<28743xi32, #tpu.memory_space<vmem>>[vector<16xi32>], vector<16xi32>,
        %parallel_loop3A_753 = arith.constant 16 : i32
        %parallel_loop3A_754 = vector.broadcast %parallel_loop3A_753 : i32 to vector<16xi32>
        %parallel_loop3A_755 = arith.addi %parallel_loop3A_143, %parallel_loop3A_754 : vector<16xi32>
        %parallel_loop3A_756 = tpu.vector_load_idx %arg5[%parallel_loop3A_755] : memref<28743xi32, #tpu.memory_space<vmem>>[vector<16xi32>], vector<16xi32>,
        %parallel_loop3A_757 = arith.constant 16 : i32
        %parallel_loop3A_758 = vector.broadcast %parallel_loop3A_757 : i32 to vector<16xi32>
        %parallel_loop3A_759 = arith.addi %parallel_loop3A_156, %parallel_loop3A_758 : vector<16xi32>
        %parallel_loop3A_760 = tpu.vector_load_idx %arg5[%parallel_loop3A_759] : memref<28743xi32, #tpu.memory_space<vmem>>[vector<16xi32>], vector<16xi32>,
        %parallel_loop3A_761 = vector.bitcast %parallel_loop3A_752 : vector<16xi32> to vector<32xbf16>
        %parallel_loop3A_762 = tpu.unpack_subelements %parallel_loop3A_761, 0 {pack_format = #tpu.pack_format<interleaved>} : vector<32xbf16> -> vector<16xf32>
        %parallel_loop3A_763 = tpu.unpack_subelements %parallel_loop3A_761, 1 {pack_format = #tpu.pack_format<interleaved>} : vector<32xbf16> -> vector<16xf32>
        %parallel_loop3A_764 = vector.bitcast %parallel_loop3A_756 : vector<16xi32> to vector<32xbf16>
        %parallel_loop3A_765 = tpu.unpack_subelements %parallel_loop3A_764, 0 {pack_format = #tpu.pack_format<interleaved>} : vector<32xbf16> -> vector<16xf32>
        %parallel_loop3A_766 = tpu.unpack_subelements %parallel_loop3A_764, 1 {pack_format = #tpu.pack_format<interleaved>} : vector<32xbf16> -> vector<16xf32>
        %parallel_loop3A_767 = vector.bitcast %parallel_loop3A_760 : vector<16xi32> to vector<32xbf16>
        %parallel_loop3A_768 = tpu.unpack_subelements %parallel_loop3A_767, 0 {pack_format = #tpu.pack_format<interleaved>} : vector<32xbf16> -> vector<16xf32>
        %parallel_loop3A_769 = tpu.unpack_subelements %parallel_loop3A_767, 1 {pack_format = #tpu.pack_format<interleaved>} : vector<32xbf16> -> vector<16xf32>
        %parallel_loop3A_770 = arith.addf %parallel_loop3A_762, %parallel_loop3A_765 : vector<16xf32>
        %parallel_loop3A_771 = arith.addf %parallel_loop3A_770, %parallel_loop3A_768 : vector<16xf32>
        %parallel_loop3A_772 = arith.constant 16 : i32
        %parallel_loop3A_773 = arith.muli %parallel_loop3A_772, %parallel_loop3A_85 : i32
        %parallel_loop3A_774 = arith.constant 32 : i32
        %parallel_loop3A_775 = arith.index_cast %parallel_loop3A_774 : i32 to index
        %parallel_loop3A_776 = arith.index_cast %parallel_loop3A_773 : i32 to index
        %parallel_loop3A_777 = tpu.vector_load %arg9[%parallel_loop3A_775, %parallel_loop3A_776] {strides = array<i32>} : memref<64x128xf32, #tpu.memory_space<vmem>>, vector<16xf32>,
        tpu.vector_store %arg9[%parallel_loop3A_775, %parallel_loop3A_776], %parallel_loop3A_771 {strides = array<i32>} : memref<64x128xf32, #tpu.memory_space<vmem>>, vector<16xf32>,
        %parallel_loop3A_778 = arith.addf %parallel_loop3A_763, %parallel_loop3A_766 : vector<16xf32>
        %parallel_loop3A_779 = arith.addf %parallel_loop3A_778, %parallel_loop3A_769 : vector<16xf32>
        %parallel_loop3A_780 = arith.constant 16 : i32
        %parallel_loop3A_781 = arith.muli %parallel_loop3A_780, %parallel_loop3A_85 : i32
        %parallel_loop3A_782 = arith.constant 33 : i32
        %parallel_loop3A_783 = arith.index_cast %parallel_loop3A_782 : i32 to index
        %parallel_loop3A_784 = arith.index_cast %parallel_loop3A_781 : i32 to index
        %parallel_loop3A_785 = tpu.vector_load %arg9[%parallel_loop3A_783, %parallel_loop3A_784] {strides = array<i32>} : memref<64x128xf32, #tpu.memory_space<vmem>>, vector<16xf32>,
        tpu.vector_store %arg9[%parallel_loop3A_783, %parallel_loop3A_784], %parallel_loop3A_779 {strides = array<i32>} : memref<64x128xf32, #tpu.memory_space<vmem>>, vector<16xf32>,
        %parallel_loop3A_786 = arith.constant 17 : i32
        %parallel_loop3A_787 = vector.broadcast %parallel_loop3A_786 : i32 to vector<16xi32>
        %parallel_loop3A_788 = arith.addi %parallel_loop3A_119, %parallel_loop3A_787 : vector<16xi32>
        %parallel_loop3A_789 = tpu.vector_load_idx %arg5[%parallel_loop3A_788] : memref<28743xi32, #tpu.memory_space<vmem>>[vector<16xi32>], vector<16xi32>,
        %parallel_loop3A_790 = arith.constant 17 : i32
        %parallel_loop3A_791 = vector.broadcast %parallel_loop3A_790 : i32 to vector<16xi32>
        %parallel_loop3A_792 = arith.addi %parallel_loop3A_143, %parallel_loop3A_791 : vector<16xi32>
        %parallel_loop3A_793 = tpu.vector_load_idx %arg5[%parallel_loop3A_792] : memref<28743xi32, #tpu.memory_space<vmem>>[vector<16xi32>], vector<16xi32>,
        %parallel_loop3A_794 = arith.constant 17 : i32
        %parallel_loop3A_795 = vector.broadcast %parallel_loop3A_794 : i32 to vector<16xi32>
        %parallel_loop3A_796 = arith.addi %parallel_loop3A_156, %parallel_loop3A_795 : vector<16xi32>
        %parallel_loop3A_797 = tpu.vector_load_idx %arg5[%parallel_loop3A_796] : memref<28743xi32, #tpu.memory_space<vmem>>[vector<16xi32>], vector<16xi32>,
        %parallel_loop3A_798 = vector.bitcast %parallel_loop3A_789 : vector<16xi32> to vector<32xbf16>
        %parallel_loop3A_799 = tpu.unpack_subelements %parallel_loop3A_798, 0 {pack_format = #tpu.pack_format<interleaved>} : vector<32xbf16> -> vector<16xf32>
        %parallel_loop3A_800 = tpu.unpack_subelements %parallel_loop3A_798, 1 {pack_format = #tpu.pack_format<interleaved>} : vector<32xbf16> -> vector<16xf32>
        %parallel_loop3A_801 = vector.bitcast %parallel_loop3A_793 : vector<16xi32> to vector<32xbf16>
        %parallel_loop3A_802 = tpu.unpack_subelements %parallel_loop3A_801, 0 {pack_format = #tpu.pack_format<interleaved>} : vector<32xbf16> -> vector<16xf32>
        %parallel_loop3A_803 = tpu.unpack_subelements %parallel_loop3A_801, 1 {pack_format = #tpu.pack_format<interleaved>} : vector<32xbf16> -> vector<16xf32>
        %parallel_loop3A_804 = vector.bitcast %parallel_loop3A_797 : vector<16xi32> to vector<32xbf16>
        %parallel_loop3A_805 = tpu.unpack_subelements %parallel_loop3A_804, 0 {pack_format = #tpu.pack_format<interleaved>} : vector<32xbf16> -> vector<16xf32>
        %parallel_loop3A_806 = tpu.unpack_subelements %parallel_loop3A_804, 1 {pack_format = #tpu.pack_format<interleaved>} : vector<32xbf16> -> vector<16xf32>
        %parallel_loop3A_807 = arith.addf %parallel_loop3A_799, %parallel_loop3A_802 : vector<16xf32>
        %parallel_loop3A_808 = arith.addf %parallel_loop3A_807, %parallel_loop3A_805 : vector<16xf32>
        %parallel_loop3A_809 = arith.constant 16 : i32
        %parallel_loop3A_810 = arith.muli %parallel_loop3A_809, %parallel_loop3A_85 : i32
        %parallel_loop3A_811 = arith.constant 34 : i32
        %parallel_loop3A_812 = arith.index_cast %parallel_loop3A_811 : i32 to index
        %parallel_loop3A_813 = arith.index_cast %parallel_loop3A_810 : i32 to index
        %parallel_loop3A_814 = tpu.vector_load %arg9[%parallel_loop3A_812, %parallel_loop3A_813] {strides = array<i32>} : memref<64x128xf32, #tpu.memory_space<vmem>>, vector<16xf32>,
        tpu.vector_store %arg9[%parallel_loop3A_812, %parallel_loop3A_813], %parallel_loop3A_808 {strides = array<i32>} : memref<64x128xf32, #tpu.memory_space<vmem>>, vector<16xf32>,
        %parallel_loop3A_815 = arith.addf %parallel_loop3A_800, %parallel_loop3A_803 : vector<16xf32>
        %parallel_loop3A_816 = arith.addf %parallel_loop3A_815, %parallel_loop3A_806 : vector<16xf32>
        %parallel_loop3A_817 = arith.constant 16 : i32
        %parallel_loop3A_818 = arith.muli %parallel_loop3A_817, %parallel_loop3A_85 : i32
        %parallel_loop3A_819 = arith.constant 35 : i32
        %parallel_loop3A_820 = arith.index_cast %parallel_loop3A_819 : i32 to index
        %parallel_loop3A_821 = arith.index_cast %parallel_loop3A_818 : i32 to index
        %parallel_loop3A_822 = tpu.vector_load %arg9[%parallel_loop3A_820, %parallel_loop3A_821] {strides = array<i32>} : memref<64x128xf32, #tpu.memory_space<vmem>>, vector<16xf32>,
        tpu.vector_store %arg9[%parallel_loop3A_820, %parallel_loop3A_821], %parallel_loop3A_816 {strides = array<i32>} : memref<64x128xf32, #tpu.memory_space<vmem>>, vector<16xf32>,
        %parallel_loop3A_823 = arith.constant 18 : i32
        %parallel_loop3A_824 = vector.broadcast %parallel_loop3A_823 : i32 to vector<16xi32>
        %parallel_loop3A_825 = arith.addi %parallel_loop3A_119, %parallel_loop3A_824 : vector<16xi32>
        %parallel_loop3A_826 = tpu.vector_load_idx %arg5[%parallel_loop3A_825] : memref<28743xi32, #tpu.memory_space<vmem>>[vector<16xi32>], vector<16xi32>,
        %parallel_loop3A_827 = arith.constant 18 : i32
        %parallel_loop3A_828 = vector.broadcast %parallel_loop3A_827 : i32 to vector<16xi32>
        %parallel_loop3A_829 = arith.addi %parallel_loop3A_143, %parallel_loop3A_828 : vector<16xi32>
        %parallel_loop3A_830 = tpu.vector_load_idx %arg5[%parallel_loop3A_829] : memref<28743xi32, #tpu.memory_space<vmem>>[vector<16xi32>], vector<16xi32>,
        %parallel_loop3A_831 = arith.constant 18 : i32
        %parallel_loop3A_832 = vector.broadcast %parallel_loop3A_831 : i32 to vector<16xi32>
        %parallel_loop3A_833 = arith.addi %parallel_loop3A_156, %parallel_loop3A_832 : vector<16xi32>
        %parallel_loop3A_834 = tpu.vector_load_idx %arg5[%parallel_loop3A_833] : memref<28743xi32, #tpu.memory_space<vmem>>[vector<16xi32>], vector<16xi32>,
        %parallel_loop3A_835 = vector.bitcast %parallel_loop3A_826 : vector<16xi32> to vector<32xbf16>
        %parallel_loop3A_836 = tpu.unpack_subelements %parallel_loop3A_835, 0 {pack_format = #tpu.pack_format<interleaved>} : vector<32xbf16> -> vector<16xf32>
        %parallel_loop3A_837 = tpu.unpack_subelements %parallel_loop3A_835, 1 {pack_format = #tpu.pack_format<interleaved>} : vector<32xbf16> -> vector<16xf32>
        %parallel_loop3A_838 = vector.bitcast %parallel_loop3A_830 : vector<16xi32> to vector<32xbf16>
        %parallel_loop3A_839 = tpu.unpack_subelements %parallel_loop3A_838, 0 {pack_format = #tpu.pack_format<interleaved>} : vector<32xbf16> -> vector<16xf32>
        %parallel_loop3A_840 = tpu.unpack_subelements %parallel_loop3A_838, 1 {pack_format = #tpu.pack_format<interleaved>} : vector<32xbf16> -> vector<16xf32>
        %parallel_loop3A_841 = vector.bitcast %parallel_loop3A_834 : vector<16xi32> to vector<32xbf16>
        %parallel_loop3A_842 = tpu.unpack_subelements %parallel_loop3A_841, 0 {pack_format = #tpu.pack_format<interleaved>} : vector<32xbf16> -> vector<16xf32>
        %parallel_loop3A_843 = tpu.unpack_subelements %parallel_loop3A_841, 1 {pack_format = #tpu.pack_format<interleaved>} : vector<32xbf16> -> vector<16xf32>
        %parallel_loop3A_844 = arith.addf %parallel_loop3A_836, %parallel_loop3A_839 : vector<16xf32>
        %parallel_loop3A_845 = arith.addf %parallel_loop3A_844, %parallel_loop3A_842 : vector<16xf32>
        %parallel_loop3A_846 = arith.constant 16 : i32
        %parallel_loop3A_847 = arith.muli %parallel_loop3A_846, %parallel_loop3A_85 : i32
        %parallel_loop3A_848 = arith.constant 36 : i32
        %parallel_loop3A_849 = arith.index_cast %parallel_loop3A_848 : i32 to index
        %parallel_loop3A_850 = arith.index_cast %parallel_loop3A_847 : i32 to index
        %parallel_loop3A_851 = tpu.vector_load %arg9[%parallel_loop3A_849, %parallel_loop3A_850] {strides = array<i32>} : memref<64x128xf32, #tpu.memory_space<vmem>>, vector<16xf32>,
        tpu.vector_store %arg9[%parallel_loop3A_849, %parallel_loop3A_850], %parallel_loop3A_845 {strides = array<i32>} : memref<64x128xf32, #tpu.memory_space<vmem>>, vector<16xf32>,
        %parallel_loop3A_852 = arith.addf %parallel_loop3A_837, %parallel_loop3A_840 : vector<16xf32>
        %parallel_loop3A_853 = arith.addf %parallel_loop3A_852, %parallel_loop3A_843 : vector<16xf32>
        %parallel_loop3A_854 = arith.constant 16 : i32
        %parallel_loop3A_855 = arith.muli %parallel_loop3A_854, %parallel_loop3A_85 : i32
        %parallel_loop3A_856 = arith.constant 37 : i32
        %parallel_loop3A_857 = arith.index_cast %parallel_loop3A_856 : i32 to index
        %parallel_loop3A_858 = arith.index_cast %parallel_loop3A_855 : i32 to index
        %parallel_loop3A_859 = tpu.vector_load %arg9[%parallel_loop3A_857, %parallel_loop3A_858] {strides = array<i32>} : memref<64x128xf32, #tpu.memory_space<vmem>>, vector<16xf32>,
        tpu.vector_store %arg9[%parallel_loop3A_857, %parallel_loop3A_858], %parallel_loop3A_853 {strides = array<i32>} : memref<64x128xf32, #tpu.memory_space<vmem>>, vector<16xf32>,
        %parallel_loop3A_860 = arith.constant 19 : i32
        %parallel_loop3A_861 = vector.broadcast %parallel_loop3A_860 : i32 to vector<16xi32>
        %parallel_loop3A_862 = arith.addi %parallel_loop3A_119, %parallel_loop3A_861 : vector<16xi32>
        %parallel_loop3A_863 = tpu.vector_load_idx %arg5[%parallel_loop3A_862] : memref<28743xi32, #tpu.memory_space<vmem>>[vector<16xi32>], vector<16xi32>,
        %parallel_loop3A_864 = arith.constant 19 : i32
        %parallel_loop3A_865 = vector.broadcast %parallel_loop3A_864 : i32 to vector<16xi32>
        %parallel_loop3A_866 = arith.addi %parallel_loop3A_143, %parallel_loop3A_865 : vector<16xi32>
        %parallel_loop3A_867 = tpu.vector_load_idx %arg5[%parallel_loop3A_866] : memref<28743xi32, #tpu.memory_space<vmem>>[vector<16xi32>], vector<16xi32>,
        %parallel_loop3A_868 = arith.constant 19 : i32
        %parallel_loop3A_869 = vector.broadcast %parallel_loop3A_868 : i32 to vector<16xi32>
        %parallel_loop3A_870 = arith.addi %parallel_loop3A_156, %parallel_loop3A_869 : vector<16xi32>
        %parallel_loop3A_871 = tpu.vector_load_idx %arg5[%parallel_loop3A_870] : memref<28743xi32, #tpu.memory_space<vmem>>[vector<16xi32>], vector<16xi32>,
        %parallel_loop3A_872 = vector.bitcast %parallel_loop3A_863 : vector<16xi32> to vector<32xbf16>
        %parallel_loop3A_873 = tpu.unpack_subelements %parallel_loop3A_872, 0 {pack_format = #tpu.pack_format<interleaved>} : vector<32xbf16> -> vector<16xf32>
        %parallel_loop3A_874 = tpu.unpack_subelements %parallel_loop3A_872, 1 {pack_format = #tpu.pack_format<interleaved>} : vector<32xbf16> -> vector<16xf32>
        %parallel_loop3A_875 = vector.bitcast %parallel_loop3A_867 : vector<16xi32> to vector<32xbf16>
        %parallel_loop3A_876 = tpu.unpack_subelements %parallel_loop3A_875, 0 {pack_format = #tpu.pack_format<interleaved>} : vector<32xbf16> -> vector<16xf32>
        %parallel_loop3A_877 = tpu.unpack_subelements %parallel_loop3A_875, 1 {pack_format = #tpu.pack_format<interleaved>} : vector<32xbf16> -> vector<16xf32>
        %parallel_loop3A_878 = vector.bitcast %parallel_loop3A_871 : vector<16xi32> to vector<32xbf16>
        %parallel_loop3A_879 = tpu.unpack_subelements %parallel_loop3A_878, 0 {pack_format = #tpu.pack_format<interleaved>} : vector<32xbf16> -> vector<16xf32>
        %parallel_loop3A_880 = tpu.unpack_subelements %parallel_loop3A_878, 1 {pack_format = #tpu.pack_format<interleaved>} : vector<32xbf16> -> vector<16xf32>
        %parallel_loop3A_881 = arith.addf %parallel_loop3A_873, %parallel_loop3A_876 : vector<16xf32>
        %parallel_loop3A_882 = arith.addf %parallel_loop3A_881, %parallel_loop3A_879 : vector<16xf32>
        %parallel_loop3A_883 = arith.constant 16 : i32
        %parallel_loop3A_884 = arith.muli %parallel_loop3A_883, %parallel_loop3A_85 : i32
        %parallel_loop3A_885 = arith.constant 38 : i32
        %parallel_loop3A_886 = arith.index_cast %parallel_loop3A_885 : i32 to index
        %parallel_loop3A_887 = arith.index_cast %parallel_loop3A_884 : i32 to index
        %parallel_loop3A_888 = tpu.vector_load %arg9[%parallel_loop3A_886, %parallel_loop3A_887] {strides = array<i32>} : memref<64x128xf32, #tpu.memory_space<vmem>>, vector<16xf32>,
        tpu.vector_store %arg9[%parallel_loop3A_886, %parallel_loop3A_887], %parallel_loop3A_882 {strides = array<i32>} : memref<64x128xf32, #tpu.memory_space<vmem>>, vector<16xf32>,
        %parallel_loop3A_889 = arith.addf %parallel_loop3A_874, %parallel_loop3A_877 : vector<16xf32>
        %parallel_loop3A_890 = arith.addf %parallel_loop3A_889, %parallel_loop3A_880 : vector<16xf32>
        %parallel_loop3A_891 = arith.constant 16 : i32
        %parallel_loop3A_892 = arith.muli %parallel_loop3A_891, %parallel_loop3A_85 : i32
        %parallel_loop3A_893 = arith.constant 39 : i32
        %parallel_loop3A_894 = arith.index_cast %parallel_loop3A_893 : i32 to index
        %parallel_loop3A_895 = arith.index_cast %parallel_loop3A_892 : i32 to index
        %parallel_loop3A_896 = tpu.vector_load %arg9[%parallel_loop3A_894, %parallel_loop3A_895] {strides = array<i32>} : memref<64x128xf32, #tpu.memory_space<vmem>>, vector<16xf32>,
        tpu.vector_store %arg9[%parallel_loop3A_894, %parallel_loop3A_895], %parallel_loop3A_890 {strides = array<i32>} : memref<64x128xf32, #tpu.memory_space<vmem>>, vector<16xf32>,
        %parallel_loop3A_897 = arith.constant 20 : i32
        %parallel_loop3A_898 = vector.broadcast %parallel_loop3A_897 : i32 to vector<16xi32>
        %parallel_loop3A_899 = arith.addi %parallel_loop3A_119, %parallel_loop3A_898 : vector<16xi32>
        %parallel_loop3A_900 = tpu.vector_load_idx %arg5[%parallel_loop3A_899] : memref<28743xi32, #tpu.memory_space<vmem>>[vector<16xi32>], vector<16xi32>,
        %parallel_loop3A_901 = arith.constant 20 : i32
        %parallel_loop3A_902 = vector.broadcast %parallel_loop3A_901 : i32 to vector<16xi32>
        %parallel_loop3A_903 = arith.addi %parallel_loop3A_143, %parallel_loop3A_902 : vector<16xi32>
        %parallel_loop3A_904 = tpu.vector_load_idx %arg5[%parallel_loop3A_903] : memref<28743xi32, #tpu.memory_space<vmem>>[vector<16xi32>], vector<16xi32>,
        %parallel_loop3A_905 = arith.constant 20 : i32
        %parallel_loop3A_906 = vector.broadcast %parallel_loop3A_905 : i32 to vector<16xi32>
        %parallel_loop3A_907 = arith.addi %parallel_loop3A_156, %parallel_loop3A_906 : vector<16xi32>
        %parallel_loop3A_908 = tpu.vector_load_idx %arg5[%parallel_loop3A_907] : memref<28743xi32, #tpu.memory_space<vmem>>[vector<16xi32>], vector<16xi32>,
        %parallel_loop3A_909 = vector.bitcast %parallel_loop3A_900 : vector<16xi32> to vector<32xbf16>
        %parallel_loop3A_910 = tpu.unpack_subelements %parallel_loop3A_909, 0 {pack_format = #tpu.pack_format<interleaved>} : vector<32xbf16> -> vector<16xf32>
        %parallel_loop3A_911 = tpu.unpack_subelements %parallel_loop3A_909, 1 {pack_format = #tpu.pack_format<interleaved>} : vector<32xbf16> -> vector<16xf32>
        %parallel_loop3A_912 = vector.bitcast %parallel_loop3A_904 : vector<16xi32> to vector<32xbf16>
        %parallel_loop3A_913 = tpu.unpack_subelements %parallel_loop3A_912, 0 {pack_format = #tpu.pack_format<interleaved>} : vector<32xbf16> -> vector<16xf32>
        %parallel_loop3A_914 = tpu.unpack_subelements %parallel_loop3A_912, 1 {pack_format = #tpu.pack_format<interleaved>} : vector<32xbf16> -> vector<16xf32>
        %parallel_loop3A_915 = vector.bitcast %parallel_loop3A_908 : vector<16xi32> to vector<32xbf16>
        %parallel_loop3A_916 = tpu.unpack_subelements %parallel_loop3A_915, 0 {pack_format = #tpu.pack_format<interleaved>} : vector<32xbf16> -> vector<16xf32>
        %parallel_loop3A_917 = tpu.unpack_subelements %parallel_loop3A_915, 1 {pack_format = #tpu.pack_format<interleaved>} : vector<32xbf16> -> vector<16xf32>
        %parallel_loop3A_918 = arith.addf %parallel_loop3A_910, %parallel_loop3A_913 : vector<16xf32>
        %parallel_loop3A_919 = arith.addf %parallel_loop3A_918, %parallel_loop3A_916 : vector<16xf32>
        %parallel_loop3A_920 = arith.constant 16 : i32
        %parallel_loop3A_921 = arith.muli %parallel_loop3A_920, %parallel_loop3A_85 : i32
        %parallel_loop3A_922 = arith.constant 40 : i32
        %parallel_loop3A_923 = arith.index_cast %parallel_loop3A_922 : i32 to index
        %parallel_loop3A_924 = arith.index_cast %parallel_loop3A_921 : i32 to index
        %parallel_loop3A_925 = tpu.vector_load %arg9[%parallel_loop3A_923, %parallel_loop3A_924] {strides = array<i32>} : memref<64x128xf32, #tpu.memory_space<vmem>>, vector<16xf32>,
        tpu.vector_store %arg9[%parallel_loop3A_923, %parallel_loop3A_924], %parallel_loop3A_919 {strides = array<i32>} : memref<64x128xf32, #tpu.memory_space<vmem>>, vector<16xf32>,
        %parallel_loop3A_926 = arith.addf %parallel_loop3A_911, %parallel_loop3A_914 : vector<16xf32>
        %parallel_loop3A_927 = arith.addf %parallel_loop3A_926, %parallel_loop3A_917 : vector<16xf32>
        %parallel_loop3A_928 = arith.constant 16 : i32
        %parallel_loop3A_929 = arith.muli %parallel_loop3A_928, %parallel_loop3A_85 : i32
        %parallel_loop3A_930 = arith.constant 41 : i32
        %parallel_loop3A_931 = arith.index_cast %parallel_loop3A_930 : i32 to index
        %parallel_loop3A_932 = arith.index_cast %parallel_loop3A_929 : i32 to index
        %parallel_loop3A_933 = tpu.vector_load %arg9[%parallel_loop3A_931, %parallel_loop3A_932] {strides = array<i32>} : memref<64x128xf32, #tpu.memory_space<vmem>>, vector<16xf32>,
        tpu.vector_store %arg9[%parallel_loop3A_931, %parallel_loop3A_932], %parallel_loop3A_927 {strides = array<i32>} : memref<64x128xf32, #tpu.memory_space<vmem>>, vector<16xf32>,
        %parallel_loop3A_934 = arith.constant 21 : i32
        %parallel_loop3A_935 = vector.broadcast %parallel_loop3A_934 : i32 to vector<16xi32>
        %parallel_loop3A_936 = arith.addi %parallel_loop3A_119, %parallel_loop3A_935 : vector<16xi32>
        %parallel_loop3A_937 = tpu.vector_load_idx %arg5[%parallel_loop3A_936] : memref<28743xi32, #tpu.memory_space<vmem>>[vector<16xi32>], vector<16xi32>,
        %parallel_loop3A_938 = arith.constant 21 : i32
        %parallel_loop3A_939 = vector.broadcast %parallel_loop3A_938 : i32 to vector<16xi32>
        %parallel_loop3A_940 = arith.addi %parallel_loop3A_143, %parallel_loop3A_939 : vector<16xi32>
        %parallel_loop3A_941 = tpu.vector_load_idx %arg5[%parallel_loop3A_940] : memref<28743xi32, #tpu.memory_space<vmem>>[vector<16xi32>], vector<16xi32>,
        %parallel_loop3A_942 = arith.constant 21 : i32
        %parallel_loop3A_943 = vector.broadcast %parallel_loop3A_942 : i32 to vector<16xi32>
        %parallel_loop3A_944 = arith.addi %parallel_loop3A_156, %parallel_loop3A_943 : vector<16xi32>
        %parallel_loop3A_945 = tpu.vector_load_idx %arg5[%parallel_loop3A_944] : memref<28743xi32, #tpu.memory_space<vmem>>[vector<16xi32>], vector<16xi32>,
        %parallel_loop3A_946 = vector.bitcast %parallel_loop3A_937 : vector<16xi32> to vector<32xbf16>
        %parallel_loop3A_947 = tpu.unpack_subelements %parallel_loop3A_946, 0 {pack_format = #tpu.pack_format<interleaved>} : vector<32xbf16> -> vector<16xf32>
        %parallel_loop3A_948 = tpu.unpack_subelements %parallel_loop3A_946, 1 {pack_format = #tpu.pack_format<interleaved>} : vector<32xbf16> -> vector<16xf32>
        %parallel_loop3A_949 = vector.bitcast %parallel_loop3A_941 : vector<16xi32> to vector<32xbf16>
        %parallel_loop3A_950 = tpu.unpack_subelements %parallel_loop3A_949, 0 {pack_format = #tpu.pack_format<interleaved>} : vector<32xbf16> -> vector<16xf32>
        %parallel_loop3A_951 = tpu.unpack_subelements %parallel_loop3A_949, 1 {pack_format = #tpu.pack_format<interleaved>} : vector<32xbf16> -> vector<16xf32>
        %parallel_loop3A_952 = vector.bitcast %parallel_loop3A_945 : vector<16xi32> to vector<32xbf16>
        %parallel_loop3A_953 = tpu.unpack_subelements %parallel_loop3A_952, 0 {pack_format = #tpu.pack_format<interleaved>} : vector<32xbf16> -> vector<16xf32>
        %parallel_loop3A_954 = tpu.unpack_subelements %parallel_loop3A_952, 1 {pack_format = #tpu.pack_format<interleaved>} : vector<32xbf16> -> vector<16xf32>
        %parallel_loop3A_955 = arith.addf %parallel_loop3A_947, %parallel_loop3A_950 : vector<16xf32>
        %parallel_loop3A_956 = arith.addf %parallel_loop3A_955, %parallel_loop3A_953 : vector<16xf32>
        %parallel_loop3A_957 = arith.constant 16 : i32
        %parallel_loop3A_958 = arith.muli %parallel_loop3A_957, %parallel_loop3A_85 : i32
        %parallel_loop3A_959 = arith.constant 42 : i32
        %parallel_loop3A_960 = arith.index_cast %parallel_loop3A_959 : i32 to index
        %parallel_loop3A_961 = arith.index_cast %parallel_loop3A_958 : i32 to index
        %parallel_loop3A_962 = tpu.vector_load %arg9[%parallel_loop3A_960, %parallel_loop3A_961] {strides = array<i32>} : memref<64x128xf32, #tpu.memory_space<vmem>>, vector<16xf32>,
        tpu.vector_store %arg9[%parallel_loop3A_960, %parallel_loop3A_961], %parallel_loop3A_956 {strides = array<i32>} : memref<64x128xf32, #tpu.memory_space<vmem>>, vector<16xf32>,
        %parallel_loop3A_963 = arith.addf %parallel_loop3A_948, %parallel_loop3A_951 : vector<16xf32>
        %parallel_loop3A_964 = arith.addf %parallel_loop3A_963, %parallel_loop3A_954 : vector<16xf32>
        %parallel_loop3A_965 = arith.constant 16 : i32
        %parallel_loop3A_966 = arith.muli %parallel_loop3A_965, %parallel_loop3A_85 : i32
        %parallel_loop3A_967 = arith.constant 43 : i32
        %parallel_loop3A_968 = arith.index_cast %parallel_loop3A_967 : i32 to index
        %parallel_loop3A_969 = arith.index_cast %parallel_loop3A_966 : i32 to index
        %parallel_loop3A_970 = tpu.vector_load %arg9[%parallel_loop3A_968, %parallel_loop3A_969] {strides = array<i32>} : memref<64x128xf32, #tpu.memory_space<vmem>>, vector<16xf32>,
        tpu.vector_store %arg9[%parallel_loop3A_968, %parallel_loop3A_969], %parallel_loop3A_964 {strides = array<i32>} : memref<64x128xf32, #tpu.memory_space<vmem>>, vector<16xf32>,
        %parallel_loop3A_971 = arith.constant 22 : i32
        %parallel_loop3A_972 = vector.broadcast %parallel_loop3A_971 : i32 to vector<16xi32>
        %parallel_loop3A_973 = arith.addi %parallel_loop3A_119, %parallel_loop3A_972 : vector<16xi32>
        %parallel_loop3A_974 = tpu.vector_load_idx %arg5[%parallel_loop3A_973] : memref<28743xi32, #tpu.memory_space<vmem>>[vector<16xi32>], vector<16xi32>,
        %parallel_loop3A_975 = arith.constant 22 : i32
        %parallel_loop3A_976 = vector.broadcast %parallel_loop3A_975 : i32 to vector<16xi32>
        %parallel_loop3A_977 = arith.addi %parallel_loop3A_143, %parallel_loop3A_976 : vector<16xi32>
        %parallel_loop3A_978 = tpu.vector_load_idx %arg5[%parallel_loop3A_977] : memref<28743xi32, #tpu.memory_space<vmem>>[vector<16xi32>], vector<16xi32>,
        %parallel_loop3A_979 = arith.constant 22 : i32
        %parallel_loop3A_980 = vector.broadcast %parallel_loop3A_979 : i32 to vector<16xi32>
        %parallel_loop3A_981 = arith.addi %parallel_loop3A_156, %parallel_loop3A_980 : vector<16xi32>
        %parallel_loop3A_982 = tpu.vector_load_idx %arg5[%parallel_loop3A_981] : memref<28743xi32, #tpu.memory_space<vmem>>[vector<16xi32>], vector<16xi32>,
        %parallel_loop3A_983 = vector.bitcast %parallel_loop3A_974 : vector<16xi32> to vector<32xbf16>
        %parallel_loop3A_984 = tpu.unpack_subelements %parallel_loop3A_983, 0 {pack_format = #tpu.pack_format<interleaved>} : vector<32xbf16> -> vector<16xf32>
        %parallel_loop3A_985 = tpu.unpack_subelements %parallel_loop3A_983, 1 {pack_format = #tpu.pack_format<interleaved>} : vector<32xbf16> -> vector<16xf32>
        %parallel_loop3A_986 = vector.bitcast %parallel_loop3A_978 : vector<16xi32> to vector<32xbf16>
        %parallel_loop3A_987 = tpu.unpack_subelements %parallel_loop3A_986, 0 {pack_format = #tpu.pack_format<interleaved>} : vector<32xbf16> -> vector<16xf32>
        %parallel_loop3A_988 = tpu.unpack_subelements %parallel_loop3A_986, 1 {pack_format = #tpu.pack_format<interleaved>} : vector<32xbf16> -> vector<16xf32>
        %parallel_loop3A_989 = vector.bitcast %parallel_loop3A_982 : vector<16xi32> to vector<32xbf16>
        %parallel_loop3A_990 = tpu.unpack_subelements %parallel_loop3A_989, 0 {pack_format = #tpu.pack_format<interleaved>} : vector<32xbf16> -> vector<16xf32>
        %parallel_loop3A_991 = tpu.unpack_subelements %parallel_loop3A_989, 1 {pack_format = #tpu.pack_format<interleaved>} : vector<32xbf16> -> vector<16xf32>
        %parallel_loop3A_992 = arith.addf %parallel_loop3A_984, %parallel_loop3A_987 : vector<16xf32>
        %parallel_loop3A_993 = arith.addf %parallel_loop3A_992, %parallel_loop3A_990 : vector<16xf32>
        %parallel_loop3A_994 = arith.constant 16 : i32
        %parallel_loop3A_995 = arith.muli %parallel_loop3A_994, %parallel_loop3A_85 : i32
        %parallel_loop3A_996 = arith.constant 44 : i32
        %parallel_loop3A_997 = arith.index_cast %parallel_loop3A_996 : i32 to index
        %parallel_loop3A_998 = arith.index_cast %parallel_loop3A_995 : i32 to index
        %parallel_loop3A_999 = tpu.vector_load %arg9[%parallel_loop3A_997, %parallel_loop3A_998] {strides = array<i32>} : memref<64x128xf32, #tpu.memory_space<vmem>>, vector<16xf32>,
        tpu.vector_store %arg9[%parallel_loop3A_997, %parallel_loop3A_998], %parallel_loop3A_993 {strides = array<i32>} : memref<64x128xf32, #tpu.memory_space<vmem>>, vector<16xf32>,
        %parallel_loop3A_1000 = arith.addf %parallel_loop3A_985, %parallel_loop3A_988 : vector<16xf32>
        %parallel_loop3A_1001 = arith.addf %parallel_loop3A_1000, %parallel_loop3A_991 : vector<16xf32>
        %parallel_loop3A_1002 = arith.constant 16 : i32
        %parallel_loop3A_1003 = arith.muli %parallel_loop3A_1002, %parallel_loop3A_85 : i32
        %parallel_loop3A_1004 = arith.constant 45 : i32
        %parallel_loop3A_1005 = arith.index_cast %parallel_loop3A_1004 : i32 to index
        %parallel_loop3A_1006 = arith.index_cast %parallel_loop3A_1003 : i32 to index
        %parallel_loop3A_1007 = tpu.vector_load %arg9[%parallel_loop3A_1005, %parallel_loop3A_1006] {strides = array<i32>} : memref<64x128xf32, #tpu.memory_space<vmem>>, vector<16xf32>,
        tpu.vector_store %arg9[%parallel_loop3A_1005, %parallel_loop3A_1006], %parallel_loop3A_1001 {strides = array<i32>} : memref<64x128xf32, #tpu.memory_space<vmem>>, vector<16xf32>,
        %parallel_loop3A_1008 = arith.constant 23 : i32
        %parallel_loop3A_1009 = vector.broadcast %parallel_loop3A_1008 : i32 to vector<16xi32>
        %parallel_loop3A_1010 = arith.addi %parallel_loop3A_119, %parallel_loop3A_1009 : vector<16xi32>
        %parallel_loop3A_1011 = tpu.vector_load_idx %arg5[%parallel_loop3A_1010] : memref<28743xi32, #tpu.memory_space<vmem>>[vector<16xi32>], vector<16xi32>,
        %parallel_loop3A_1012 = arith.constant 23 : i32
        %parallel_loop3A_1013 = vector.broadcast %parallel_loop3A_1012 : i32 to vector<16xi32>
        %parallel_loop3A_1014 = arith.addi %parallel_loop3A_143, %parallel_loop3A_1013 : vector<16xi32>
        %parallel_loop3A_1015 = tpu.vector_load_idx %arg5[%parallel_loop3A_1014] : memref<28743xi32, #tpu.memory_space<vmem>>[vector<16xi32>], vector<16xi32>,
        %parallel_loop3A_1016 = arith.constant 23 : i32
        %parallel_loop3A_1017 = vector.broadcast %parallel_loop3A_1016 : i32 to vector<16xi32>
        %parallel_loop3A_1018 = arith.addi %parallel_loop3A_156, %parallel_loop3A_1017 : vector<16xi32>
        %parallel_loop3A_1019 = tpu.vector_load_idx %arg5[%parallel_loop3A_1018] : memref<28743xi32, #tpu.memory_space<vmem>>[vector<16xi32>], vector<16xi32>,
        %parallel_loop3A_1020 = vector.bitcast %parallel_loop3A_1011 : vector<16xi32> to vector<32xbf16>
        %parallel_loop3A_1021 = tpu.unpack_subelements %parallel_loop3A_1020, 0 {pack_format = #tpu.pack_format<interleaved>} : vector<32xbf16> -> vector<16xf32>
        %parallel_loop3A_1022 = tpu.unpack_subelements %parallel_loop3A_1020, 1 {pack_format = #tpu.pack_format<interleaved>} : vector<32xbf16> -> vector<16xf32>
        %parallel_loop3A_1023 = vector.bitcast %parallel_loop3A_1015 : vector<16xi32> to vector<32xbf16>
        %parallel_loop3A_1024 = tpu.unpack_subelements %parallel_loop3A_1023, 0 {pack_format = #tpu.pack_format<interleaved>} : vector<32xbf16> -> vector<16xf32>
        %parallel_loop3A_1025 = tpu.unpack_subelements %parallel_loop3A_1023, 1 {pack_format = #tpu.pack_format<interleaved>} : vector<32xbf16> -> vector<16xf32>
        %parallel_loop3A_1026 = vector.bitcast %parallel_loop3A_1019 : vector<16xi32> to vector<32xbf16>
        %parallel_loop3A_1027 = tpu.unpack_subelements %parallel_loop3A_1026, 0 {pack_format = #tpu.pack_format<interleaved>} : vector<32xbf16> -> vector<16xf32>
        %parallel_loop3A_1028 = tpu.unpack_subelements %parallel_loop3A_1026, 1 {pack_format = #tpu.pack_format<interleaved>} : vector<32xbf16> -> vector<16xf32>
        %parallel_loop3A_1029 = arith.addf %parallel_loop3A_1021, %parallel_loop3A_1024 : vector<16xf32>
        %parallel_loop3A_1030 = arith.addf %parallel_loop3A_1029, %parallel_loop3A_1027 : vector<16xf32>
        %parallel_loop3A_1031 = arith.constant 16 : i32
        %parallel_loop3A_1032 = arith.muli %parallel_loop3A_1031, %parallel_loop3A_85 : i32
        %parallel_loop3A_1033 = arith.constant 46 : i32
        %parallel_loop3A_1034 = arith.index_cast %parallel_loop3A_1033 : i32 to index
        %parallel_loop3A_1035 = arith.index_cast %parallel_loop3A_1032 : i32 to index
        %parallel_loop3A_1036 = tpu.vector_load %arg9[%parallel_loop3A_1034, %parallel_loop3A_1035] {strides = array<i32>} : memref<64x128xf32, #tpu.memory_space<vmem>>, vector<16xf32>,
        tpu.vector_store %arg9[%parallel_loop3A_1034, %parallel_loop3A_1035], %parallel_loop3A_1030 {strides = array<i32>} : memref<64x128xf32, #tpu.memory_space<vmem>>, vector<16xf32>,
        %parallel_loop3A_1037 = arith.addf %parallel_loop3A_1022, %parallel_loop3A_1025 : vector<16xf32>
        %parallel_loop3A_1038 = arith.addf %parallel_loop3A_1037, %parallel_loop3A_1028 : vector<16xf32>
        %parallel_loop3A_1039 = arith.constant 16 : i32
        %parallel_loop3A_1040 = arith.muli %parallel_loop3A_1039, %parallel_loop3A_85 : i32
        %parallel_loop3A_1041 = arith.constant 47 : i32
        %parallel_loop3A_1042 = arith.index_cast %parallel_loop3A_1041 : i32 to index
        %parallel_loop3A_1043 = arith.index_cast %parallel_loop3A_1040 : i32 to index
        %parallel_loop3A_1044 = tpu.vector_load %arg9[%parallel_loop3A_1042, %parallel_loop3A_1043] {strides = array<i32>} : memref<64x128xf32, #tpu.memory_space<vmem>>, vector<16xf32>,
        tpu.vector_store %arg9[%parallel_loop3A_1042, %parallel_loop3A_1043], %parallel_loop3A_1038 {strides = array<i32>} : memref<64x128xf32, #tpu.memory_space<vmem>>, vector<16xf32>,
        %parallel_loop3A_1045 = arith.constant 24 : i32
        %parallel_loop3A_1046 = vector.broadcast %parallel_loop3A_1045 : i32 to vector<16xi32>
        %parallel_loop3A_1047 = arith.addi %parallel_loop3A_119, %parallel_loop3A_1046 : vector<16xi32>
        %parallel_loop3A_1048 = tpu.vector_load_idx %arg5[%parallel_loop3A_1047] : memref<28743xi32, #tpu.memory_space<vmem>>[vector<16xi32>], vector<16xi32>,
        %parallel_loop3A_1049 = arith.constant 24 : i32
        %parallel_loop3A_1050 = vector.broadcast %parallel_loop3A_1049 : i32 to vector<16xi32>
        %parallel_loop3A_1051 = arith.addi %parallel_loop3A_143, %parallel_loop3A_1050 : vector<16xi32>
        %parallel_loop3A_1052 = tpu.vector_load_idx %arg5[%parallel_loop3A_1051] : memref<28743xi32, #tpu.memory_space<vmem>>[vector<16xi32>], vector<16xi32>,
        %parallel_loop3A_1053 = arith.constant 24 : i32
        %parallel_loop3A_1054 = vector.broadcast %parallel_loop3A_1053 : i32 to vector<16xi32>
        %parallel_loop3A_1055 = arith.addi %parallel_loop3A_156, %parallel_loop3A_1054 : vector<16xi32>
        %parallel_loop3A_1056 = tpu.vector_load_idx %arg5[%parallel_loop3A_1055] : memref<28743xi32, #tpu.memory_space<vmem>>[vector<16xi32>], vector<16xi32>,
        %parallel_loop3A_1057 = vector.bitcast %parallel_loop3A_1048 : vector<16xi32> to vector<32xbf16>
        %parallel_loop3A_1058 = tpu.unpack_subelements %parallel_loop3A_1057, 0 {pack_format = #tpu.pack_format<interleaved>} : vector<32xbf16> -> vector<16xf32>
        %parallel_loop3A_1059 = tpu.unpack_subelements %parallel_loop3A_1057, 1 {pack_format = #tpu.pack_format<interleaved>} : vector<32xbf16> -> vector<16xf32>
        %parallel_loop3A_1060 = vector.bitcast %parallel_loop3A_1052 : vector<16xi32> to vector<32xbf16>
        %parallel_loop3A_1061 = tpu.unpack_subelements %parallel_loop3A_1060, 0 {pack_format = #tpu.pack_format<interleaved>} : vector<32xbf16> -> vector<16xf32>
        %parallel_loop3A_1062 = tpu.unpack_subelements %parallel_loop3A_1060, 1 {pack_format = #tpu.pack_format<interleaved>} : vector<32xbf16> -> vector<16xf32>
        %parallel_loop3A_1063 = vector.bitcast %parallel_loop3A_1056 : vector<16xi32> to vector<32xbf16>
        %parallel_loop3A_1064 = tpu.unpack_subelements %parallel_loop3A_1063, 0 {pack_format = #tpu.pack_format<interleaved>} : vector<32xbf16> -> vector<16xf32>
        %parallel_loop3A_1065 = tpu.unpack_subelements %parallel_loop3A_1063, 1 {pack_format = #tpu.pack_format<interleaved>} : vector<32xbf16> -> vector<16xf32>
        %parallel_loop3A_1066 = arith.addf %parallel_loop3A_1058, %parallel_loop3A_1061 : vector<16xf32>
        %parallel_loop3A_1067 = arith.addf %parallel_loop3A_1066, %parallel_loop3A_1064 : vector<16xf32>
        %parallel_loop3A_1068 = arith.constant 16 : i32
        %parallel_loop3A_1069 = arith.muli %parallel_loop3A_1068, %parallel_loop3A_85 : i32
        %parallel_loop3A_1070 = arith.constant 48 : i32
        %parallel_loop3A_1071 = arith.index_cast %parallel_loop3A_1070 : i32 to index
        %parallel_loop3A_1072 = arith.index_cast %parallel_loop3A_1069 : i32 to index
        %parallel_loop3A_1073 = tpu.vector_load %arg9[%parallel_loop3A_1071, %parallel_loop3A_1072] {strides = array<i32>} : memref<64x128xf32, #tpu.memory_space<vmem>>, vector<16xf32>,
        tpu.vector_store %arg9[%parallel_loop3A_1071, %parallel_loop3A_1072], %parallel_loop3A_1067 {strides = array<i32>} : memref<64x128xf32, #tpu.memory_space<vmem>>, vector<16xf32>,
        %parallel_loop3A_1074 = arith.addf %parallel_loop3A_1059, %parallel_loop3A_1062 : vector<16xf32>
        %parallel_loop3A_1075 = arith.addf %parallel_loop3A_1074, %parallel_loop3A_1065 : vector<16xf32>
        %parallel_loop3A_1076 = arith.constant 16 : i32
        %parallel_loop3A_1077 = arith.muli %parallel_loop3A_1076, %parallel_loop3A_85 : i32
        %parallel_loop3A_1078 = arith.constant 49 : i32
        %parallel_loop3A_1079 = arith.index_cast %parallel_loop3A_1078 : i32 to index
        %parallel_loop3A_1080 = arith.index_cast %parallel_loop3A_1077 : i32 to index
        %parallel_loop3A_1081 = tpu.vector_load %arg9[%parallel_loop3A_1079, %parallel_loop3A_1080] {strides = array<i32>} : memref<64x128xf32, #tpu.memory_space<vmem>>, vector<16xf32>,
        tpu.vector_store %arg9[%parallel_loop3A_1079, %parallel_loop3A_1080], %parallel_loop3A_1075 {strides = array<i32>} : memref<64x128xf32, #tpu.memory_space<vmem>>, vector<16xf32>,
        %parallel_loop3A_1082 = arith.constant 25 : i32
        %parallel_loop3A_1083 = vector.broadcast %parallel_loop3A_1082 : i32 to vector<16xi32>
        %parallel_loop3A_1084 = arith.addi %parallel_loop3A_119, %parallel_loop3A_1083 : vector<16xi32>
        %parallel_loop3A_1085 = tpu.vector_load_idx %arg5[%parallel_loop3A_1084] : memref<28743xi32, #tpu.memory_space<vmem>>[vector<16xi32>], vector<16xi32>,
        %parallel_loop3A_1086 = arith.constant 25 : i32
        %parallel_loop3A_1087 = vector.broadcast %parallel_loop3A_1086 : i32 to vector<16xi32>
        %parallel_loop3A_1088 = arith.addi %parallel_loop3A_143, %parallel_loop3A_1087 : vector<16xi32>
        %parallel_loop3A_1089 = tpu.vector_load_idx %arg5[%parallel_loop3A_1088] : memref<28743xi32, #tpu.memory_space<vmem>>[vector<16xi32>], vector<16xi32>,
        %parallel_loop3A_1090 = arith.constant 25 : i32
        %parallel_loop3A_1091 = vector.broadcast %parallel_loop3A_1090 : i32 to vector<16xi32>
        %parallel_loop3A_1092 = arith.addi %parallel_loop3A_156, %parallel_loop3A_1091 : vector<16xi32>
        %parallel_loop3A_1093 = tpu.vector_load_idx %arg5[%parallel_loop3A_1092] : memref<28743xi32, #tpu.memory_space<vmem>>[vector<16xi32>], vector<16xi32>,
        %parallel_loop3A_1094 = vector.bitcast %parallel_loop3A_1085 : vector<16xi32> to vector<32xbf16>
        %parallel_loop3A_1095 = tpu.unpack_subelements %parallel_loop3A_1094, 0 {pack_format = #tpu.pack_format<interleaved>} : vector<32xbf16> -> vector<16xf32>
        %parallel_loop3A_1096 = tpu.unpack_subelements %parallel_loop3A_1094, 1 {pack_format = #tpu.pack_format<interleaved>} : vector<32xbf16> -> vector<16xf32>
        %parallel_loop3A_1097 = vector.bitcast %parallel_loop3A_1089 : vector<16xi32> to vector<32xbf16>
        %parallel_loop3A_1098 = tpu.unpack_subelements %parallel_loop3A_1097, 0 {pack_format = #tpu.pack_format<interleaved>} : vector<32xbf16> -> vector<16xf32>
        %parallel_loop3A_1099 = tpu.unpack_subelements %parallel_loop3A_1097, 1 {pack_format = #tpu.pack_format<interleaved>} : vector<32xbf16> -> vector<16xf32>
        %parallel_loop3A_1100 = vector.bitcast %parallel_loop3A_1093 : vector<16xi32> to vector<32xbf16>
        %parallel_loop3A_1101 = tpu.unpack_subelements %parallel_loop3A_1100, 0 {pack_format = #tpu.pack_format<interleaved>} : vector<32xbf16> -> vector<16xf32>
        %parallel_loop3A_1102 = tpu.unpack_subelements %parallel_loop3A_1100, 1 {pack_format = #tpu.pack_format<interleaved>} : vector<32xbf16> -> vector<16xf32>
        %parallel_loop3A_1103 = arith.addf %parallel_loop3A_1095, %parallel_loop3A_1098 : vector<16xf32>
        %parallel_loop3A_1104 = arith.addf %parallel_loop3A_1103, %parallel_loop3A_1101 : vector<16xf32>
        %parallel_loop3A_1105 = arith.constant 16 : i32
        %parallel_loop3A_1106 = arith.muli %parallel_loop3A_1105, %parallel_loop3A_85 : i32
        %parallel_loop3A_1107 = arith.constant 50 : i32
        %parallel_loop3A_1108 = arith.index_cast %parallel_loop3A_1107 : i32 to index
        %parallel_loop3A_1109 = arith.index_cast %parallel_loop3A_1106 : i32 to index
        %parallel_loop3A_1110 = tpu.vector_load %arg9[%parallel_loop3A_1108, %parallel_loop3A_1109] {strides = array<i32>} : memref<64x128xf32, #tpu.memory_space<vmem>>, vector<16xf32>,
        tpu.vector_store %arg9[%parallel_loop3A_1108, %parallel_loop3A_1109], %parallel_loop3A_1104 {strides = array<i32>} : memref<64x128xf32, #tpu.memory_space<vmem>>, vector<16xf32>,
        %parallel_loop3A_1111 = arith.addf %parallel_loop3A_1096, %parallel_loop3A_1099 : vector<16xf32>
        %parallel_loop3A_1112 = arith.addf %parallel_loop3A_1111, %parallel_loop3A_1102 : vector<16xf32>
        %parallel_loop3A_1113 = arith.constant 16 : i32
        %parallel_loop3A_1114 = arith.muli %parallel_loop3A_1113, %parallel_loop3A_85 : i32
        %parallel_loop3A_1115 = arith.constant 51 : i32
        %parallel_loop3A_1116 = arith.index_cast %parallel_loop3A_1115 : i32 to index
        %parallel_loop3A_1117 = arith.index_cast %parallel_loop3A_1114 : i32 to index
        %parallel_loop3A_1118 = tpu.vector_load %arg9[%parallel_loop3A_1116, %parallel_loop3A_1117] {strides = array<i32>} : memref<64x128xf32, #tpu.memory_space<vmem>>, vector<16xf32>,
        tpu.vector_store %arg9[%parallel_loop3A_1116, %parallel_loop3A_1117], %parallel_loop3A_1112 {strides = array<i32>} : memref<64x128xf32, #tpu.memory_space<vmem>>, vector<16xf32>,
        %parallel_loop3A_1119 = arith.constant 26 : i32
        %parallel_loop3A_1120 = vector.broadcast %parallel_loop3A_1119 : i32 to vector<16xi32>
        %parallel_loop3A_1121 = arith.addi %parallel_loop3A_119, %parallel_loop3A_1120 : vector<16xi32>
        %parallel_loop3A_1122 = tpu.vector_load_idx %arg5[%parallel_loop3A_1121] : memref<28743xi32, #tpu.memory_space<vmem>>[vector<16xi32>], vector<16xi32>,
        %parallel_loop3A_1123 = arith.constant 26 : i32
        %parallel_loop3A_1124 = vector.broadcast %parallel_loop3A_1123 : i32 to vector<16xi32>
        %parallel_loop3A_1125 = arith.addi %parallel_loop3A_143, %parallel_loop3A_1124 : vector<16xi32>
        %parallel_loop3A_1126 = tpu.vector_load_idx %arg5[%parallel_loop3A_1125] : memref<28743xi32, #tpu.memory_space<vmem>>[vector<16xi32>], vector<16xi32>,
        %parallel_loop3A_1127 = arith.constant 26 : i32
        %parallel_loop3A_1128 = vector.broadcast %parallel_loop3A_1127 : i32 to vector<16xi32>
        %parallel_loop3A_1129 = arith.addi %parallel_loop3A_156, %parallel_loop3A_1128 : vector<16xi32>
        %parallel_loop3A_1130 = tpu.vector_load_idx %arg5[%parallel_loop3A_1129] : memref<28743xi32, #tpu.memory_space<vmem>>[vector<16xi32>], vector<16xi32>,
        %parallel_loop3A_1131 = vector.bitcast %parallel_loop3A_1122 : vector<16xi32> to vector<32xbf16>
        %parallel_loop3A_1132 = tpu.unpack_subelements %parallel_loop3A_1131, 0 {pack_format = #tpu.pack_format<interleaved>} : vector<32xbf16> -> vector<16xf32>
        %parallel_loop3A_1133 = tpu.unpack_subelements %parallel_loop3A_1131, 1 {pack_format = #tpu.pack_format<interleaved>} : vector<32xbf16> -> vector<16xf32>
        %parallel_loop3A_1134 = vector.bitcast %parallel_loop3A_1126 : vector<16xi32> to vector<32xbf16>
        %parallel_loop3A_1135 = tpu.unpack_subelements %parallel_loop3A_1134, 0 {pack_format = #tpu.pack_format<interleaved>} : vector<32xbf16> -> vector<16xf32>
        %parallel_loop3A_1136 = tpu.unpack_subelements %parallel_loop3A_1134, 1 {pack_format = #tpu.pack_format<interleaved>} : vector<32xbf16> -> vector<16xf32>
        %parallel_loop3A_1137 = vector.bitcast %parallel_loop3A_1130 : vector<16xi32> to vector<32xbf16>
        %parallel_loop3A_1138 = tpu.unpack_subelements %parallel_loop3A_1137, 0 {pack_format = #tpu.pack_format<interleaved>} : vector<32xbf16> -> vector<16xf32>
        %parallel_loop3A_1139 = tpu.unpack_subelements %parallel_loop3A_1137, 1 {pack_format = #tpu.pack_format<interleaved>} : vector<32xbf16> -> vector<16xf32>
        %parallel_loop3A_1140 = arith.addf %parallel_loop3A_1132, %parallel_loop3A_1135 : vector<16xf32>
        %parallel_loop3A_1141 = arith.addf %parallel_loop3A_1140, %parallel_loop3A_1138 : vector<16xf32>
        %parallel_loop3A_1142 = arith.constant 16 : i32
        %parallel_loop3A_1143 = arith.muli %parallel_loop3A_1142, %parallel_loop3A_85 : i32
        %parallel_loop3A_1144 = arith.constant 52 : i32
        %parallel_loop3A_1145 = arith.index_cast %parallel_loop3A_1144 : i32 to index
        %parallel_loop3A_1146 = arith.index_cast %parallel_loop3A_1143 : i32 to index
        %parallel_loop3A_1147 = tpu.vector_load %arg9[%parallel_loop3A_1145, %parallel_loop3A_1146] {strides = array<i32>} : memref<64x128xf32, #tpu.memory_space<vmem>>, vector<16xf32>,
        tpu.vector_store %arg9[%parallel_loop3A_1145, %parallel_loop3A_1146], %parallel_loop3A_1141 {strides = array<i32>} : memref<64x128xf32, #tpu.memory_space<vmem>>, vector<16xf32>,
        %parallel_loop3A_1148 = arith.addf %parallel_loop3A_1133, %parallel_loop3A_1136 : vector<16xf32>
        %parallel_loop3A_1149 = arith.addf %parallel_loop3A_1148, %parallel_loop3A_1139 : vector<16xf32>
        %parallel_loop3A_1150 = arith.constant 16 : i32
        %parallel_loop3A_1151 = arith.muli %parallel_loop3A_1150, %parallel_loop3A_85 : i32
        %parallel_loop3A_1152 = arith.constant 53 : i32
        %parallel_loop3A_1153 = arith.index_cast %parallel_loop3A_1152 : i32 to index
        %parallel_loop3A_1154 = arith.index_cast %parallel_loop3A_1151 : i32 to index
        %parallel_loop3A_1155 = tpu.vector_load %arg9[%parallel_loop3A_1153, %parallel_loop3A_1154] {strides = array<i32>} : memref<64x128xf32, #tpu.memory_space<vmem>>, vector<16xf32>,
        tpu.vector_store %arg9[%parallel_loop3A_1153, %parallel_loop3A_1154], %parallel_loop3A_1149 {strides = array<i32>} : memref<64x128xf32, #tpu.memory_space<vmem>>, vector<16xf32>,
        %parallel_loop3A_1156 = arith.constant 27 : i32
        %parallel_loop3A_1157 = vector.broadcast %parallel_loop3A_1156 : i32 to vector<16xi32>
        %parallel_loop3A_1158 = arith.addi %parallel_loop3A_119, %parallel_loop3A_1157 : vector<16xi32>
        %parallel_loop3A_1159 = tpu.vector_load_idx %arg5[%parallel_loop3A_1158] : memref<28743xi32, #tpu.memory_space<vmem>>[vector<16xi32>], vector<16xi32>,
        %parallel_loop3A_1160 = arith.constant 27 : i32
        %parallel_loop3A_1161 = vector.broadcast %parallel_loop3A_1160 : i32 to vector<16xi32>
        %parallel_loop3A_1162 = arith.addi %parallel_loop3A_143, %parallel_loop3A_1161 : vector<16xi32>
        %parallel_loop3A_1163 = tpu.vector_load_idx %arg5[%parallel_loop3A_1162] : memref<28743xi32, #tpu.memory_space<vmem>>[vector<16xi32>], vector<16xi32>,
        %parallel_loop3A_1164 = arith.constant 27 : i32
        %parallel_loop3A_1165 = vector.broadcast %parallel_loop3A_1164 : i32 to vector<16xi32>
        %parallel_loop3A_1166 = arith.addi %parallel_loop3A_156, %parallel_loop3A_1165 : vector<16xi32>
        %parallel_loop3A_1167 = tpu.vector_load_idx %arg5[%parallel_loop3A_1166] : memref<28743xi32, #tpu.memory_space<vmem>>[vector<16xi32>], vector<16xi32>,
        %parallel_loop3A_1168 = vector.bitcast %parallel_loop3A_1159 : vector<16xi32> to vector<32xbf16>
        %parallel_loop3A_1169 = tpu.unpack_subelements %parallel_loop3A_1168, 0 {pack_format = #tpu.pack_format<interleaved>} : vector<32xbf16> -> vector<16xf32>
        %parallel_loop3A_1170 = tpu.unpack_subelements %parallel_loop3A_1168, 1 {pack_format = #tpu.pack_format<interleaved>} : vector<32xbf16> -> vector<16xf32>
        %parallel_loop3A_1171 = vector.bitcast %parallel_loop3A_1163 : vector<16xi32> to vector<32xbf16>
        %parallel_loop3A_1172 = tpu.unpack_subelements %parallel_loop3A_1171, 0 {pack_format = #tpu.pack_format<interleaved>} : vector<32xbf16> -> vector<16xf32>
        %parallel_loop3A_1173 = tpu.unpack_subelements %parallel_loop3A_1171, 1 {pack_format = #tpu.pack_format<interleaved>} : vector<32xbf16> -> vector<16xf32>
        %parallel_loop3A_1174 = vector.bitcast %parallel_loop3A_1167 : vector<16xi32> to vector<32xbf16>
        %parallel_loop3A_1175 = tpu.unpack_subelements %parallel_loop3A_1174, 0 {pack_format = #tpu.pack_format<interleaved>} : vector<32xbf16> -> vector<16xf32>
        %parallel_loop3A_1176 = tpu.unpack_subelements %parallel_loop3A_1174, 1 {pack_format = #tpu.pack_format<interleaved>} : vector<32xbf16> -> vector<16xf32>
        %parallel_loop3A_1177 = arith.addf %parallel_loop3A_1169, %parallel_loop3A_1172 : vector<16xf32>
        %parallel_loop3A_1178 = arith.addf %parallel_loop3A_1177, %parallel_loop3A_1175 : vector<16xf32>
        %parallel_loop3A_1179 = arith.constant 16 : i32
        %parallel_loop3A_1180 = arith.muli %parallel_loop3A_1179, %parallel_loop3A_85 : i32
        %parallel_loop3A_1181 = arith.constant 54 : i32
        %parallel_loop3A_1182 = arith.index_cast %parallel_loop3A_1181 : i32 to index
        %parallel_loop3A_1183 = arith.index_cast %parallel_loop3A_1180 : i32 to index
        %parallel_loop3A_1184 = tpu.vector_load %arg9[%parallel_loop3A_1182, %parallel_loop3A_1183] {strides = array<i32>} : memref<64x128xf32, #tpu.memory_space<vmem>>, vector<16xf32>,
        tpu.vector_store %arg9[%parallel_loop3A_1182, %parallel_loop3A_1183], %parallel_loop3A_1178 {strides = array<i32>} : memref<64x128xf32, #tpu.memory_space<vmem>>, vector<16xf32>,
        %parallel_loop3A_1185 = arith.addf %parallel_loop3A_1170, %parallel_loop3A_1173 : vector<16xf32>
        %parallel_loop3A_1186 = arith.addf %parallel_loop3A_1185, %parallel_loop3A_1176 : vector<16xf32>
        %parallel_loop3A_1187 = arith.constant 16 : i32
        %parallel_loop3A_1188 = arith.muli %parallel_loop3A_1187, %parallel_loop3A_85 : i32
        %parallel_loop3A_1189 = arith.constant 55 : i32
        %parallel_loop3A_1190 = arith.index_cast %parallel_loop3A_1189 : i32 to index
        %parallel_loop3A_1191 = arith.index_cast %parallel_loop3A_1188 : i32 to index
        %parallel_loop3A_1192 = tpu.vector_load %arg9[%parallel_loop3A_1190, %parallel_loop3A_1191] {strides = array<i32>} : memref<64x128xf32, #tpu.memory_space<vmem>>, vector<16xf32>,
        tpu.vector_store %arg9[%parallel_loop3A_1190, %parallel_loop3A_1191], %parallel_loop3A_1186 {strides = array<i32>} : memref<64x128xf32, #tpu.memory_space<vmem>>, vector<16xf32>,
        %parallel_loop3A_1193 = arith.constant 28 : i32
        %parallel_loop3A_1194 = vector.broadcast %parallel_loop3A_1193 : i32 to vector<16xi32>
        %parallel_loop3A_1195 = arith.addi %parallel_loop3A_119, %parallel_loop3A_1194 : vector<16xi32>
        %parallel_loop3A_1196 = tpu.vector_load_idx %arg5[%parallel_loop3A_1195] : memref<28743xi32, #tpu.memory_space<vmem>>[vector<16xi32>], vector<16xi32>,
        %parallel_loop3A_1197 = arith.constant 28 : i32
        %parallel_loop3A_1198 = vector.broadcast %parallel_loop3A_1197 : i32 to vector<16xi32>
        %parallel_loop3A_1199 = arith.addi %parallel_loop3A_143, %parallel_loop3A_1198 : vector<16xi32>
        %parallel_loop3A_1200 = tpu.vector_load_idx %arg5[%parallel_loop3A_1199] : memref<28743xi32, #tpu.memory_space<vmem>>[vector<16xi32>], vector<16xi32>,
        %parallel_loop3A_1201 = arith.constant 28 : i32
        %parallel_loop3A_1202 = vector.broadcast %parallel_loop3A_1201 : i32 to vector<16xi32>
        %parallel_loop3A_1203 = arith.addi %parallel_loop3A_156, %parallel_loop3A_1202 : vector<16xi32>
        %parallel_loop3A_1204 = tpu.vector_load_idx %arg5[%parallel_loop3A_1203] : memref<28743xi32, #tpu.memory_space<vmem>>[vector<16xi32>], vector<16xi32>,
        %parallel_loop3A_1205 = vector.bitcast %parallel_loop3A_1196 : vector<16xi32> to vector<32xbf16>
        %parallel_loop3A_1206 = tpu.unpack_subelements %parallel_loop3A_1205, 0 {pack_format = #tpu.pack_format<interleaved>} : vector<32xbf16> -> vector<16xf32>
        %parallel_loop3A_1207 = tpu.unpack_subelements %parallel_loop3A_1205, 1 {pack_format = #tpu.pack_format<interleaved>} : vector<32xbf16> -> vector<16xf32>
        %parallel_loop3A_1208 = vector.bitcast %parallel_loop3A_1200 : vector<16xi32> to vector<32xbf16>
        %parallel_loop3A_1209 = tpu.unpack_subelements %parallel_loop3A_1208, 0 {pack_format = #tpu.pack_format<interleaved>} : vector<32xbf16> -> vector<16xf32>
        %parallel_loop3A_1210 = tpu.unpack_subelements %parallel_loop3A_1208, 1 {pack_format = #tpu.pack_format<interleaved>} : vector<32xbf16> -> vector<16xf32>
        %parallel_loop3A_1211 = vector.bitcast %parallel_loop3A_1204 : vector<16xi32> to vector<32xbf16>
        %parallel_loop3A_1212 = tpu.unpack_subelements %parallel_loop3A_1211, 0 {pack_format = #tpu.pack_format<interleaved>} : vector<32xbf16> -> vector<16xf32>
        %parallel_loop3A_1213 = tpu.unpack_subelements %parallel_loop3A_1211, 1 {pack_format = #tpu.pack_format<interleaved>} : vector<32xbf16> -> vector<16xf32>
        %parallel_loop3A_1214 = arith.addf %parallel_loop3A_1206, %parallel_loop3A_1209 : vector<16xf32>
        %parallel_loop3A_1215 = arith.addf %parallel_loop3A_1214, %parallel_loop3A_1212 : vector<16xf32>
        %parallel_loop3A_1216 = arith.constant 16 : i32
        %parallel_loop3A_1217 = arith.muli %parallel_loop3A_1216, %parallel_loop3A_85 : i32
        %parallel_loop3A_1218 = arith.constant 56 : i32
        %parallel_loop3A_1219 = arith.index_cast %parallel_loop3A_1218 : i32 to index
        %parallel_loop3A_1220 = arith.index_cast %parallel_loop3A_1217 : i32 to index
        %parallel_loop3A_1221 = tpu.vector_load %arg9[%parallel_loop3A_1219, %parallel_loop3A_1220] {strides = array<i32>} : memref<64x128xf32, #tpu.memory_space<vmem>>, vector<16xf32>,
        tpu.vector_store %arg9[%parallel_loop3A_1219, %parallel_loop3A_1220], %parallel_loop3A_1215 {strides = array<i32>} : memref<64x128xf32, #tpu.memory_space<vmem>>, vector<16xf32>,
        %parallel_loop3A_1222 = arith.addf %parallel_loop3A_1207, %parallel_loop3A_1210 : vector<16xf32>
        %parallel_loop3A_1223 = arith.addf %parallel_loop3A_1222, %parallel_loop3A_1213 : vector<16xf32>
        %parallel_loop3A_1224 = arith.constant 16 : i32
        %parallel_loop3A_1225 = arith.muli %parallel_loop3A_1224, %parallel_loop3A_85 : i32
        %parallel_loop3A_1226 = arith.constant 57 : i32
        %parallel_loop3A_1227 = arith.index_cast %parallel_loop3A_1226 : i32 to index
        %parallel_loop3A_1228 = arith.index_cast %parallel_loop3A_1225 : i32 to index
        %parallel_loop3A_1229 = tpu.vector_load %arg9[%parallel_loop3A_1227, %parallel_loop3A_1228] {strides = array<i32>} : memref<64x128xf32, #tpu.memory_space<vmem>>, vector<16xf32>,
        tpu.vector_store %arg9[%parallel_loop3A_1227, %parallel_loop3A_1228], %parallel_loop3A_1223 {strides = array<i32>} : memref<64x128xf32, #tpu.memory_space<vmem>>, vector<16xf32>,
        %parallel_loop3A_1230 = arith.constant 29 : i32
        %parallel_loop3A_1231 = vector.broadcast %parallel_loop3A_1230 : i32 to vector<16xi32>
        %parallel_loop3A_1232 = arith.addi %parallel_loop3A_119, %parallel_loop3A_1231 : vector<16xi32>
        %parallel_loop3A_1233 = tpu.vector_load_idx %arg5[%parallel_loop3A_1232] : memref<28743xi32, #tpu.memory_space<vmem>>[vector<16xi32>], vector<16xi32>,
        %parallel_loop3A_1234 = arith.constant 29 : i32
        %parallel_loop3A_1235 = vector.broadcast %parallel_loop3A_1234 : i32 to vector<16xi32>
        %parallel_loop3A_1236 = arith.addi %parallel_loop3A_143, %parallel_loop3A_1235 : vector<16xi32>
        %parallel_loop3A_1237 = tpu.vector_load_idx %arg5[%parallel_loop3A_1236] : memref<28743xi32, #tpu.memory_space<vmem>>[vector<16xi32>], vector<16xi32>,
        %parallel_loop3A_1238 = arith.constant 29 : i32
        %parallel_loop3A_1239 = vector.broadcast %parallel_loop3A_1238 : i32 to vector<16xi32>
        %parallel_loop3A_1240 = arith.addi %parallel_loop3A_156, %parallel_loop3A_1239 : vector<16xi32>
        %parallel_loop3A_1241 = tpu.vector_load_idx %arg5[%parallel_loop3A_1240] : memref<28743xi32, #tpu.memory_space<vmem>>[vector<16xi32>], vector<16xi32>,
        %parallel_loop3A_1242 = vector.bitcast %parallel_loop3A_1233 : vector<16xi32> to vector<32xbf16>
        %parallel_loop3A_1243 = tpu.unpack_subelements %parallel_loop3A_1242, 0 {pack_format = #tpu.pack_format<interleaved>} : vector<32xbf16> -> vector<16xf32>
        %parallel_loop3A_1244 = tpu.unpack_subelements %parallel_loop3A_1242, 1 {pack_format = #tpu.pack_format<interleaved>} : vector<32xbf16> -> vector<16xf32>
        %parallel_loop3A_1245 = vector.bitcast %parallel_loop3A_1237 : vector<16xi32> to vector<32xbf16>
        %parallel_loop3A_1246 = tpu.unpack_subelements %parallel_loop3A_1245, 0 {pack_format = #tpu.pack_format<interleaved>} : vector<32xbf16> -> vector<16xf32>
        %parallel_loop3A_1247 = tpu.unpack_subelements %parallel_loop3A_1245, 1 {pack_format = #tpu.pack_format<interleaved>} : vector<32xbf16> -> vector<16xf32>
        %parallel_loop3A_1248 = vector.bitcast %parallel_loop3A_1241 : vector<16xi32> to vector<32xbf16>
        %parallel_loop3A_1249 = tpu.unpack_subelements %parallel_loop3A_1248, 0 {pack_format = #tpu.pack_format<interleaved>} : vector<32xbf16> -> vector<16xf32>
        %parallel_loop3A_1250 = tpu.unpack_subelements %parallel_loop3A_1248, 1 {pack_format = #tpu.pack_format<interleaved>} : vector<32xbf16> -> vector<16xf32>
        %parallel_loop3A_1251 = arith.addf %parallel_loop3A_1243, %parallel_loop3A_1246 : vector<16xf32>
        %parallel_loop3A_1252 = arith.addf %parallel_loop3A_1251, %parallel_loop3A_1249 : vector<16xf32>
        %parallel_loop3A_1253 = arith.constant 16 : i32
        %parallel_loop3A_1254 = arith.muli %parallel_loop3A_1253, %parallel_loop3A_85 : i32
        %parallel_loop3A_1255 = arith.constant 58 : i32
        %parallel_loop3A_1256 = arith.index_cast %parallel_loop3A_1255 : i32 to index
        %parallel_loop3A_1257 = arith.index_cast %parallel_loop3A_1254 : i32 to index
        %parallel_loop3A_1258 = tpu.vector_load %arg9[%parallel_loop3A_1256, %parallel_loop3A_1257] {strides = array<i32>} : memref<64x128xf32, #tpu.memory_space<vmem>>, vector<16xf32>,
        tpu.vector_store %arg9[%parallel_loop3A_1256, %parallel_loop3A_1257], %parallel_loop3A_1252 {strides = array<i32>} : memref<64x128xf32, #tpu.memory_space<vmem>>, vector<16xf32>,
        %parallel_loop3A_1259 = arith.addf %parallel_loop3A_1244, %parallel_loop3A_1247 : vector<16xf32>
        %parallel_loop3A_1260 = arith.addf %parallel_loop3A_1259, %parallel_loop3A_1250 : vector<16xf32>
        %parallel_loop3A_1261 = arith.constant 16 : i32
        %parallel_loop3A_1262 = arith.muli %parallel_loop3A_1261, %parallel_loop3A_85 : i32
        %parallel_loop3A_1263 = arith.constant 59 : i32
        %parallel_loop3A_1264 = arith.index_cast %parallel_loop3A_1263 : i32 to index
        %parallel_loop3A_1265 = arith.index_cast %parallel_loop3A_1262 : i32 to index
        %parallel_loop3A_1266 = tpu.vector_load %arg9[%parallel_loop3A_1264, %parallel_loop3A_1265] {strides = array<i32>} : memref<64x128xf32, #tpu.memory_space<vmem>>, vector<16xf32>,
        tpu.vector_store %arg9[%parallel_loop3A_1264, %parallel_loop3A_1265], %parallel_loop3A_1260 {strides = array<i32>} : memref<64x128xf32, #tpu.memory_space<vmem>>, vector<16xf32>,
        %parallel_loop3A_1267 = arith.constant 30 : i32
        %parallel_loop3A_1268 = vector.broadcast %parallel_loop3A_1267 : i32 to vector<16xi32>
        %parallel_loop3A_1269 = arith.addi %parallel_loop3A_119, %parallel_loop3A_1268 : vector<16xi32>
        %parallel_loop3A_1270 = tpu.vector_load_idx %arg5[%parallel_loop3A_1269] : memref<28743xi32, #tpu.memory_space<vmem>>[vector<16xi32>], vector<16xi32>,
        %parallel_loop3A_1271 = arith.constant 30 : i32
        %parallel_loop3A_1272 = vector.broadcast %parallel_loop3A_1271 : i32 to vector<16xi32>
        %parallel_loop3A_1273 = arith.addi %parallel_loop3A_143, %parallel_loop3A_1272 : vector<16xi32>
        %parallel_loop3A_1274 = tpu.vector_load_idx %arg5[%parallel_loop3A_1273] : memref<28743xi32, #tpu.memory_space<vmem>>[vector<16xi32>], vector<16xi32>,
        %parallel_loop3A_1275 = arith.constant 30 : i32
        %parallel_loop3A_1276 = vector.broadcast %parallel_loop3A_1275 : i32 to vector<16xi32>
        %parallel_loop3A_1277 = arith.addi %parallel_loop3A_156, %parallel_loop3A_1276 : vector<16xi32>
        %parallel_loop3A_1278 = tpu.vector_load_idx %arg5[%parallel_loop3A_1277] : memref<28743xi32, #tpu.memory_space<vmem>>[vector<16xi32>], vector<16xi32>,
        %parallel_loop3A_1279 = vector.bitcast %parallel_loop3A_1270 : vector<16xi32> to vector<32xbf16>
        %parallel_loop3A_1280 = tpu.unpack_subelements %parallel_loop3A_1279, 0 {pack_format = #tpu.pack_format<interleaved>} : vector<32xbf16> -> vector<16xf32>
        %parallel_loop3A_1281 = tpu.unpack_subelements %parallel_loop3A_1279, 1 {pack_format = #tpu.pack_format<interleaved>} : vector<32xbf16> -> vector<16xf32>
        %parallel_loop3A_1282 = vector.bitcast %parallel_loop3A_1274 : vector<16xi32> to vector<32xbf16>
        %parallel_loop3A_1283 = tpu.unpack_subelements %parallel_loop3A_1282, 0 {pack_format = #tpu.pack_format<interleaved>} : vector<32xbf16> -> vector<16xf32>
        %parallel_loop3A_1284 = tpu.unpack_subelements %parallel_loop3A_1282, 1 {pack_format = #tpu.pack_format<interleaved>} : vector<32xbf16> -> vector<16xf32>
        %parallel_loop3A_1285 = vector.bitcast %parallel_loop3A_1278 : vector<16xi32> to vector<32xbf16>
        %parallel_loop3A_1286 = tpu.unpack_subelements %parallel_loop3A_1285, 0 {pack_format = #tpu.pack_format<interleaved>} : vector<32xbf16> -> vector<16xf32>
        %parallel_loop3A_1287 = tpu.unpack_subelements %parallel_loop3A_1285, 1 {pack_format = #tpu.pack_format<interleaved>} : vector<32xbf16> -> vector<16xf32>
        %parallel_loop3A_1288 = arith.addf %parallel_loop3A_1280, %parallel_loop3A_1283 : vector<16xf32>
        %parallel_loop3A_1289 = arith.addf %parallel_loop3A_1288, %parallel_loop3A_1286 : vector<16xf32>
        %parallel_loop3A_1290 = arith.constant 16 : i32
        %parallel_loop3A_1291 = arith.muli %parallel_loop3A_1290, %parallel_loop3A_85 : i32
        %parallel_loop3A_1292 = arith.constant 60 : i32
        %parallel_loop3A_1293 = arith.index_cast %parallel_loop3A_1292 : i32 to index
        %parallel_loop3A_1294 = arith.index_cast %parallel_loop3A_1291 : i32 to index
        %parallel_loop3A_1295 = tpu.vector_load %arg9[%parallel_loop3A_1293, %parallel_loop3A_1294] {strides = array<i32>} : memref<64x128xf32, #tpu.memory_space<vmem>>, vector<16xf32>,
        tpu.vector_store %arg9[%parallel_loop3A_1293, %parallel_loop3A_1294], %parallel_loop3A_1289 {strides = array<i32>} : memref<64x128xf32, #tpu.memory_space<vmem>>, vector<16xf32>,
        %parallel_loop3A_1296 = arith.addf %parallel_loop3A_1281, %parallel_loop3A_1284 : vector<16xf32>
        %parallel_loop3A_1297 = arith.addf %parallel_loop3A_1296, %parallel_loop3A_1287 : vector<16xf32>
        %parallel_loop3A_1298 = arith.constant 16 : i32
        %parallel_loop3A_1299 = arith.muli %parallel_loop3A_1298, %parallel_loop3A_85 : i32
        %parallel_loop3A_1300 = arith.constant 61 : i32
        %parallel_loop3A_1301 = arith.index_cast %parallel_loop3A_1300 : i32 to index
        %parallel_loop3A_1302 = arith.index_cast %parallel_loop3A_1299 : i32 to index
        %parallel_loop3A_1303 = tpu.vector_load %arg9[%parallel_loop3A_1301, %parallel_loop3A_1302] {strides = array<i32>} : memref<64x128xf32, #tpu.memory_space<vmem>>, vector<16xf32>,
        tpu.vector_store %arg9[%parallel_loop3A_1301, %parallel_loop3A_1302], %parallel_loop3A_1297 {strides = array<i32>} : memref<64x128xf32, #tpu.memory_space<vmem>>, vector<16xf32>,
        %parallel_loop3A_1304 = arith.constant 31 : i32
        %parallel_loop3A_1305 = vector.broadcast %parallel_loop3A_1304 : i32 to vector<16xi32>
        %parallel_loop3A_1306 = arith.addi %parallel_loop3A_119, %parallel_loop3A_1305 : vector<16xi32>
        %parallel_loop3A_1307 = tpu.vector_load_idx %arg5[%parallel_loop3A_1306] : memref<28743xi32, #tpu.memory_space<vmem>>[vector<16xi32>], vector<16xi32>,
        %parallel_loop3A_1308 = arith.constant 31 : i32
        %parallel_loop3A_1309 = vector.broadcast %parallel_loop3A_1308 : i32 to vector<16xi32>
        %parallel_loop3A_1310 = arith.addi %parallel_loop3A_143, %parallel_loop3A_1309 : vector<16xi32>
        %parallel_loop3A_1311 = tpu.vector_load_idx %arg5[%parallel_loop3A_1310] : memref<28743xi32, #tpu.memory_space<vmem>>[vector<16xi32>], vector<16xi32>,
        %parallel_loop3A_1312 = arith.constant 31 : i32
        %parallel_loop3A_1313 = vector.broadcast %parallel_loop3A_1312 : i32 to vector<16xi32>
        %parallel_loop3A_1314 = arith.addi %parallel_loop3A_156, %parallel_loop3A_1313 : vector<16xi32>
        %parallel_loop3A_1315 = tpu.vector_load_idx %arg5[%parallel_loop3A_1314] : memref<28743xi32, #tpu.memory_space<vmem>>[vector<16xi32>], vector<16xi32>,
        %parallel_loop3A_1316 = vector.bitcast %parallel_loop3A_1307 : vector<16xi32> to vector<32xbf16>
        %parallel_loop3A_1317 = tpu.unpack_subelements %parallel_loop3A_1316, 0 {pack_format = #tpu.pack_format<interleaved>} : vector<32xbf16> -> vector<16xf32>
        %parallel_loop3A_1318 = tpu.unpack_subelements %parallel_loop3A_1316, 1 {pack_format = #tpu.pack_format<interleaved>} : vector<32xbf16> -> vector<16xf32>
        %parallel_loop3A_1319 = vector.bitcast %parallel_loop3A_1311 : vector<16xi32> to vector<32xbf16>
        %parallel_loop3A_1320 = tpu.unpack_subelements %parallel_loop3A_1319, 0 {pack_format = #tpu.pack_format<interleaved>} : vector<32xbf16> -> vector<16xf32>
        %parallel_loop3A_1321 = tpu.unpack_subelements %parallel_loop3A_1319, 1 {pack_format = #tpu.pack_format<interleaved>} : vector<32xbf16> -> vector<16xf32>
        %parallel_loop3A_1322 = vector.bitcast %parallel_loop3A_1315 : vector<16xi32> to vector<32xbf16>
        %parallel_loop3A_1323 = tpu.unpack_subelements %parallel_loop3A_1322, 0 {pack_format = #tpu.pack_format<interleaved>} : vector<32xbf16> -> vector<16xf32>
        %parallel_loop3A_1324 = tpu.unpack_subelements %parallel_loop3A_1322, 1 {pack_format = #tpu.pack_format<interleaved>} : vector<32xbf16> -> vector<16xf32>
        %parallel_loop3A_1325 = arith.addf %parallel_loop3A_1317, %parallel_loop3A_1320 : vector<16xf32>
        %parallel_loop3A_1326 = arith.addf %parallel_loop3A_1325, %parallel_loop3A_1323 : vector<16xf32>
        %parallel_loop3A_1327 = arith.constant 16 : i32
        %parallel_loop3A_1328 = arith.muli %parallel_loop3A_1327, %parallel_loop3A_85 : i32
        %parallel_loop3A_1329 = arith.constant 62 : i32
        %parallel_loop3A_1330 = arith.index_cast %parallel_loop3A_1329 : i32 to index
        %parallel_loop3A_1331 = arith.index_cast %parallel_loop3A_1328 : i32 to index
        %parallel_loop3A_1332 = tpu.vector_load %arg9[%parallel_loop3A_1330, %parallel_loop3A_1331] {strides = array<i32>} : memref<64x128xf32, #tpu.memory_space<vmem>>, vector<16xf32>,
        tpu.vector_store %arg9[%parallel_loop3A_1330, %parallel_loop3A_1331], %parallel_loop3A_1326 {strides = array<i32>} : memref<64x128xf32, #tpu.memory_space<vmem>>, vector<16xf32>,
        %parallel_loop3A_1333 = arith.addf %parallel_loop3A_1318, %parallel_loop3A_1321 : vector<16xf32>
        %parallel_loop3A_1334 = arith.addf %parallel_loop3A_1333, %parallel_loop3A_1324 : vector<16xf32>
        %parallel_loop3A_1335 = arith.constant 16 : i32
        %parallel_loop3A_1336 = arith.muli %parallel_loop3A_1335, %parallel_loop3A_85 : i32
        %parallel_loop3A_1337 = arith.constant 63 : i32
        %parallel_loop3A_1338 = arith.index_cast %parallel_loop3A_1337 : i32 to index
        %parallel_loop3A_1339 = arith.index_cast %parallel_loop3A_1336 : i32 to index
        %parallel_loop3A_1340 = tpu.vector_load %arg9[%parallel_loop3A_1338, %parallel_loop3A_1339] {strides = array<i32>} : memref<64x128xf32, #tpu.memory_space<vmem>>, vector<16xf32>,
        tpu.vector_store %arg9[%parallel_loop3A_1338, %parallel_loop3A_1339], %parallel_loop3A_1334 {strides = array<i32>} : memref<64x128xf32, #tpu.memory_space<vmem>>, vector<16xf32>,
      } {sc.loop_unroll_factor = 2 : i64, sc.parallel_access}
      %dma_start3A_79 = arith.constant 0 : i32
      %dma_start3A_80 = tpu.memref_slice %arg4[%add3A_57, %dma_start3A_79, %mul3A_2] : memref<200x64x4096xf32, #tpu.memory_space<hbm>> -> memref<1x64x128xf32, #tpu.memory_space<hbm>>
      %dma_start3A_81 = tpu.memref_squeeze %dma_start3A_80 : memref<1x64x128xf32, #tpu.memory_space<hbm>> -> memref<64x128xf32, #tpu.memory_space<hbm>>
      %dma_start3A_82 = arith.constant 0 : i32
      %dma_start3A_83 = tpu.memref_slice %arg4[%add3A_57, %dma_start3A_82, %mul3A_2] : memref<200x64x4096xf32, #tpu.memory_space<hbm>> -> memref<1x64x128xf32, #tpu.memory_space<hbm>>
      %dma_start3A_84 = tpu.memref_squeeze %dma_start3A_83 : memref<1x64x128xf32, #tpu.memory_space<hbm>> -> memref<64x128xf32, #tpu.memory_space<hbm>>
      tpu.enqueue_dma source(%arg9 : memref<64x128xf32, #tpu.memory_space<vmem>>) target(%dma_start3A_84 : memref<64x128xf32, #tpu.memory_space<hbm>>) target_semaphore(%arg13 : memref<!tpu.dma_semaphore, #tpu.memory_space<semaphore_mem>>)
    }
    %scan3A_13 = arith.constant 100 : i32
    %dma_wait3A = arith.constant 198 : i32
    %dma_wait3A_14 = arith.constant 0 : i32
    %dma_wait3A_15 = tpu.memref_slice %arg4[%dma_wait3A, %dma_wait3A_14, %mul3A_2] : memref<200x64x4096xf32, #tpu.memory_space<hbm>> -> memref<1x64x128xf32, #tpu.memory_space<hbm>>
    %dma_wait3A_16 = tpu.memref_squeeze %dma_wait3A_15 : memref<1x64x128xf32, #tpu.memory_space<hbm>> -> memref<64x128xf32, #tpu.memory_space<hbm>>
    %dma_wait3A_17 = arith.constant 0 : i32
    %dma_wait3A_18 = tpu.memref_slice %arg4[%dma_wait3A, %dma_wait3A_17, %mul3A_2] : memref<200x64x4096xf32, #tpu.memory_space<hbm>> -> memref<1x64x128xf32, #tpu.memory_space<hbm>>
    %dma_wait3A_19 = tpu.memref_squeeze %dma_wait3A_18 : memref<1x64x128xf32, #tpu.memory_space<hbm>> -> memref<64x128xf32, #tpu.memory_space<hbm>>
    tpu.wait_dma2 semaphore(%arg12 : memref<!tpu.dma_semaphore, #tpu.memory_space<semaphore_mem>>) src(%arg8 : memref<64x128xf32, #tpu.memory_space<vmem>>) dst(%dma_wait3A_19 : memref<64x128xf32, #tpu.memory_space<hbm>>)
    %dma_wait3A_20 = arith.constant 199 : i32
    %dma_wait3A_21 = arith.constant 0 : i32
    %dma_wait3A_22 = tpu.memref_slice %arg4[%dma_wait3A_20, %dma_wait3A_21, %mul3A_2] : memref<200x64x4096xf32, #tpu.memory_space<hbm>> -> memref<1x64x128xf32, #tpu.memory_space<hbm>>
    %dma_wait3A_23 = tpu.memref_squeeze %dma_wait3A_22 : memref<1x64x128xf32, #tpu.memory_space<hbm>> -> memref<64x128xf32, #tpu.memory_space<hbm>>
    %dma_wait3A_24 = arith.constant 0 : i32
    %dma_wait3A_25 = tpu.memref_slice %arg4[%dma_wait3A_20, %dma_wait3A_24, %mul3A_2] : memref<200x64x4096xf32, #tpu.memory_space<hbm>> -> memref<1x64x128xf32, #tpu.memory_space<hbm>>
    %dma_wait3A_26 = tpu.memref_squeeze %dma_wait3A_25 : memref<1x64x128xf32, #tpu.memory_space<hbm>> -> memref<64x128xf32, #tpu.memory_space<hbm>>
    tpu.wait_dma2 semaphore(%arg13 : memref<!tpu.dma_semaphore, #tpu.memory_space<semaphore_mem>>) src(%arg9 : memref<64x128xf32, #tpu.memory_space<vmem>>) dst(%dma_wait3A_26 : memref<64x128xf32, #tpu.memory_space<hbm>>)
    return
  }
}

</mosaic_0001>

<sc_bundles>
// kernel: kernel.3.cloned.1.call-start
scs
__scs_entry_jumppad:
0x0: {  	(pc) =	sbr.rel $0x88, $3  }
0x1: {  	(tag) =	ssettag $0x0;
	lr =	simm.s32 $0x1  }
0x2: {  	[smem:$0x3F9C] =	sst lr;
	_ =	strace $0xD0000000  }
0x3: {  	_ = 	snop  }
0x4: {  	_ = 	snop  }
0x5: {  	_ = 	snop  }
0x6: {  	_ = 	snop  }
0x7: {  	_ = 	snop  }
__scs_overlays_trampoline_lowered:
0x8: {  	[smem:$0x3FAB] =	sst s0  }
0x9: {  	[smem:$0x3FAC] =	sst s1  }
0xa: {  	[smem:$0x3FAD] =	sst s2  }
0xb: {  	[smem:$0x3FAE] =	sst s3  }
0xc: {  	[smem:$0x3FAF] =	sst s4  }
0xd: {  	[smem:$0x3FB0] =	sst s5  }
0xe: {  	[smem:$0x3FB1] =	sst s6  }
0xf: {  	[smem:$0x3FB2] =	sst s7  }
0x10: {  	[smem:$0x3FB3] =	sst s8  }
0x11: {  	[smem:$0x3FB4] =	sst s9;
	s0 =	simm.s32 @!p0 $0x0  }
0x12: {  	s1 =	sld [smem:$0x3F9A];
	s0 =	simm.s32 @p0 $0x1  }
0x13: {  	[smem:$0x3FB5] =	sst s0;
	s0 =	simm.s32 @!p1 $0x0  }
0x14: {  	s2 =	sld [smem:$0x3F99];
	s0 =	simm.s32 @p1 $0x1  }
0x15: {  	[smem:$0x3FB6] =	sst s0;
	s0 =	simm.s32 @!p2 $0x0  }
0x16: {  	s3 =	sld [smem:$0x3FDB];
	s0 =	simm.s32 @p2 $0x1  }
0x17: {  	s4 =	simm.s32 $0x1BF5;
	[smem:$0x3FB8] =	sst s0  }
0x18: {  	s0 =	sld [smem:$0x3F9B];
	_ =	swait.ge [sflag:s4], $0x0  }
0x19: {  	s7 =	sld [smem:$0x3F9C]  }
0x1a: {  	s8 =	sadd.s32 $0xFFFFE003, lr  }
0x1b: {  	s9 =	sadd.s32 $0xFFFFFEF7, lr;
	s5 =	simm.s32 $0xFFFFFFFF;
	p2 =	slt.u32 s8, $0xFFFFF086  }
0x1c: {  	p1 =	slt.u32 s9, $0xF7A;
	s5 =	simm.s32 @!p2 $0x0  }
0x1d: {  	s5 =	simm.s32 @p1 $0x1;
	p0 =	seq.s32 s7, s2  }
0x1e: {  	s7 =	smul.u32 @!p0 $0xF7A, s2;
	p2 =	seq.s32 @!p0 s5, $0x0  }
0x1f: {  	s9 =	smul.u32 $0xF7A, s1;
	s8 =	simm.s32 @!p0 $0x1BF5;
	p2 =	por !p2, p0  }
0x20: {  	[sflag:s8] =	ssyncset.s32 @!p0 $0xFFFFF086;
	s6 =	sadd.s32 @!p0 s3, s7;
	s7 =	simm.s32 @!p0 $0x108  }
0x21: {  	s3 =	sadd.s32 s3, s9;
	s6 =	sadd.s32 @!p0 $0x88, s6;
	s7 =	simm.s32 @p2 $0x1082  }
0x22: {  	[simem:s7], [sflag:s8] =	dma.local @!p0 [hbm:s6], $0xF7A  }
0x23: {  	s9 =	sor.u32 $0xD0000000, s2;
	s6 =	simm.s32 $0x108;
	_ =	swait.ge @!p0 [sflag:s8], $0x0  }
0x24: {  	s3 =	sadd.s32 $0x88, s3;
	s6 =	simm.s32 @!p1 $0x1082;
	[sflag:s4] =	ssyncset.s32 $0xFFFFF086  }
0x25: {  	[simem:s6], [sflag:s4] =	dma.local [hbm:s3], $0xF7A  }
0x26: {  	[smem:$0x3F9C] =	sst s1;
	(tag) =	ssettag s2;
	_ =	strace s9  }
0x27: {  	s1 =	sld [smem:$0x3FAC]  }
0x28: {  	s2 =	sld [smem:$0x3FAD]  }
0x29: {  	s4 =	sld [smem:$0x3FAF]  }
0x2a: {  	p0 =	seq.s32 s5, $0x0;
	s5 =	sld [smem:$0x3FB0]  }
0x2b: {  	s6 =	sld [smem:$0x3FB1]  }
0x2c: {  	s7 =	sld [smem:$0x3FB2]  }
0x2d: {  	s3 =	simm.s32 $0x108;
	s8 =	sld [smem:$0x3FB3]  }
0x2e: {  	s3 =	simm.s32 @!p0 $0x1082;
	s9 =	sld [smem:$0x3FB4]  }
0x2f: {  	lr =	sadd.s32 s0, s3;
	s0 =	sld [smem:$0x3FAB]  }
0x30: {  	s3 =	sld [smem:$0x3FAE]  }
0x31: {  	[smem:$0x3FB7] =	sst s10  }
0x32: {  	s10 =	sld [smem:$0x3FB5];
	_ =	sdelay $0x3  }
0x33: {  	p0 =	seq.s32 s10, $0x1;
	s10 =	sld [smem:$0x3FB7];
	_ =	sdelay $0x3  }
0x34: {  	[smem:$0x3FB7] =	sst s10  }
0x35: {  	s10 =	sld [smem:$0x3FB6];
	_ =	sdelay $0x3  }
0x36: {  	p1 =	seq.s32 s10, $0x1;
	s10 =	sld [smem:$0x3FB7];
	_ =	sdelay $0x3  }
0x37: {  	[smem:$0x3FB7] =	sst s10  }
0x38: {  	s10 =	sld [smem:$0x3FB8]  }
0x39: {  	_ = 	snop;
	(pc) =	sbr.ind lr, $3  }
0x3a: {  	_ = 	snop  }
0x3b: {  	_ = 	snop  }
0x3c: {  	p2 =	seq.s32 s10, $0x1;
	s10 =	sld [smem:$0x3FB7]  }
0x3d: {  	_ =	shalt  }
0x3e: {  	_ =	shalt  }
0x3f: {  	_ =	shalt  }
0x40: {  	_ =	shalt  }
0x41: {  	_ =	shalt  }
0x42: {  	_ =	shalt  }
0x43: {  	_ =	shalt  }
0x44: {  	_ =	shalt  }
0x45: {  	_ =	shalt  }
0x46: {  	_ =	shalt  }
0x47: {  	_ =	shalt  }
0x48: {  	_ =	shalt  }
0x49: {  	_ =	shalt  }
0x4a: {  	_ =	shalt  }
0x4b: {  	_ =	shalt  }
0x4c: {  	_ =	shalt  }
0x4d: {  	_ =	shalt  }
0x4e: {  	_ =	shalt  }
0x4f: {  	_ =	shalt  }
0x50: {  	_ =	shalt  }
0x51: {  	_ =	shalt  }
0x52: {  	_ =	shalt  }
0x53: {  	_ =	shalt  }
0x54: {  	_ =	shalt  }
0x55: {  	_ =	shalt  }
0x56: {  	_ =	shalt  }
0x57: {  	_ =	shalt  }
0x58: {  	_ =	shalt  }
0x59: {  	_ =	shalt  }
0x5a: {  	_ =	shalt  }
0x5b: {  	_ =	shalt  }
0x5c: {  	_ =	shalt  }
0x5d: {  	_ =	shalt  }
0x5e: {  	_ =	shalt  }
0x5f: {  	_ =	shalt  }
0x60: {  	_ =	shalt  }
0x61: {  	_ =	shalt  }
0x62: {  	_ =	shalt  }
0x63: {  	_ =	shalt  }
0x64: {  	_ =	shalt  }
0x65: {  	_ =	shalt  }
0x66: {  	_ =	shalt  }
0x67: {  	_ =	shalt  }
0x68: {  	_ =	shalt  }
0x69: {  	_ =	shalt  }
0x6a: {  	_ =	shalt  }
0x6b: {  	_ =	shalt  }
0x6c: {  	_ =	shalt  }
0x6d: {  	_ =	shalt  }
0x6e: {  	_ =	shalt  }
0x6f: {  	_ =	shalt  }
0x70: {  	_ =	shalt  }
0x71: {  	_ =	shalt  }
0x72: {  	_ =	shalt  }
0x73: {  	_ =	shalt  }
0x74: {  	_ =	shalt  }
0x75: {  	_ =	shalt  }
0x76: {  	_ =	shalt  }
0x77: {  	_ =	shalt  }
0x78: {  	_ =	shalt  }
0x79: {  	_ =	shalt  }
0x7a: {  	_ =	shalt  }
0x7b: {  	_ =	shalt  }
0x7c: {  	_ =	shalt  }
0x7d: {  	_ =	shalt  }
0x7e: {  	_ =	shalt  }
0x7f: {  	_ =	shalt  }
0x80: {  	_ =	shalt  }
0x81: {  	_ =	shalt  }
0x82: {  	_ =	shalt  }
0x83: {  	_ =	shalt  }
0x84: {  	_ =	shalt  }
0x85: {  	_ =	shalt  }
0x86: {  	_ =	shalt  }
0x87: {  	_ =	shalt  }
.Lfunc_end0:
.L_simem_size_0:
called_computation_lowered:
.L_overlay_start_0:
0x88: {  	s2 =	sld [smem:$0x3FD9]  }
0x89: {  	s3 =	sld [smem:$0x3FFE];
	_ =	sdelay $0x1  }
0x8a: {  	s1 =	srdreg.scid  }
0x8b: {  	s0 =	sand.u32 $0x1, s1  }
0x8c: {  	s17 =	sshll.u32 s0, $0xA;
	s2 =	sadd.s32 s3, s2  }
0x8d: {  	s2 =	sadd.s32 s2, s17  }
0x8e: {  	[smem:$0x3FC3] =	sst s2  }
0x8f: {  	_ = 	snop  }
0x90: {  	s2 =	sld [smem:$0x3FC9]  }
0x91: {  	s18 =	sld [smem:$0x3FD0];
	(tm) =	ssettm $0x1  }
0x92: {  	s4 =	sld [smem:$0x3FFB];
	_ =	sdelay $0x3  }
0x93: {  	_ =	strace s4  }
0x94: {  	s4 =	sld [smem:$0x3FFC];
	_ =	sdelay $0x3  }
0x95: {  	_ =	strace s4  }
0x96: {  	s4 =	sld [smem:$0x3FFD];
	_ =	sdelay $0x3  }
0x97: {  	_ =	strace s4  }
0x98: {  	_ =	strace $0x8FFFFFFF  }
0x99: {  	s19 =	sld [smem:$0x3FDB];
	_ =	sdelay $0x1  }
0x9a: {  	s5 =	simm.s32 $_scs_section_size  }
0x9b: {  	s6 =	simm.s32 $_size__tile_overlayer_lowered;
	s7 =	simm.s32 $_tile_overlayer_lowered  }
0x9c: {  	s22 =	simm.s32 $0x1BFF;
	s21 =	sshll.u32 s7, $0x1;
	s4 =	sadd.s32 s5, s19  }
0x9d: {  	s8 =	simm.s32 $0x0;
	s20 =	sshll.u32 s6, $0x1;
	s6 =	sadd.s32 s21, s4  }
0x9e: {  	[timem:s8], [sflag:s22] =	dma.local [hbm:s6], s20  }
0x9f: {  	_ =	swait.ge [sflag:s22], s20  }
0xa0: {  	s5 =	ssub.s32 $0x0, s20;
	[sflag:s22] =	ssyncset.done $0x0  }
0xa1: {  	[sflag:s22] =	ssyncadd.s32 s5;
	_ =	sdelay $0x1  }
0xa2: {  	s23 =	simm.s32 $0x1B8B  }
0xa3: {  	_ =	swait.ge [sflag:s23], $0x1  }
0xa4: {  	[sflag:s23] =	ssyncset.done $0x0  }
0xa5: {  	s25 =	simm.s32 $0x1B8E;
	s24 =	sld [smem:$0x3FFE];
	[sflag:s23] =	ssyncadd.s32 $0xFFFFFFFF  }
0xa6: {  	s26 =	simm.s32 $execute0_lowered;
	[smem:$0x3FD2] =	sst s25  }
0xa7: {  	s6 =	sshll.u32 s26, $0x1;
	_ =	strace $0x80000046;
	[dreg:$0x1] =	wrdreg $0xFFFFFFFF  }
0xa8: {  	s28 =	simm.s32 $_size_execute0_lowered;
	s4 =	sadd.s32 s4, s6;
	[dreg:$0x0] =	wrdreg $0x0  }
0xa9: {  	s6 =	sshll.u32 s28, $0x1;
	[dreg:$0x2] =	wrdreg s4  }
0xaa: {  	[dreg:$0x3] =	wrdreg s6  }
0xab: {  	[dreg:$0x4] =	wrdreg $0xC0  }
0xac: {  	_ =	task [dreg:s8], $0x5FFFF  }
0xad: {  	[dreg:$0x1] =	wrdreg $0xFFFFFFFF  }
0xae: {  	[dreg:$0x0] =	wrdreg $0x60  }
0xaf: {  	[dreg:$0x2] =	wrdreg s2  }
0xb0: {  	[dreg:$0x3] =	wrdreg s24  }
0xb1: {  	[dreg:$0x4] =	wrdreg s18  }
0xb2: {  	[dreg:$0x5] =	wrdreg $0x9  }
0xb3: {  	_ =	task.clear_ibuf [dreg:s8], $0x6FFFF;
	_ =	strace $0x90000046  }
0xb4: {  	s29 =	simm.s32 $0x9;
	_ =	strace $0x80000048  }
0xb5: {  	_ =	swait.ge [sflag:s29], $0x1  }
0xb6: {  	[sflag:s29] =	ssyncadd.s32 $0xFFFFFFFF  }
0xb7: {  	_ =	strace $0x90000048  }
0xb8: {  	_ =	sfence  }
0xb9: {  	s30 =	sld [smem:$0x0];
	_ =	sdelay $0x2  }
0xba: {  	s31 =	sshll.u32 s1, $0xD;
	s1 =	sshrl.u32 s1, $0x2  }
0xbb: {  	s3 =	sand.u32 $0x4000, s31;
	s1 =	sadd.s32 s1, s30  }
0xbc: {  	s0 =	sor.u32 s3, s0;
	s1 =	sshll.u32 s1, $0x11  }
0xbd: {  	s0 =	sor.u32 s1, s0  }
0xbe: {  	s0 =	sadd.s32 $0x8F2B, s0  }
0xbf: {  	[sflag:s0] =	ssyncadd.remote.s32 $0x1  }
0xc0: {  	_ =	sfence.sel $0xFFFF  }
0xc1: {  	[dreg:$0x0] =	wrdreg $0xFFFFFFFF;
	(pc) =	sbr.abs _section_cstart, $3  }
0xc2: {  	[dreg:$0x1] =	wrdreg $0xFFFFFFFF  }
0xc3: {  	_ =	task.clear_ibuf [dreg:s8], $0x2FFFF;
	_ =	strace $0x9FFFFFFF  }
0xc4: {  	(tm) =	ssettm $0x7FFFFFFF  }
0xc5: {  	_ =	shalt  }
tec
execute0_lowered:
.L_overlay_start_1:
0x0: {  	(tag) =	ssettag $0x1  }
0x1: {  	s1 =	rddreg [dreg:$0x0]  }
0x2: {  	s5 =	rddreg [dreg:$0x1]  }
0x3: {  	s3 =	rddreg [dreg:$0x2]  }
0x4: {  	s0 =	rddreg [dreg:$0x3]  }
0x5: {  	s4 =	simm.s32 $0x0;
	s6 =	srdreg.scid;
	s2 =	stileid.u32  }
0x6: {  	s11 =	simm.s32 $0x5;
	s12 =	simm.s32 $0x7080;
	s13 =	simm.s32 $0x1  }
0x7: {  	s14 =	simm.s32 $0x7280;
	s15 =	simm.s32 $0x400;
	s16 =	simm.s32 $0x8000  }
0x8: {  	s17 =	simm.s32 $0x7480;
	s18 =	simm.s32 $0x2;
	s19 =	simm.s32 $0x9480  }
0x9: {  	s20 =	simm.s32 $0x3;
	s21 =	simm.s32 $0x4;
	s22 =	simm.s32 $0x0  }
0xa: {  	[smem:$0x7FF] =	sst s4;
	s6 =	sand.u32 $0x1, s6;
	s7 =	sshll.u32 s2, $0x1  }
0xb: {  	s5 =	sadd.s32 $0x400, s5;
	s8 =	ssub.s32 $0x2, s6;
	s9 =	sor.u32 s6, s7  }
0xc: {  	_ =	strace $0x80000047;
	s31 =	sshrl.u32 s8, $0x1;
	s7 =	sshll.u32 s9, $0x6  }
0xd: {  	s6 =	sshll.u32 s9, $0x9;
	s9 =	sshll.u32 s9, $0xA;
	s10 =	ssub.s32 s8, s31  }
0xe: {  	s7 =	sadd.s32 s1, s7;
	s8 =	sor.u32 $0x8000, s6;
	s10 =	smax.u32 s10, $0x1  }
.LBB2_1:
0xf: {  	[tilespmem:s4], [sflag:$0x5] =	stream.linear.gather [hbm4b:s5+s4], $0x7080, $0x38;
	[tilespmem:$0xB480] =	vst v63  }
0x10: {  	_ =	swait.ge [sflag:s11], $0x7080  }
0x11: {  	[sflag:s11] =	ssyncset.done $0x0  }
0x12: {  	s23 =	simm.s32 $0x0;
	[sflag:s11] =	ssyncadd.s32 $0xFFFF8F80  }
0x13: {  	[tilespmem:s12], [sflag:$0x1] =	stream.linear.gather [hbm4b:s7+s4], $0x200, $0x38;
	[tilespmem:$0xB480] =	vst v63  }
.LBB2_2:
0x14: {  	s24 =	sshllo.u32 s23, $0x1  }
0x15: {  	s25 =	sshll.u32 s24, $0xE  }
0x16: {  	_ =	swait.ge [sflag:s13], $0x200;
	s25 =	sor.u32 s6, s25  }
0x17: {  	[sflag:s13] =	ssyncset.done $0x0;
	s25 =	sshrl.u32 s25, $0x3  }
0x18: {  	p0 =	seq.s32 s23, $0x0;
	[sflag:s13] =	ssyncadd.s32 $0xFFFFFE00;
	s25 =	sadd.s32 s1, s25  }
0x19: {  	[tilespmem:s14], [sflag:$0x2] =	stream.linear.gather [hbm4b:s25+s4], $0x200, $0x38;
	[tilespmem:$0xB480] =	vst v63  }
0x1a: {  	s25 =	simm.s32 @!p0 $0x3  }
0x1b: {  	_ =	swait.ge @!p0 [sflag:s25], $0x2000  }
0x1c: {  	s26 =	simm.s32 $0x7180;
	[sflag:s25] =	ssyncset.done @!p0 $0x0  }
0x1d: {  	s28 =	simm.s32 $0x8480;
	[sflag:s25] =	ssyncadd.s32 @!p0 $0xFFFFE000;
	s25 =	simm.s32 $0xFFFFFFFE  }
.LBB2_3:
0x1e: {  	v0 =	vld [tilespmem:s26+$0xFFFFFF00]  }
0x1f: {  	v1 =	vld [tilespmem:s26+$0xFFFFFF80]  }
0x20: {  	v2 =	vld [tilespmem:s26+$0x0]  }
0x21: {  	v3 =	vld [tilespmem:s26+$0x80]  }
0x22: {  	v4 =	vld [tilespmem:s26+$0xFFFFFF10]  }
0x23: {  	v5 =	vld [tilespmem:s26+$0xFFFFFF90]  }
0x24: {  	v6 =	vld [tilespmem:s26+$0x10]  }
0x25: {  	v7 =	vld [tilespmem:s26+$0x90]  }
0x26: {  	v0 =	vadd.f32 $5.000000000e-01, v0;
	v1 =	vadd.f32 $5.000000000e-01, v1  }
0x27: {  	v2 =	vadd.f32 $5.000000000e-01, v2;
	v3 =	vadd.f32 $5.000000000e-01, v3  }
0x28: {  	v4 =	vadd.f32 $5.000000000e-01, v4;
	v5 =	vadd.f32 $5.000000000e-01, v5  }
0x29: {  	v6 =	vadd.f32 $5.000000000e-01, v6;
	v0 =	vmul.f32 $2.880000000e+02, v0;
	v1 =	vmul.f32 $7.000000000e+00, v1  }
0x2a: {  	v7 =	vadd.f32 $5.000000000e-01, v7;
	v2 =	vmul.f32 $3.100000000e+01, v2;
	v3 =	vmul.f32 $3.660000000e+02, v3  }
0x2b: {  	v4 =	vmul.f32 $2.880000000e+02, v4;
	v5 =	vmul.f32 $7.000000000e+00, v5  }
0x2c: {  	v6 =	vmul.f32 $3.100000000e+01, v6;
	v45 =	vmul.f32 $3.660000000e+02, v7  }
0x2d: {  	v0 =	vtrunc.f32 v0;
	v1 =	vtrunc.f32 v1  }
0x2e: {  	v2 =	vtrunc.f32 v2;
	v3 =	vtrunc.f32 v3  }
0x2f: {  	v1 =	vcvt.f32.s32 v1;
	v2 =	vcvt.f32.s32 v2  }
0x30: {  	v4 =	vtrunc.f32 v4;
	v0 =	vcvt.f32.s32 v0  }
0x31: {  	v5 =	vtrunc.f32 v5;
	v1 =	vmul.u32 $0x3FF, v1;
	v8 =	vmul.u32 $0x21, v2  }
0x32: {  	v6 =	vtrunc.f32 v6;
	v3 =	vcvt.f32.s32 v3;
	v2 =	vmul.u32 $0x21, v0  }
0x33: {  	v43 =	vcvt.f32.s32 v5;
	v44 =	vcvt.f32.s32 v6;
	v5 =	vadd.s32 v1, v8  }
0x34: {  	v4 =	vcvt.f32.s32 v4;
	v3 =	vmul.u32 $0x21, v3;
	v46 =	vadd.s32 $0x2520, v5  }
0x35: {  	v6 =	vtrunc.f32 v45;
	v0 =	vmul.u32 $0x3FF, v43;
	v1 =	vmul.u32 $0x21, v44  }
0x36: {  	v6 =	vcvt.f32.s32 v6;
	v4 =	vmul.u32 $0x21, v4;
	v47 =	vadd.s32 $0x4119, v3  }
0x37: {  	v1 =	vadd.s32 v0, v1  }
0x38: {  	v0 =	vmul.u32 $0x21, v6;
	v10 =	vadd.s32 $0x2520, v1;
	v9 =	vld.idx.msk [tilespmem:v2+s4+$0x0], $0xffff  }
0x39: {  	v48 =	vld.idx.msk [tilespmem:v46+s4+$0x0], $0xffff  }
0x3a: {  	v49 =	vadd.s32 $0x4119, v0  }
0x3b: {  	v8 =	vld.idx.msk [tilespmem:v47+s4+$0x0], $0xffff  }
0x3c: {  	v11 =	vld.idx.msk [tilespmem:v4+s4+$0x0], $0xffff  }
0x3d: {  	v10 =	vld.idx.msk [tilespmem:v10+s4+$0x0], $0xffff  }
0x3e: {  	v12 =	vunpack.i.u.bf16.f32 v9;
	v9 =	vunpack.i.l.bf16.f32 v9;
	v6 =	vunpack.i.l.bf16.f32 v48  }
0x3f: {  	v52 =	vadd.s32 $0x1, v2;
	v7 =	vld.idx.msk [tilespmem:v49+s4+$0x0], $0xffff;
	v13 =	vunpack.i.u.bf16.f32 v48;
	v6 =	vadd.f32 v6, v9  }
0x40: {  	v51 =	vunpack.i.u.bf16.f32 v8;
	v8 =	vunpack.i.l.bf16.f32 v8;
	v50 =	vadd.f32 v13, v12  }
0x41: {  	v55 =	vadd.s32 $0x411A, v3;
	v54 =	vadd.s32 $0x2521, v5;
	v6 =	vadd.f32 v8, v6  }
0x42: {  	v14 =	vunpack.i.l.bf16.f32 v11;
	v15 =	vunpack.i.l.bf16.f32 v10;
	v53 =	vadd.f32 v51, v50  }
0x43: {  	v56 =	vunpack.i.u.bf16.f32 v11;
	v10 =	vunpack.i.u.bf16.f32 v10;
	v57 =	vadd.f32 v15, v14;
	[tilespmem:s28+$0xFFFFF000] =	vst v6  }
0x44: {  	v59 =	vadd.s32 $0x1, v4;
	v58 =	vunpack.i.l.bf16.f32 v7;
	[tilespmem:s28+$0xFFFFF080] =	vst v53;
	v6 =	vadd.f32 v10, v56  }
0x45: {  	v60 =	vadd.s32 $0x2521, v1;
	v7 =	vunpack.i.u.bf16.f32 v7;
	v8 =	vadd.f32 v58, v57;
	v13 =	vld.idx.msk [tilespmem:v52+s4+$0x0], $0xffff  }
0x46: {  	v9 =	vld.idx.msk [tilespmem:v54+s4+$0x0], $0xffff;
	v6 =	vadd.f32 v7, v6  }
0x47: {  	v61 =	vadd.s32 $0x411A, v0;
	[tilespmem:s28+$0xFFFFF010] =	vst v8  }
0x48: {  	v62 =	vld.idx.msk [tilespmem:v55+s4+$0x0], $0xffff;
	[tilespmem:s28+$0xFFFFF090] =	vst v6  }
0x49: {  	v6 =	vld.idx.msk [tilespmem:v59+s4+$0x0], $0xffff  }
0x4a: {  	v11 =	vld.idx.msk [tilespmem:v60+s4+$0x0], $0xffff  }
0x4b: {  	v16 =	vunpack.i.l.bf16.f32 v13;
	v17 =	vunpack.i.u.bf16.f32 v9;
	v9 =	vunpack.i.l.bf16.f32 v9  }
0x4c: {  	v19 =	vadd.s32 $0x2, v2;
	v7 =	vld.idx.msk [tilespmem:v61+s4+$0x0], $0xffff;
	v63 =	vunpack.i.u.bf16.f32 v13;
	v9 =	vadd.f32 v9, v16  }
0x4d: {  	v22 =	vadd.s32 $0x411B, v3;
	v8 =	vunpack.i.l.bf16.f32 v62;
	v10 =	vadd.f32 v17, v63  }
0x4e: {  	v21 =	vadd.s32 $0x2522, v5;
	v18 =	vunpack.i.u.bf16.f32 v62;
	v8 =	vadd.f32 v8, v9  }
0x4f: {  	v20 =	vadd.f32 v18, v10;
	v23 =	vunpack.i.l.bf16.f32 v6;
	v24 =	vunpack.i.l.bf16.f32 v11  }
0x50: {  	v6 =	vunpack.i.u.bf16.f32 v6;
	v25 =	vunpack.i.u.bf16.f32 v11;
	[tilespmem:s28+$0xFFFFF100] =	vst v8;
	v26 =	vadd.f32 v24, v23  }
0x51: {  	v28 =	vadd.s32 $0x2, v4;
	v27 =	vunpack.i.l.bf16.f32 v7;
	[tilespmem:s28+$0xFFFFF180] =	vst v20;
	v6 =	vadd.f32 v25, v6  }
0x52: {  	v29 =	vadd.s32 $0x2522, v1;
	v7 =	vunpack.i.u.bf16.f32 v7;
	v13 =	vld.idx.msk [tilespmem:v19+s4+$0x0], $0xffff;
	v9 =	vadd.f32 v27, v26  }
0x53: {  	v10 =	vld.idx.msk [tilespmem:v21+s4+$0x0], $0xffff;
	v6 =	vadd.f32 v7, v6  }
0x54: {  	v30 =	vadd.s32 $0x411B, v0;
	[tilespmem:s28+$0xFFFFF110] =	vst v9  }
0x55: {  	v31 =	vld.idx.msk [tilespmem:v22+s4+$0x0], $0xffff;
	[tilespmem:s28+$0xFFFFF190] =	vst v6  }
0x56: {  	v6 =	vld.idx.msk [tilespmem:v28+s4+$0x0], $0xffff  }
0x57: {  	v11 =	vld.idx.msk [tilespmem:v29+s4+$0x0], $0xffff  }
0x58: {  	v33 =	vunpack.i.l.bf16.f32 v13;
	v34 =	vunpack.i.u.bf16.f32 v10;
	v10 =	vunpack.i.l.bf16.f32 v10  }
0x59: {  	v36 =	vadd.s32 $0x3, v2;
	v7 =	vld.idx.msk [tilespmem:v30+s4+$0x0], $0xffff;
	v32 =	vunpack.i.u.bf16.f32 v13;
	v10 =	vadd.f32 v10, v33  }
0x5a: {  	v38 =	vadd.s32 $0x411C, v3;
	v9 =	vunpack.i.l.bf16.f32 v31;
	v8 =	vadd.f32 v34, v32  }
0x5b: {  	v37 =	vadd.s32 $0x2523, v5;
	v35 =	vunpack.i.u.bf16.f32 v31;
	v9 =	vadd.f32 v9, v10  }
0x5c: {  	v8 =	vadd.f32 v35, v8;
	v39 =	vunpack.i.l.bf16.f32 v6;
	v40 =	vunpack.i.l.bf16.f32 v11  }
0x5d: {  	v6 =	vunpack.i.u.bf16.f32 v6;
	v41 =	vunpack.i.u.bf16.f32 v11;
	[tilespmem:s28+$0xFFFFF200] =	vst v9;
	v42 =	vadd.f32 v40, v39  }
0x5e: {  	v44 =	vadd.s32 $0x3, v4;
	v43 =	vunpack.i.l.bf16.f32 v7;
	[tilespmem:s28+$0xFFFFF280] =	vst v8;
	v6 =	vadd.f32 v41, v6  }
0x5f: {  	v45 =	vadd.s32 $0x2523, v1;
	v7 =	vunpack.i.u.bf16.f32 v7;
	v13 =	vld.idx.msk [tilespmem:v36+s4+$0x0], $0xffff;
	v8 =	vadd.f32 v43, v42  }
0x60: {  	v10 =	vld.idx.msk [tilespmem:v37+s4+$0x0], $0xffff;
	v6 =	vadd.f32 v7, v6  }
0x61: {  	v46 =	vadd.s32 $0x411C, v0;
	[tilespmem:s28+$0xFFFFF210] =	vst v8  }
0x62: {  	v47 =	vld.idx.msk [tilespmem:v38+s4+$0x0], $0xffff;
	[tilespmem:s28+$0xFFFFF290] =	vst v6  }
0x63: {  	v6 =	vld.idx.msk [tilespmem:v44+s4+$0x0], $0xffff  }
0x64: {  	v11 =	vld.idx.msk [tilespmem:v45+s4+$0x0], $0xffff  }
0x65: {  	v49 =	vunpack.i.l.bf16.f32 v13;
	v50 =	vunpack.i.u.bf16.f32 v10;
	v10 =	vunpack.i.l.bf16.f32 v10  }
0x66: {  	v53 =	vadd.s32 $0x2524, v5;
	v7 =	vld.idx.msk [tilespmem:v46+s4+$0x0], $0xffff;
	v48 =	vunpack.i.u.bf16.f32 v13;
	v10 =	vadd.f32 v10, v49  }
0x67: {  	v52 =	vadd.s32 $0x4, v2;
	v8 =	vunpack.i.l.bf16.f32 v47;
	v9 =	vadd.f32 v50, v48  }
0x68: {  	v54 =	vadd.s32 $0x411D, v3;
	v51 =	vunpack.i.u.bf16.f32 v47;
	v8 =	vadd.f32 v8, v10  }
0x69: {  	v9 =	vadd.f32 v51, v9;
	v55 =	vunpack.i.l.bf16.f32 v6;
	v56 =	vunpack.i.l.bf16.f32 v11  }
0x6a: {  	v6 =	vunpack.i.u.bf16.f32 v6;
	v57 =	vunpack.i.u.bf16.f32 v11;
	[tilespmem:s28+$0xFFFFF300] =	vst v8;
	v58 =	vadd.f32 v56, v55  }
0x6b: {  	v60 =	vadd.s32 $0x4, v4;
	v59 =	vunpack.i.l.bf16.f32 v7;
	[tilespmem:s28+$0xFFFFF380] =	vst v9;
	v6 =	vadd.f32 v57, v6  }
0x6c: {  	v61 =	vadd.s32 $0x2524, v1;
	v7 =	vunpack.i.u.bf16.f32 v7;
	v13 =	vld.idx.msk [tilespmem:v52+s4+$0x0], $0xffff;
	v9 =	vadd.f32 v59, v58  }
0x6d: {  	v10 =	vld.idx.msk [tilespmem:v53+s4+$0x0], $0xffff;
	v6 =	vadd.f32 v7, v6  }
0x6e: {  	v62 =	vadd.s32 $0x411D, v0;
	[tilespmem:s28+$0xFFFFF310] =	vst v9  }
0x6f: {  	v63 =	vld.idx.msk [tilespmem:v54+s4+$0x0], $0xffff;
	[tilespmem:s28+$0xFFFFF390] =	vst v6  }
0x70: {  	v6 =	vld.idx.msk [tilespmem:v60+s4+$0x0], $0xffff  }
0x71: {  	v11 =	vld.idx.msk [tilespmem:v61+s4+$0x0], $0xffff  }
0x72: {  	v17 =	vunpack.i.l.bf16.f32 v13;
	v18 =	vunpack.i.u.bf16.f32 v10;
	v10 =	vunpack.i.l.bf16.f32 v10  }
0x73: {  	v20 =	vadd.s32 $0x5, v2;
	v7 =	vld.idx.msk [tilespmem:v62+s4+$0x0], $0xffff;
	v16 =	vunpack.i.u.bf16.f32 v13;
	v10 =	vadd.f32 v10, v17  }
0x74: {  	v21 =	vadd.s32 $0x2525, v5;
	v9 =	vunpack.i.l.bf16.f32 v63;
	v8 =	vadd.f32 v18, v16  }
0x75: {  	v22 =	vadd.s32 $0x411E, v3;
	v19 =	vunpack.i.u.bf16.f32 v63;
	v9 =	vadd.f32 v9, v10  }
0x76: {  	v8 =	vadd.f32 v19, v8;
	v23 =	vunpack.i.l.bf16.f32 v6;
	v24 =	vunpack.i.l.bf16.f32 v11  }
0x77: {  	v6 =	vunpack.i.u.bf16.f32 v6;
	v25 =	vunpack.i.u.bf16.f32 v11;
	[tilespmem:s28+$0xFFFFF400] =	vst v9;
	v26 =	vadd.f32 v24, v23  }
0x78: {  	v28 =	vadd.s32 $0x5, v4;
	v27 =	vunpack.i.l.bf16.f32 v7;
	[tilespmem:s28+$0xFFFFF480] =	vst v8;
	v6 =	vadd.f32 v25, v6  }
0x79: {  	v29 =	vadd.s32 $0x2525, v1;
	v7 =	vunpack.i.u.bf16.f32 v7;
	v13 =	vld.idx.msk [tilespmem:v20+s4+$0x0], $0xffff;
	v8 =	vadd.f32 v27, v26  }
0x7a: {  	v10 =	vld.idx.msk [tilespmem:v21+s4+$0x0], $0xffff;
	v6 =	vadd.f32 v7, v6  }
0x7b: {  	v30 =	vadd.s32 $0x411E, v0;
	[tilespmem:s28+$0xFFFFF410] =	vst v8  }
0x7c: {  	v31 =	vld.idx.msk [tilespmem:v22+s4+$0x0], $0xffff;
	[tilespmem:s28+$0xFFFFF490] =	vst v6  }
0x7d: {  	v6 =	vld.idx.msk [tilespmem:v28+s4+$0x0], $0xffff  }
0x7e: {  	v11 =	vld.idx.msk [tilespmem:v29+s4+$0x0], $0xffff  }
0x7f: {  	v33 =	vunpack.i.l.bf16.f32 v13;
	v34 =	vunpack.i.u.bf16.f32 v10;
	v10 =	vunpack.i.l.bf16.f32 v10  }
0x80: {  	v36 =	vadd.s32 $0x6, v2;
	v7 =	vld.idx.msk [tilespmem:v30+s4+$0x0], $0xffff;
	v32 =	vunpack.i.u.bf16.f32 v13;
	v10 =	vadd.f32 v10, v33  }
0x81: {  	v37 =	vadd.s32 $0x2526, v5;
	v8 =	vunpack.i.l.bf16.f32 v31;
	v9 =	vadd.f32 v34, v32  }
0x82: {  	v38 =	vadd.s32 $0x411F, v3;
	v35 =	vunpack.i.u.bf16.f32 v31;
	v8 =	vadd.f32 v8, v10  }
0x83: {  	v9 =	vadd.f32 v35, v9;
	v39 =	vunpack.i.l.bf16.f32 v6;
	v40 =	vunpack.i.l.bf16.f32 v11  }
0x84: {  	v6 =	vunpack.i.u.bf16.f32 v6;
	v41 =	vunpack.i.u.bf16.f32 v11;
	[tilespmem:s28+$0xFFFFF500] =	vst v8;
	v42 =	vadd.f32 v40, v39  }
0x85: {  	v44 =	vadd.s32 $0x6, v4;
	v43 =	vunpack.i.l.bf16.f32 v7;
	[tilespmem:s28+$0xFFFFF580] =	vst v9;
	v6 =	vadd.f32 v41, v6  }
0x86: {  	v45 =	vadd.s32 $0x2526, v1;
	v7 =	vunpack.i.u.bf16.f32 v7;
	v13 =	vld.idx.msk [tilespmem:v36+s4+$0x0], $0xffff;
	v9 =	vadd.f32 v43, v42  }
0x87: {  	v10 =	vld.idx.msk [tilespmem:v37+s4+$0x0], $0xffff;
	v6 =	vadd.f32 v7, v6  }
0x88: {  	v46 =	vadd.s32 $0x411F, v0;
	[tilespmem:s28+$0xFFFFF510] =	vst v9  }
0x89: {  	v47 =	vld.idx.msk [tilespmem:v38+s4+$0x0], $0xffff;
	[tilespmem:s28+$0xFFFFF590] =	vst v6  }
0x8a: {  	v6 =	vld.idx.msk [tilespmem:v44+s4+$0x0], $0xffff  }
0x8b: {  	v11 =	vld.idx.msk [tilespmem:v45+s4+$0x0], $0xffff  }
0x8c: {  	v49 =	vunpack.i.l.bf16.f32 v13;
	v50 =	vunpack.i.u.bf16.f32 v10;
	v10 =	vunpack.i.l.bf16.f32 v10  }
0x8d: {  	v52 =	vadd.s32 $0x7, v2;
	v7 =	vld.idx.msk [tilespmem:v46+s4+$0x0], $0xffff;
	v48 =	vunpack.i.u.bf16.f32 v13;
	v10 =	vadd.f32 v10, v49  }
0x8e: {  	v53 =	vadd.s32 $0x2527, v5;
	v9 =	vunpack.i.l.bf16.f32 v47;
	v8 =	vadd.f32 v50, v48  }
0x8f: {  	v54 =	vadd.s32 $0x4120, v3;
	v51 =	vunpack.i.u.bf16.f32 v47;
	v9 =	vadd.f32 v9, v10  }
0x90: {  	v8 =	vadd.f32 v51, v8;
	v55 =	vunpack.i.l.bf16.f32 v6;
	v56 =	vunpack.i.l.bf16.f32 v11  }
0x91: {  	v6 =	vunpack.i.u.bf16.f32 v6;
	v57 =	vunpack.i.u.bf16.f32 v11;
	[tilespmem:s28+$0xFFFFF600] =	vst v9;
	v58 =	vadd.f32 v56, v55  }
0x92: {  	v60 =	vadd.s32 $0x7, v4;
	v59 =	vunpack.i.l.bf16.f32 v7;
	[tilespmem:s28+$0xFFFFF680] =	vst v8;
	v6 =	vadd.f32 v57, v6  }
0x93: {  	v61 =	vadd.s32 $0x2527, v1;
	v7 =	vunpack.i.u.bf16.f32 v7;
	v13 =	vld.idx.msk [tilespmem:v52+s4+$0x0], $0xffff;
	v8 =	vadd.f32 v59, v58  }
0x94: {  	v10 =	vld.idx.msk [tilespmem:v53+s4+$0x0], $0xffff;
	v6 =	vadd.f32 v7, v6  }
0x95: {  	v62 =	vadd.s32 $0x4120, v0;
	[tilespmem:s28+$0xFFFFF610] =	vst v8  }
0x96: {  	v63 =	vld.idx.msk [tilespmem:v54+s4+$0x0], $0xffff;
	[tilespmem:s28+$0xFFFFF690] =	vst v6  }
0x97: {  	v6 =	vld.idx.msk [tilespmem:v60+s4+$0x0], $0xffff  }
0x98: {  	v11 =	vld.idx.msk [tilespmem:v61+s4+$0x0], $0xffff  }
0x99: {  	v17 =	vunpack.i.l.bf16.f32 v13;
	v18 =	vunpack.i.u.bf16.f32 v10;
	v10 =	vunpack.i.l.bf16.f32 v10  }
0x9a: {  	v20 =	vadd.s32 $0x8, v2;
	v7 =	vld.idx.msk [tilespmem:v62+s4+$0x0], $0xffff;
	v16 =	vunpack.i.u.bf16.f32 v13;
	v10 =	vadd.f32 v10, v17  }
0x9b: {  	v21 =	vadd.s32 $0x2528, v5;
	v8 =	vunpack.i.l.bf16.f32 v63;
	v9 =	vadd.f32 v18, v16  }
0x9c: {  	v22 =	vadd.s32 $0x4121, v3;
	v19 =	vunpack.i.u.bf16.f32 v63;
	v8 =	vadd.f32 v8, v10  }
0x9d: {  	v9 =	vadd.f32 v19, v9;
	v23 =	vunpack.i.l.bf16.f32 v6;
	v24 =	vunpack.i.l.bf16.f32 v11  }
0x9e: {  	v6 =	vunpack.i.u.bf16.f32 v6;
	v25 =	vunpack.i.u.bf16.f32 v11;
	[tilespmem:s28+$0xFFFFF700] =	vst v8;
	v26 =	vadd.f32 v24, v23  }
0x9f: {  	v28 =	vadd.s32 $0x8, v4;
	v27 =	vunpack.i.l.bf16.f32 v7;
	[tilespmem:s28+$0xFFFFF780] =	vst v9;
	v6 =	vadd.f32 v25, v6  }
0xa0: {  	v29 =	vadd.s32 $0x2528, v1;
	v7 =	vunpack.i.u.bf16.f32 v7;
	v13 =	vld.idx.msk [tilespmem:v20+s4+$0x0], $0xffff;
	v9 =	vadd.f32 v27, v26  }
0xa1: {  	v10 =	vld.idx.msk [tilespmem:v21+s4+$0x0], $0xffff;
	v6 =	vadd.f32 v7, v6  }
0xa2: {  	v30 =	vadd.s32 $0x4121, v0;
	[tilespmem:s28+$0xFFFFF710] =	vst v9  }
0xa3: {  	v31 =	vld.idx.msk [tilespmem:v22+s4+$0x0], $0xffff;
	[tilespmem:s28+$0xFFFFF790] =	vst v6  }
0xa4: {  	v6 =	vld.idx.msk [tilespmem:v28+s4+$0x0], $0xffff  }
0xa5: {  	v11 =	vld.idx.msk [tilespmem:v29+s4+$0x0], $0xffff  }
0xa6: {  	v33 =	vunpack.i.l.bf16.f32 v13;
	v34 =	vunpack.i.u.bf16.f32 v10;
	v10 =	vunpack.i.l.bf16.f32 v10  }
0xa7: {  	v36 =	vadd.s32 $0x9, v2;
	v7 =	vld.idx.msk [tilespmem:v30+s4+$0x0], $0xffff;
	v32 =	vunpack.i.u.bf16.f32 v13;
	v10 =	vadd.f32 v10, v33  }
0xa8: {  	v37 =	vadd.s32 $0x2529, v5;
	v9 =	vunpack.i.l.bf16.f32 v31;
	v8 =	vadd.f32 v34, v32  }
0xa9: {  	v38 =	vadd.s32 $0x4122, v3;
	v35 =	vunpack.i.u.bf16.f32 v31;
	v9 =	vadd.f32 v9, v10  }
0xaa: {  	v8 =	vadd.f32 v35, v8;
	v39 =	vunpack.i.l.bf16.f32 v6;
	v40 =	vunpack.i.l.bf16.f32 v11  }
0xab: {  	v6 =	vunpack.i.u.bf16.f32 v6;
	v41 =	vunpack.i.u.bf16.f32 v11;
	[tilespmem:s28+$0xFFFFF800] =	vst v9;
	v42 =	vadd.f32 v40, v39  }
0xac: {  	v44 =	vadd.s32 $0x9, v4;
	v43 =	vunpack.i.l.bf16.f32 v7;
	[tilespmem:s28+$0xFFFFF880] =	vst v8;
	v6 =	vadd.f32 v41, v6  }
0xad: {  	v45 =	vadd.s32 $0x2529, v1;
	v7 =	vunpack.i.u.bf16.f32 v7;
	v13 =	vld.idx.msk [tilespmem:v36+s4+$0x0], $0xffff;
	v8 =	vadd.f32 v43, v42  }
0xae: {  	v10 =	vld.idx.msk [tilespmem:v37+s4+$0x0], $0xffff;
	v6 =	vadd.f32 v7, v6  }
0xaf: {  	v46 =	vadd.s32 $0x4122, v0;
	[tilespmem:s28+$0xFFFFF810] =	vst v8  }
0xb0: {  	v47 =	vld.idx.msk [tilespmem:v38+s4+$0x0], $0xffff;
	[tilespmem:s28+$0xFFFFF890] =	vst v6  }
0xb1: {  	v6 =	vld.idx.msk [tilespmem:v44+s4+$0x0], $0xffff  }
0xb2: {  	v11 =	vld.idx.msk [tilespmem:v45+s4+$0x0], $0xffff  }
0xb3: {  	v49 =	vunpack.i.l.bf16.f32 v13;
	v50 =	vunpack.i.u.bf16.f32 v10;
	v10 =	vunpack.i.l.bf16.f32 v10  }
0xb4: {  	v52 =	vadd.s32 $0xA, v2;
	v7 =	vld.idx.msk [tilespmem:v46+s4+$0x0], $0xffff;
	v48 =	vunpack.i.u.bf16.f32 v13;
	v10 =	vadd.f32 v10, v49  }
0xb5: {  	v53 =	vadd.s32 $0x252A, v5;
	v8 =	vunpack.i.l.bf16.f32 v47;
	v9 =	vadd.f32 v50, v48  }
0xb6: {  	v54 =	vadd.s32 $0x4123, v3;
	v51 =	vunpack.i.u.bf16.f32 v47;
	v8 =	vadd.f32 v8, v10  }
0xb7: {  	v9 =	vadd.f32 v51, v9;
	v55 =	vunpack.i.l.bf16.f32 v6;
	v56 =	vunpack.i.l.bf16.f32 v11  }
0xb8: {  	v6 =	vunpack.i.u.bf16.f32 v6;
	v57 =	vunpack.i.u.bf16.f32 v11;
	[tilespmem:s28+$0xFFFFF900] =	vst v8;
	v58 =	vadd.f32 v56, v55  }
0xb9: {  	v60 =	vadd.s32 $0xA, v4;
	v59 =	vunpack.i.l.bf16.f32 v7;
	[tilespmem:s28+$0xFFFFF980] =	vst v9;
	v6 =	vadd.f32 v57, v6  }
0xba: {  	v61 =	vadd.s32 $0x252A, v1;
	v7 =	vunpack.i.u.bf16.f32 v7;
	v13 =	vld.idx.msk [tilespmem:v52+s4+$0x0], $0xffff;
	v9 =	vadd.f32 v59, v58  }
0xbb: {  	v10 =	vld.idx.msk [tilespmem:v53+s4+$0x0], $0xffff;
	v6 =	vadd.f32 v7, v6  }
0xbc: {  	v62 =	vadd.s32 $0x4123, v0;
	[tilespmem:s28+$0xFFFFF910] =	vst v9  }
0xbd: {  	v63 =	vld.idx.msk [tilespmem:v54+s4+$0x0], $0xffff;
	[tilespmem:s28+$0xFFFFF990] =	vst v6  }
0xbe: {  	v6 =	vld.idx.msk [tilespmem:v60+s4+$0x0], $0xffff  }
0xbf: {  	v11 =	vld.idx.msk [tilespmem:v61+s4+$0x0], $0xffff  }
0xc0: {  	v17 =	vunpack.i.l.bf16.f32 v13;
	v18 =	vunpack.i.u.bf16.f32 v10;
	v10 =	vunpack.i.l.bf16.f32 v10  }
0xc1: {  	v20 =	vadd.s32 $0xB, v2;
	v7 =	vld.idx.msk [tilespmem:v62+s4+$0x0], $0xffff;
	v16 =	vunpack.i.u.bf16.f32 v13;
	v10 =	vadd.f32 v10, v17  }
0xc2: {  	v21 =	vadd.s32 $0x252B, v5;
	v9 =	vunpack.i.l.bf16.f32 v63;
	v8 =	vadd.f32 v18, v16  }
0xc3: {  	v22 =	vadd.s32 $0x4124, v3;
	v19 =	vunpack.i.u.bf16.f32 v63;
	v9 =	vadd.f32 v9, v10  }
0xc4: {  	v8 =	vadd.f32 v19, v8;
	v23 =	vunpack.i.l.bf16.f32 v6;
	v24 =	vunpack.i.l.bf16.f32 v11  }
0xc5: {  	v6 =	vunpack.i.u.bf16.f32 v6;
	v25 =	vunpack.i.u.bf16.f32 v11;
	[tilespmem:s28+$0xFFFFFA00] =	vst v9;
	v26 =	vadd.f32 v24, v23  }
0xc6: {  	v28 =	vadd.s32 $0xB, v4;
	v27 =	vunpack.i.l.bf16.f32 v7;
	[tilespmem:s28+$0xFFFFFA80] =	vst v8;
	v6 =	vadd.f32 v25, v6  }
0xc7: {  	v29 =	vadd.s32 $0x252B, v1;
	v7 =	vunpack.i.u.bf16.f32 v7;
	v13 =	vld.idx.msk [tilespmem:v20+s4+$0x0], $0xffff;
	v8 =	vadd.f32 v27, v26  }
0xc8: {  	v10 =	vld.idx.msk [tilespmem:v21+s4+$0x0], $0xffff;
	v6 =	vadd.f32 v7, v6  }
0xc9: {  	v30 =	vadd.s32 $0x4124, v0;
	[tilespmem:s28+$0xFFFFFA10] =	vst v8  }
0xca: {  	v31 =	vld.idx.msk [tilespmem:v22+s4+$0x0], $0xffff;
	[tilespmem:s28+$0xFFFFFA90] =	vst v6  }
0xcb: {  	v6 =	vld.idx.msk [tilespmem:v28+s4+$0x0], $0xffff  }
0xcc: {  	v11 =	vld.idx.msk [tilespmem:v29+s4+$0x0], $0xffff  }
0xcd: {  	v33 =	vunpack.i.l.bf16.f32 v13;
	v34 =	vunpack.i.u.bf16.f32 v10;
	v10 =	vunpack.i.l.bf16.f32 v10  }
0xce: {  	v36 =	vadd.s32 $0xC, v2;
	v7 =	vld.idx.msk [tilespmem:v30+s4+$0x0], $0xffff;
	v32 =	vunpack.i.u.bf16.f32 v13;
	v10 =	vadd.f32 v10, v33  }
0xcf: {  	v37 =	vadd.s32 $0x252C, v5;
	v8 =	vunpack.i.l.bf16.f32 v31;
	v9 =	vadd.f32 v34, v32  }
0xd0: {  	v38 =	vadd.s32 $0x4125, v3;
	v35 =	vunpack.i.u.bf16.f32 v31;
	v8 =	vadd.f32 v8, v10  }
0xd1: {  	v9 =	vadd.f32 v35, v9;
	v39 =	vunpack.i.l.bf16.f32 v6;
	v40 =	vunpack.i.l.bf16.f32 v11  }
0xd2: {  	v6 =	vunpack.i.u.bf16.f32 v6;
	v41 =	vunpack.i.u.bf16.f32 v11;
	[tilespmem:s28+$0xFFFFFB00] =	vst v8;
	v42 =	vadd.f32 v40, v39  }
0xd3: {  	v44 =	vadd.s32 $0xC, v4;
	v43 =	vunpack.i.l.bf16.f32 v7;
	[tilespmem:s28+$0xFFFFFB80] =	vst v9;
	v6 =	vadd.f32 v41, v6  }
0xd4: {  	v45 =	vadd.s32 $0x252C, v1;
	v7 =	vunpack.i.u.bf16.f32 v7;
	v13 =	vld.idx.msk [tilespmem:v36+s4+$0x0], $0xffff;
	v9 =	vadd.f32 v43, v42  }
0xd5: {  	v10 =	vld.idx.msk [tilespmem:v37+s4+$0x0], $0xffff;
	v6 =	vadd.f32 v7, v6  }
0xd6: {  	v46 =	vadd.s32 $0x4125, v0;
	[tilespmem:s28+$0xFFFFFB10] =	vst v9  }
0xd7: {  	v47 =	vld.idx.msk [tilespmem:v38+s4+$0x0], $0xffff;
	[tilespmem:s28+$0xFFFFFB90] =	vst v6  }
0xd8: {  	v6 =	vld.idx.msk [tilespmem:v44+s4+$0x0], $0xffff  }
0xd9: {  	v11 =	vld.idx.msk [tilespmem:v45+s4+$0x0], $0xffff  }
0xda: {  	v49 =	vunpack.i.l.bf16.f32 v13;
	v50 =	vunpack.i.u.bf16.f32 v10;
	v10 =	vunpack.i.l.bf16.f32 v10  }
0xdb: {  	v52 =	vadd.s32 $0xD, v2;
	v7 =	vld.idx.msk [tilespmem:v46+s4+$0x0], $0xffff;
	v48 =	vunpack.i.u.bf16.f32 v13;
	v10 =	vadd.f32 v10, v49  }
0xdc: {  	v53 =	vadd.s32 $0x252D, v5;
	v9 =	vunpack.i.l.bf16.f32 v47;
	v8 =	vadd.f32 v50, v48  }
0xdd: {  	v54 =	vadd.s32 $0x4126, v3;
	v51 =	vunpack.i.u.bf16.f32 v47;
	v9 =	vadd.f32 v9, v10  }
0xde: {  	v8 =	vadd.f32 v51, v8;
	v55 =	vunpack.i.l.bf16.f32 v6;
	v56 =	vunpack.i.l.bf16.f32 v11  }
0xdf: {  	v6 =	vunpack.i.u.bf16.f32 v6;
	v57 =	vunpack.i.u.bf16.f32 v11;
	[tilespmem:s28+$0xFFFFFC00] =	vst v9;
	v58 =	vadd.f32 v56, v55  }
0xe0: {  	v60 =	vadd.s32 $0xD, v4;
	v59 =	vunpack.i.l.bf16.f32 v7;
	[tilespmem:s28+$0xFFFFFC80] =	vst v8;
	v6 =	vadd.f32 v57, v6  }
0xe1: {  	v61 =	vadd.s32 $0x252D, v1;
	v7 =	vunpack.i.u.bf16.f32 v7;
	v13 =	vld.idx.msk [tilespmem:v52+s4+$0x0], $0xffff;
	v8 =	vadd.f32 v59, v58  }
0xe2: {  	v10 =	vld.idx.msk [tilespmem:v53+s4+$0x0], $0xffff;
	v6 =	vadd.f32 v7, v6  }
0xe3: {  	v62 =	vadd.s32 $0x4126, v0;
	[tilespmem:s28+$0xFFFFFC10] =	vst v8  }
0xe4: {  	v63 =	vld.idx.msk [tilespmem:v54+s4+$0x0], $0xffff;
	[tilespmem:s28+$0xFFFFFC90] =	vst v6  }
0xe5: {  	v6 =	vld.idx.msk [tilespmem:v60+s4+$0x0], $0xffff  }
0xe6: {  	v11 =	vld.idx.msk [tilespmem:v61+s4+$0x0], $0xffff  }
0xe7: {  	v17 =	vunpack.i.l.bf16.f32 v13;
	v18 =	vunpack.i.u.bf16.f32 v10;
	v10 =	vunpack.i.l.bf16.f32 v10  }
0xe8: {  	v20 =	vadd.s32 $0xE, v2;
	v7 =	vld.idx.msk [tilespmem:v62+s4+$0x0], $0xffff;
	v16 =	vunpack.i.u.bf16.f32 v13;
	v10 =	vadd.f32 v10, v17  }
0xe9: {  	v21 =	vadd.s32 $0x252E, v5;
	v8 =	vunpack.i.l.bf16.f32 v63;
	v9 =	vadd.f32 v18, v16  }
0xea: {  	v22 =	vadd.s32 $0x4127, v3;
	v19 =	vunpack.i.u.bf16.f32 v63;
	v8 =	vadd.f32 v8, v10  }
0xeb: {  	v9 =	vadd.f32 v19, v9;
	v23 =	vunpack.i.l.bf16.f32 v6;
	v24 =	vunpack.i.l.bf16.f32 v11  }
0xec: {  	v6 =	vunpack.i.u.bf16.f32 v6;
	v25 =	vunpack.i.u.bf16.f32 v11;
	[tilespmem:s28+$0xFFFFFD00] =	vst v8;
	v26 =	vadd.f32 v24, v23  }
0xed: {  	v28 =	vadd.s32 $0xE, v4;
	v27 =	vunpack.i.l.bf16.f32 v7;
	[tilespmem:s28+$0xFFFFFD80] =	vst v9;
	v6 =	vadd.f32 v25, v6  }
0xee: {  	v29 =	vadd.s32 $0x252E, v1;
	v7 =	vunpack.i.u.bf16.f32 v7;
	v13 =	vld.idx.msk [tilespmem:v20+s4+$0x0], $0xffff;
	v9 =	vadd.f32 v27, v26  }
0xef: {  	v10 =	vld.idx.msk [tilespmem:v21+s4+$0x0], $0xffff;
	v6 =	vadd.f32 v7, v6  }
0xf0: {  	v30 =	vadd.s32 $0x4127, v0;
	[tilespmem:s28+$0xFFFFFD10] =	vst v9  }
0xf1: {  	v31 =	vld.idx.msk [tilespmem:v22+s4+$0x0], $0xffff;
	[tilespmem:s28+$0xFFFFFD90] =	vst v6  }
0xf2: {  	v6 =	vld.idx.msk [tilespmem:v28+s4+$0x0], $0xffff  }
0xf3: {  	v11 =	vld.idx.msk [tilespmem:v29+s4+$0x0], $0xffff  }
0xf4: {  	v33 =	vunpack.i.l.bf16.f32 v13;
	v34 =	vunpack.i.u.bf16.f32 v10;
	v10 =	vunpack.i.l.bf16.f32 v10  }
0xf5: {  	v36 =	vadd.s32 $0xF, v2;
	v7 =	vld.idx.msk [tilespmem:v30+s4+$0x0], $0xffff;
	v32 =	vunpack.i.u.bf16.f32 v13;
	v10 =	vadd.f32 v10, v33  }
0xf6: {  	v37 =	vadd.s32 $0x252F, v5;
	v9 =	vunpack.i.l.bf16.f32 v31;
	v8 =	vadd.f32 v34, v32  }
0xf7: {  	v38 =	vadd.s32 $0x4128, v3;
	v35 =	vunpack.i.u.bf16.f32 v31;
	v9 =	vadd.f32 v9, v10  }
0xf8: {  	v8 =	vadd.f32 v35, v8;
	v39 =	vunpack.i.l.bf16.f32 v6;
	v40 =	vunpack.i.l.bf16.f32 v11  }
0xf9: {  	v6 =	vunpack.i.u.bf16.f32 v6;
	v41 =	vunpack.i.u.bf16.f32 v11;
	[tilespmem:s28+$0xFFFFFE00] =	vst v9;
	v42 =	vadd.f32 v40, v39  }
0xfa: {  	v44 =	vadd.s32 $0xF, v4;
	v43 =	vunpack.i.l.bf16.f32 v7;
	[tilespmem:s28+$0xFFFFFE80] =	vst v8;
	v6 =	vadd.f32 v41, v6  }
0xfb: {  	v45 =	vadd.s32 $0x252F, v1;
	v7 =	vunpack.i.u.bf16.f32 v7;
	v13 =	vld.idx.msk [tilespmem:v36+s4+$0x0], $0xffff;
	v8 =	vadd.f32 v43, v42  }
0xfc: {  	v10 =	vld.idx.msk [tilespmem:v37+s4+$0x0], $0xffff;
	v6 =	vadd.f32 v7, v6  }
0xfd: {  	v46 =	vadd.s32 $0x4128, v0;
	[tilespmem:s28+$0xFFFFFE10] =	vst v8  }
0xfe: {  	v47 =	vld.idx.msk [tilespmem:v38+s4+$0x0], $0xffff;
	[tilespmem:s28+$0xFFFFFE90] =	vst v6  }
0xff: {  	v6 =	vld.idx.msk [tilespmem:v44+s4+$0x0], $0xffff  }
0x100: {  	v11 =	vld.idx.msk [tilespmem:v45+s4+$0x0], $0xffff  }
0x101: {  	v49 =	vunpack.i.l.bf16.f32 v13;
	v50 =	vunpack.i.u.bf16.f32 v10;
	v10 =	vunpack.i.l.bf16.f32 v10  }
0x102: {  	v52 =	vadd.s32 $0x10, v2;
	v7 =	vld.idx.msk [tilespmem:v46+s4+$0x0], $0xffff;
	v48 =	vunpack.i.u.bf16.f32 v13;
	v10 =	vadd.f32 v10, v49  }
0x103: {  	v53 =	vadd.s32 $0x2530, v5;
	v8 =	vunpack.i.l.bf16.f32 v47;
	v9 =	vadd.f32 v50, v48  }
0x104: {  	v54 =	vadd.s32 $0x4129, v3;
	v51 =	vunpack.i.u.bf16.f32 v47;
	v8 =	vadd.f32 v8, v10  }
0x105: {  	v9 =	vadd.f32 v51, v9;
	v55 =	vunpack.i.l.bf16.f32 v6;
	v56 =	vunpack.i.l.bf16.f32 v11  }
0x106: {  	v6 =	vunpack.i.u.bf16.f32 v6;
	v57 =	vunpack.i.u.bf16.f32 v11;
	[tilespmem:s28+$0xFFFFFF00] =	vst v8;
	v58 =	vadd.f32 v56, v55  }
0x107: {  	v60 =	vadd.s32 $0x10, v4;
	v59 =	vunpack.i.l.bf16.f32 v7;
	[tilespmem:s28+$0xFFFFFF80] =	vst v9;
	v6 =	vadd.f32 v57, v6  }
0x108: {  	v61 =	vadd.s32 $0x2530, v1;
	v7 =	vunpack.i.u.bf16.f32 v7;
	v13 =	vld.idx.msk [tilespmem:v52+s4+$0x0], $0xffff;
	v9 =	vadd.f32 v59, v58  }
0x109: {  	v10 =	vld.idx.msk [tilespmem:v53+s4+$0x0], $0xffff;
	v6 =	vadd.f32 v7, v6  }
0x10a: {  	v62 =	vadd.s32 $0x4129, v0;
	[tilespmem:s28+$0xFFFFFF10] =	vst v9  }
0x10b: {  	v63 =	vld.idx.msk [tilespmem:v54+s4+$0x0], $0xffff;
	[tilespmem:s28+$0xFFFFFF90] =	vst v6  }
0x10c: {  	v6 =	vld.idx.msk [tilespmem:v60+s4+$0x0], $0xffff  }
0x10d: {  	v11 =	vld.idx.msk [tilespmem:v61+s4+$0x0], $0xffff  }
0x10e: {  	v17 =	vunpack.i.l.bf16.f32 v13;
	v18 =	vunpack.i.u.bf16.f32 v10;
	v10 =	vunpack.i.l.bf16.f32 v10  }
0x10f: {  	v20 =	vadd.s32 $0x11, v2;
	v7 =	vld.idx.msk [tilespmem:v62+s4+$0x0], $0xffff;
	v16 =	vunpack.i.u.bf16.f32 v13;
	v10 =	vadd.f32 v10, v17  }
0x110: {  	v21 =	vadd.s32 $0x2531, v5;
	v9 =	vunpack.i.l.bf16.f32 v63;
	v8 =	vadd.f32 v18, v16  }
0x111: {  	v22 =	vadd.s32 $0x412A, v3;
	v19 =	vunpack.i.u.bf16.f32 v63;
	v9 =	vadd.f32 v9, v10  }
0x112: {  	v8 =	vadd.f32 v19, v8;
	v23 =	vunpack.i.l.bf16.f32 v6;
	v24 =	vunpack.i.l.bf16.f32 v11  }
0x113: {  	v6 =	vunpack.i.u.bf16.f32 v6;
	v25 =	vunpack.i.u.bf16.f32 v11;
	[tilespmem:s28+$0x0] =	vst v9;
	v26 =	vadd.f32 v24, v23  }
0x114: {  	v28 =	vadd.s32 $0x11, v4;
	v27 =	vunpack.i.l.bf16.f32 v7;
	[tilespmem:s28+$0x80] =	vst v8;
	v6 =	vadd.f32 v25, v6  }
0x115: {  	v29 =	vadd.s32 $0x2531, v1;
	v7 =	vunpack.i.u.bf16.f32 v7;
	v13 =	vld.idx.msk [tilespmem:v20+s4+$0x0], $0xffff;
	v8 =	vadd.f32 v27, v26  }
0x116: {  	v10 =	vld.idx.msk [tilespmem:v21+s4+$0x0], $0xffff;
	v6 =	vadd.f32 v7, v6  }
0x117: {  	v30 =	vadd.s32 $0x412A, v0;
	[tilespmem:s28+$0x10] =	vst v8  }
0x118: {  	v31 =	vld.idx.msk [tilespmem:v22+s4+$0x0], $0xffff;
	[tilespmem:s28+$0x90] =	vst v6  }
0x119: {  	v6 =	vld.idx.msk [tilespmem:v28+s4+$0x0], $0xffff  }
0x11a: {  	v11 =	vld.idx.msk [tilespmem:v29+s4+$0x0], $0xffff  }
0x11b: {  	v33 =	vunpack.i.l.bf16.f32 v13;
	v34 =	vunpack.i.u.bf16.f32 v10;
	v10 =	vunpack.i.l.bf16.f32 v10  }
0x11c: {  	v36 =	vadd.s32 $0x12, v2;
	v7 =	vld.idx.msk [tilespmem:v30+s4+$0x0], $0xffff;
	v32 =	vunpack.i.u.bf16.f32 v13;
	v10 =	vadd.f32 v10, v33  }
0x11d: {  	v37 =	vadd.s32 $0x2532, v5;
	v8 =	vunpack.i.l.bf16.f32 v31;
	v9 =	vadd.f32 v34, v32  }
0x11e: {  	v38 =	vadd.s32 $0x412B, v3;
	v35 =	vunpack.i.u.bf16.f32 v31;
	v8 =	vadd.f32 v8, v10  }
0x11f: {  	v9 =	vadd.f32 v35, v9;
	v39 =	vunpack.i.l.bf16.f32 v6;
	v40 =	vunpack.i.l.bf16.f32 v11  }
0x120: {  	v6 =	vunpack.i.u.bf16.f32 v6;
	v41 =	vunpack.i.u.bf16.f32 v11;
	[tilespmem:s28+$0x100] =	vst v8;
	v42 =	vadd.f32 v40, v39  }
0x121: {  	v44 =	vadd.s32 $0x12, v4;
	v43 =	vunpack.i.l.bf16.f32 v7;
	[tilespmem:s28+$0x180] =	vst v9;
	v6 =	vadd.f32 v41, v6  }
0x122: {  	v45 =	vadd.s32 $0x2532, v1;
	v7 =	vunpack.i.u.bf16.f32 v7;
	v13 =	vld.idx.msk [tilespmem:v36+s4+$0x0], $0xffff;
	v9 =	vadd.f32 v43, v42  }
0x123: {  	v10 =	vld.idx.msk [tilespmem:v37+s4+$0x0], $0xffff;
	v6 =	vadd.f32 v7, v6  }
0x124: {  	v46 =	vadd.s32 $0x412B, v0;
	[tilespmem:s28+$0x110] =	vst v9  }
0x125: {  	v47 =	vld.idx.msk [tilespmem:v38+s4+$0x0], $0xffff;
	[tilespmem:s28+$0x190] =	vst v6  }
0x126: {  	v6 =	vld.idx.msk [tilespmem:v44+s4+$0x0], $0xffff  }
0x127: {  	v11 =	vld.idx.msk [tilespmem:v45+s4+$0x0], $0xffff  }
0x128: {  	v49 =	vunpack.i.l.bf16.f32 v13;
	v50 =	vunpack.i.u.bf16.f32 v10;
	v10 =	vunpack.i.l.bf16.f32 v10  }
0x129: {  	v52 =	vadd.s32 $0x13, v2;
	v7 =	vld.idx.msk [tilespmem:v46+s4+$0x0], $0xffff;
	v48 =	vunpack.i.u.bf16.f32 v13;
	v10 =	vadd.f32 v10, v49  }
0x12a: {  	v53 =	vadd.s32 $0x2533, v5;
	v9 =	vunpack.i.l.bf16.f32 v47;
	v8 =	vadd.f32 v50, v48  }
0x12b: {  	v54 =	vadd.s32 $0x412C, v3;
	v51 =	vunpack.i.u.bf16.f32 v47;
	v9 =	vadd.f32 v9, v10  }
0x12c: {  	v8 =	vadd.f32 v51, v8;
	v55 =	vunpack.i.l.bf16.f32 v6;
	v56 =	vunpack.i.l.bf16.f32 v11  }
0x12d: {  	v6 =	vunpack.i.u.bf16.f32 v6;
	v57 =	vunpack.i.u.bf16.f32 v11;
	[tilespmem:s28+$0x200] =	vst v9;
	v58 =	vadd.f32 v56, v55  }
0x12e: {  	v60 =	vadd.s32 $0x13, v4;
	v59 =	vunpack.i.l.bf16.f32 v7;
	[tilespmem:s28+$0x280] =	vst v8;
	v6 =	vadd.f32 v57, v6  }
0x12f: {  	v61 =	vadd.s32 $0x2533, v1;
	v7 =	vunpack.i.u.bf16.f32 v7;
	v13 =	vld.idx.msk [tilespmem:v52+s4+$0x0], $0xffff;
	v8 =	vadd.f32 v59, v58  }
0x130: {  	v10 =	vld.idx.msk [tilespmem:v53+s4+$0x0], $0xffff;
	v6 =	vadd.f32 v7, v6  }
0x131: {  	v62 =	vadd.s32 $0x412C, v0;
	[tilespmem:s28+$0x210] =	vst v8  }
0x132: {  	v63 =	vld.idx.msk [tilespmem:v54+s4+$0x0], $0xffff;
	[tilespmem:s28+$0x290] =	vst v6  }
0x133: {  	v6 =	vld.idx.msk [tilespmem:v60+s4+$0x0], $0xffff  }
0x134: {  	v11 =	vld.idx.msk [tilespmem:v61+s4+$0x0], $0xffff  }
0x135: {  	v17 =	vunpack.i.l.bf16.f32 v13;
	v18 =	vunpack.i.u.bf16.f32 v10;
	v10 =	vunpack.i.l.bf16.f32 v10  }
0x136: {  	v20 =	vadd.s32 $0x14, v2;
	v7 =	vld.idx.msk [tilespmem:v62+s4+$0x0], $0xffff;
	v16 =	vunpack.i.u.bf16.f32 v13;
	v10 =	vadd.f32 v10, v17  }
0x137: {  	v21 =	vadd.s32 $0x2534, v5;
	v8 =	vunpack.i.l.bf16.f32 v63;
	v9 =	vadd.f32 v18, v16  }
0x138: {  	v22 =	vadd.s32 $0x412D, v3;
	v19 =	vunpack.i.u.bf16.f32 v63;
	v8 =	vadd.f32 v8, v10  }
0x139: {  	v9 =	vadd.f32 v19, v9;
	v23 =	vunpack.i.l.bf16.f32 v6;
	v24 =	vunpack.i.l.bf16.f32 v11  }
0x13a: {  	v6 =	vunpack.i.u.bf16.f32 v6;
	v25 =	vunpack.i.u.bf16.f32 v11;
	[tilespmem:s28+$0x300] =	vst v8;
	v26 =	vadd.f32 v24, v23  }
0x13b: {  	v28 =	vadd.s32 $0x14, v4;
	v27 =	vunpack.i.l.bf16.f32 v7;
	[tilespmem:s28+$0x380] =	vst v9;
	v6 =	vadd.f32 v25, v6  }
0x13c: {  	v29 =	vadd.s32 $0x2534, v1;
	v7 =	vunpack.i.u.bf16.f32 v7;
	v13 =	vld.idx.msk [tilespmem:v20+s4+$0x0], $0xffff;
	v9 =	vadd.f32 v27, v26  }
0x13d: {  	v10 =	vld.idx.msk [tilespmem:v21+s4+$0x0], $0xffff;
	v6 =	vadd.f32 v7, v6  }
0x13e: {  	v30 =	vadd.s32 $0x412D, v0;
	[tilespmem:s28+$0x310] =	vst v9  }
0x13f: {  	v31 =	vld.idx.msk [tilespmem:v22+s4+$0x0], $0xffff;
	[tilespmem:s28+$0x390] =	vst v6  }
0x140: {  	v6 =	vld.idx.msk [tilespmem:v28+s4+$0x0], $0xffff  }
0x141: {  	v11 =	vld.idx.msk [tilespmem:v29+s4+$0x0], $0xffff  }
0x142: {  	v33 =	vunpack.i.l.bf16.f32 v13;
	v34 =	vunpack.i.u.bf16.f32 v10;
	v10 =	vunpack.i.l.bf16.f32 v10  }
0x143: {  	v36 =	vadd.s32 $0x15, v2;
	v7 =	vld.idx.msk [tilespmem:v30+s4+$0x0], $0xffff;
	v32 =	vunpack.i.u.bf16.f32 v13;
	v10 =	vadd.f32 v10, v33  }
0x144: {  	v37 =	vadd.s32 $0x2535, v5;
	v9 =	vunpack.i.l.bf16.f32 v31;
	v8 =	vadd.f32 v34, v32  }
0x145: {  	v38 =	vadd.s32 $0x412E, v3;
	v35 =	vunpack.i.u.bf16.f32 v31;
	v9 =	vadd.f32 v9, v10  }
0x146: {  	v8 =	vadd.f32 v35, v8;
	v39 =	vunpack.i.l.bf16.f32 v6;
	v40 =	vunpack.i.l.bf16.f32 v11  }
0x147: {  	v6 =	vunpack.i.u.bf16.f32 v6;
	v41 =	vunpack.i.u.bf16.f32 v11;
	[tilespmem:s28+$0x400] =	vst v9;
	v42 =	vadd.f32 v40, v39  }
0x148: {  	v44 =	vadd.s32 $0x15, v4;
	v43 =	vunpack.i.l.bf16.f32 v7;
	[tilespmem:s28+$0x480] =	vst v8;
	v6 =	vadd.f32 v41, v6  }
0x149: {  	v45 =	vadd.s32 $0x2535, v1;
	v7 =	vunpack.i.u.bf16.f32 v7;
	v13 =	vld.idx.msk [tilespmem:v36+s4+$0x0], $0xffff;
	v8 =	vadd.f32 v43, v42  }
0x14a: {  	v10 =	vld.idx.msk [tilespmem:v37+s4+$0x0], $0xffff;
	v6 =	vadd.f32 v7, v6  }
0x14b: {  	v46 =	vadd.s32 $0x412E, v0;
	[tilespmem:s28+$0x410] =	vst v8  }
0x14c: {  	v47 =	vld.idx.msk [tilespmem:v38+s4+$0x0], $0xffff;
	[tilespmem:s28+$0x490] =	vst v6  }
0x14d: {  	v6 =	vld.idx.msk [tilespmem:v44+s4+$0x0], $0xffff  }
0x14e: {  	v11 =	vld.idx.msk [tilespmem:v45+s4+$0x0], $0xffff  }
0x14f: {  	v49 =	vunpack.i.l.bf16.f32 v13;
	v50 =	vunpack.i.u.bf16.f32 v10;
	v10 =	vunpack.i.l.bf16.f32 v10  }
0x150: {  	v52 =	vadd.s32 $0x16, v2;
	v7 =	vld.idx.msk [tilespmem:v46+s4+$0x0], $0xffff;
	v48 =	vunpack.i.u.bf16.f32 v13;
	v10 =	vadd.f32 v10, v49  }
0x151: {  	v53 =	vadd.s32 $0x2536, v5;
	v8 =	vunpack.i.l.bf16.f32 v47;
	v9 =	vadd.f32 v50, v48  }
0x152: {  	v54 =	vadd.s32 $0x412F, v3;
	v51 =	vunpack.i.u.bf16.f32 v47;
	v8 =	vadd.f32 v8, v10  }
0x153: {  	v9 =	vadd.f32 v51, v9;
	v55 =	vunpack.i.l.bf16.f32 v6;
	v56 =	vunpack.i.l.bf16.f32 v11  }
0x154: {  	v6 =	vunpack.i.u.bf16.f32 v6;
	v57 =	vunpack.i.u.bf16.f32 v11;
	[tilespmem:s28+$0x500] =	vst v8;
	v58 =	vadd.f32 v56, v55  }
0x155: {  	v60 =	vadd.s32 $0x16, v4;
	v59 =	vunpack.i.l.bf16.f32 v7;
	[tilespmem:s28+$0x580] =	vst v9;
	v6 =	vadd.f32 v57, v6  }
0x156: {  	v61 =	vadd.s32 $0x2536, v1;
	v7 =	vunpack.i.u.bf16.f32 v7;
	v13 =	vld.idx.msk [tilespmem:v52+s4+$0x0], $0xffff;
	v9 =	vadd.f32 v59, v58  }
0x157: {  	v10 =	vld.idx.msk [tilespmem:v53+s4+$0x0], $0xffff;
	v6 =	vadd.f32 v7, v6  }
0x158: {  	v62 =	vadd.s32 $0x412F, v0;
	[tilespmem:s28+$0x510] =	vst v9  }
0x159: {  	v63 =	vld.idx.msk [tilespmem:v54+s4+$0x0], $0xffff;
	[tilespmem:s28+$0x590] =	vst v6  }
0x15a: {  	v6 =	vld.idx.msk [tilespmem:v60+s4+$0x0], $0xffff  }
0x15b: {  	v11 =	vld.idx.msk [tilespmem:v61+s4+$0x0], $0xffff  }
0x15c: {  	v17 =	vunpack.i.l.bf16.f32 v13;
	v18 =	vunpack.i.u.bf16.f32 v10;
	v10 =	vunpack.i.l.bf16.f32 v10  }
0x15d: {  	v20 =	vadd.s32 $0x17, v2;
	v7 =	vld.idx.msk [tilespmem:v62+s4+$0x0], $0xffff;
	v16 =	vunpack.i.u.bf16.f32 v13;
	v10 =	vadd.f32 v10, v17  }
0x15e: {  	v21 =	vadd.s32 $0x2537, v5;
	v9 =	vunpack.i.l.bf16.f32 v63;
	v8 =	vadd.f32 v18, v16  }
0x15f: {  	v22 =	vadd.s32 $0x4130, v3;
	v19 =	vunpack.i.u.bf16.f32 v63;
	v9 =	vadd.f32 v9, v10  }
0x160: {  	v8 =	vadd.f32 v19, v8;
	v23 =	vunpack.i.l.bf16.f32 v6;
	v24 =	vunpack.i.l.bf16.f32 v11  }
0x161: {  	v6 =	vunpack.i.u.bf16.f32 v6;
	v25 =	vunpack.i.u.bf16.f32 v11;
	[tilespmem:s28+$0x600] =	vst v9;
	v26 =	vadd.f32 v24, v23  }
0x162: {  	v28 =	vadd.s32 $0x17, v4;
	v27 =	vunpack.i.l.bf16.f32 v7;
	[tilespmem:s28+$0x680] =	vst v8;
	v6 =	vadd.f32 v25, v6  }
0x163: {  	v29 =	vadd.s32 $0x2537, v1;
	v7 =	vunpack.i.u.bf16.f32 v7;
	v13 =	vld.idx.msk [tilespmem:v20+s4+$0x0], $0xffff;
	v8 =	vadd.f32 v27, v26  }
0x164: {  	v10 =	vld.idx.msk [tilespmem:v21+s4+$0x0], $0xffff;
	v6 =	vadd.f32 v7, v6  }
0x165: {  	v30 =	vadd.s32 $0x4130, v0;
	[tilespmem:s28+$0x610] =	vst v8  }
0x166: {  	v31 =	vld.idx.msk [tilespmem:v22+s4+$0x0], $0xffff;
	[tilespmem:s28+$0x690] =	vst v6  }
0x167: {  	v6 =	vld.idx.msk [tilespmem:v28+s4+$0x0], $0xffff  }
0x168: {  	v11 =	vld.idx.msk [tilespmem:v29+s4+$0x0], $0xffff  }
0x169: {  	v33 =	vunpack.i.l.bf16.f32 v13;
	v34 =	vunpack.i.u.bf16.f32 v10;
	v10 =	vunpack.i.l.bf16.f32 v10  }
0x16a: {  	v36 =	vadd.s32 $0x18, v2;
	v7 =	vld.idx.msk [tilespmem:v30+s4+$0x0], $0xffff;
	v32 =	vunpack.i.u.bf16.f32 v13;
	v10 =	vadd.f32 v10, v33  }
0x16b: {  	v37 =	vadd.s32 $0x2538, v5;
	v8 =	vunpack.i.l.bf16.f32 v31;
	v9 =	vadd.f32 v34, v32  }
0x16c: {  	v38 =	vadd.s32 $0x4131, v3;
	v35 =	vunpack.i.u.bf16.f32 v31;
	v8 =	vadd.f32 v8, v10  }
0x16d: {  	v9 =	vadd.f32 v35, v9;
	v39 =	vunpack.i.l.bf16.f32 v6;
	v40 =	vunpack.i.l.bf16.f32 v11  }
0x16e: {  	v6 =	vunpack.i.u.bf16.f32 v6;
	v41 =	vunpack.i.u.bf16.f32 v11;
	[tilespmem:s28+$0x700] =	vst v8;
	v42 =	vadd.f32 v40, v39  }
0x16f: {  	v44 =	vadd.s32 $0x18, v4;
	v43 =	vunpack.i.l.bf16.f32 v7;
	[tilespmem:s28+$0x780] =	vst v9;
	v6 =	vadd.f32 v41, v6  }
0x170: {  	v45 =	vadd.s32 $0x2538, v1;
	v7 =	vunpack.i.u.bf16.f32 v7;
	v13 =	vld.idx.msk [tilespmem:v36+s4+$0x0], $0xffff;
	v9 =	vadd.f32 v43, v42  }
0x171: {  	v10 =	vld.idx.msk [tilespmem:v37+s4+$0x0], $0xffff;
	v6 =	vadd.f32 v7, v6  }
0x172: {  	v46 =	vadd.s32 $0x4131, v0;
	[tilespmem:s28+$0x710] =	vst v9  }
0x173: {  	v47 =	vld.idx.msk [tilespmem:v38+s4+$0x0], $0xffff;
	[tilespmem:s28+$0x790] =	vst v6  }
0x174: {  	v6 =	vld.idx.msk [tilespmem:v44+s4+$0x0], $0xffff  }
0x175: {  	v11 =	vld.idx.msk [tilespmem:v45+s4+$0x0], $0xffff  }
0x176: {  	v49 =	vunpack.i.l.bf16.f32 v13;
	v50 =	vunpack.i.u.bf16.f32 v10;
	v10 =	vunpack.i.l.bf16.f32 v10  }
0x177: {  	v52 =	vadd.s32 $0x19, v2;
	v7 =	vld.idx.msk [tilespmem:v46+s4+$0x0], $0xffff;
	v48 =	vunpack.i.u.bf16.f32 v13;
	v10 =	vadd.f32 v10, v49  }
0x178: {  	v53 =	vadd.s32 $0x2539, v5;
	v9 =	vunpack.i.l.bf16.f32 v47;
	v8 =	vadd.f32 v50, v48  }
0x179: {  	v54 =	vadd.s32 $0x4132, v3;
	v51 =	vunpack.i.u.bf16.f32 v47;
	v9 =	vadd.f32 v9, v10  }
0x17a: {  	v8 =	vadd.f32 v51, v8;
	v55 =	vunpack.i.l.bf16.f32 v6;
	v56 =	vunpack.i.l.bf16.f32 v11  }
0x17b: {  	v6 =	vunpack.i.u.bf16.f32 v6;
	v57 =	vunpack.i.u.bf16.f32 v11;
	[tilespmem:s28+$0x800] =	vst v9;
	v58 =	vadd.f32 v56, v55  }
0x17c: {  	v60 =	vadd.s32 $0x19, v4;
	v59 =	vunpack.i.l.bf16.f32 v7;
	[tilespmem:s28+$0x880] =	vst v8;
	v6 =	vadd.f32 v57, v6  }
0x17d: {  	v61 =	vadd.s32 $0x2539, v1;
	v7 =	vunpack.i.u.bf16.f32 v7;
	v13 =	vld.idx.msk [tilespmem:v52+s4+$0x0], $0xffff;
	v8 =	vadd.f32 v59, v58  }
0x17e: {  	v10 =	vld.idx.msk [tilespmem:v53+s4+$0x0], $0xffff;
	v6 =	vadd.f32 v7, v6  }
0x17f: {  	v62 =	vadd.s32 $0x4132, v0;
	[tilespmem:s28+$0x810] =	vst v8  }
0x180: {  	v63 =	vld.idx.msk [tilespmem:v54+s4+$0x0], $0xffff;
	[tilespmem:s28+$0x890] =	vst v6  }
0x181: {  	v6 =	vld.idx.msk [tilespmem:v60+s4+$0x0], $0xffff  }
0x182: {  	v11 =	vld.idx.msk [tilespmem:v61+s4+$0x0], $0xffff  }
0x183: {  	v17 =	vunpack.i.l.bf16.f32 v13;
	v18 =	vunpack.i.u.bf16.f32 v10;
	v10 =	vunpack.i.l.bf16.f32 v10  }
0x184: {  	v20 =	vadd.s32 $0x1A, v2;
	v7 =	vld.idx.msk [tilespmem:v62+s4+$0x0], $0xffff;
	v16 =	vunpack.i.u.bf16.f32 v13;
	v10 =	vadd.f32 v10, v17  }
0x185: {  	v21 =	vadd.s32 $0x253A, v5;
	v8 =	vunpack.i.l.bf16.f32 v63;
	v9 =	vadd.f32 v18, v16  }
0x186: {  	v22 =	vadd.s32 $0x4133, v3;
	v19 =	vunpack.i.u.bf16.f32 v63;
	v8 =	vadd.f32 v8, v10  }
0x187: {  	v9 =	vadd.f32 v19, v9;
	v23 =	vunpack.i.l.bf16.f32 v6;
	v24 =	vunpack.i.l.bf16.f32 v11  }
0x188: {  	v6 =	vunpack.i.u.bf16.f32 v6;
	v25 =	vunpack.i.u.bf16.f32 v11;
	[tilespmem:s28+$0x900] =	vst v8;
	v26 =	vadd.f32 v24, v23  }
0x189: {  	v28 =	vadd.s32 $0x1A, v4;
	v27 =	vunpack.i.l.bf16.f32 v7;
	[tilespmem:s28+$0x980] =	vst v9;
	v6 =	vadd.f32 v25, v6  }
0x18a: {  	v29 =	vadd.s32 $0x253A, v1;
	v7 =	vunpack.i.u.bf16.f32 v7;
	v13 =	vld.idx.msk [tilespmem:v20+s4+$0x0], $0xffff;
	v9 =	vadd.f32 v27, v26  }
0x18b: {  	v10 =	vld.idx.msk [tilespmem:v21+s4+$0x0], $0xffff;
	v6 =	vadd.f32 v7, v6  }
0x18c: {  	v30 =	vadd.s32 $0x4133, v0;
	[tilespmem:s28+$0x910] =	vst v9  }
0x18d: {  	v31 =	vld.idx.msk [tilespmem:v22+s4+$0x0], $0xffff;
	[tilespmem:s28+$0x990] =	vst v6  }
0x18e: {  	v6 =	vld.idx.msk [tilespmem:v28+s4+$0x0], $0xffff  }
0x18f: {  	v11 =	vld.idx.msk [tilespmem:v29+s4+$0x0], $0xffff  }
0x190: {  	v33 =	vunpack.i.l.bf16.f32 v13;
	v34 =	vunpack.i.u.bf16.f32 v10;
	v10 =	vunpack.i.l.bf16.f32 v10  }
0x191: {  	v36 =	vadd.s32 $0x1B, v2;
	v7 =	vld.idx.msk [tilespmem:v30+s4+$0x0], $0xffff;
	v32 =	vunpack.i.u.bf16.f32 v13;
	v10 =	vadd.f32 v10, v33  }
0x192: {  	v37 =	vadd.s32 $0x253B, v5;
	v9 =	vunpack.i.l.bf16.f32 v31;
	v8 =	vadd.f32 v34, v32  }
0x193: {  	v38 =	vadd.s32 $0x4134, v3;
	v35 =	vunpack.i.u.bf16.f32 v31;
	v9 =	vadd.f32 v9, v10  }
0x194: {  	v8 =	vadd.f32 v35, v8;
	v39 =	vunpack.i.l.bf16.f32 v6;
	v40 =	vunpack.i.l.bf16.f32 v11  }
0x195: {  	v6 =	vunpack.i.u.bf16.f32 v6;
	v41 =	vunpack.i.u.bf16.f32 v11;
	[tilespmem:s28+$0xA00] =	vst v9;
	v42 =	vadd.f32 v40, v39  }
0x196: {  	v44 =	vadd.s32 $0x1B, v4;
	v43 =	vunpack.i.l.bf16.f32 v7;
	[tilespmem:s28+$0xA80] =	vst v8;
	v6 =	vadd.f32 v41, v6  }
0x197: {  	v45 =	vadd.s32 $0x253B, v1;
	v7 =	vunpack.i.u.bf16.f32 v7;
	v13 =	vld.idx.msk [tilespmem:v36+s4+$0x0], $0xffff;
	v8 =	vadd.f32 v43, v42  }
0x198: {  	v10 =	vld.idx.msk [tilespmem:v37+s4+$0x0], $0xffff;
	v6 =	vadd.f32 v7, v6  }
0x199: {  	v46 =	vadd.s32 $0x4134, v0;
	[tilespmem:s28+$0xA10] =	vst v8  }
0x19a: {  	v47 =	vld.idx.msk [tilespmem:v38+s4+$0x0], $0xffff;
	[tilespmem:s28+$0xA90] =	vst v6  }
0x19b: {  	v6 =	vld.idx.msk [tilespmem:v44+s4+$0x0], $0xffff  }
0x19c: {  	v11 =	vld.idx.msk [tilespmem:v45+s4+$0x0], $0xffff  }
0x19d: {  	v49 =	vunpack.i.l.bf16.f32 v13;
	v50 =	vunpack.i.u.bf16.f32 v10;
	v10 =	vunpack.i.l.bf16.f32 v10  }
0x19e: {  	v52 =	vadd.s32 $0x1C, v2;
	v7 =	vld.idx.msk [tilespmem:v46+s4+$0x0], $0xffff;
	v48 =	vunpack.i.u.bf16.f32 v13;
	v10 =	vadd.f32 v10, v49  }
0x19f: {  	v53 =	vadd.s32 $0x253C, v5;
	v8 =	vunpack.i.l.bf16.f32 v47;
	v9 =	vadd.f32 v50, v48  }
0x1a0: {  	v54 =	vadd.s32 $0x4135, v3;
	v51 =	vunpack.i.u.bf16.f32 v47;
	v8 =	vadd.f32 v8, v10  }
0x1a1: {  	v9 =	vadd.f32 v51, v9;
	v55 =	vunpack.i.l.bf16.f32 v6;
	v56 =	vunpack.i.l.bf16.f32 v11  }
0x1a2: {  	v6 =	vunpack.i.u.bf16.f32 v6;
	v57 =	vunpack.i.u.bf16.f32 v11;
	[tilespmem:s28+$0xB00] =	vst v8;
	v58 =	vadd.f32 v56, v55  }
0x1a3: {  	v60 =	vadd.s32 $0x1C, v4;
	v59 =	vunpack.i.l.bf16.f32 v7;
	[tilespmem:s28+$0xB80] =	vst v9;
	v6 =	vadd.f32 v57, v6  }
0x1a4: {  	v61 =	vadd.s32 $0x253C, v1;
	v7 =	vunpack.i.u.bf16.f32 v7;
	v13 =	vld.idx.msk [tilespmem:v52+s4+$0x0], $0xffff;
	v9 =	vadd.f32 v59, v58  }
0x1a5: {  	v10 =	vld.idx.msk [tilespmem:v53+s4+$0x0], $0xffff;
	v6 =	vadd.f32 v7, v6  }
0x1a6: {  	v62 =	vadd.s32 $0x4135, v0;
	[tilespmem:s28+$0xB10] =	vst v9  }
0x1a7: {  	v63 =	vld.idx.msk [tilespmem:v54+s4+$0x0], $0xffff;
	[tilespmem:s28+$0xB90] =	vst v6  }
0x1a8: {  	v6 =	vld.idx.msk [tilespmem:v60+s4+$0x0], $0xffff  }
0x1a9: {  	v11 =	vld.idx.msk [tilespmem:v61+s4+$0x0], $0xffff  }
0x1aa: {  	v17 =	vunpack.i.l.bf16.f32 v13;
	v18 =	vunpack.i.u.bf16.f32 v10;
	v10 =	vunpack.i.l.bf16.f32 v10  }
0x1ab: {  	v20 =	vadd.s32 $0x1D, v2;
	v7 =	vld.idx.msk [tilespmem:v62+s4+$0x0], $0xffff;
	v16 =	vunpack.i.u.bf16.f32 v13;
	v10 =	vadd.f32 v10, v17  }
0x1ac: {  	v21 =	vadd.s32 $0x253D, v5;
	v9 =	vunpack.i.l.bf16.f32 v63;
	v8 =	vadd.f32 v18, v16  }
0x1ad: {  	v22 =	vadd.s32 $0x4136, v3;
	v19 =	vunpack.i.u.bf16.f32 v63;
	v9 =	vadd.f32 v9, v10  }
0x1ae: {  	v8 =	vadd.f32 v19, v8;
	v23 =	vunpack.i.l.bf16.f32 v6;
	v24 =	vunpack.i.l.bf16.f32 v11  }
0x1af: {  	v6 =	vunpack.i.u.bf16.f32 v6;
	v25 =	vunpack.i.u.bf16.f32 v11;
	[tilespmem:s28+$0xC00] =	vst v9;
	v26 =	vadd.f32 v24, v23  }
0x1b0: {  	v28 =	vadd.s32 $0x1D, v4;
	v27 =	vunpack.i.l.bf16.f32 v7;
	[tilespmem:s28+$0xC80] =	vst v8;
	v6 =	vadd.f32 v25, v6  }
0x1b1: {  	v29 =	vadd.s32 $0x253D, v1;
	v7 =	vunpack.i.u.bf16.f32 v7;
	v13 =	vld.idx.msk [tilespmem:v20+s4+$0x0], $0xffff;
	v8 =	vadd.f32 v27, v26  }
0x1b2: {  	v10 =	vld.idx.msk [tilespmem:v21+s4+$0x0], $0xffff;
	v6 =	vadd.f32 v7, v6  }
0x1b3: {  	v31 =	vadd.s32 $0x4136, v0;
	[tilespmem:s28+$0xC10] =	vst v8  }
0x1b4: {  	v30 =	vld.idx.msk [tilespmem:v22+s4+$0x0], $0xffff;
	[tilespmem:s28+$0xC90] =	vst v6  }
0x1b5: {  	v8 =	vld.idx.msk [tilespmem:v28+s4+$0x0], $0xffff  }
0x1b6: {  	v32 =	vld.idx.msk [tilespmem:v29+s4+$0x0], $0xffff  }
0x1b7: {  	v41 =	vadd.s32 $0x4137, v3;
	v33 =	vunpack.i.l.bf16.f32 v13;
	v34 =	vunpack.i.l.bf16.f32 v10  }
0x1b8: {  	v6 =	vld.idx.msk [tilespmem:v31+s4+$0x0], $0xffff;
	v13 =	vunpack.i.u.bf16.f32 v13;
	v10 =	vunpack.i.u.bf16.f32 v10;
	v11 =	vadd.f32 v34, v33  }
0x1b9: {  	v36 =	vadd.s32 $0x1E, v2;
	v7 =	vunpack.i.l.bf16.f32 v30;
	v10 =	vadd.f32 v10, v13  }
0x1ba: {  	v37 =	vadd.s32 $0x253E, v5;
	v35 =	vunpack.i.u.bf16.f32 v30;
	v7 =	vadd.f32 v7, v11  }
0x1bb: {  	v10 =	vadd.f32 v35, v10;
	v38 =	vunpack.i.l.bf16.f32 v8;
	v39 =	vunpack.i.l.bf16.f32 v32  }
0x1bc: {  	v8 =	vunpack.i.u.bf16.f32 v8;
	v9 =	vunpack.i.u.bf16.f32 v32;
	v40 =	vadd.f32 v39, v38;
	[tilespmem:s28+$0xD00] =	vst v7  }
0x1bd: {  	v43 =	vadd.s32 $0x1E, v4;
	v42 =	vunpack.i.l.bf16.f32 v6;
	[tilespmem:s28+$0xD80] =	vst v10;
	v8 =	vadd.f32 v9, v8  }
0x1be: {  	v44 =	vadd.s32 $0x253E, v1;
	v6 =	vunpack.i.u.bf16.f32 v6;
	v11 =	vld.idx.msk [tilespmem:v36+s4+$0x0], $0xffff;
	v10 =	vadd.f32 v42, v40  }
0x1bf: {  	v13 =	vld.idx.msk [tilespmem:v37+s4+$0x0], $0xffff;
	v6 =	vadd.f32 v6, v8  }
0x1c0: {  	v45 =	vadd.s32 $0x4137, v0;
	[tilespmem:s28+$0xD10] =	vst v10  }
0x1c1: {  	v7 =	vld.idx.msk [tilespmem:v41+s4+$0x0], $0xffff;
	[tilespmem:s28+$0xD90] =	vst v6  }
0x1c2: {  	v46 =	vld.idx.msk [tilespmem:v43+s4+$0x0], $0xffff  }
0x1c3: {  	v47 =	vld.idx.msk [tilespmem:v44+s4+$0x0], $0xffff  }
0x1c4: {  	v3 =	vadd.s32 $0x4138, v3;
	v48 =	vunpack.i.l.bf16.f32 v11;
	v49 =	vunpack.i.l.bf16.f32 v13  }
0x1c5: {  	v6 =	vld.idx.msk [tilespmem:v45+s4+$0x0], $0xffff;
	v11 =	vunpack.i.u.bf16.f32 v11;
	v50 =	vunpack.i.u.bf16.f32 v13;
	v10 =	vadd.f32 v49, v48  }
0x1c6: {  	v51 =	vunpack.i.u.bf16.f32 v7;
	v7 =	vunpack.i.l.bf16.f32 v7;
	v52 =	vadd.f32 v50, v11  }
0x1c7: {  	v2 =	vadd.s32 $0x1F, v2;
	v5 =	vadd.s32 $0x253F, v5;
	v7 =	vadd.f32 v7, v10  }
0x1c8: {  	v10 =	vadd.f32 v51, v52;
	v53 =	vunpack.i.l.bf16.f32 v46;
	v54 =	vunpack.i.l.bf16.f32 v47  }
0x1c9: {  	v55 =	vunpack.i.u.bf16.f32 v46;
	v56 =	vunpack.i.u.bf16.f32 v47;
	v11 =	vadd.f32 v54, v53  }
0x1ca: {  	v4 =	vadd.s32 $0x1F, v4;
	v57 =	vunpack.i.l.bf16.f32 v6;
	[tilespmem:s28+$0xE00] =	vst v7;
	v7 =	vadd.f32 v56, v55  }
0x1cb: {  	v1 =	vadd.s32 $0x253F, v1;
	v6 =	vunpack.i.u.bf16.f32 v6;
	[tilespmem:s28+$0xE80] =	vst v10;
	v8 =	vadd.f32 v57, v11  }
0x1cc: {  	v2 =	vld.idx.msk [tilespmem:v2+s4+$0x0], $0xffff;
	v6 =	vadd.f32 v6, v7  }
0x1cd: {  	v0 =	vadd.s32 $0x4138, v0;
	v5 =	vld.idx.msk [tilespmem:v5+s4+$0x0], $0xffff;
	[tilespmem:s28+$0xE10] =	vst v8  }
0x1ce: {  	v3 =	vld.idx.msk [tilespmem:v3+s4+$0x0], $0xffff;
	[tilespmem:s28+$0xE90] =	vst v6  }
0x1cf: {  	v4 =	vld.idx.msk [tilespmem:v4+s4+$0x0], $0xffff  }
0x1d0: {  	v1 =	vld.idx.msk [tilespmem:v1+s4+$0x0], $0xffff;
	_ =	sdelay $0x1  }
0x1d1: {  	v0 =	vld.idx.msk [tilespmem:v0+s4+$0x0], $0xffff;
	v58 =	vunpack.i.l.bf16.f32 v2;
	v59 =	vunpack.i.l.bf16.f32 v5  }
0x1d2: {  	v2 =	vunpack.i.u.bf16.f32 v2;
	v5 =	vunpack.i.u.bf16.f32 v5;
	v6 =	vadd.f32 v59, v58  }
0x1d3: {  	v60 =	vunpack.i.l.bf16.f32 v3;
	v3 =	vunpack.i.u.bf16.f32 v3;
	v2 =	vadd.f32 v5, v2  }
0x1d4: {  	s25 =	sadd.s32 $0x2, s25;
	v6 =	vadd.f32 v60, v6;
	v61 =	vunpack.i.l.bf16.f32 v4;
	v62 =	vunpack.i.l.bf16.f32 v1  }
0x1d5: {  	p0 =	slt.u32 s25, $0x6;
	v4 =	vunpack.i.u.bf16.f32 v4;
	v1 =	vunpack.i.u.bf16.f32 v1;
	v5 =	vadd.f32 v62, v61  }
.Ltmp0:
0x1d6: {  	v2 =	vadd.f32 v3, v2;
	v63 =	vunpack.i.l.bf16.f32 v0;
	v1 =	vadd.f32 v1, v4;
	(pc) =	sbr.rel @p0 .LBB2_3-.Ltmp0, $4  }
0x1d7: {  	v0 =	vunpack.i.u.bf16.f32 v0;
	[tilespmem:s28+$0xF00] =	vst v6;
	v3 =	vadd.f32 v63, v5  }
0x1d8: {  	[tilespmem:s28+$0xF80] =	vst v2;
	v0 =	vadd.f32 v0, v1  }
0x1d9: {  	[tilespmem:s28+$0xF10] =	vst v3  }
0x1da: {  	s26 =	sadd.s32 $0x20, s26;
	[tilespmem:s28+$0xF90] =	vst v0;
	s28 =	sadd.s32 $0x20, s28  }
0x1db: {  	s25 =	sshll.u32 s23, $0x13  }
0x1dc: {  	s25 =	sor.u32 s9, s25  }
0x1dd: {  	s25 =	sshrl.u32 s25, $0x3  }
0x1de: {  	p0 =	seq.s32 s23, $0x63;
	s25 =	sadd.s32 s3, s25  }
0x1df: {  	[hbm4b:s25+s15] =	stream.strided.scatter [tilespmem:s17], [sflag:$0x3], $0x2000, s16, s15, $0x38;
	[tilespmem:$0xB480] =	vst v63  }
0x1e0: {  	s25 =	sshll.u32 @!p0 s23, $0xF  }
0x1e1: {  	p1 =	seq.s32 @!p0 s23, $0x0;
	_ =	swait.ge [sflag:s18], $0x200;
	s25 =	sadd.s32 @!p0 s8, s25  }
0x1e2: {  	s26 =	simm.s32 @!p0 $0x0;
	[sflag:s18] =	ssyncset.done $0x0;
	s25 =	sshrl.u32 @!p0 s25, $0x3  }
0x1e3: {  	s28 =	simm.s32 @!p0 $0x7080;
	[sflag:s18] =	ssyncadd.s32 $0xFFFFFE00;
	s25 =	sadd.s32 @!p0 s1, s25  }
0x1e4: {  	[tilespmem:s28], [sflag:$0x1] =	stream.linear.gather @!p0 [hbm4b:s25+s26], $0x200, $0x38;
	[tilespmem:$0xB480] =	vst v63  }
0x1e5: {  	p0 =	por p0, !p1  }
0x1e6: {  	_ =	swait.ge @p0 [sflag:s21], $0x2000  }
0x1e7: {  	s25 =	simm.s32 $0xFFFFFFFE;
	[sflag:s21] =	ssyncset.done @p0 $0x0  }
0x1e8: {  	s26 =	simm.s32 $0x7380;
	s28 =	simm.s32 $0xA480;
	[sflag:s21] =	ssyncadd.s32 @p0 $0xFFFFE000  }
.LBB2_5:
0x1e9: {  	v0 =	vld [tilespmem:s26+$0xFFFFFF00]  }
0x1ea: {  	v1 =	vld [tilespmem:s26+$0xFFFFFF80]  }
0x1eb: {  	v2 =	vld [tilespmem:s26+$0x0]  }
0x1ec: {  	v3 =	vld [tilespmem:s26+$0x80]  }
0x1ed: {  	v4 =	vld [tilespmem:s26+$0xFFFFFF10]  }
0x1ee: {  	v5 =	vld [tilespmem:s26+$0xFFFFFF90]  }
0x1ef: {  	v6 =	vld [tilespmem:s26+$0x10]  }
0x1f0: {  	v7 =	vld [tilespmem:s26+$0x90]  }
0x1f1: {  	v0 =	vadd.f32 $5.000000000e-01, v0;
	v1 =	vadd.f32 $5.000000000e-01, v1  }
0x1f2: {  	v2 =	vadd.f32 $5.000000000e-01, v2;
	v3 =	vadd.f32 $5.000000000e-01, v3  }
0x1f3: {  	v4 =	vadd.f32 $5.000000000e-01, v4;
	v5 =	vadd.f32 $5.000000000e-01, v5  }
0x1f4: {  	v6 =	vadd.f32 $5.000000000e-01, v6;
	v0 =	vmul.f32 $2.880000000e+02, v0;
	v1 =	vmul.f32 $7.000000000e+00, v1  }
0x1f5: {  	v7 =	vadd.f32 $5.000000000e-01, v7;
	v2 =	vmul.f32 $3.100000000e+01, v2;
	v3 =	vmul.f32 $3.660000000e+02, v3  }
0x1f6: {  	v4 =	vmul.f32 $2.880000000e+02, v4;
	v5 =	vmul.f32 $7.000000000e+00, v5  }
0x1f7: {  	v6 =	vmul.f32 $3.100000000e+01, v6;
	v45 =	vmul.f32 $3.660000000e+02, v7  }
0x1f8: {  	v0 =	vtrunc.f32 v0;
	v1 =	vtrunc.f32 v1  }
0x1f9: {  	v2 =	vtrunc.f32 v2;
	v3 =	vtrunc.f32 v3  }
0x1fa: {  	v1 =	vcvt.f32.s32 v1;
	v2 =	vcvt.f32.s32 v2  }
0x1fb: {  	v4 =	vtrunc.f32 v4;
	v0 =	vcvt.f32.s32 v0  }
0x1fc: {  	v5 =	vtrunc.f32 v5;
	v1 =	vmul.u32 $0x3FF, v1;
	v8 =	vmul.u32 $0x21, v2  }
0x1fd: {  	v6 =	vtrunc.f32 v6;
	v3 =	vcvt.f32.s32 v3;
	v2 =	vmul.u32 $0x21, v0  }
0x1fe: {  	v43 =	vcvt.f32.s32 v5;
	v44 =	vcvt.f32.s32 v6;
	v5 =	vadd.s32 v1, v8  }
0x1ff: {  	v4 =	vcvt.f32.s32 v4;
	v3 =	vmul.u32 $0x21, v3;
	v46 =	vadd.s32 $0x2520, v5  }
0x200: {  	v6 =	vtrunc.f32 v45;
	v0 =	vmul.u32 $0x3FF, v43;
	v1 =	vmul.u32 $0x21, v44  }
0x201: {  	v6 =	vcvt.f32.s32 v6;
	v4 =	vmul.u32 $0x21, v4;
	v47 =	vadd.s32 $0x4119, v3  }
0x202: {  	v1 =	vadd.s32 v0, v1  }
0x203: {  	v0 =	vmul.u32 $0x21, v6;
	v10 =	vadd.s32 $0x2520, v1;
	v9 =	vld.idx.msk [tilespmem:v2+s4+$0x0], $0xffff  }
0x204: {  	v48 =	vld.idx.msk [tilespmem:v46+s4+$0x0], $0xffff  }
0x205: {  	v49 =	vadd.s32 $0x4119, v0  }
0x206: {  	v8 =	vld.idx.msk [tilespmem:v47+s4+$0x0], $0xffff  }
0x207: {  	v11 =	vld.idx.msk [tilespmem:v4+s4+$0x0], $0xffff  }
0x208: {  	v10 =	vld.idx.msk [tilespmem:v10+s4+$0x0], $0xffff  }
0x209: {  	v12 =	vunpack.i.u.bf16.f32 v9;
	v9 =	vunpack.i.l.bf16.f32 v9;
	v6 =	vunpack.i.l.bf16.f32 v48  }
0x20a: {  	v52 =	vadd.s32 $0x1, v2;
	v7 =	vld.idx.msk [tilespmem:v49+s4+$0x0], $0xffff;
	v13 =	vunpack.i.u.bf16.f32 v48;
	v6 =	vadd.f32 v6, v9  }
0x20b: {  	v51 =	vunpack.i.u.bf16.f32 v8;
	v8 =	vunpack.i.l.bf16.f32 v8;
	v50 =	vadd.f32 v13, v12  }
0x20c: {  	v55 =	vadd.s32 $0x411A, v3;
	v54 =	vadd.s32 $0x2521, v5;
	v6 =	vadd.f32 v8, v6  }
0x20d: {  	v14 =	vunpack.i.l.bf16.f32 v11;
	v15 =	vunpack.i.l.bf16.f32 v10;
	v53 =	vadd.f32 v51, v50  }
0x20e: {  	v56 =	vunpack.i.u.bf16.f32 v11;
	v10 =	vunpack.i.u.bf16.f32 v10;
	v57 =	vadd.f32 v15, v14;
	[tilespmem:s28+$0xFFFFF000] =	vst v6  }
0x20f: {  	v59 =	vadd.s32 $0x1, v4;
	v58 =	vunpack.i.l.bf16.f32 v7;
	[tilespmem:s28+$0xFFFFF080] =	vst v53;
	v6 =	vadd.f32 v10, v56  }
0x210: {  	v60 =	vadd.s32 $0x2521, v1;
	v7 =	vunpack.i.u.bf16.f32 v7;
	v8 =	vadd.f32 v58, v57;
	v13 =	vld.idx.msk [tilespmem:v52+s4+$0x0], $0xffff  }
0x211: {  	v9 =	vld.idx.msk [tilespmem:v54+s4+$0x0], $0xffff;
	v6 =	vadd.f32 v7, v6  }
0x212: {  	v61 =	vadd.s32 $0x411A, v0;
	[tilespmem:s28+$0xFFFFF010] =	vst v8  }
0x213: {  	v62 =	vld.idx.msk [tilespmem:v55+s4+$0x0], $0xffff;
	[tilespmem:s28+$0xFFFFF090] =	vst v6  }
0x214: {  	v6 =	vld.idx.msk [tilespmem:v59+s4+$0x0], $0xffff  }
0x215: {  	v11 =	vld.idx.msk [tilespmem:v60+s4+$0x0], $0xffff  }
0x216: {  	v16 =	vunpack.i.l.bf16.f32 v13;
	v17 =	vunpack.i.u.bf16.f32 v9;
	v9 =	vunpack.i.l.bf16.f32 v9  }
0x217: {  	v19 =	vadd.s32 $0x2, v2;
	v7 =	vld.idx.msk [tilespmem:v61+s4+$0x0], $0xffff;
	v63 =	vunpack.i.u.bf16.f32 v13;
	v9 =	vadd.f32 v9, v16  }
0x218: {  	v22 =	vadd.s32 $0x411B, v3;
	v8 =	vunpack.i.l.bf16.f32 v62;
	v10 =	vadd.f32 v17, v63  }
0x219: {  	v21 =	vadd.s32 $0x2522, v5;
	v18 =	vunpack.i.u.bf16.f32 v62;
	v8 =	vadd.f32 v8, v9  }
0x21a: {  	v20 =	vadd.f32 v18, v10;
	v23 =	vunpack.i.l.bf16.f32 v6;
	v24 =	vunpack.i.l.bf16.f32 v11  }
0x21b: {  	v6 =	vunpack.i.u.bf16.f32 v6;
	v25 =	vunpack.i.u.bf16.f32 v11;
	[tilespmem:s28+$0xFFFFF100] =	vst v8;
	v26 =	vadd.f32 v24, v23  }
0x21c: {  	v28 =	vadd.s32 $0x2, v4;
	v27 =	vunpack.i.l.bf16.f32 v7;
	[tilespmem:s28+$0xFFFFF180] =	vst v20;
	v6 =	vadd.f32 v25, v6  }
0x21d: {  	v29 =	vadd.s32 $0x2522, v1;
	v7 =	vunpack.i.u.bf16.f32 v7;
	v13 =	vld.idx.msk [tilespmem:v19+s4+$0x0], $0xffff;
	v9 =	vadd.f32 v27, v26  }
0x21e: {  	v10 =	vld.idx.msk [tilespmem:v21+s4+$0x0], $0xffff;
	v6 =	vadd.f32 v7, v6  }
0x21f: {  	v30 =	vadd.s32 $0x411B, v0;
	[tilespmem:s28+$0xFFFFF110] =	vst v9  }
0x220: {  	v31 =	vld.idx.msk [tilespmem:v22+s4+$0x0], $0xffff;
	[tilespmem:s28+$0xFFFFF190] =	vst v6  }
0x221: {  	v6 =	vld.idx.msk [tilespmem:v28+s4+$0x0], $0xffff  }
0x222: {  	v11 =	vld.idx.msk [tilespmem:v29+s4+$0x0], $0xffff  }
0x223: {  	v33 =	vunpack.i.l.bf16.f32 v13;
	v34 =	vunpack.i.u.bf16.f32 v10;
	v10 =	vunpack.i.l.bf16.f32 v10  }
0x224: {  	v36 =	vadd.s32 $0x3, v2;
	v7 =	vld.idx.msk [tilespmem:v30+s4+$0x0], $0xffff;
	v32 =	vunpack.i.u.bf16.f32 v13;
	v10 =	vadd.f32 v10, v33  }
0x225: {  	v38 =	vadd.s32 $0x411C, v3;
	v9 =	vunpack.i.l.bf16.f32 v31;
	v8 =	vadd.f32 v34, v32  }
0x226: {  	v37 =	vadd.s32 $0x2523, v5;
	v35 =	vunpack.i.u.bf16.f32 v31;
	v9 =	vadd.f32 v9, v10  }
0x227: {  	v8 =	vadd.f32 v35, v8;
	v39 =	vunpack.i.l.bf16.f32 v6;
	v40 =	vunpack.i.l.bf16.f32 v11  }
0x228: {  	v6 =	vunpack.i.u.bf16.f32 v6;
	v41 =	vunpack.i.u.bf16.f32 v11;
	[tilespmem:s28+$0xFFFFF200] =	vst v9;
	v42 =	vadd.f32 v40, v39  }
0x229: {  	v44 =	vadd.s32 $0x3, v4;
	v43 =	vunpack.i.l.bf16.f32 v7;
	[tilespmem:s28+$0xFFFFF280] =	vst v8;
	v6 =	vadd.f32 v41, v6  }
0x22a: {  	v45 =	vadd.s32 $0x2523, v1;
	v7 =	vunpack.i.u.bf16.f32 v7;
	v13 =	vld.idx.msk [tilespmem:v36+s4+$0x0], $0xffff;
	v8 =	vadd.f32 v43, v42  }
0x22b: {  	v10 =	vld.idx.msk [tilespmem:v37+s4+$0x0], $0xffff;
	v6 =	vadd.f32 v7, v6  }
0x22c: {  	v46 =	vadd.s32 $0x411C, v0;
	[tilespmem:s28+$0xFFFFF210] =	vst v8  }
0x22d: {  	v47 =	vld.idx.msk [tilespmem:v38+s4+$0x0], $0xffff;
	[tilespmem:s28+$0xFFFFF290] =	vst v6  }
0x22e: {  	v6 =	vld.idx.msk [tilespmem:v44+s4+$0x0], $0xffff  }
0x22f: {  	v11 =	vld.idx.msk [tilespmem:v45+s4+$0x0], $0xffff  }
0x230: {  	v49 =	vunpack.i.l.bf16.f32 v13;
	v50 =	vunpack.i.u.bf16.f32 v10;
	v10 =	vunpack.i.l.bf16.f32 v10  }
0x231: {  	v53 =	vadd.s32 $0x2524, v5;
	v7 =	vld.idx.msk [tilespmem:v46+s4+$0x0], $0xffff;
	v48 =	vunpack.i.u.bf16.f32 v13;
	v10 =	vadd.f32 v10, v49  }
0x232: {  	v52 =	vadd.s32 $0x4, v2;
	v8 =	vunpack.i.l.bf16.f32 v47;
	v9 =	vadd.f32 v50, v48  }
0x233: {  	v54 =	vadd.s32 $0x411D, v3;
	v51 =	vunpack.i.u.bf16.f32 v47;
	v8 =	vadd.f32 v8, v10  }
0x234: {  	v9 =	vadd.f32 v51, v9;
	v55 =	vunpack.i.l.bf16.f32 v6;
	v56 =	vunpack.i.l.bf16.f32 v11  }
0x235: {  	v6 =	vunpack.i.u.bf16.f32 v6;
	v57 =	vunpack.i.u.bf16.f32 v11;
	[tilespmem:s28+$0xFFFFF300] =	vst v8;
	v58 =	vadd.f32 v56, v55  }
0x236: {  	v60 =	vadd.s32 $0x4, v4;
	v59 =	vunpack.i.l.bf16.f32 v7;
	[tilespmem:s28+$0xFFFFF380] =	vst v9;
	v6 =	vadd.f32 v57, v6  }
0x237: {  	v61 =	vadd.s32 $0x2524, v1;
	v7 =	vunpack.i.u.bf16.f32 v7;
	v13 =	vld.idx.msk [tilespmem:v52+s4+$0x0], $0xffff;
	v9 =	vadd.f32 v59, v58  }
0x238: {  	v10 =	vld.idx.msk [tilespmem:v53+s4+$0x0], $0xffff;
	v6 =	vadd.f32 v7, v6  }
0x239: {  	v62 =	vadd.s32 $0x411D, v0;
	[tilespmem:s28+$0xFFFFF310] =	vst v9  }
0x23a: {  	v63 =	vld.idx.msk [tilespmem:v54+s4+$0x0], $0xffff;
	[tilespmem:s28+$0xFFFFF390] =	vst v6  }
0x23b: {  	v6 =	vld.idx.msk [tilespmem:v60+s4+$0x0], $0xffff  }
0x23c: {  	v11 =	vld.idx.msk [tilespmem:v61+s4+$0x0], $0xffff  }
0x23d: {  	v17 =	vunpack.i.l.bf16.f32 v13;
	v18 =	vunpack.i.u.bf16.f32 v10;
	v10 =	vunpack.i.l.bf16.f32 v10  }
0x23e: {  	v20 =	vadd.s32 $0x5, v2;
	v7 =	vld.idx.msk [tilespmem:v62+s4+$0x0], $0xffff;
	v16 =	vunpack.i.u.bf16.f32 v13;
	v10 =	vadd.f32 v10, v17  }
0x23f: {  	v21 =	vadd.s32 $0x2525, v5;
	v9 =	vunpack.i.l.bf16.f32 v63;
	v8 =	vadd.f32 v18, v16  }
0x240: {  	v22 =	vadd.s32 $0x411E, v3;
	v19 =	vunpack.i.u.bf16.f32 v63;
	v9 =	vadd.f32 v9, v10  }
0x241: {  	v8 =	vadd.f32 v19, v8;
	v23 =	vunpack.i.l.bf16.f32 v6;
	v24 =	vunpack.i.l.bf16.f32 v11  }
0x242: {  	v6 =	vunpack.i.u.bf16.f32 v6;
	v25 =	vunpack.i.u.bf16.f32 v11;
	[tilespmem:s28+$0xFFFFF400] =	vst v9;
	v26 =	vadd.f32 v24, v23  }
0x243: {  	v28 =	vadd.s32 $0x5, v4;
	v27 =	vunpack.i.l.bf16.f32 v7;
	[tilespmem:s28+$0xFFFFF480] =	vst v8;
	v6 =	vadd.f32 v25, v6  }
0x244: {  	v29 =	vadd.s32 $0x2525, v1;
	v7 =	vunpack.i.u.bf16.f32 v7;
	v13 =	vld.idx.msk [tilespmem:v20+s4+$0x0], $0xffff;
	v8 =	vadd.f32 v27, v26  }
0x245: {  	v10 =	vld.idx.msk [tilespmem:v21+s4+$0x0], $0xffff;
	v6 =	vadd.f32 v7, v6  }
0x246: {  	v30 =	vadd.s32 $0x411E, v0;
	[tilespmem:s28+$0xFFFFF410] =	vst v8  }
0x247: {  	v31 =	vld.idx.msk [tilespmem:v22+s4+$0x0], $0xffff;
	[tilespmem:s28+$0xFFFFF490] =	vst v6  }
0x248: {  	v6 =	vld.idx.msk [tilespmem:v28+s4+$0x0], $0xffff  }
0x249: {  	v11 =	vld.idx.msk [tilespmem:v29+s4+$0x0], $0xffff  }
0x24a: {  	v33 =	vunpack.i.l.bf16.f32 v13;
	v34 =	vunpack.i.u.bf16.f32 v10;
	v10 =	vunpack.i.l.bf16.f32 v10  }
0x24b: {  	v36 =	vadd.s32 $0x6, v2;
	v7 =	vld.idx.msk [tilespmem:v30+s4+$0x0], $0xffff;
	v32 =	vunpack.i.u.bf16.f32 v13;
	v10 =	vadd.f32 v10, v33  }
0x24c: {  	v37 =	vadd.s32 $0x2526, v5;
	v8 =	vunpack.i.l.bf16.f32 v31;
	v9 =	vadd.f32 v34, v32  }
0x24d: {  	v38 =	vadd.s32 $0x411F, v3;
	v35 =	vunpack.i.u.bf16.f32 v31;
	v8 =	vadd.f32 v8, v10  }
0x24e: {  	v9 =	vadd.f32 v35, v9;
	v39 =	vunpack.i.l.bf16.f32 v6;
	v40 =	vunpack.i.l.bf16.f32 v11  }
0x24f: {  	v6 =	vunpack.i.u.bf16.f32 v6;
	v41 =	vunpack.i.u.bf16.f32 v11;
	[tilespmem:s28+$0xFFFFF500] =	vst v8;
	v42 =	vadd.f32 v40, v39  }
0x250: {  	v44 =	vadd.s32 $0x6, v4;
	v43 =	vunpack.i.l.bf16.f32 v7;
	[tilespmem:s28+$0xFFFFF580] =	vst v9;
	v6 =	vadd.f32 v41, v6  }
0x251: {  	v45 =	vadd.s32 $0x2526, v1;
	v7 =	vunpack.i.u.bf16.f32 v7;
	v13 =	vld.idx.msk [tilespmem:v36+s4+$0x0], $0xffff;
	v9 =	vadd.f32 v43, v42  }
0x252: {  	v10 =	vld.idx.msk [tilespmem:v37+s4+$0x0], $0xffff;
	v6 =	vadd.f32 v7, v6  }
0x253: {  	v46 =	vadd.s32 $0x411F, v0;
	[tilespmem:s28+$0xFFFFF510] =	vst v9  }
0x254: {  	v47 =	vld.idx.msk [tilespmem:v38+s4+$0x0], $0xffff;
	[tilespmem:s28+$0xFFFFF590] =	vst v6  }
0x255: {  	v6 =	vld.idx.msk [tilespmem:v44+s4+$0x0], $0xffff  }
0x256: {  	v11 =	vld.idx.msk [tilespmem:v45+s4+$0x0], $0xffff  }
0x257: {  	v49 =	vunpack.i.l.bf16.f32 v13;
	v50 =	vunpack.i.u.bf16.f32 v10;
	v10 =	vunpack.i.l.bf16.f32 v10  }
0x258: {  	v52 =	vadd.s32 $0x7, v2;
	v7 =	vld.idx.msk [tilespmem:v46+s4+$0x0], $0xffff;
	v48 =	vunpack.i.u.bf16.f32 v13;
	v10 =	vadd.f32 v10, v49  }
0x259: {  	v53 =	vadd.s32 $0x2527, v5;
	v9 =	vunpack.i.l.bf16.f32 v47;
	v8 =	vadd.f32 v50, v48  }
0x25a: {  	v54 =	vadd.s32 $0x4120, v3;
	v51 =	vunpack.i.u.bf16.f32 v47;
	v9 =	vadd.f32 v9, v10  }
0x25b: {  	v8 =	vadd.f32 v51, v8;
	v55 =	vunpack.i.l.bf16.f32 v6;
	v56 =	vunpack.i.l.bf16.f32 v11  }
0x25c: {  	v6 =	vunpack.i.u.bf16.f32 v6;
	v57 =	vunpack.i.u.bf16.f32 v11;
	[tilespmem:s28+$0xFFFFF600] =	vst v9;
	v58 =	vadd.f32 v56, v55  }
0x25d: {  	v60 =	vadd.s32 $0x7, v4;
	v59 =	vunpack.i.l.bf16.f32 v7;
	[tilespmem:s28+$0xFFFFF680] =	vst v8;
	v6 =	vadd.f32 v57, v6  }
0x25e: {  	v61 =	vadd.s32 $0x2527, v1;
	v7 =	vunpack.i.u.bf16.f32 v7;
	v13 =	vld.idx.msk [tilespmem:v52+s4+$0x0], $0xffff;
	v8 =	vadd.f32 v59, v58  }
0x25f: {  	v10 =	vld.idx.msk [tilespmem:v53+s4+$0x0], $0xffff;
	v6 =	vadd.f32 v7, v6  }
0x260: {  	v62 =	vadd.s32 $0x4120, v0;
	[tilespmem:s28+$0xFFFFF610] =	vst v8  }
0x261: {  	v63 =	vld.idx.msk [tilespmem:v54+s4+$0x0], $0xffff;
	[tilespmem:s28+$0xFFFFF690] =	vst v6  }
0x262: {  	v6 =	vld.idx.msk [tilespmem:v60+s4+$0x0], $0xffff  }
0x263: {  	v11 =	vld.idx.msk [tilespmem:v61+s4+$0x0], $0xffff  }
0x264: {  	v17 =	vunpack.i.l.bf16.f32 v13;
	v18 =	vunpack.i.u.bf16.f32 v10;
	v10 =	vunpack.i.l.bf16.f32 v10  }
0x265: {  	v20 =	vadd.s32 $0x8, v2;
	v7 =	vld.idx.msk [tilespmem:v62+s4+$0x0], $0xffff;
	v16 =	vunpack.i.u.bf16.f32 v13;
	v10 =	vadd.f32 v10, v17  }
0x266: {  	v21 =	vadd.s32 $0x2528, v5;
	v8 =	vunpack.i.l.bf16.f32 v63;
	v9 =	vadd.f32 v18, v16  }
0x267: {  	v22 =	vadd.s32 $0x4121, v3;
	v19 =	vunpack.i.u.bf16.f32 v63;
	v8 =	vadd.f32 v8, v10  }
0x268: {  	v9 =	vadd.f32 v19, v9;
	v23 =	vunpack.i.l.bf16.f32 v6;
	v24 =	vunpack.i.l.bf16.f32 v11  }
0x269: {  	v6 =	vunpack.i.u.bf16.f32 v6;
	v25 =	vunpack.i.u.bf16.f32 v11;
	[tilespmem:s28+$0xFFFFF700] =	vst v8;
	v26 =	vadd.f32 v24, v23  }
0x26a: {  	v28 =	vadd.s32 $0x8, v4;
	v27 =	vunpack.i.l.bf16.f32 v7;
	[tilespmem:s28+$0xFFFFF780] =	vst v9;
	v6 =	vadd.f32 v25, v6  }
0x26b: {  	v29 =	vadd.s32 $0x2528, v1;
	v7 =	vunpack.i.u.bf16.f32 v7;
	v13 =	vld.idx.msk [tilespmem:v20+s4+$0x0], $0xffff;
	v9 =	vadd.f32 v27, v26  }
0x26c: {  	v10 =	vld.idx.msk [tilespmem:v21+s4+$0x0], $0xffff;
	v6 =	vadd.f32 v7, v6  }
0x26d: {  	v30 =	vadd.s32 $0x4121, v0;
	[tilespmem:s28+$0xFFFFF710] =	vst v9  }
0x26e: {  	v31 =	vld.idx.msk [tilespmem:v22+s4+$0x0], $0xffff;
	[tilespmem:s28+$0xFFFFF790] =	vst v6  }
0x26f: {  	v6 =	vld.idx.msk [tilespmem:v28+s4+$0x0], $0xffff  }
0x270: {  	v11 =	vld.idx.msk [tilespmem:v29+s4+$0x0], $0xffff  }
0x271: {  	v33 =	vunpack.i.l.bf16.f32 v13;
	v34 =	vunpack.i.u.bf16.f32 v10;
	v10 =	vunpack.i.l.bf16.f32 v10  }
0x272: {  	v36 =	vadd.s32 $0x9, v2;
	v7 =	vld.idx.msk [tilespmem:v30+s4+$0x0], $0xffff;
	v32 =	vunpack.i.u.bf16.f32 v13;
	v10 =	vadd.f32 v10, v33  }
0x273: {  	v37 =	vadd.s32 $0x2529, v5;
	v9 =	vunpack.i.l.bf16.f32 v31;
	v8 =	vadd.f32 v34, v32  }
0x274: {  	v38 =	vadd.s32 $0x4122, v3;
	v35 =	vunpack.i.u.bf16.f32 v31;
	v9 =	vadd.f32 v9, v10  }
0x275: {  	v8 =	vadd.f32 v35, v8;
	v39 =	vunpack.i.l.bf16.f32 v6;
	v40 =	vunpack.i.l.bf16.f32 v11  }
0x276: {  	v6 =	vunpack.i.u.bf16.f32 v6;
	v41 =	vunpack.i.u.bf16.f32 v11;
	[tilespmem:s28+$0xFFFFF800] =	vst v9;
	v42 =	vadd.f32 v40, v39  }
0x277: {  	v44 =	vadd.s32 $0x9, v4;
	v43 =	vunpack.i.l.bf16.f32 v7;
	[tilespmem:s28+$0xFFFFF880] =	vst v8;
	v6 =	vadd.f32 v41, v6  }
0x278: {  	v45 =	vadd.s32 $0x2529, v1;
	v7 =	vunpack.i.u.bf16.f32 v7;
	v13 =	vld.idx.msk [tilespmem:v36+s4+$0x0], $0xffff;
	v8 =	vadd.f32 v43, v42  }
0x279: {  	v10 =	vld.idx.msk [tilespmem:v37+s4+$0x0], $0xffff;
	v6 =	vadd.f32 v7, v6  }
0x27a: {  	v46 =	vadd.s32 $0x4122, v0;
	[tilespmem:s28+$0xFFFFF810] =	vst v8  }
0x27b: {  	v47 =	vld.idx.msk [tilespmem:v38+s4+$0x0], $0xffff;
	[tilespmem:s28+$0xFFFFF890] =	vst v6  }
0x27c: {  	v6 =	vld.idx.msk [tilespmem:v44+s4+$0x0], $0xffff  }
0x27d: {  	v11 =	vld.idx.msk [tilespmem:v45+s4+$0x0], $0xffff  }
0x27e: {  	v49 =	vunpack.i.l.bf16.f32 v13;
	v50 =	vunpack.i.u.bf16.f32 v10;
	v10 =	vunpack.i.l.bf16.f32 v10  }
0x27f: {  	v52 =	vadd.s32 $0xA, v2;
	v7 =	vld.idx.msk [tilespmem:v46+s4+$0x0], $0xffff;
	v48 =	vunpack.i.u.bf16.f32 v13;
	v10 =	vadd.f32 v10, v49  }
0x280: {  	v53 =	vadd.s32 $0x252A, v5;
	v8 =	vunpack.i.l.bf16.f32 v47;
	v9 =	vadd.f32 v50, v48  }
0x281: {  	v54 =	vadd.s32 $0x4123, v3;
	v51 =	vunpack.i.u.bf16.f32 v47;
	v8 =	vadd.f32 v8, v10  }
0x282: {  	v9 =	vadd.f32 v51, v9;
	v55 =	vunpack.i.l.bf16.f32 v6;
	v56 =	vunpack.i.l.bf16.f32 v11  }
0x283: {  	v6 =	vunpack.i.u.bf16.f32 v6;
	v57 =	vunpack.i.u.bf16.f32 v11;
	[tilespmem:s28+$0xFFFFF900] =	vst v8;
	v58 =	vadd.f32 v56, v55  }
0x284: {  	v60 =	vadd.s32 $0xA, v4;
	v59 =	vunpack.i.l.bf16.f32 v7;
	[tilespmem:s28+$0xFFFFF980] =	vst v9;
	v6 =	vadd.f32 v57, v6  }
0x285: {  	v61 =	vadd.s32 $0x252A, v1;
	v7 =	vunpack.i.u.bf16.f32 v7;
	v13 =	vld.idx.msk [tilespmem:v52+s4+$0x0], $0xffff;
	v9 =	vadd.f32 v59, v58  }
0x286: {  	v10 =	vld.idx.msk [tilespmem:v53+s4+$0x0], $0xffff;
	v6 =	vadd.f32 v7, v6  }
0x287: {  	v62 =	vadd.s32 $0x4123, v0;
	[tilespmem:s28+$0xFFFFF910] =	vst v9  }
0x288: {  	v63 =	vld.idx.msk [tilespmem:v54+s4+$0x0], $0xffff;
	[tilespmem:s28+$0xFFFFF990] =	vst v6  }
0x289: {  	v6 =	vld.idx.msk [tilespmem:v60+s4+$0x0], $0xffff  }
0x28a: {  	v11 =	vld.idx.msk [tilespmem:v61+s4+$0x0], $0xffff  }
0x28b: {  	v17 =	vunpack.i.l.bf16.f32 v13;
	v18 =	vunpack.i.u.bf16.f32 v10;
	v10 =	vunpack.i.l.bf16.f32 v10  }
0x28c: {  	v20 =	vadd.s32 $0xB, v2;
	v7 =	vld.idx.msk [tilespmem:v62+s4+$0x0], $0xffff;
	v16 =	vunpack.i.u.bf16.f32 v13;
	v10 =	vadd.f32 v10, v17  }
0x28d: {  	v21 =	vadd.s32 $0x252B, v5;
	v9 =	vunpack.i.l.bf16.f32 v63;
	v8 =	vadd.f32 v18, v16  }
0x28e: {  	v22 =	vadd.s32 $0x4124, v3;
	v19 =	vunpack.i.u.bf16.f32 v63;
	v9 =	vadd.f32 v9, v10  }
0x28f: {  	v8 =	vadd.f32 v19, v8;
	v23 =	vunpack.i.l.bf16.f32 v6;
	v24 =	vunpack.i.l.bf16.f32 v11  }
0x290: {  	v6 =	vunpack.i.u.bf16.f32 v6;
	v25 =	vunpack.i.u.bf16.f32 v11;
	[tilespmem:s28+$0xFFFFFA00] =	vst v9;
	v26 =	vadd.f32 v24, v23  }
0x291: {  	v28 =	vadd.s32 $0xB, v4;
	v27 =	vunpack.i.l.bf16.f32 v7;
	[tilespmem:s28+$0xFFFFFA80] =	vst v8;
	v6 =	vadd.f32 v25, v6  }
0x292: {  	v29 =	vadd.s32 $0x252B, v1;
	v7 =	vunpack.i.u.bf16.f32 v7;
	v13 =	vld.idx.msk [tilespmem:v20+s4+$0x0], $0xffff;
	v8 =	vadd.f32 v27, v26  }
0x293: {  	v10 =	vld.idx.msk [tilespmem:v21+s4+$0x0], $0xffff;
	v6 =	vadd.f32 v7, v6  }
0x294: {  	v30 =	vadd.s32 $0x4124, v0;
	[tilespmem:s28+$0xFFFFFA10] =	vst v8  }
0x295: {  	v31 =	vld.idx.msk [tilespmem:v22+s4+$0x0], $0xffff;
	[tilespmem:s28+$0xFFFFFA90] =	vst v6  }
0x296: {  	v6 =	vld.idx.msk [tilespmem:v28+s4+$0x0], $0xffff  }
0x297: {  	v11 =	vld.idx.msk [tilespmem:v29+s4+$0x0], $0xffff  }
0x298: {  	v33 =	vunpack.i.l.bf16.f32 v13;
	v34 =	vunpack.i.u.bf16.f32 v10;
	v10 =	vunpack.i.l.bf16.f32 v10  }
0x299: {  	v36 =	vadd.s32 $0xC, v2;
	v7 =	vld.idx.msk [tilespmem:v30+s4+$0x0], $0xffff;
	v32 =	vunpack.i.u.bf16.f32 v13;
	v10 =	vadd.f32 v10, v33  }
0x29a: {  	v37 =	vadd.s32 $0x252C, v5;
	v8 =	vunpack.i.l.bf16.f32 v31;
	v9 =	vadd.f32 v34, v32  }
0x29b: {  	v38 =	vadd.s32 $0x4125, v3;
	v35 =	vunpack.i.u.bf16.f32 v31;
	v8 =	vadd.f32 v8, v10  }
0x29c: {  	v9 =	vadd.f32 v35, v9;
	v39 =	vunpack.i.l.bf16.f32 v6;
	v40 =	vunpack.i.l.bf16.f32 v11  }
0x29d: {  	v6 =	vunpack.i.u.bf16.f32 v6;
	v41 =	vunpack.i.u.bf16.f32 v11;
	[tilespmem:s28+$0xFFFFFB00] =	vst v8;
	v42 =	vadd.f32 v40, v39  }
0x29e: {  	v44 =	vadd.s32 $0xC, v4;
	v43 =	vunpack.i.l.bf16.f32 v7;
	[tilespmem:s28+$0xFFFFFB80] =	vst v9;
	v6 =	vadd.f32 v41, v6  }
0x29f: {  	v45 =	vadd.s32 $0x252C, v1;
	v7 =	vunpack.i.u.bf16.f32 v7;
	v13 =	vld.idx.msk [tilespmem:v36+s4+$0x0], $0xffff;
	v9 =	vadd.f32 v43, v42  }
0x2a0: {  	v10 =	vld.idx.msk [tilespmem:v37+s4+$0x0], $0xffff;
	v6 =	vadd.f32 v7, v6  }
0x2a1: {  	v46 =	vadd.s32 $0x4125, v0;
	[tilespmem:s28+$0xFFFFFB10] =	vst v9  }
0x2a2: {  	v47 =	vld.idx.msk [tilespmem:v38+s4+$0x0], $0xffff;
	[tilespmem:s28+$0xFFFFFB90] =	vst v6  }
0x2a3: {  	v6 =	vld.idx.msk [tilespmem:v44+s4+$0x0], $0xffff  }
0x2a4: {  	v11 =	vld.idx.msk [tilespmem:v45+s4+$0x0], $0xffff  }
0x2a5: {  	v49 =	vunpack.i.l.bf16.f32 v13;
	v50 =	vunpack.i.u.bf16.f32 v10;
	v10 =	vunpack.i.l.bf16.f32 v10  }
0x2a6: {  	v52 =	vadd.s32 $0xD, v2;
	v7 =	vld.idx.msk [tilespmem:v46+s4+$0x0], $0xffff;
	v48 =	vunpack.i.u.bf16.f32 v13;
	v10 =	vadd.f32 v10, v49  }
0x2a7: {  	v53 =	vadd.s32 $0x252D, v5;
	v9 =	vunpack.i.l.bf16.f32 v47;
	v8 =	vadd.f32 v50, v48  }
0x2a8: {  	v54 =	vadd.s32 $0x4126, v3;
	v51 =	vunpack.i.u.bf16.f32 v47;
	v9 =	vadd.f32 v9, v10  }
0x2a9: {  	v8 =	vadd.f32 v51, v8;
	v55 =	vunpack.i.l.bf16.f32 v6;
	v56 =	vunpack.i.l.bf16.f32 v11  }
0x2aa: {  	v6 =	vunpack.i.u.bf16.f32 v6;
	v57 =	vunpack.i.u.bf16.f32 v11;
	[tilespmem:s28+$0xFFFFFC00] =	vst v9;
	v58 =	vadd.f32 v56, v55  }
0x2ab: {  	v60 =	vadd.s32 $0xD, v4;
	v59 =	vunpack.i.l.bf16.f32 v7;
	[tilespmem:s28+$0xFFFFFC80] =	vst v8;
	v6 =	vadd.f32 v57, v6  }
0x2ac: {  	v61 =	vadd.s32 $0x252D, v1;
	v7 =	vunpack.i.u.bf16.f32 v7;
	v13 =	vld.idx.msk [tilespmem:v52+s4+$0x0], $0xffff;
	v8 =	vadd.f32 v59, v58  }
0x2ad: {  	v10 =	vld.idx.msk [tilespmem:v53+s4+$0x0], $0xffff;
	v6 =	vadd.f32 v7, v6  }
0x2ae: {  	v62 =	vadd.s32 $0x4126, v0;
	[tilespmem:s28+$0xFFFFFC10] =	vst v8  }
0x2af: {  	v63 =	vld.idx.msk [tilespmem:v54+s4+$0x0], $0xffff;
	[tilespmem:s28+$0xFFFFFC90] =	vst v6  }
0x2b0: {  	v6 =	vld.idx.msk [tilespmem:v60+s4+$0x0], $0xffff  }
0x2b1: {  	v11 =	vld.idx.msk [tilespmem:v61+s4+$0x0], $0xffff  }
0x2b2: {  	v17 =	vunpack.i.l.bf16.f32 v13;
	v18 =	vunpack.i.u.bf16.f32 v10;
	v10 =	vunpack.i.l.bf16.f32 v10  }
0x2b3: {  	v20 =	vadd.s32 $0xE, v2;
	v7 =	vld.idx.msk [tilespmem:v62+s4+$0x0], $0xffff;
	v16 =	vunpack.i.u.bf16.f32 v13;
	v10 =	vadd.f32 v10, v17  }
0x2b4: {  	v21 =	vadd.s32 $0x252E, v5;
	v8 =	vunpack.i.l.bf16.f32 v63;
	v9 =	vadd.f32 v18, v16  }
0x2b5: {  	v22 =	vadd.s32 $0x4127, v3;
	v19 =	vunpack.i.u.bf16.f32 v63;
	v8 =	vadd.f32 v8, v10  }
0x2b6: {  	v9 =	vadd.f32 v19, v9;
	v23 =	vunpack.i.l.bf16.f32 v6;
	v24 =	vunpack.i.l.bf16.f32 v11  }
0x2b7: {  	v6 =	vunpack.i.u.bf16.f32 v6;
	v25 =	vunpack.i.u.bf16.f32 v11;
	[tilespmem:s28+$0xFFFFFD00] =	vst v8;
	v26 =	vadd.f32 v24, v23  }
0x2b8: {  	v28 =	vadd.s32 $0xE, v4;
	v27 =	vunpack.i.l.bf16.f32 v7;
	[tilespmem:s28+$0xFFFFFD80] =	vst v9;
	v6 =	vadd.f32 v25, v6  }
0x2b9: {  	v29 =	vadd.s32 $0x252E, v1;
	v7 =	vunpack.i.u.bf16.f32 v7;
	v13 =	vld.idx.msk [tilespmem:v20+s4+$0x0], $0xffff;
	v9 =	vadd.f32 v27, v26  }
0x2ba: {  	v10 =	vld.idx.msk [tilespmem:v21+s4+$0x0], $0xffff;
	v6 =	vadd.f32 v7, v6  }
0x2bb: {  	v30 =	vadd.s32 $0x4127, v0;
	[tilespmem:s28+$0xFFFFFD10] =	vst v9  }
0x2bc: {  	v31 =	vld.idx.msk [tilespmem:v22+s4+$0x0], $0xffff;
	[tilespmem:s28+$0xFFFFFD90] =	vst v6  }
0x2bd: {  	v6 =	vld.idx.msk [tilespmem:v28+s4+$0x0], $0xffff  }
0x2be: {  	v11 =	vld.idx.msk [tilespmem:v29+s4+$0x0], $0xffff  }
0x2bf: {  	v33 =	vunpack.i.l.bf16.f32 v13;
	v34 =	vunpack.i.u.bf16.f32 v10;
	v10 =	vunpack.i.l.bf16.f32 v10  }
0x2c0: {  	v36 =	vadd.s32 $0xF, v2;
	v7 =	vld.idx.msk [tilespmem:v30+s4+$0x0], $0xffff;
	v32 =	vunpack.i.u.bf16.f32 v13;
	v10 =	vadd.f32 v10, v33  }
0x2c1: {  	v37 =	vadd.s32 $0x252F, v5;
	v9 =	vunpack.i.l.bf16.f32 v31;
	v8 =	vadd.f32 v34, v32  }
0x2c2: {  	v38 =	vadd.s32 $0x4128, v3;
	v35 =	vunpack.i.u.bf16.f32 v31;
	v9 =	vadd.f32 v9, v10  }
0x2c3: {  	v8 =	vadd.f32 v35, v8;
	v39 =	vunpack.i.l.bf16.f32 v6;
	v40 =	vunpack.i.l.bf16.f32 v11  }
0x2c4: {  	v6 =	vunpack.i.u.bf16.f32 v6;
	v41 =	vunpack.i.u.bf16.f32 v11;
	[tilespmem:s28+$0xFFFFFE00] =	vst v9;
	v42 =	vadd.f32 v40, v39  }
0x2c5: {  	v44 =	vadd.s32 $0xF, v4;
	v43 =	vunpack.i.l.bf16.f32 v7;
	[tilespmem:s28+$0xFFFFFE80] =	vst v8;
	v6 =	vadd.f32 v41, v6  }
0x2c6: {  	v45 =	vadd.s32 $0x252F, v1;
	v7 =	vunpack.i.u.bf16.f32 v7;
	v13 =	vld.idx.msk [tilespmem:v36+s4+$0x0], $0xffff;
	v8 =	vadd.f32 v43, v42  }
0x2c7: {  	v10 =	vld.idx.msk [tilespmem:v37+s4+$0x0], $0xffff;
	v6 =	vadd.f32 v7, v6  }
0x2c8: {  	v46 =	vadd.s32 $0x4128, v0;
	[tilespmem:s28+$0xFFFFFE10] =	vst v8  }
0x2c9: {  	v47 =	vld.idx.msk [tilespmem:v38+s4+$0x0], $0xffff;
	[tilespmem:s28+$0xFFFFFE90] =	vst v6  }
0x2ca: {  	v6 =	vld.idx.msk [tilespmem:v44+s4+$0x0], $0xffff  }
0x2cb: {  	v11 =	vld.idx.msk [tilespmem:v45+s4+$0x0], $0xffff  }
0x2cc: {  	v49 =	vunpack.i.l.bf16.f32 v13;
	v50 =	vunpack.i.u.bf16.f32 v10;
	v10 =	vunpack.i.l.bf16.f32 v10  }
0x2cd: {  	v52 =	vadd.s32 $0x10, v2;
	v7 =	vld.idx.msk [tilespmem:v46+s4+$0x0], $0xffff;
	v48 =	vunpack.i.u.bf16.f32 v13;
	v10 =	vadd.f32 v10, v49  }
0x2ce: {  	v53 =	vadd.s32 $0x2530, v5;
	v8 =	vunpack.i.l.bf16.f32 v47;
	v9 =	vadd.f32 v50, v48  }
0x2cf: {  	v54 =	vadd.s32 $0x4129, v3;
	v51 =	vunpack.i.u.bf16.f32 v47;
	v8 =	vadd.f32 v8, v10  }
0x2d0: {  	v9 =	vadd.f32 v51, v9;
	v55 =	vunpack.i.l.bf16.f32 v6;
	v56 =	vunpack.i.l.bf16.f32 v11  }
0x2d1: {  	v6 =	vunpack.i.u.bf16.f32 v6;
	v57 =	vunpack.i.u.bf16.f32 v11;
	[tilespmem:s28+$0xFFFFFF00] =	vst v8;
	v58 =	vadd.f32 v56, v55  }
0x2d2: {  	v60 =	vadd.s32 $0x10, v4;
	v59 =	vunpack.i.l.bf16.f32 v7;
	[tilespmem:s28+$0xFFFFFF80] =	vst v9;
	v6 =	vadd.f32 v57, v6  }
0x2d3: {  	v61 =	vadd.s32 $0x2530, v1;
	v7 =	vunpack.i.u.bf16.f32 v7;
	v13 =	vld.idx.msk [tilespmem:v52+s4+$0x0], $0xffff;
	v9 =	vadd.f32 v59, v58  }
0x2d4: {  	v10 =	vld.idx.msk [tilespmem:v53+s4+$0x0], $0xffff;
	v6 =	vadd.f32 v7, v6  }
0x2d5: {  	v62 =	vadd.s32 $0x4129, v0;
	[tilespmem:s28+$0xFFFFFF10] =	vst v9  }
0x2d6: {  	v63 =	vld.idx.msk [tilespmem:v54+s4+$0x0], $0xffff;
	[tilespmem:s28+$0xFFFFFF90] =	vst v6  }
0x2d7: {  	v6 =	vld.idx.msk [tilespmem:v60+s4+$0x0], $0xffff  }
0x2d8: {  	v11 =	vld.idx.msk [tilespmem:v61+s4+$0x0], $0xffff  }
0x2d9: {  	v17 =	vunpack.i.l.bf16.f32 v13;
	v18 =	vunpack.i.u.bf16.f32 v10;
	v10 =	vunpack.i.l.bf16.f32 v10  }
0x2da: {  	v20 =	vadd.s32 $0x11, v2;
	v7 =	vld.idx.msk [tilespmem:v62+s4+$0x0], $0xffff;
	v16 =	vunpack.i.u.bf16.f32 v13;
	v10 =	vadd.f32 v10, v17  }
0x2db: {  	v21 =	vadd.s32 $0x2531, v5;
	v9 =	vunpack.i.l.bf16.f32 v63;
	v8 =	vadd.f32 v18, v16  }
0x2dc: {  	v22 =	vadd.s32 $0x412A, v3;
	v19 =	vunpack.i.u.bf16.f32 v63;
	v9 =	vadd.f32 v9, v10  }
0x2dd: {  	v8 =	vadd.f32 v19, v8;
	v23 =	vunpack.i.l.bf16.f32 v6;
	v24 =	vunpack.i.l.bf16.f32 v11  }
0x2de: {  	v6 =	vunpack.i.u.bf16.f32 v6;
	v25 =	vunpack.i.u.bf16.f32 v11;
	[tilespmem:s28+$0x0] =	vst v9;
	v26 =	vadd.f32 v24, v23  }
0x2df: {  	v28 =	vadd.s32 $0x11, v4;
	v27 =	vunpack.i.l.bf16.f32 v7;
	[tilespmem:s28+$0x80] =	vst v8;
	v6 =	vadd.f32 v25, v6  }
0x2e0: {  	v29 =	vadd.s32 $0x2531, v1;
	v7 =	vunpack.i.u.bf16.f32 v7;
	v13 =	vld.idx.msk [tilespmem:v20+s4+$0x0], $0xffff;
	v8 =	vadd.f32 v27, v26  }
0x2e1: {  	v10 =	vld.idx.msk [tilespmem:v21+s4+$0x0], $0xffff;
	v6 =	vadd.f32 v7, v6  }
0x2e2: {  	v30 =	vadd.s32 $0x412A, v0;
	[tilespmem:s28+$0x10] =	vst v8  }
0x2e3: {  	v31 =	vld.idx.msk [tilespmem:v22+s4+$0x0], $0xffff;
	[tilespmem:s28+$0x90] =	vst v6  }
0x2e4: {  	v6 =	vld.idx.msk [tilespmem:v28+s4+$0x0], $0xffff  }
0x2e5: {  	v11 =	vld.idx.msk [tilespmem:v29+s4+$0x0], $0xffff  }
0x2e6: {  	v33 =	vunpack.i.l.bf16.f32 v13;
	v34 =	vunpack.i.u.bf16.f32 v10;
	v10 =	vunpack.i.l.bf16.f32 v10  }
0x2e7: {  	v36 =	vadd.s32 $0x12, v2;
	v7 =	vld.idx.msk [tilespmem:v30+s4+$0x0], $0xffff;
	v32 =	vunpack.i.u.bf16.f32 v13;
	v10 =	vadd.f32 v10, v33  }
0x2e8: {  	v37 =	vadd.s32 $0x2532, v5;
	v8 =	vunpack.i.l.bf16.f32 v31;
	v9 =	vadd.f32 v34, v32  }
0x2e9: {  	v38 =	vadd.s32 $0x412B, v3;
	v35 =	vunpack.i.u.bf16.f32 v31;
	v8 =	vadd.f32 v8, v10  }
0x2ea: {  	v9 =	vadd.f32 v35, v9;
	v39 =	vunpack.i.l.bf16.f32 v6;
	v40 =	vunpack.i.l.bf16.f32 v11  }
0x2eb: {  	v6 =	vunpack.i.u.bf16.f32 v6;
	v41 =	vunpack.i.u.bf16.f32 v11;
	[tilespmem:s28+$0x100] =	vst v8;
	v42 =	vadd.f32 v40, v39  }
0x2ec: {  	v44 =	vadd.s32 $0x12, v4;
	v43 =	vunpack.i.l.bf16.f32 v7;
	[tilespmem:s28+$0x180] =	vst v9;
	v6 =	vadd.f32 v41, v6  }
0x2ed: {  	v45 =	vadd.s32 $0x2532, v1;
	v7 =	vunpack.i.u.bf16.f32 v7;
	v13 =	vld.idx.msk [tilespmem:v36+s4+$0x0], $0xffff;
	v9 =	vadd.f32 v43, v42  }
0x2ee: {  	v10 =	vld.idx.msk [tilespmem:v37+s4+$0x0], $0xffff;
	v6 =	vadd.f32 v7, v6  }
0x2ef: {  	v46 =	vadd.s32 $0x412B, v0;
	[tilespmem:s28+$0x110] =	vst v9  }
0x2f0: {  	v47 =	vld.idx.msk [tilespmem:v38+s4+$0x0], $0xffff;
	[tilespmem:s28+$0x190] =	vst v6  }
0x2f1: {  	v6 =	vld.idx.msk [tilespmem:v44+s4+$0x0], $0xffff  }
0x2f2: {  	v11 =	vld.idx.msk [tilespmem:v45+s4+$0x0], $0xffff  }
0x2f3: {  	v49 =	vunpack.i.l.bf16.f32 v13;
	v50 =	vunpack.i.u.bf16.f32 v10;
	v10 =	vunpack.i.l.bf16.f32 v10  }
0x2f4: {  	v52 =	vadd.s32 $0x13, v2;
	v7 =	vld.idx.msk [tilespmem:v46+s4+$0x0], $0xffff;
	v48 =	vunpack.i.u.bf16.f32 v13;
	v10 =	vadd.f32 v10, v49  }
0x2f5: {  	v53 =	vadd.s32 $0x2533, v5;
	v9 =	vunpack.i.l.bf16.f32 v47;
	v8 =	vadd.f32 v50, v48  }
0x2f6: {  	v54 =	vadd.s32 $0x412C, v3;
	v51 =	vunpack.i.u.bf16.f32 v47;
	v9 =	vadd.f32 v9, v10  }
0x2f7: {  	v8 =	vadd.f32 v51, v8;
	v55 =	vunpack.i.l.bf16.f32 v6;
	v56 =	vunpack.i.l.bf16.f32 v11  }
0x2f8: {  	v6 =	vunpack.i.u.bf16.f32 v6;
	v57 =	vunpack.i.u.bf16.f32 v11;
	[tilespmem:s28+$0x200] =	vst v9;
	v58 =	vadd.f32 v56, v55  }
0x2f9: {  	v60 =	vadd.s32 $0x13, v4;
	v59 =	vunpack.i.l.bf16.f32 v7;
	[tilespmem:s28+$0x280] =	vst v8;
	v6 =	vadd.f32 v57, v6  }
0x2fa: {  	v61 =	vadd.s32 $0x2533, v1;
	v7 =	vunpack.i.u.bf16.f32 v7;
	v13 =	vld.idx.msk [tilespmem:v52+s4+$0x0], $0xffff;
	v8 =	vadd.f32 v59, v58  }
0x2fb: {  	v10 =	vld.idx.msk [tilespmem:v53+s4+$0x0], $0xffff;
	v6 =	vadd.f32 v7, v6  }
0x2fc: {  	v62 =	vadd.s32 $0x412C, v0;
	[tilespmem:s28+$0x210] =	vst v8  }
0x2fd: {  	v63 =	vld.idx.msk [tilespmem:v54+s4+$0x0], $0xffff;
	[tilespmem:s28+$0x290] =	vst v6  }
0x2fe: {  	v6 =	vld.idx.msk [tilespmem:v60+s4+$0x0], $0xffff  }
0x2ff: {  	v11 =	vld.idx.msk [tilespmem:v61+s4+$0x0], $0xffff  }
0x300: {  	v17 =	vunpack.i.l.bf16.f32 v13;
	v18 =	vunpack.i.u.bf16.f32 v10;
	v10 =	vunpack.i.l.bf16.f32 v10  }
0x301: {  	v20 =	vadd.s32 $0x14, v2;
	v7 =	vld.idx.msk [tilespmem:v62+s4+$0x0], $0xffff;
	v16 =	vunpack.i.u.bf16.f32 v13;
	v10 =	vadd.f32 v10, v17  }
0x302: {  	v21 =	vadd.s32 $0x2534, v5;
	v8 =	vunpack.i.l.bf16.f32 v63;
	v9 =	vadd.f32 v18, v16  }
0x303: {  	v22 =	vadd.s32 $0x412D, v3;
	v19 =	vunpack.i.u.bf16.f32 v63;
	v8 =	vadd.f32 v8, v10  }
0x304: {  	v9 =	vadd.f32 v19, v9;
	v23 =	vunpack.i.l.bf16.f32 v6;
	v24 =	vunpack.i.l.bf16.f32 v11  }
0x305: {  	v6 =	vunpack.i.u.bf16.f32 v6;
	v25 =	vunpack.i.u.bf16.f32 v11;
	[tilespmem:s28+$0x300] =	vst v8;
	v26 =	vadd.f32 v24, v23  }
0x306: {  	v28 =	vadd.s32 $0x14, v4;
	v27 =	vunpack.i.l.bf16.f32 v7;
	[tilespmem:s28+$0x380] =	vst v9;
	v6 =	vadd.f32 v25, v6  }
0x307: {  	v29 =	vadd.s32 $0x2534, v1;
	v7 =	vunpack.i.u.bf16.f32 v7;
	v13 =	vld.idx.msk [tilespmem:v20+s4+$0x0], $0xffff;
	v9 =	vadd.f32 v27, v26  }
0x308: {  	v10 =	vld.idx.msk [tilespmem:v21+s4+$0x0], $0xffff;
	v6 =	vadd.f32 v7, v6  }
0x309: {  	v30 =	vadd.s32 $0x412D, v0;
	[tilespmem:s28+$0x310] =	vst v9  }
0x30a: {  	v31 =	vld.idx.msk [tilespmem:v22+s4+$0x0], $0xffff;
	[tilespmem:s28+$0x390] =	vst v6  }
0x30b: {  	v6 =	vld.idx.msk [tilespmem:v28+s4+$0x0], $0xffff  }
0x30c: {  	v11 =	vld.idx.msk [tilespmem:v29+s4+$0x0], $0xffff  }
0x30d: {  	v33 =	vunpack.i.l.bf16.f32 v13;
	v34 =	vunpack.i.u.bf16.f32 v10;
	v10 =	vunpack.i.l.bf16.f32 v10  }
0x30e: {  	v36 =	vadd.s32 $0x15, v2;
	v7 =	vld.idx.msk [tilespmem:v30+s4+$0x0], $0xffff;
	v32 =	vunpack.i.u.bf16.f32 v13;
	v10 =	vadd.f32 v10, v33  }
0x30f: {  	v37 =	vadd.s32 $0x2535, v5;
	v9 =	vunpack.i.l.bf16.f32 v31;
	v8 =	vadd.f32 v34, v32  }
0x310: {  	v38 =	vadd.s32 $0x412E, v3;
	v35 =	vunpack.i.u.bf16.f32 v31;
	v9 =	vadd.f32 v9, v10  }
0x311: {  	v8 =	vadd.f32 v35, v8;
	v39 =	vunpack.i.l.bf16.f32 v6;
	v40 =	vunpack.i.l.bf16.f32 v11  }
0x312: {  	v6 =	vunpack.i.u.bf16.f32 v6;
	v41 =	vunpack.i.u.bf16.f32 v11;
	[tilespmem:s28+$0x400] =	vst v9;
	v42 =	vadd.f32 v40, v39  }
0x313: {  	v44 =	vadd.s32 $0x15, v4;
	v43 =	vunpack.i.l.bf16.f32 v7;
	[tilespmem:s28+$0x480] =	vst v8;
	v6 =	vadd.f32 v41, v6  }
0x314: {  	v45 =	vadd.s32 $0x2535, v1;
	v7 =	vunpack.i.u.bf16.f32 v7;
	v13 =	vld.idx.msk [tilespmem:v36+s4+$0x0], $0xffff;
	v8 =	vadd.f32 v43, v42  }
0x315: {  	v10 =	vld.idx.msk [tilespmem:v37+s4+$0x0], $0xffff;
	v6 =	vadd.f32 v7, v6  }
0x316: {  	v46 =	vadd.s32 $0x412E, v0;
	[tilespmem:s28+$0x410] =	vst v8  }
0x317: {  	v47 =	vld.idx.msk [tilespmem:v38+s4+$0x0], $0xffff;
	[tilespmem:s28+$0x490] =	vst v6  }
0x318: {  	v6 =	vld.idx.msk [tilespmem:v44+s4+$0x0], $0xffff  }
0x319: {  	v11 =	vld.idx.msk [tilespmem:v45+s4+$0x0], $0xffff  }
0x31a: {  	v49 =	vunpack.i.l.bf16.f32 v13;
	v50 =	vunpack.i.u.bf16.f32 v10;
	v10 =	vunpack.i.l.bf16.f32 v10  }
0x31b: {  	v52 =	vadd.s32 $0x16, v2;
	v7 =	vld.idx.msk [tilespmem:v46+s4+$0x0], $0xffff;
	v48 =	vunpack.i.u.bf16.f32 v13;
	v10 =	vadd.f32 v10, v49  }
0x31c: {  	v53 =	vadd.s32 $0x2536, v5;
	v8 =	vunpack.i.l.bf16.f32 v47;
	v9 =	vadd.f32 v50, v48  }
0x31d: {  	v54 =	vadd.s32 $0x412F, v3;
	v51 =	vunpack.i.u.bf16.f32 v47;
	v8 =	vadd.f32 v8, v10  }
0x31e: {  	v9 =	vadd.f32 v51, v9;
	v55 =	vunpack.i.l.bf16.f32 v6;
	v56 =	vunpack.i.l.bf16.f32 v11  }
0x31f: {  	v6 =	vunpack.i.u.bf16.f32 v6;
	v57 =	vunpack.i.u.bf16.f32 v11;
	[tilespmem:s28+$0x500] =	vst v8;
	v58 =	vadd.f32 v56, v55  }
0x320: {  	v60 =	vadd.s32 $0x16, v4;
	v59 =	vunpack.i.l.bf16.f32 v7;
	[tilespmem:s28+$0x580] =	vst v9;
	v6 =	vadd.f32 v57, v6  }
0x321: {  	v61 =	vadd.s32 $0x2536, v1;
	v7 =	vunpack.i.u.bf16.f32 v7;
	v13 =	vld.idx.msk [tilespmem:v52+s4+$0x0], $0xffff;
	v9 =	vadd.f32 v59, v58  }
0x322: {  	v10 =	vld.idx.msk [tilespmem:v53+s4+$0x0], $0xffff;
	v6 =	vadd.f32 v7, v6  }
0x323: {  	v62 =	vadd.s32 $0x412F, v0;
	[tilespmem:s28+$0x510] =	vst v9  }
0x324: {  	v63 =	vld.idx.msk [tilespmem:v54+s4+$0x0], $0xffff;
	[tilespmem:s28+$0x590] =	vst v6  }
0x325: {  	v6 =	vld.idx.msk [tilespmem:v60+s4+$0x0], $0xffff  }
0x326: {  	v11 =	vld.idx.msk [tilespmem:v61+s4+$0x0], $0xffff  }
0x327: {  	v17 =	vunpack.i.l.bf16.f32 v13;
	v18 =	vunpack.i.u.bf16.f32 v10;
	v10 =	vunpack.i.l.bf16.f32 v10  }
0x328: {  	v20 =	vadd.s32 $0x17, v2;
	v7 =	vld.idx.msk [tilespmem:v62+s4+$0x0], $0xffff;
	v16 =	vunpack.i.u.bf16.f32 v13;
	v10 =	vadd.f32 v10, v17  }
0x329: {  	v21 =	vadd.s32 $0x2537, v5;
	v9 =	vunpack.i.l.bf16.f32 v63;
	v8 =	vadd.f32 v18, v16  }
0x32a: {  	v22 =	vadd.s32 $0x4130, v3;
	v19 =	vunpack.i.u.bf16.f32 v63;
	v9 =	vadd.f32 v9, v10  }
0x32b: {  	v8 =	vadd.f32 v19, v8;
	v23 =	vunpack.i.l.bf16.f32 v6;
	v24 =	vunpack.i.l.bf16.f32 v11  }
0x32c: {  	v6 =	vunpack.i.u.bf16.f32 v6;
	v25 =	vunpack.i.u.bf16.f32 v11;
	[tilespmem:s28+$0x600] =	vst v9;
	v26 =	vadd.f32 v24, v23  }
0x32d: {  	v28 =	vadd.s32 $0x17, v4;
	v27 =	vunpack.i.l.bf16.f32 v7;
	[tilespmem:s28+$0x680] =	vst v8;
	v6 =	vadd.f32 v25, v6  }
0x32e: {  	v29 =	vadd.s32 $0x2537, v1;
	v7 =	vunpack.i.u.bf16.f32 v7;
	v13 =	vld.idx.msk [tilespmem:v20+s4+$0x0], $0xffff;
	v8 =	vadd.f32 v27, v26  }
0x32f: {  	v10 =	vld.idx.msk [tilespmem:v21+s4+$0x0], $0xffff;
	v6 =	vadd.f32 v7, v6  }
0x330: {  	v30 =	vadd.s32 $0x4130, v0;
	[tilespmem:s28+$0x610] =	vst v8  }
0x331: {  	v31 =	vld.idx.msk [tilespmem:v22+s4+$0x0], $0xffff;
	[tilespmem:s28+$0x690] =	vst v6  }
0x332: {  	v6 =	vld.idx.msk [tilespmem:v28+s4+$0x0], $0xffff  }
0x333: {  	v11 =	vld.idx.msk [tilespmem:v29+s4+$0x0], $0xffff  }
0x334: {  	v33 =	vunpack.i.l.bf16.f32 v13;
	v34 =	vunpack.i.u.bf16.f32 v10;
	v10 =	vunpack.i.l.bf16.f32 v10  }
0x335: {  	v36 =	vadd.s32 $0x18, v2;
	v7 =	vld.idx.msk [tilespmem:v30+s4+$0x0], $0xffff;
	v32 =	vunpack.i.u.bf16.f32 v13;
	v10 =	vadd.f32 v10, v33  }
0x336: {  	v37 =	vadd.s32 $0x2538, v5;
	v8 =	vunpack.i.l.bf16.f32 v31;
	v9 =	vadd.f32 v34, v32  }
0x337: {  	v38 =	vadd.s32 $0x4131, v3;
	v35 =	vunpack.i.u.bf16.f32 v31;
	v8 =	vadd.f32 v8, v10  }
0x338: {  	v9 =	vadd.f32 v35, v9;
	v39 =	vunpack.i.l.bf16.f32 v6;
	v40 =	vunpack.i.l.bf16.f32 v11  }
0x339: {  	v6 =	vunpack.i.u.bf16.f32 v6;
	v41 =	vunpack.i.u.bf16.f32 v11;
	[tilespmem:s28+$0x700] =	vst v8;
	v42 =	vadd.f32 v40, v39  }
0x33a: {  	v44 =	vadd.s32 $0x18, v4;
	v43 =	vunpack.i.l.bf16.f32 v7;
	[tilespmem:s28+$0x780] =	vst v9;
	v6 =	vadd.f32 v41, v6  }
0x33b: {  	v45 =	vadd.s32 $0x2538, v1;
	v7 =	vunpack.i.u.bf16.f32 v7;
	v13 =	vld.idx.msk [tilespmem:v36+s4+$0x0], $0xffff;
	v9 =	vadd.f32 v43, v42  }
0x33c: {  	v10 =	vld.idx.msk [tilespmem:v37+s4+$0x0], $0xffff;
	v6 =	vadd.f32 v7, v6  }
0x33d: {  	v46 =	vadd.s32 $0x4131, v0;
	[tilespmem:s28+$0x710] =	vst v9  }
0x33e: {  	v47 =	vld.idx.msk [tilespmem:v38+s4+$0x0], $0xffff;
	[tilespmem:s28+$0x790] =	vst v6  }
0x33f: {  	v6 =	vld.idx.msk [tilespmem:v44+s4+$0x0], $0xffff  }
0x340: {  	v11 =	vld.idx.msk [tilespmem:v45+s4+$0x0], $0xffff  }
0x341: {  	v49 =	vunpack.i.l.bf16.f32 v13;
	v50 =	vunpack.i.u.bf16.f32 v10;
	v10 =	vunpack.i.l.bf16.f32 v10  }
0x342: {  	v52 =	vadd.s32 $0x19, v2;
	v7 =	vld.idx.msk [tilespmem:v46+s4+$0x0], $0xffff;
	v48 =	vunpack.i.u.bf16.f32 v13;
	v10 =	vadd.f32 v10, v49  }
0x343: {  	v53 =	vadd.s32 $0x2539, v5;
	v9 =	vunpack.i.l.bf16.f32 v47;
	v8 =	vadd.f32 v50, v48  }
0x344: {  	v54 =	vadd.s32 $0x4132, v3;
	v51 =	vunpack.i.u.bf16.f32 v47;
	v9 =	vadd.f32 v9, v10  }
0x345: {  	v8 =	vadd.f32 v51, v8;
	v55 =	vunpack.i.l.bf16.f32 v6;
	v56 =	vunpack.i.l.bf16.f32 v11  }
0x346: {  	v6 =	vunpack.i.u.bf16.f32 v6;
	v57 =	vunpack.i.u.bf16.f32 v11;
	[tilespmem:s28+$0x800] =	vst v9;
	v58 =	vadd.f32 v56, v55  }
0x347: {  	v60 =	vadd.s32 $0x19, v4;
	v59 =	vunpack.i.l.bf16.f32 v7;
	[tilespmem:s28+$0x880] =	vst v8;
	v6 =	vadd.f32 v57, v6  }
0x348: {  	v61 =	vadd.s32 $0x2539, v1;
	v7 =	vunpack.i.u.bf16.f32 v7;
	v13 =	vld.idx.msk [tilespmem:v52+s4+$0x0], $0xffff;
	v8 =	vadd.f32 v59, v58  }
0x349: {  	v10 =	vld.idx.msk [tilespmem:v53+s4+$0x0], $0xffff;
	v6 =	vadd.f32 v7, v6  }
0x34a: {  	v62 =	vadd.s32 $0x4132, v0;
	[tilespmem:s28+$0x810] =	vst v8  }
0x34b: {  	v63 =	vld.idx.msk [tilespmem:v54+s4+$0x0], $0xffff;
	[tilespmem:s28+$0x890] =	vst v6  }
0x34c: {  	v6 =	vld.idx.msk [tilespmem:v60+s4+$0x0], $0xffff  }
0x34d: {  	v11 =	vld.idx.msk [tilespmem:v61+s4+$0x0], $0xffff  }
0x34e: {  	v17 =	vunpack.i.l.bf16.f32 v13;
	v18 =	vunpack.i.u.bf16.f32 v10;
	v10 =	vunpack.i.l.bf16.f32 v10  }
0x34f: {  	v20 =	vadd.s32 $0x1A, v2;
	v7 =	vld.idx.msk [tilespmem:v62+s4+$0x0], $0xffff;
	v16 =	vunpack.i.u.bf16.f32 v13;
	v10 =	vadd.f32 v10, v17  }
0x350: {  	v21 =	vadd.s32 $0x253A, v5;
	v8 =	vunpack.i.l.bf16.f32 v63;
	v9 =	vadd.f32 v18, v16  }
0x351: {  	v22 =	vadd.s32 $0x4133, v3;
	v19 =	vunpack.i.u.bf16.f32 v63;
	v8 =	vadd.f32 v8, v10  }
0x352: {  	v9 =	vadd.f32 v19, v9;
	v23 =	vunpack.i.l.bf16.f32 v6;
	v24 =	vunpack.i.l.bf16.f32 v11  }
0x353: {  	v6 =	vunpack.i.u.bf16.f32 v6;
	v25 =	vunpack.i.u.bf16.f32 v11;
	[tilespmem:s28+$0x900] =	vst v8;
	v26 =	vadd.f32 v24, v23  }
0x354: {  	v28 =	vadd.s32 $0x1A, v4;
	v27 =	vunpack.i.l.bf16.f32 v7;
	[tilespmem:s28+$0x980] =	vst v9;
	v6 =	vadd.f32 v25, v6  }
0x355: {  	v29 =	vadd.s32 $0x253A, v1;
	v7 =	vunpack.i.u.bf16.f32 v7;
	v13 =	vld.idx.msk [tilespmem:v20+s4+$0x0], $0xffff;
	v9 =	vadd.f32 v27, v26  }
0x356: {  	v10 =	vld.idx.msk [tilespmem:v21+s4+$0x0], $0xffff;
	v6 =	vadd.f32 v7, v6  }
0x357: {  	v30 =	vadd.s32 $0x4133, v0;
	[tilespmem:s28+$0x910] =	vst v9  }
0x358: {  	v31 =	vld.idx.msk [tilespmem:v22+s4+$0x0], $0xffff;
	[tilespmem:s28+$0x990] =	vst v6  }
0x359: {  	v6 =	vld.idx.msk [tilespmem:v28+s4+$0x0], $0xffff  }
0x35a: {  	v11 =	vld.idx.msk [tilespmem:v29+s4+$0x0], $0xffff  }
0x35b: {  	v33 =	vunpack.i.l.bf16.f32 v13;
	v34 =	vunpack.i.u.bf16.f32 v10;
	v10 =	vunpack.i.l.bf16.f32 v10  }
0x35c: {  	v36 =	vadd.s32 $0x1B, v2;
	v7 =	vld.idx.msk [tilespmem:v30+s4+$0x0], $0xffff;
	v32 =	vunpack.i.u.bf16.f32 v13;
	v10 =	vadd.f32 v10, v33  }
0x35d: {  	v37 =	vadd.s32 $0x253B, v5;
	v9 =	vunpack.i.l.bf16.f32 v31;
	v8 =	vadd.f32 v34, v32  }
0x35e: {  	v38 =	vadd.s32 $0x4134, v3;
	v35 =	vunpack.i.u.bf16.f32 v31;
	v9 =	vadd.f32 v9, v10  }
0x35f: {  	v8 =	vadd.f32 v35, v8;
	v39 =	vunpack.i.l.bf16.f32 v6;
	v40 =	vunpack.i.l.bf16.f32 v11  }
0x360: {  	v6 =	vunpack.i.u.bf16.f32 v6;
	v41 =	vunpack.i.u.bf16.f32 v11;
	[tilespmem:s28+$0xA00] =	vst v9;
	v42 =	vadd.f32 v40, v39  }
0x361: {  	v44 =	vadd.s32 $0x1B, v4;
	v43 =	vunpack.i.l.bf16.f32 v7;
	[tilespmem:s28+$0xA80] =	vst v8;
	v6 =	vadd.f32 v41, v6  }
0x362: {  	v45 =	vadd.s32 $0x253B, v1;
	v7 =	vunpack.i.u.bf16.f32 v7;
	v13 =	vld.idx.msk [tilespmem:v36+s4+$0x0], $0xffff;
	v8 =	vadd.f32 v43, v42  }
0x363: {  	v10 =	vld.idx.msk [tilespmem:v37+s4+$0x0], $0xffff;
	v6 =	vadd.f32 v7, v6  }
0x364: {  	v46 =	vadd.s32 $0x4134, v0;
	[tilespmem:s28+$0xA10] =	vst v8  }
0x365: {  	v47 =	vld.idx.msk [tilespmem:v38+s4+$0x0], $0xffff;
	[tilespmem:s28+$0xA90] =	vst v6  }
0x366: {  	v6 =	vld.idx.msk [tilespmem:v44+s4+$0x0], $0xffff  }
0x367: {  	v11 =	vld.idx.msk [tilespmem:v45+s4+$0x0], $0xffff  }
0x368: {  	v49 =	vunpack.i.l.bf16.f32 v13;
	v50 =	vunpack.i.u.bf16.f32 v10;
	v10 =	vunpack.i.l.bf16.f32 v10  }
0x369: {  	v52 =	vadd.s32 $0x1C, v2;
	v7 =	vld.idx.msk [tilespmem:v46+s4+$0x0], $0xffff;
	v48 =	vunpack.i.u.bf16.f32 v13;
	v10 =	vadd.f32 v10, v49  }
0x36a: {  	v53 =	vadd.s32 $0x253C, v5;
	v8 =	vunpack.i.l.bf16.f32 v47;
	v9 =	vadd.f32 v50, v48  }
0x36b: {  	v54 =	vadd.s32 $0x4135, v3;
	v51 =	vunpack.i.u.bf16.f32 v47;
	v8 =	vadd.f32 v8, v10  }
0x36c: {  	v9 =	vadd.f32 v51, v9;
	v55 =	vunpack.i.l.bf16.f32 v6;
	v56 =	vunpack.i.l.bf16.f32 v11  }
0x36d: {  	v6 =	vunpack.i.u.bf16.f32 v6;
	v57 =	vunpack.i.u.bf16.f32 v11;
	[tilespmem:s28+$0xB00] =	vst v8;
	v58 =	vadd.f32 v56, v55  }
0x36e: {  	v60 =	vadd.s32 $0x1C, v4;
	v59 =	vunpack.i.l.bf16.f32 v7;
	[tilespmem:s28+$0xB80] =	vst v9;
	v6 =	vadd.f32 v57, v6  }
0x36f: {  	v61 =	vadd.s32 $0x253C, v1;
	v7 =	vunpack.i.u.bf16.f32 v7;
	v13 =	vld.idx.msk [tilespmem:v52+s4+$0x0], $0xffff;
	v9 =	vadd.f32 v59, v58  }
0x370: {  	v10 =	vld.idx.msk [tilespmem:v53+s4+$0x0], $0xffff;
	v6 =	vadd.f32 v7, v6  }
0x371: {  	v62 =	vadd.s32 $0x4135, v0;
	[tilespmem:s28+$0xB10] =	vst v9  }
0x372: {  	v63 =	vld.idx.msk [tilespmem:v54+s4+$0x0], $0xffff;
	[tilespmem:s28+$0xB90] =	vst v6  }
0x373: {  	v6 =	vld.idx.msk [tilespmem:v60+s4+$0x0], $0xffff  }
0x374: {  	v11 =	vld.idx.msk [tilespmem:v61+s4+$0x0], $0xffff  }
0x375: {  	v17 =	vunpack.i.l.bf16.f32 v13;
	v18 =	vunpack.i.u.bf16.f32 v10;
	v10 =	vunpack.i.l.bf16.f32 v10  }
0x376: {  	v20 =	vadd.s32 $0x1D, v2;
	v7 =	vld.idx.msk [tilespmem:v62+s4+$0x0], $0xffff;
	v16 =	vunpack.i.u.bf16.f32 v13;
	v10 =	vadd.f32 v10, v17  }
0x377: {  	v21 =	vadd.s32 $0x253D, v5;
	v9 =	vunpack.i.l.bf16.f32 v63;
	v8 =	vadd.f32 v18, v16  }
0x378: {  	v22 =	vadd.s32 $0x4136, v3;
	v19 =	vunpack.i.u.bf16.f32 v63;
	v9 =	vadd.f32 v9, v10  }
0x379: {  	v8 =	vadd.f32 v19, v8;
	v23 =	vunpack.i.l.bf16.f32 v6;
	v24 =	vunpack.i.l.bf16.f32 v11  }
0x37a: {  	v6 =	vunpack.i.u.bf16.f32 v6;
	v25 =	vunpack.i.u.bf16.f32 v11;
	[tilespmem:s28+$0xC00] =	vst v9;
	v26 =	vadd.f32 v24, v23  }
0x37b: {  	v28 =	vadd.s32 $0x1D, v4;
	v27 =	vunpack.i.l.bf16.f32 v7;
	[tilespmem:s28+$0xC80] =	vst v8;
	v6 =	vadd.f32 v25, v6  }
0x37c: {  	v29 =	vadd.s32 $0x253D, v1;
	v7 =	vunpack.i.u.bf16.f32 v7;
	v13 =	vld.idx.msk [tilespmem:v20+s4+$0x0], $0xffff;
	v8 =	vadd.f32 v27, v26  }
0x37d: {  	v10 =	vld.idx.msk [tilespmem:v21+s4+$0x0], $0xffff;
	v6 =	vadd.f32 v7, v6  }
0x37e: {  	v31 =	vadd.s32 $0x4136, v0;
	[tilespmem:s28+$0xC10] =	vst v8  }
0x37f: {  	v30 =	vld.idx.msk [tilespmem:v22+s4+$0x0], $0xffff;
	[tilespmem:s28+$0xC90] =	vst v6  }
0x380: {  	v8 =	vld.idx.msk [tilespmem:v28+s4+$0x0], $0xffff  }
0x381: {  	v32 =	vld.idx.msk [tilespmem:v29+s4+$0x0], $0xffff  }
0x382: {  	v41 =	vadd.s32 $0x4137, v3;
	v33 =	vunpack.i.l.bf16.f32 v13;
	v34 =	vunpack.i.l.bf16.f32 v10  }
0x383: {  	v6 =	vld.idx.msk [tilespmem:v31+s4+$0x0], $0xffff;
	v13 =	vunpack.i.u.bf16.f32 v13;
	v10 =	vunpack.i.u.bf16.f32 v10;
	v11 =	vadd.f32 v34, v33  }
0x384: {  	v36 =	vadd.s32 $0x1E, v2;
	v7 =	vunpack.i.l.bf16.f32 v30;
	v10 =	vadd.f32 v10, v13  }
0x385: {  	v37 =	vadd.s32 $0x253E, v5;
	v35 =	vunpack.i.u.bf16.f32 v30;
	v7 =	vadd.f32 v7, v11  }
0x386: {  	v10 =	vadd.f32 v35, v10;
	v38 =	vunpack.i.l.bf16.f32 v8;
	v39 =	vunpack.i.l.bf16.f32 v32  }
0x387: {  	v8 =	vunpack.i.u.bf16.f32 v8;
	v9 =	vunpack.i.u.bf16.f32 v32;
	v40 =	vadd.f32 v39, v38;
	[tilespmem:s28+$0xD00] =	vst v7  }
0x388: {  	v43 =	vadd.s32 $0x1E, v4;
	v42 =	vunpack.i.l.bf16.f32 v6;
	[tilespmem:s28+$0xD80] =	vst v10;
	v8 =	vadd.f32 v9, v8  }
0x389: {  	v44 =	vadd.s32 $0x253E, v1;
	v6 =	vunpack.i.u.bf16.f32 v6;
	v11 =	vld.idx.msk [tilespmem:v36+s4+$0x0], $0xffff;
	v10 =	vadd.f32 v42, v40  }
0x38a: {  	v13 =	vld.idx.msk [tilespmem:v37+s4+$0x0], $0xffff;
	v6 =	vadd.f32 v6, v8  }
0x38b: {  	v45 =	vadd.s32 $0x4137, v0;
	[tilespmem:s28+$0xD10] =	vst v10  }
0x38c: {  	v7 =	vld.idx.msk [tilespmem:v41+s4+$0x0], $0xffff;
	[tilespmem:s28+$0xD90] =	vst v6  }
0x38d: {  	v46 =	vld.idx.msk [tilespmem:v43+s4+$0x0], $0xffff  }
0x38e: {  	v47 =	vld.idx.msk [tilespmem:v44+s4+$0x0], $0xffff  }
0x38f: {  	v3 =	vadd.s32 $0x4138, v3;
	v48 =	vunpack.i.l.bf16.f32 v11;
	v49 =	vunpack.i.l.bf16.f32 v13  }
0x390: {  	v6 =	vld.idx.msk [tilespmem:v45+s4+$0x0], $0xffff;
	v11 =	vunpack.i.u.bf16.f32 v11;
	v50 =	vunpack.i.u.bf16.f32 v13;
	v10 =	vadd.f32 v49, v48  }
0x391: {  	v51 =	vunpack.i.u.bf16.f32 v7;
	v7 =	vunpack.i.l.bf16.f32 v7;
	v52 =	vadd.f32 v50, v11  }
0x392: {  	v2 =	vadd.s32 $0x1F, v2;
	v5 =	vadd.s32 $0x253F, v5;
	v7 =	vadd.f32 v7, v10  }
0x393: {  	v10 =	vadd.f32 v51, v52;
	v53 =	vunpack.i.l.bf16.f32 v46;
	v54 =	vunpack.i.l.bf16.f32 v47  }
0x394: {  	v55 =	vunpack.i.u.bf16.f32 v46;
	v56 =	vunpack.i.u.bf16.f32 v47;
	v11 =	vadd.f32 v54, v53  }
0x395: {  	v4 =	vadd.s32 $0x1F, v4;
	v57 =	vunpack.i.l.bf16.f32 v6;
	[tilespmem:s28+$0xE00] =	vst v7;
	v7 =	vadd.f32 v56, v55  }
0x396: {  	v1 =	vadd.s32 $0x253F, v1;
	v6 =	vunpack.i.u.bf16.f32 v6;
	[tilespmem:s28+$0xE80] =	vst v10;
	v8 =	vadd.f32 v57, v11  }
0x397: {  	v2 =	vld.idx.msk [tilespmem:v2+s4+$0x0], $0xffff;
	v6 =	vadd.f32 v6, v7  }
0x398: {  	v0 =	vadd.s32 $0x4138, v0;
	v5 =	vld.idx.msk [tilespmem:v5+s4+$0x0], $0xffff;
	[tilespmem:s28+$0xE10] =	vst v8  }
0x399: {  	v3 =	vld.idx.msk [tilespmem:v3+s4+$0x0], $0xffff;
	[tilespmem:s28+$0xE90] =	vst v6  }
0x39a: {  	v4 =	vld.idx.msk [tilespmem:v4+s4+$0x0], $0xffff  }
0x39b: {  	v1 =	vld.idx.msk [tilespmem:v1+s4+$0x0], $0xffff;
	_ =	sdelay $0x1  }
0x39c: {  	v0 =	vld.idx.msk [tilespmem:v0+s4+$0x0], $0xffff;
	v58 =	vunpack.i.l.bf16.f32 v2;
	v59 =	vunpack.i.l.bf16.f32 v5  }
0x39d: {  	v2 =	vunpack.i.u.bf16.f32 v2;
	v5 =	vunpack.i.u.bf16.f32 v5;
	v6 =	vadd.f32 v59, v58  }
0x39e: {  	v60 =	vunpack.i.l.bf16.f32 v3;
	v3 =	vunpack.i.u.bf16.f32 v3;
	v2 =	vadd.f32 v5, v2  }
0x39f: {  	s25 =	sadd.s32 $0x2, s25;
	v6 =	vadd.f32 v60, v6;
	v61 =	vunpack.i.l.bf16.f32 v4;
	v62 =	vunpack.i.l.bf16.f32 v1  }
0x3a0: {  	p0 =	slt.u32 s25, $0x6;
	v4 =	vunpack.i.u.bf16.f32 v4;
	v1 =	vunpack.i.u.bf16.f32 v1;
	v5 =	vadd.f32 v62, v61  }
.Ltmp1:
0x3a1: {  	v2 =	vadd.f32 v3, v2;
	v63 =	vunpack.i.l.bf16.f32 v0;
	v1 =	vadd.f32 v1, v4;
	(pc) =	sbr.rel @p0 .LBB2_5-.Ltmp1, $4  }
0x3a2: {  	v0 =	vunpack.i.u.bf16.f32 v0;
	[tilespmem:s28+$0xF00] =	vst v6;
	v3 =	vadd.f32 v63, v5  }
0x3a3: {  	[tilespmem:s28+$0xF80] =	vst v2;
	v0 =	vadd.f32 v0, v1  }
0x3a4: {  	[tilespmem:s28+$0xF10] =	vst v3  }
0x3a5: {  	s26 =	sadd.s32 $0x20, s26;
	[tilespmem:s28+$0xF90] =	vst v0;
	s28 =	sadd.s32 $0x20, s28  }
0x3a6: {  	s23 =	sadd.s32 $0x1, s23  }
0x3a7: {  	p0 =	sne.s32 s23, $0x64  }
.Ltmp2:
0x3a8: {  	s24 =	sshll.u32 s24, $0x12;
	(pc) =	sbr.rel @p0 .LBB2_2-.Ltmp2, $4  }
0x3a9: {  	s24 =	sor.u32 s9, s24  }
0x3aa: {  	s24 =	sshrl.u32 s24, $0x3  }
0x3ab: {  	s24 =	sadd.s32 s3, s24  }
0x3ac: {  	[hbm4b:s24+s15] =	stream.strided.scatter [tilespmem:s19], [sflag:$0x4], $0x2000, s16, s15, $0x38;
	[tilespmem:$0xB480] =	vst v63  }
0x3ad: {  	s22 =	sadd.s32 $0x1, s22  }
0x3ae: {  	_ =	swait.ge [sflag:s20], $0x2000;
	p0 =	sne.s32 s22, s10  }
.Ltmp3:
0x3af: {  	[sflag:s20] =	ssyncset.done $0x0;
	(pc) =	sbr.rel @p0 .LBB2_1-.Ltmp3, $4  }
0x3b0: {  	[sflag:s20] =	ssyncadd.s32 $0xFFFFE000  }
0x3b1: {  	_ =	swait.ge [sflag:s21], $0x2000  }
0x3b2: {  	[sflag:s21] =	ssyncset.done $0x0  }
0x3b3: {  	[sflag:s21] =	ssyncadd.s32 $0xFFFFE000  }
0x3b4: {  	_ =	sfence.sel $0x180000  }
0x3b5: {  	[bflag:$0x0] =	sbarrier.arrive $0xFFFF  }
0x3b6: {  	p0 =	sne.s32 s2, $0x0;
	_ =	strace $0x90000047  }
0x3b7: {  	s0 =	sadd.s32 @!p0 $0x100000, s0;
	[bflag:$0x2] =	sbarrier.arrive $0xFFFF  }
0x3b8: {  	[sflag:s0] =	ssyncadd.tile.s32 @!p0 $0x1;
	_ =	shalt  }
.Lfunc_end2:
_tile_overlayer_lowered:
.L_overlay_start_2:
0x3b9: {  	(tag) =	ssettag $0x2  }
0x3ba: {  	s0 =	rddreg [dreg:$0x0];
	s2 =	stileid.u32  }
0x3bb: {  	s1 =	rddreg [dreg:$0x1];
	p0 =	sne.s32 s2, $0x0  }
0x3bc: {  	s3 =	rddreg [dreg:$0x2];
	[bflag:$0x3] =	sbarrier.arrive $0xFFFF;
	s2 =	simm.s32 @!p0 $0x1C05  }
0x3bd: {  	[timem:s3], [sflag:s2] =	dma.local @!p0 [hbm:s0], s1  }
0x3be: {  	s0 =	simm.s32 @!p0 $0x5  }
0x3bf: {  	_ =	swait.ge @!p0 [sflag:s0], s1  }
0x3c0: {  	s1 =	ssub.s32 @!p0 $0x0, s1;
	[sflag:s0] =	ssyncset.done @!p0 $0x0  }
0x3c1: {  	[sflag:s0] =	ssyncadd.s32 @!p0 s1  }
0x3c2: {  	[bflag:$0x3] =	sbarrier.arrive $0xFFFF  }
0x3c3: {  	_ =	shalt  }

</sc_bundles>
